<compile_context>
chip_gen: v7x
topology: tpu7x:2x2x1
jax: 0.10.2.dev20260603
libtpu: 0.0.44.dev20260713+nightly
codegen_flags: <defaults>
</compile_context>

<pallas_src>
import functools

import numpy as np
import jax
import jax.numpy as jnp
from jax import lax
from jax.experimental import pallas as pl
from jax.experimental.pallas import tpu as pltpu
from jax.experimental.pallas import tpu_sc as plsc
from jax.experimental.compute_on import compute_on

_LANES = 128

_K0 = np.uint32(908003072)
_K1 = np.uint32(3252900185)
_K2 = np.uint32(_K0 ^ _K1 ^ np.uint32(0x1BD11BDA))
_KS = (_K0, _K1, _K2)
_ROT = ((13, 15, 26, 6), (17, 29, 16, 24))

_SPAN = np.float32(np.float32(1.0) - np.float32(1e-10))
_MINV = np.float32(1e-10)

_LOG2_COEFFS = (
    1.4426950215754873, -0.7213459745244996, 0.4808460790740989,
    -0.3599757274729275, 0.2836810758200936, -0.2202947345679977,
    0.1521123404570871, -0.0813299297601238, 0.0281939127697494,
    -0.0045820805842636,
)
_LN2 = np.float32(0.6931471805599453)


def _threefry_bits(x1v):
    x0 = jnp.full_like(x1v, _K0)
    x1 = x1v + _K1
    for i in range(5):
        for r in _ROT[i % 2]:
            x0 = x0 + x1
            x1 = (x1 << r) | (x1 >> (32 - r))
            x1 = x0 ^ x1
        x0 = x0 + _KS[(i + 1) % 3]
        x1 = x1 + np.uint32(_KS[(i + 2) % 3] + np.uint32(i + 1))
    return x0 ^ x1


def _unit(bits):
    fb = (bits >> 9) | np.uint32(0x3F800000)
    f = lax.bitcast_convert_type(fb, jnp.float32) - np.float32(1.0)
    return jnp.maximum(_MINV, f * _SPAN + _MINV)



def _neg_log_unit(bits):
    return -jnp.log(_unit(bits))


def _tc_body(p_ref, o_ref, *, blk_rows, n_elems):
    g = pl.program_id(0)
    p = p_ref[...]
    row = lax.broadcasted_iota(jnp.int32, (blk_rows, _LANES), 0)
    col = lax.broadcasted_iota(jnp.int32, (blk_rows, _LANES), 1)
    base = g * (blk_rows * _LANES)
    idx = (base + row * _LANES + col).astype(jnp.uint32)
    e0 = _neg_log_unit(_threefry_bits(idx))
    e1 = _neg_log_unit(_threefry_bits(idx + np.uint32(n_elems)))
    cond = (np.float32(1.0) - p) * e0 > p * e1
    o_ref[...] = cond.astype(jnp.float32)


def _tc_part(p_full, m, n_elems):
    pad = (-p_full.shape[0]) % _LANES
    p = p_full
    if pad:
        p = jnp.pad(p, (0, pad))
    rows = p.shape[0] // _LANES
    p2 = p.reshape(rows, _LANES)
    m_rows = (m + _LANES - 1) // _LANES

    blk_rows = 1024
    grid = (m_rows + blk_rows - 1) // blk_rows
    out = pl.pallas_call(
        functools.partial(_tc_body, blk_rows=blk_rows, n_elems=n_elems),
        grid=(grid,),
        in_specs=[pl.BlockSpec((blk_rows, _LANES), lambda g: (g, 0))],
        out_specs=pl.BlockSpec((blk_rows, _LANES), lambda g: (g, 0)),
        out_shape=jax.ShapeDtypeStruct((m_rows, _LANES), jnp.float32),
        compiler_params=pltpu.CompilerParams(
            dimension_semantics=("parallel",),
        ),
    )(p2)
    out = out.reshape(m_rows * _LANES)
    if m_rows * _LANES != m:
        out = out[:m]
    return out



_SC_WORKERS = 32
_SC_BLOCK = 8448
_SC_UNROLL = 8
_SC_CHUNK_BLOCKS = 8
_SC_COUNT = _SC_WORKERS * _SC_CHUNK_BLOCKS * _SC_BLOCK


def _neg_log_unit_poly(bits):
    u = _unit(bits)
    ub = lax.bitcast_convert_type(u, jnp.uint32)
    e_i = lax.bitcast_convert_type(ub >> 23, jnp.int32) - 127
    mb = (ub & np.uint32(0x007FFFFF)) | np.uint32(0x3F800000)
    z = lax.bitcast_convert_type(mb, jnp.float32) - np.float32(1.0)
    acc = jnp.full_like(z, np.float32(_LOG2_COEFFS[-1]))
    for c in _LOG2_COEFFS[-2::-1]:
        acc = acc * z + np.float32(c)
    log2u = e_i.astype(jnp.float32) + z * acc
    return -(log2u * _LN2)


def _sc_part(p_full, m, n):
    chunk = _SC_CHUNK_BLOCKS * _SC_BLOCK
    mesh = plsc.VectorSubcoreMesh(core_axis_name="c", subcore_axis_name="s")

    @functools.partial(
        pl.kernel,
        mesh=mesh,
        out_type=jax.ShapeDtypeStruct((_SC_COUNT,), jnp.float32),
        scratch_types=[
            pltpu.VMEM((_SC_BLOCK,), jnp.float32),
            pltpu.VMEM((_SC_BLOCK,), jnp.float32),
        ],
    )
    def k(p_hbm, out_hbm, p_v, o_v):
        wid = lax.axis_index("s") * 2 + lax.axis_index("c")
        woff = wid * chunk
        lane = lax.bitcast_convert_type(lax.iota(jnp.int32, 16), jnp.uint32)

        def do_block(b, carry):
            off = woff + b * _SC_BLOCK
            pltpu.sync_copy(p_hbm.at[pl.ds(m + off, _SC_BLOCK)], p_v)

            def do_vec(j, carry2):
                vbase = j * (16 * _SC_UNROLL)
                for t in range(_SC_UNROLL):
                    lo = vbase + t * 16
                    gbase = (m + off + lo).astype(jnp.uint32)
                    idx = lane + gbase
                    e0 = _neg_log_unit_poly(_threefry_bits(idx))
                    e1 = _neg_log_unit_poly(
                        _threefry_bits(idx + np.uint32(n)))
                    pv = p_v[pl.ds(lo, 16)]
                    res = jnp.where((np.float32(1.0) - pv) * e0 > pv * e1,
                                    np.float32(1.0), np.float32(0.0))
                    o_v[pl.ds(lo, 16)] = res
                return carry2

            lax.fori_loop(0, _SC_BLOCK // (16 * _SC_UNROLL), do_vec, 0)
            pltpu.sync_copy(o_v, out_hbm.at[pl.ds(off, _SC_BLOCK)])
            return carry

        lax.fori_loop(0, _SC_CHUNK_BLOCKS, do_block, 0)

    return k(p_full)



def kernel(not_infected_probs):
    n = not_infected_probs.shape[0]
    sc_count = _SC_COUNT if (n > 2 * _SC_COUNT and _SC_COUNT % _LANES == 0
                             and (n - _SC_COUNT) % _LANES == 0) else 0
    m = n - sc_count
    if not sc_count:
        return _tc_part(not_infected_probs, m, n)
    with compute_on("tpu_sparsecore"):
        out_sc = _sc_part(not_infected_probs, m, n)
    out_tc = _tc_part(not_infected_probs, m, n)
    return jnp.concatenate([out_tc, out_sc])

# --- scband reference (transcript-rebuilt; emitter-appended) ---
"""Pipeline reference for scband-is-infected-sampler-54443005444423 (READ-ONLY COPY).

The authoritative reference and input builder live on the scoring server;
editing this copy changes nothing except your own understanding.
"""

import jax, jax.numpy as jnp
import numpy as np


def gumbel_softmax(logits, key, tau=1.0, hard=False, eps=1e-10, axis=-1):
    u = jax.random.uniform(key, logits.shape, dtype=logits.dtype, minval=eps, maxval=1.0)
    gumbels = -jnp.log(-jnp.log(u))
    gumbels = (jnp.log(logits) + gumbels) / tau
    y_soft = jax.nn.softmax(gumbels, axis=axis)
    if hard:
        index = jnp.argmax(y_soft, axis=axis)
        y_hard = jax.nn.one_hot(index, logits.shape[axis], axis=axis, dtype=logits.dtype)
        ret = y_hard - jax.lax.stop_gradient(y_soft) + y_soft
    else:
        ret = y_soft
    return ret


def setup_inputs(seed: int = 0) -> dict:
    key = jax.random.key(seed)
    # probabilities in (0, 1); avoid exact 0 so logits.log() is finite
    not_infected_probs = jax.random.uniform(
        key, (10000000,), dtype=jnp.float32, minval=1e-6, maxval=1.0 - 1e-6
    )
    return {"not_infected_probs": not_infected_probs}


def reference(not_infected_probs):
    logits = jnp.vstack((not_infected_probs, 1.0 - not_infected_probs))
    gkey = jax.random.fold_in(jax.random.key(0), 12345)
    infection = gumbel_softmax(logits, gkey, tau=0.1, hard=True, axis=0)
    is_infected = 1.0 - infection[0, :]
    return is_infected

if __name__ == "__main__":
    import jax
    _d = setup_inputs()
    print(jax.jit(kernel)(*tuple(_d.values())))

</pallas_src>

<mosaic_0001>
#map = affine_map<(d0, d1) -> (0)>
module attributes {stable_mosaic.version = 14 : i64} {
  func.func @k(%arg0: i32, %arg1: i32, %arg2: memref<10000000xf32, #tpu.memory_space<hbm>>, %arg3: memref<2162688xf32, #tpu.memory_space<hbm>>, %arg4: memref<8448xf32, #tpu.memory_space<vmem>>, %arg5: memref<8448xf32, #tpu.memory_space<vmem>>) attributes {dimension_semantics = [#tpu.dimension_semantics<core_parallel>, #tpu.dimension_semantics<subcore_parallel>], iteration_bounds = array<i64: 2, 16>, scalar_prefetch = 0 : i64, scratch_operands = 2 : i64, tpu.core_type = #tpu.core_type<sc_vector_subcore>, window_params = [{transform_indices = #map}, {transform_indices = #map}]} {
    %mul3A = arith.constant 2 : i32
    %mul3A_0 = arith.muli %arg1, %mul3A : i32
    %add3A = arith.addi %mul3A_0, %arg0 : i32
    %mul3A_1 = arith.constant 67584 : i32
    %mul3A_2 = arith.muli %add3A, %mul3A_1 : i32
    %iota3A = tpu.iota {dimensions = array<i32: 0>} : vector<16xi32>
    %bitcast_convert_type3A = tpu.bitcast %iota3A : vector<16xi32> -> vector<16xi32>
    %scan3A = arith.constant 0 : i32
    %scan3A_3 = arith.constant 0 : i32
    %scan3A_4 = arith.constant 8 : i32
    %scan3A_5 = arith.addi %scan3A_3, %scan3A_4 : i32
    %scan3A_6 = arith.constant 1 : i32
    scf.for %scan3A_8 = %scan3A_3 to %scan3A_5 step %scan3A_6  : i32 {
      %mul3A_9 = arith.constant 8448 : i32
      %mul3A_10 = arith.muli %scan3A_8, %mul3A_9 : i32
      %add3A_11 = arith.addi %mul3A_2, %mul3A_10 : i32
      %add3A_12 = arith.constant 7837312 : i32
      %add3A_13 = arith.addi %add3A_12, %add3A_11 : i32
      "tpu.region"() ({
        %run_scoped3A = tpu.sem_alloc : memref<!tpu.dma_semaphore, #tpu.memory_space<semaphore_mem>>
        %dma_start3A = tpu.memref_slice %arg2[%add3A_13] : memref<10000000xf32, #tpu.memory_space<hbm>> -> memref<8448xf32, #tpu.memory_space<hbm>>
        %dma_start3A_20 = tpu.memref_slice %arg2[%add3A_13] : memref<10000000xf32, #tpu.memory_space<hbm>> -> memref<8448xf32, #tpu.memory_space<hbm>>
        tpu.enqueue_dma source(%dma_start3A_20 : memref<8448xf32, #tpu.memory_space<hbm>>) target(%arg4 : memref<8448xf32, #tpu.memory_space<vmem>>) target_semaphore(%run_scoped3A : memref<!tpu.dma_semaphore, #tpu.memory_space<semaphore_mem>>)
        %dma_wait3A = tpu.memref_slice %arg2[%add3A_13] : memref<10000000xf32, #tpu.memory_space<hbm>> -> memref<8448xf32, #tpu.memory_space<hbm>>
        %dma_wait3A_21 = tpu.memref_slice %arg2[%add3A_13] : memref<10000000xf32, #tpu.memory_space<hbm>> -> memref<8448xf32, #tpu.memory_space<hbm>>
        tpu.wait_dma2 semaphore(%run_scoped3A : memref<!tpu.dma_semaphore, #tpu.memory_space<semaphore_mem>>) src(%dma_wait3A_21 : memref<8448xf32, #tpu.memory_space<hbm>>) dst(%arg4 : memref<8448xf32, #tpu.memory_space<vmem>>)
        tpu.yield
      }) : () -> ()
      %scan3A_14 = arith.constant 0 : i32
      %scan3A_15 = arith.constant 0 : i32
      %scan3A_16 = arith.constant 66 : i32
      %scan3A_17 = arith.addi %scan3A_15, %scan3A_16 : i32
      %scan3A_18 = arith.constant 1 : i32
      scf.for %scan3A_20 = %scan3A_15 to %scan3A_17 step %scan3A_18  : i32 {
        %mul3A_21 = arith.constant 128 : i32
        %mul3A_22 = arith.muli %scan3A_20, %mul3A_21 : i32
        %add3A_23 = arith.constant 0 : i32
        %add3A_24 = arith.addi %mul3A_22, %add3A_23 : i32
        %add3A_25 = arith.constant 7837312 : i32
        %add3A_26 = arith.addi %add3A_25, %add3A_11 : i32
        %add3A_27 = arith.addi %add3A_26, %add3A_24 : i32
        %add3A_28 = vector.broadcast %add3A_27 : i32 to vector<16xi32>
        %add3A_29 = arith.addi %bitcast_convert_type3A, %add3A_28 : vector<16xi32>
        %broadcast_in_dim3A = arith.constant 908003072 : i32
        %broadcast_in_dim3A_30 = vector.broadcast %broadcast_in_dim3A : i32 to vector<16xi32>
        %add3A_31 = arith.constant -1042067111 : i32
        %add3A_32 = vector.broadcast %add3A_31 : i32 to vector<16xi32>
        %add3A_33 = arith.addi %add3A_29, %add3A_32 : vector<16xi32>
        %add3A_34 = arith.addi %broadcast_in_dim3A_30, %add3A_33 : vector<16xi32>
        %shift_left3A = arith.constant 13 : i32
        %shift_left3A_35 = vector.broadcast %shift_left3A : i32 to vector<16xi32>
        %shift_left3A_36 = arith.shli %add3A_33, %shift_left3A_35 : vector<16xi32>
        %shift_right_logical3A = arith.constant 19 : i32
        %shift_right_logical3A_37 = vector.broadcast %shift_right_logical3A : i32 to vector<16xi32>
        %shift_right_logical3A_38 = arith.shrui %add3A_33, %shift_right_logical3A_37 : vector<16xi32>
        %or3A = arith.ori %shift_left3A_36, %shift_right_logical3A_38 : vector<16xi32>
        %xor3A = arith.xori %add3A_34, %or3A : vector<16xi32>
        %add3A_39 = arith.addi %add3A_34, %xor3A : vector<16xi32>
        %shift_left3A_40 = arith.constant 15 : i32
        %shift_left3A_41 = vector.broadcast %shift_left3A_40 : i32 to vector<16xi32>
        %shift_left3A_42 = arith.shli %xor3A, %shift_left3A_41 : vector<16xi32>
        %shift_right_logical3A_43 = arith.constant 17 : i32
        %shift_right_logical3A_44 = vector.broadcast %shift_right_logical3A_43 : i32 to vector<16xi32>
        %shift_right_logical3A_45 = arith.shrui %xor3A, %shift_right_logical3A_44 : vector<16xi32>
        %or3A_46 = arith.ori %shift_left3A_42, %shift_right_logical3A_45 : vector<16xi32>
        %xor3A_47 = arith.xori %add3A_39, %or3A_46 : vector<16xi32>
        %add3A_48 = arith.addi %add3A_39, %xor3A_47 : vector<16xi32>
        %shift_left3A_49 = arith.constant 26 : i32
        %shift_left3A_50 = vector.broadcast %shift_left3A_49 : i32 to vector<16xi32>
        %shift_left3A_51 = arith.shli %xor3A_47, %shift_left3A_50 : vector<16xi32>
        %shift_right_logical3A_52 = arith.constant 6 : i32
        %shift_right_logical3A_53 = vector.broadcast %shift_right_logical3A_52 : i32 to vector<16xi32>
        %shift_right_logical3A_54 = arith.shrui %xor3A_47, %shift_right_logical3A_53 : vector<16xi32>
        %or3A_55 = arith.ori %shift_left3A_51, %shift_right_logical3A_54 : vector<16xi32>
        %xor3A_56 = arith.xori %add3A_48, %or3A_55 : vector<16xi32>
        %add3A_57 = arith.addi %add3A_48, %xor3A_56 : vector<16xi32>
        %shift_left3A_58 = arith.constant 6 : i32
        %shift_left3A_59 = vector.broadcast %shift_left3A_58 : i32 to vector<16xi32>
        %shift_left3A_60 = arith.shli %xor3A_56, %shift_left3A_59 : vector<16xi32>
        %shift_right_logical3A_61 = arith.constant 26 : i32
        %shift_right_logical3A_62 = vector.broadcast %shift_right_logical3A_61 : i32 to vector<16xi32>
        %shift_right_logical3A_63 = arith.shrui %xor3A_56, %shift_right_logical3A_62 : vector<16xi32>
        %or3A_64 = arith.ori %shift_left3A_60, %shift_right_logical3A_63 : vector<16xi32>
        %xor3A_65 = arith.xori %add3A_57, %or3A_64 : vector<16xi32>
        %add3A_66 = arith.constant -1042067111 : i32
        %add3A_67 = vector.broadcast %add3A_66 : i32 to vector<16xi32>
        %add3A_68 = arith.addi %add3A_57, %add3A_67 : vector<16xi32>
        %add3A_69 = arith.constant -332575356 : i32
        %add3A_70 = vector.broadcast %add3A_69 : i32 to vector<16xi32>
        %add3A_71 = arith.addi %xor3A_65, %add3A_70 : vector<16xi32>
        %add3A_72 = arith.addi %add3A_68, %add3A_71 : vector<16xi32>
        %shift_left3A_73 = arith.constant 17 : i32
        %shift_left3A_74 = vector.broadcast %shift_left3A_73 : i32 to vector<16xi32>
        %shift_left3A_75 = arith.shli %add3A_71, %shift_left3A_74 : vector<16xi32>
        %shift_right_logical3A_76 = arith.constant 15 : i32
        %shift_right_logical3A_77 = vector.broadcast %shift_right_logical3A_76 : i32 to vector<16xi32>
        %shift_right_logical3A_78 = arith.shrui %add3A_71, %shift_right_logical3A_77 : vector<16xi32>
        %or3A_79 = arith.ori %shift_left3A_75, %shift_right_logical3A_78 : vector<16xi32>
        %xor3A_80 = arith.xori %add3A_72, %or3A_79 : vector<16xi32>
        %add3A_81 = arith.addi %add3A_72, %xor3A_80 : vector<16xi32>
        %shift_left3A_82 = arith.constant 29 : i32
        %shift_left3A_83 = vector.broadcast %shift_left3A_82 : i32 to vector<16xi32>
        %shift_left3A_84 = arith.shli %xor3A_80, %shift_left3A_83 : vector<16xi32>
        %shift_right_logical3A_85 = arith.constant 3 : i32
        %shift_right_logical3A_86 = vector.broadcast %shift_right_logical3A_85 : i32 to vector<16xi32>
        %shift_right_logical3A_87 = arith.shrui %xor3A_80, %shift_right_logical3A_86 : vector<16xi32>
        %or3A_88 = arith.ori %shift_left3A_84, %shift_right_logical3A_87 : vector<16xi32>
        %xor3A_89 = arith.xori %add3A_81, %or3A_88 : vector<16xi32>
        %add3A_90 = arith.addi %add3A_81, %xor3A_89 : vector<16xi32>
        %shift_left3A_91 = arith.constant 16 : i32
        %shift_left3A_92 = vector.broadcast %shift_left3A_91 : i32 to vector<16xi32>
        %shift_left3A_93 = arith.shli %xor3A_89, %shift_left3A_92 : vector<16xi32>
        %shift_right_logical3A_94 = arith.constant 16 : i32
        %shift_right_logical3A_95 = vector.broadcast %shift_right_logical3A_94 : i32 to vector<16xi32>
        %shift_right_logical3A_96 = arith.shrui %xor3A_89, %shift_right_logical3A_95 : vector<16xi32>
        %or3A_97 = arith.ori %shift_left3A_93, %shift_right_logical3A_96 : vector<16xi32>
        %xor3A_98 = arith.xori %add3A_90, %or3A_97 : vector<16xi32>
        %add3A_99 = arith.addi %add3A_90, %xor3A_98 : vector<16xi32>
        %shift_left3A_100 = arith.constant 24 : i32
        %shift_left3A_101 = vector.broadcast %shift_left3A_100 : i32 to vector<16xi32>
        %shift_left3A_102 = arith.shli %xor3A_98, %shift_left3A_101 : vector<16xi32>
        %shift_right_logical3A_103 = arith.constant 8 : i32
        %shift_right_logical3A_104 = vector.broadcast %shift_right_logical3A_103 : i32 to vector<16xi32>
        %shift_right_logical3A_105 = arith.shrui %xor3A_98, %shift_right_logical3A_104 : vector<16xi32>
        %or3A_106 = arith.ori %shift_left3A_102, %shift_right_logical3A_105 : vector<16xi32>
        %xor3A_107 = arith.xori %add3A_99, %or3A_106 : vector<16xi32>
        %add3A_108 = arith.constant -332575357 : i32
        %add3A_109 = vector.broadcast %add3A_108 : i32 to vector<16xi32>
        %add3A_110 = arith.addi %add3A_99, %add3A_109 : vector<16xi32>
        %add3A_111 = arith.constant 908003074 : i32
        %add3A_112 = vector.broadcast %add3A_111 : i32 to vector<16xi32>
        %add3A_113 = arith.addi %xor3A_107, %add3A_112 : vector<16xi32>
        %add3A_114 = arith.addi %add3A_110, %add3A_113 : vector<16xi32>
        %shift_left3A_115 = arith.constant 13 : i32
        %shift_left3A_116 = vector.broadcast %shift_left3A_115 : i32 to vector<16xi32>
        %shift_left3A_117 = arith.shli %add3A_113, %shift_left3A_116 : vector<16xi32>
        %shift_right_logical3A_118 = arith.constant 19 : i32
        %shift_right_logical3A_119 = vector.broadcast %shift_right_logical3A_118 : i32 to vector<16xi32>
        %shift_right_logical3A_120 = arith.shrui %add3A_113, %shift_right_logical3A_119 : vector<16xi32>
        %or3A_121 = arith.ori %shift_left3A_117, %shift_right_logical3A_120 : vector<16xi32>
        %xor3A_122 = arith.xori %add3A_114, %or3A_121 : vector<16xi32>
        %add3A_123 = arith.addi %add3A_114, %xor3A_122 : vector<16xi32>
        %shift_left3A_124 = arith.constant 15 : i32
        %shift_left3A_125 = vector.broadcast %shift_left3A_124 : i32 to vector<16xi32>
        %shift_left3A_126 = arith.shli %xor3A_122, %shift_left3A_125 : vector<16xi32>
        %shift_right_logical3A_127 = arith.constant 17 : i32
        %shift_right_logical3A_128 = vector.broadcast %shift_right_logical3A_127 : i32 to vector<16xi32>
        %shift_right_logical3A_129 = arith.shrui %xor3A_122, %shift_right_logical3A_128 : vector<16xi32>
        %or3A_130 = arith.ori %shift_left3A_126, %shift_right_logical3A_129 : vector<16xi32>
        %xor3A_131 = arith.xori %add3A_123, %or3A_130 : vector<16xi32>
        %add3A_132 = arith.addi %add3A_123, %xor3A_131 : vector<16xi32>
        %shift_left3A_133 = arith.constant 26 : i32
        %shift_left3A_134 = vector.broadcast %shift_left3A_133 : i32 to vector<16xi32>
        %shift_left3A_135 = arith.shli %xor3A_131, %shift_left3A_134 : vector<16xi32>
        %shift_right_logical3A_136 = arith.constant 6 : i32
        %shift_right_logical3A_137 = vector.broadcast %shift_right_logical3A_136 : i32 to vector<16xi32>
        %shift_right_logical3A_138 = arith.shrui %xor3A_131, %shift_right_logical3A_137 : vector<16xi32>
        %or3A_139 = arith.ori %shift_left3A_135, %shift_right_logical3A_138 : vector<16xi32>
        %xor3A_140 = arith.xori %add3A_132, %or3A_139 : vector<16xi32>
        %add3A_141 = arith.addi %add3A_132, %xor3A_140 : vector<16xi32>
        %shift_left3A_142 = arith.constant 6 : i32
        %shift_left3A_143 = vector.broadcast %shift_left3A_142 : i32 to vector<16xi32>
        %shift_left3A_144 = arith.shli %xor3A_140, %shift_left3A_143 : vector<16xi32>
        %shift_right_logical3A_145 = arith.constant 26 : i32
        %shift_right_logical3A_146 = vector.broadcast %shift_right_logical3A_145 : i32 to vector<16xi32>
        %shift_right_logical3A_147 = arith.shrui %xor3A_140, %shift_right_logical3A_146 : vector<16xi32>
        %or3A_148 = arith.ori %shift_left3A_144, %shift_right_logical3A_147 : vector<16xi32>
        %xor3A_149 = arith.xori %add3A_141, %or3A_148 : vector<16xi32>
        %add3A_150 = arith.constant 908003072 : i32
        %add3A_151 = vector.broadcast %add3A_150 : i32 to vector<16xi32>
        %add3A_152 = arith.addi %add3A_141, %add3A_151 : vector<16xi32>
        %add3A_153 = arith.constant -1042067108 : i32
        %add3A_154 = vector.broadcast %add3A_153 : i32 to vector<16xi32>
        %add3A_155 = arith.addi %xor3A_149, %add3A_154 : vector<16xi32>
        %add3A_156 = arith.addi %add3A_152, %add3A_155 : vector<16xi32>
        %shift_left3A_157 = arith.constant 17 : i32
        %shift_left3A_158 = vector.broadcast %shift_left3A_157 : i32 to vector<16xi32>
        %shift_left3A_159 = arith.shli %add3A_155, %shift_left3A_158 : vector<16xi32>
        %shift_right_logical3A_160 = arith.constant 15 : i32
        %shift_right_logical3A_161 = vector.broadcast %shift_right_logical3A_160 : i32 to vector<16xi32>
        %shift_right_logical3A_162 = arith.shrui %add3A_155, %shift_right_logical3A_161 : vector<16xi32>
        %or3A_163 = arith.ori %shift_left3A_159, %shift_right_logical3A_162 : vector<16xi32>
        %xor3A_164 = arith.xori %add3A_156, %or3A_163 : vector<16xi32>
        %add3A_165 = arith.addi %add3A_156, %xor3A_164 : vector<16xi32>
        %shift_left3A_166 = arith.constant 29 : i32
        %shift_left3A_167 = vector.broadcast %shift_left3A_166 : i32 to vector<16xi32>
        %shift_left3A_168 = arith.shli %xor3A_164, %shift_left3A_167 : vector<16xi32>
        %shift_right_logical3A_169 = arith.constant 3 : i32
        %shift_right_logical3A_170 = vector.broadcast %shift_right_logical3A_169 : i32 to vector<16xi32>
        %shift_right_logical3A_171 = arith.shrui %xor3A_164, %shift_right_logical3A_170 : vector<16xi32>
        %or3A_172 = arith.ori %shift_left3A_168, %shift_right_logical3A_171 : vector<16xi32>
        %xor3A_173 = arith.xori %add3A_165, %or3A_172 : vector<16xi32>
        %add3A_174 = arith.addi %add3A_165, %xor3A_173 : vector<16xi32>
        %shift_left3A_175 = arith.constant 16 : i32
        %shift_left3A_176 = vector.broadcast %shift_left3A_175 : i32 to vector<16xi32>
        %shift_left3A_177 = arith.shli %xor3A_173, %shift_left3A_176 : vector<16xi32>
        %shift_right_logical3A_178 = arith.constant 16 : i32
        %shift_right_logical3A_179 = vector.broadcast %shift_right_logical3A_178 : i32 to vector<16xi32>
        %shift_right_logical3A_180 = arith.shrui %xor3A_173, %shift_right_logical3A_179 : vector<16xi32>
        %or3A_181 = arith.ori %shift_left3A_177, %shift_right_logical3A_180 : vector<16xi32>
        %xor3A_182 = arith.xori %add3A_174, %or3A_181 : vector<16xi32>
        %add3A_183 = arith.addi %add3A_174, %xor3A_182 : vector<16xi32>
        %shift_left3A_184 = arith.constant 24 : i32
        %shift_left3A_185 = vector.broadcast %shift_left3A_184 : i32 to vector<16xi32>
        %shift_left3A_186 = arith.shli %xor3A_182, %shift_left3A_185 : vector<16xi32>
        %shift_right_logical3A_187 = arith.constant 8 : i32
        %shift_right_logical3A_188 = vector.broadcast %shift_right_logical3A_187 : i32 to vector<16xi32>
        %shift_right_logical3A_189 = arith.shrui %xor3A_182, %shift_right_logical3A_188 : vector<16xi32>
        %or3A_190 = arith.ori %shift_left3A_186, %shift_right_logical3A_189 : vector<16xi32>
        %xor3A_191 = arith.xori %add3A_183, %or3A_190 : vector<16xi32>
        %add3A_192 = arith.constant -1042067111 : i32
        %add3A_193 = vector.broadcast %add3A_192 : i32 to vector<16xi32>
        %add3A_194 = arith.addi %add3A_183, %add3A_193 : vector<16xi32>
        %add3A_195 = arith.constant -332575353 : i32
        %add3A_196 = vector.broadcast %add3A_195 : i32 to vector<16xi32>
        %add3A_197 = arith.addi %xor3A_191, %add3A_196 : vector<16xi32>
        %add3A_198 = arith.addi %add3A_194, %add3A_197 : vector<16xi32>
        %shift_left3A_199 = arith.constant 13 : i32
        %shift_left3A_200 = vector.broadcast %shift_left3A_199 : i32 to vector<16xi32>
        %shift_left3A_201 = arith.shli %add3A_197, %shift_left3A_200 : vector<16xi32>
        %shift_right_logical3A_202 = arith.constant 19 : i32
        %shift_right_logical3A_203 = vector.broadcast %shift_right_logical3A_202 : i32 to vector<16xi32>
        %shift_right_logical3A_204 = arith.shrui %add3A_197, %shift_right_logical3A_203 : vector<16xi32>
        %or3A_205 = arith.ori %shift_left3A_201, %shift_right_logical3A_204 : vector<16xi32>
        %xor3A_206 = arith.xori %add3A_198, %or3A_205 : vector<16xi32>
        %add3A_207 = arith.addi %add3A_198, %xor3A_206 : vector<16xi32>
        %shift_left3A_208 = arith.constant 15 : i32
        %shift_left3A_209 = vector.broadcast %shift_left3A_208 : i32 to vector<16xi32>
        %shift_left3A_210 = arith.shli %xor3A_206, %shift_left3A_209 : vector<16xi32>
        %shift_right_logical3A_211 = arith.constant 17 : i32
        %shift_right_logical3A_212 = vector.broadcast %shift_right_logical3A_211 : i32 to vector<16xi32>
        %shift_right_logical3A_213 = arith.shrui %xor3A_206, %shift_right_logical3A_212 : vector<16xi32>
        %or3A_214 = arith.ori %shift_left3A_210, %shift_right_logical3A_213 : vector<16xi32>
        %xor3A_215 = arith.xori %add3A_207, %or3A_214 : vector<16xi32>
        %add3A_216 = arith.addi %add3A_207, %xor3A_215 : vector<16xi32>
        %shift_left3A_217 = arith.constant 26 : i32
        %shift_left3A_218 = vector.broadcast %shift_left3A_217 : i32 to vector<16xi32>
        %shift_left3A_219 = arith.shli %xor3A_215, %shift_left3A_218 : vector<16xi32>
        %shift_right_logical3A_220 = arith.constant 6 : i32
        %shift_right_logical3A_221 = vector.broadcast %shift_right_logical3A_220 : i32 to vector<16xi32>
        %shift_right_logical3A_222 = arith.shrui %xor3A_215, %shift_right_logical3A_221 : vector<16xi32>
        %or3A_223 = arith.ori %shift_left3A_219, %shift_right_logical3A_222 : vector<16xi32>
        %xor3A_224 = arith.xori %add3A_216, %or3A_223 : vector<16xi32>
        %add3A_225 = arith.addi %add3A_216, %xor3A_224 : vector<16xi32>
        %shift_left3A_226 = arith.constant 6 : i32
        %shift_left3A_227 = vector.broadcast %shift_left3A_226 : i32 to vector<16xi32>
        %shift_left3A_228 = arith.shli %xor3A_224, %shift_left3A_227 : vector<16xi32>
        %shift_right_logical3A_229 = arith.constant 26 : i32
        %shift_right_logical3A_230 = vector.broadcast %shift_right_logical3A_229 : i32 to vector<16xi32>
        %shift_right_logical3A_231 = arith.shrui %xor3A_224, %shift_right_logical3A_230 : vector<16xi32>
        %or3A_232 = arith.ori %shift_left3A_228, %shift_right_logical3A_231 : vector<16xi32>
        %xor3A_233 = arith.xori %add3A_225, %or3A_232 : vector<16xi32>
        %add3A_234 = arith.constant -332575357 : i32
        %add3A_235 = vector.broadcast %add3A_234 : i32 to vector<16xi32>
        %add3A_236 = arith.addi %add3A_225, %add3A_235 : vector<16xi32>
        %add3A_237 = arith.constant 908003077 : i32
        %add3A_238 = vector.broadcast %add3A_237 : i32 to vector<16xi32>
        %add3A_239 = arith.addi %xor3A_233, %add3A_238 : vector<16xi32>
        %xor3A_240 = arith.xori %add3A_236, %add3A_239 : vector<16xi32>
        %shift_right_logical3A_241 = arith.constant 9 : i32
        %shift_right_logical3A_242 = vector.broadcast %shift_right_logical3A_241 : i32 to vector<16xi32>
        %shift_right_logical3A_243 = arith.shrui %xor3A_240, %shift_right_logical3A_242 : vector<16xi32>
        %or3A_244 = arith.constant 1065353216 : i32
        %or3A_245 = vector.broadcast %or3A_244 : i32 to vector<16xi32>
        %or3A_246 = arith.ori %shift_right_logical3A_243, %or3A_245 : vector<16xi32>
        %bitcast_convert_type3A_247 = tpu.bitcast %or3A_246 : vector<16xi32> -> vector<16xf32>
        %sub3A = arith.constant 1.000000e+00 : f32
        %sub3A_248 = vector.broadcast %sub3A : f32 to vector<16xf32>
        %sub3A_249 = arith.subf %bitcast_convert_type3A_247, %sub3A_248 : vector<16xf32>
        %mul3A_250 = arith.constant 1.000000e+00 : f32
        %mul3A_251 = vector.broadcast %mul3A_250 : f32 to vector<16xf32>
        %mul3A_252 = arith.mulf %sub3A_249, %mul3A_251 : vector<16xf32>
        %add3A_253 = arith.constant 1.000000e-10 : f32
        %add3A_254 = vector.broadcast %add3A_253 : f32 to vector<16xf32>
        %add3A_255 = arith.addf %mul3A_252, %add3A_254 : vector<16xf32>
        %max3A = arith.constant 1.000000e-10 : f32
        %max3A_256 = vector.broadcast %max3A : f32 to vector<16xf32>
        %max3A_257 = arith.maximumf %max3A_256, %add3A_255 : vector<16xf32>
        %bitcast_convert_type3A_258 = tpu.bitcast %max3A_257 : vector<16xf32> -> vector<16xi32>
        %shift_right_logical3A_259 = arith.constant 23 : i32
        %shift_right_logical3A_260 = vector.broadcast %shift_right_logical3A_259 : i32 to vector<16xi32>
        %shift_right_logical3A_261 = arith.shrui %bitcast_convert_type3A_258, %shift_right_logical3A_260 : vector<16xi32>
        %bitcast_convert_type3A_262 = tpu.bitcast %shift_right_logical3A_261 : vector<16xi32> -> vector<16xi32>
        %sub3A_263 = arith.constant 127 : i32
        %sub3A_264 = vector.broadcast %sub3A_263 : i32 to vector<16xi32>
        %sub3A_265 = arith.subi %bitcast_convert_type3A_262, %sub3A_264 : vector<16xi32>
        %and3A = arith.constant 8388607 : i32
        %and3A_266 = vector.broadcast %and3A : i32 to vector<16xi32>
        %and3A_267 = arith.andi %bitcast_convert_type3A_258, %and3A_266 : vector<16xi32>
        %or3A_268 = arith.constant 1065353216 : i32
        %or3A_269 = vector.broadcast %or3A_268 : i32 to vector<16xi32>
        %or3A_270 = arith.ori %and3A_267, %or3A_269 : vector<16xi32>
        %bitcast_convert_type3A_271 = tpu.bitcast %or3A_270 : vector<16xi32> -> vector<16xf32>
        %sub3A_272 = arith.constant 1.000000e+00 : f32
        %sub3A_273 = vector.broadcast %sub3A_272 : f32 to vector<16xf32>
        %sub3A_274 = arith.subf %bitcast_convert_type3A_271, %sub3A_273 : vector<16xf32>
        %broadcast_in_dim3A_275 = arith.constant -0.00458208052 : f32
        %broadcast_in_dim3A_276 = vector.broadcast %broadcast_in_dim3A_275 : f32 to vector<16xf32>
        %mul3A_277 = arith.mulf %broadcast_in_dim3A_276, %sub3A_274 : vector<16xf32>
        %add3A_278 = arith.constant 0.0281939134 : f32
        %add3A_279 = vector.broadcast %add3A_278 : f32 to vector<16xf32>
        %add3A_280 = arith.addf %mul3A_277, %add3A_279 : vector<16xf32>
        %mul3A_281 = arith.mulf %add3A_280, %sub3A_274 : vector<16xf32>
        %add3A_282 = arith.constant -0.0813299268 : f32
        %add3A_283 = vector.broadcast %add3A_282 : f32 to vector<16xf32>
        %add3A_284 = arith.addf %mul3A_281, %add3A_283 : vector<16xf32>
        %mul3A_285 = arith.mulf %add3A_284, %sub3A_274 : vector<16xf32>
        %add3A_286 = arith.constant 0.152112335 : f32
        %add3A_287 = vector.broadcast %add3A_286 : f32 to vector<16xf32>
        %add3A_288 = arith.addf %mul3A_285, %add3A_287 : vector<16xf32>
        %mul3A_289 = arith.mulf %add3A_288, %sub3A_274 : vector<16xf32>
        %add3A_290 = arith.constant -0.220294729 : f32
        %add3A_291 = vector.broadcast %add3A_290 : f32 to vector<16xf32>
        %add3A_292 = arith.addf %mul3A_289, %add3A_291 : vector<16xf32>
        %mul3A_293 = arith.mulf %add3A_292, %sub3A_274 : vector<16xf32>
        %add3A_294 = arith.constant 0.283681065 : f32
        %add3A_295 = vector.broadcast %add3A_294 : f32 to vector<16xf32>
        %add3A_296 = arith.addf %mul3A_293, %add3A_295 : vector<16xf32>
        %mul3A_297 = arith.mulf %add3A_296, %sub3A_274 : vector<16xf32>
        %add3A_298 = arith.constant -0.359975725 : f32
        %add3A_299 = vector.broadcast %add3A_298 : f32 to vector<16xf32>
        %add3A_300 = arith.addf %mul3A_297, %add3A_299 : vector<16xf32>
        %mul3A_301 = arith.mulf %add3A_300, %sub3A_274 : vector<16xf32>
        %add3A_302 = arith.constant 0.480846077 : f32
        %add3A_303 = vector.broadcast %add3A_302 : f32 to vector<16xf32>
        %add3A_304 = arith.addf %mul3A_301, %add3A_303 : vector<16xf32>
        %mul3A_305 = arith.mulf %add3A_304, %sub3A_274 : vector<16xf32>
        %add3A_306 = arith.constant -0.721345961 : f32
        %add3A_307 = vector.broadcast %add3A_306 : f32 to vector<16xf32>
        %add3A_308 = arith.addf %mul3A_305, %add3A_307 : vector<16xf32>
        %mul3A_309 = arith.mulf %add3A_308, %sub3A_274 : vector<16xf32>
        %add3A_310 = arith.constant 1.44269502 : f32
        %add3A_311 = vector.broadcast %add3A_310 : f32 to vector<16xf32>
        %add3A_312 = arith.addf %mul3A_309, %add3A_311 : vector<16xf32>
        %convert_element_type3A = arith.sitofp %sub3A_265 : vector<16xi32> to vector<16xf32>
        %mul3A_313 = arith.mulf %sub3A_274, %add3A_312 : vector<16xf32>
        %add3A_314 = arith.addf %convert_element_type3A, %mul3A_313 : vector<16xf32>
        %mul3A_315 = arith.constant 0.693147182 : f32
        %mul3A_316 = vector.broadcast %mul3A_315 : f32 to vector<16xf32>
        %mul3A_317 = arith.mulf %add3A_314, %mul3A_316 : vector<16xf32>
        %neg3A = arith.constant 0.000000e+00 : f32
        %neg3A_318 = vector.broadcast %neg3A : f32 to vector<16xf32>
        %neg3A_319 = arith.subf %neg3A_318, %mul3A_317 : vector<16xf32>
        %add3A_320 = arith.constant 10000000 : i32
        %add3A_321 = vector.broadcast %add3A_320 : i32 to vector<16xi32>
        %add3A_322 = arith.addi %add3A_29, %add3A_321 : vector<16xi32>
        %broadcast_in_dim3A_323 = arith.constant 908003072 : i32
        %broadcast_in_dim3A_324 = vector.broadcast %broadcast_in_dim3A_323 : i32 to vector<16xi32>
        %add3A_325 = arith.constant -1042067111 : i32
        %add3A_326 = vector.broadcast %add3A_325 : i32 to vector<16xi32>
        %add3A_327 = arith.addi %add3A_322, %add3A_326 : vector<16xi32>
        %add3A_328 = arith.addi %broadcast_in_dim3A_324, %add3A_327 : vector<16xi32>
        %shift_left3A_329 = arith.constant 13 : i32
        %shift_left3A_330 = vector.broadcast %shift_left3A_329 : i32 to vector<16xi32>
        %shift_left3A_331 = arith.shli %add3A_327, %shift_left3A_330 : vector<16xi32>
        %shift_right_logical3A_332 = arith.constant 19 : i32
        %shift_right_logical3A_333 = vector.broadcast %shift_right_logical3A_332 : i32 to vector<16xi32>
        %shift_right_logical3A_334 = arith.shrui %add3A_327, %shift_right_logical3A_333 : vector<16xi32>
        %or3A_335 = arith.ori %shift_left3A_331, %shift_right_logical3A_334 : vector<16xi32>
        %xor3A_336 = arith.xori %add3A_328, %or3A_335 : vector<16xi32>
        %add3A_337 = arith.addi %add3A_328, %xor3A_336 : vector<16xi32>
        %shift_left3A_338 = arith.constant 15 : i32
        %shift_left3A_339 = vector.broadcast %shift_left3A_338 : i32 to vector<16xi32>
        %shift_left3A_340 = arith.shli %xor3A_336, %shift_left3A_339 : vector<16xi32>
        %shift_right_logical3A_341 = arith.constant 17 : i32
        %shift_right_logical3A_342 = vector.broadcast %shift_right_logical3A_341 : i32 to vector<16xi32>
        %shift_right_logical3A_343 = arith.shrui %xor3A_336, %shift_right_logical3A_342 : vector<16xi32>
        %or3A_344 = arith.ori %shift_left3A_340, %shift_right_logical3A_343 : vector<16xi32>
        %xor3A_345 = arith.xori %add3A_337, %or3A_344 : vector<16xi32>
        %add3A_346 = arith.addi %add3A_337, %xor3A_345 : vector<16xi32>
        %shift_left3A_347 = arith.constant 26 : i32
        %shift_left3A_348 = vector.broadcast %shift_left3A_347 : i32 to vector<16xi32>
        %shift_left3A_349 = arith.shli %xor3A_345, %shift_left3A_348 : vector<16xi32>
        %shift_right_logical3A_350 = arith.constant 6 : i32
        %shift_right_logical3A_351 = vector.broadcast %shift_right_logical3A_350 : i32 to vector<16xi32>
        %shift_right_logical3A_352 = arith.shrui %xor3A_345, %shift_right_logical3A_351 : vector<16xi32>
        %or3A_353 = arith.ori %shift_left3A_349, %shift_right_logical3A_352 : vector<16xi32>
        %xor3A_354 = arith.xori %add3A_346, %or3A_353 : vector<16xi32>
        %add3A_355 = arith.addi %add3A_346, %xor3A_354 : vector<16xi32>
        %shift_left3A_356 = arith.constant 6 : i32
        %shift_left3A_357 = vector.broadcast %shift_left3A_356 : i32 to vector<16xi32>
        %shift_left3A_358 = arith.shli %xor3A_354, %shift_left3A_357 : vector<16xi32>
        %shift_right_logical3A_359 = arith.constant 26 : i32
        %shift_right_logical3A_360 = vector.broadcast %shift_right_logical3A_359 : i32 to vector<16xi32>
        %shift_right_logical3A_361 = arith.shrui %xor3A_354, %shift_right_logical3A_360 : vector<16xi32>
        %or3A_362 = arith.ori %shift_left3A_358, %shift_right_logical3A_361 : vector<16xi32>
        %xor3A_363 = arith.xori %add3A_355, %or3A_362 : vector<16xi32>
        %add3A_364 = arith.constant -1042067111 : i32
        %add3A_365 = vector.broadcast %add3A_364 : i32 to vector<16xi32>
        %add3A_366 = arith.addi %add3A_355, %add3A_365 : vector<16xi32>
        %add3A_367 = arith.constant -332575356 : i32
        %add3A_368 = vector.broadcast %add3A_367 : i32 to vector<16xi32>
        %add3A_369 = arith.addi %xor3A_363, %add3A_368 : vector<16xi32>
        %add3A_370 = arith.addi %add3A_366, %add3A_369 : vector<16xi32>
        %shift_left3A_371 = arith.constant 17 : i32
        %shift_left3A_372 = vector.broadcast %shift_left3A_371 : i32 to vector<16xi32>
        %shift_left3A_373 = arith.shli %add3A_369, %shift_left3A_372 : vector<16xi32>
        %shift_right_logical3A_374 = arith.constant 15 : i32
        %shift_right_logical3A_375 = vector.broadcast %shift_right_logical3A_374 : i32 to vector<16xi32>
        %shift_right_logical3A_376 = arith.shrui %add3A_369, %shift_right_logical3A_375 : vector<16xi32>
        %or3A_377 = arith.ori %shift_left3A_373, %shift_right_logical3A_376 : vector<16xi32>
        %xor3A_378 = arith.xori %add3A_370, %or3A_377 : vector<16xi32>
        %add3A_379 = arith.addi %add3A_370, %xor3A_378 : vector<16xi32>
        %shift_left3A_380 = arith.constant 29 : i32
        %shift_left3A_381 = vector.broadcast %shift_left3A_380 : i32 to vector<16xi32>
        %shift_left3A_382 = arith.shli %xor3A_378, %shift_left3A_381 : vector<16xi32>
        %shift_right_logical3A_383 = arith.constant 3 : i32
        %shift_right_logical3A_384 = vector.broadcast %shift_right_logical3A_383 : i32 to vector<16xi32>
        %shift_right_logical3A_385 = arith.shrui %xor3A_378, %shift_right_logical3A_384 : vector<16xi32>
        %or3A_386 = arith.ori %shift_left3A_382, %shift_right_logical3A_385 : vector<16xi32>
        %xor3A_387 = arith.xori %add3A_379, %or3A_386 : vector<16xi32>
        %add3A_388 = arith.addi %add3A_379, %xor3A_387 : vector<16xi32>
        %shift_left3A_389 = arith.constant 16 : i32
        %shift_left3A_390 = vector.broadcast %shift_left3A_389 : i32 to vector<16xi32>
        %shift_left3A_391 = arith.shli %xor3A_387, %shift_left3A_390 : vector<16xi32>
        %shift_right_logical3A_392 = arith.constant 16 : i32
        %shift_right_logical3A_393 = vector.broadcast %shift_right_logical3A_392 : i32 to vector<16xi32>
        %shift_right_logical3A_394 = arith.shrui %xor3A_387, %shift_right_logical3A_393 : vector<16xi32>
        %or3A_395 = arith.ori %shift_left3A_391, %shift_right_logical3A_394 : vector<16xi32>
        %xor3A_396 = arith.xori %add3A_388, %or3A_395 : vector<16xi32>
        %add3A_397 = arith.addi %add3A_388, %xor3A_396 : vector<16xi32>
        %shift_left3A_398 = arith.constant 24 : i32
        %shift_left3A_399 = vector.broadcast %shift_left3A_398 : i32 to vector<16xi32>
        %shift_left3A_400 = arith.shli %xor3A_396, %shift_left3A_399 : vector<16xi32>
        %shift_right_logical3A_401 = arith.constant 8 : i32
        %shift_right_logical3A_402 = vector.broadcast %shift_right_logical3A_401 : i32 to vector<16xi32>
        %shift_right_logical3A_403 = arith.shrui %xor3A_396, %shift_right_logical3A_402 : vector<16xi32>
        %or3A_404 = arith.ori %shift_left3A_400, %shift_right_logical3A_403 : vector<16xi32>
        %xor3A_405 = arith.xori %add3A_397, %or3A_404 : vector<16xi32>
        %add3A_406 = arith.constant -332575357 : i32
        %add3A_407 = vector.broadcast %add3A_406 : i32 to vector<16xi32>
        %add3A_408 = arith.addi %add3A_397, %add3A_407 : vector<16xi32>
        %add3A_409 = arith.constant 908003074 : i32
        %add3A_410 = vector.broadcast %add3A_409 : i32 to vector<16xi32>
        %add3A_411 = arith.addi %xor3A_405, %add3A_410 : vector<16xi32>
        %add3A_412 = arith.addi %add3A_408, %add3A_411 : vector<16xi32>
        %shift_left3A_413 = arith.constant 13 : i32
        %shift_left3A_414 = vector.broadcast %shift_left3A_413 : i32 to vector<16xi32>
        %shift_left3A_415 = arith.shli %add3A_411, %shift_left3A_414 : vector<16xi32>
        %shift_right_logical3A_416 = arith.constant 19 : i32
        %shift_right_logical3A_417 = vector.broadcast %shift_right_logical3A_416 : i32 to vector<16xi32>
        %shift_right_logical3A_418 = arith.shrui %add3A_411, %shift_right_logical3A_417 : vector<16xi32>
        %or3A_419 = arith.ori %shift_left3A_415, %shift_right_logical3A_418 : vector<16xi32>
        %xor3A_420 = arith.xori %add3A_412, %or3A_419 : vector<16xi32>
        %add3A_421 = arith.addi %add3A_412, %xor3A_420 : vector<16xi32>
        %shift_left3A_422 = arith.constant 15 : i32
        %shift_left3A_423 = vector.broadcast %shift_left3A_422 : i32 to vector<16xi32>
        %shift_left3A_424 = arith.shli %xor3A_420, %shift_left3A_423 : vector<16xi32>
        %shift_right_logical3A_425 = arith.constant 17 : i32
        %shift_right_logical3A_426 = vector.broadcast %shift_right_logical3A_425 : i32 to vector<16xi32>
        %shift_right_logical3A_427 = arith.shrui %xor3A_420, %shift_right_logical3A_426 : vector<16xi32>
        %or3A_428 = arith.ori %shift_left3A_424, %shift_right_logical3A_427 : vector<16xi32>
        %xor3A_429 = arith.xori %add3A_421, %or3A_428 : vector<16xi32>
        %add3A_430 = arith.addi %add3A_421, %xor3A_429 : vector<16xi32>
        %shift_left3A_431 = arith.constant 26 : i32
        %shift_left3A_432 = vector.broadcast %shift_left3A_431 : i32 to vector<16xi32>
        %shift_left3A_433 = arith.shli %xor3A_429, %shift_left3A_432 : vector<16xi32>
        %shift_right_logical3A_434 = arith.constant 6 : i32
        %shift_right_logical3A_435 = vector.broadcast %shift_right_logical3A_434 : i32 to vector<16xi32>
        %shift_right_logical3A_436 = arith.shrui %xor3A_429, %shift_right_logical3A_435 : vector<16xi32>
        %or3A_437 = arith.ori %shift_left3A_433, %shift_right_logical3A_436 : vector<16xi32>
        %xor3A_438 = arith.xori %add3A_430, %or3A_437 : vector<16xi32>
        %add3A_439 = arith.addi %add3A_430, %xor3A_438 : vector<16xi32>
        %shift_left3A_440 = arith.constant 6 : i32
        %shift_left3A_441 = vector.broadcast %shift_left3A_440 : i32 to vector<16xi32>
        %shift_left3A_442 = arith.shli %xor3A_438, %shift_left3A_441 : vector<16xi32>
        %shift_right_logical3A_443 = arith.constant 26 : i32
        %shift_right_logical3A_444 = vector.broadcast %shift_right_logical3A_443 : i32 to vector<16xi32>
        %shift_right_logical3A_445 = arith.shrui %xor3A_438, %shift_right_logical3A_444 : vector<16xi32>
        %or3A_446 = arith.ori %shift_left3A_442, %shift_right_logical3A_445 : vector<16xi32>
        %xor3A_447 = arith.xori %add3A_439, %or3A_446 : vector<16xi32>
        %add3A_448 = arith.constant 908003072 : i32
        %add3A_449 = vector.broadcast %add3A_448 : i32 to vector<16xi32>
        %add3A_450 = arith.addi %add3A_439, %add3A_449 : vector<16xi32>
        %add3A_451 = arith.constant -1042067108 : i32
        %add3A_452 = vector.broadcast %add3A_451 : i32 to vector<16xi32>
        %add3A_453 = arith.addi %xor3A_447, %add3A_452 : vector<16xi32>
        %add3A_454 = arith.addi %add3A_450, %add3A_453 : vector<16xi32>
        %shift_left3A_455 = arith.constant 17 : i32
        %shift_left3A_456 = vector.broadcast %shift_left3A_455 : i32 to vector<16xi32>
        %shift_left3A_457 = arith.shli %add3A_453, %shift_left3A_456 : vector<16xi32>
        %shift_right_logical3A_458 = arith.constant 15 : i32
        %shift_right_logical3A_459 = vector.broadcast %shift_right_logical3A_458 : i32 to vector<16xi32>
        %shift_right_logical3A_460 = arith.shrui %add3A_453, %shift_right_logical3A_459 : vector<16xi32>
        %or3A_461 = arith.ori %shift_left3A_457, %shift_right_logical3A_460 : vector<16xi32>
        %xor3A_462 = arith.xori %add3A_454, %or3A_461 : vector<16xi32>
        %add3A_463 = arith.addi %add3A_454, %xor3A_462 : vector<16xi32>
        %shift_left3A_464 = arith.constant 29 : i32
        %shift_left3A_465 = vector.broadcast %shift_left3A_464 : i32 to vector<16xi32>
        %shift_left3A_466 = arith.shli %xor3A_462, %shift_left3A_465 : vector<16xi32>
        %shift_right_logical3A_467 = arith.constant 3 : i32
        %shift_right_logical3A_468 = vector.broadcast %shift_right_logical3A_467 : i32 to vector<16xi32>
        %shift_right_logical3A_469 = arith.shrui %xor3A_462, %shift_right_logical3A_468 : vector<16xi32>
        %or3A_470 = arith.ori %shift_left3A_466, %shift_right_logical3A_469 : vector<16xi32>
        %xor3A_471 = arith.xori %add3A_463, %or3A_470 : vector<16xi32>
        %add3A_472 = arith.addi %add3A_463, %xor3A_471 : vector<16xi32>
        %shift_left3A_473 = arith.constant 16 : i32
        %shift_left3A_474 = vector.broadcast %shift_left3A_473 : i32 to vector<16xi32>
        %shift_left3A_475 = arith.shli %xor3A_471, %shift_left3A_474 : vector<16xi32>
        %shift_right_logical3A_476 = arith.constant 16 : i32
        %shift_right_logical3A_477 = vector.broadcast %shift_right_logical3A_476 : i32 to vector<16xi32>
        %shift_right_logical3A_478 = arith.shrui %xor3A_471, %shift_right_logical3A_477 : vector<16xi32>
        %or3A_479 = arith.ori %shift_left3A_475, %shift_right_logical3A_478 : vector<16xi32>
        %xor3A_480 = arith.xori %add3A_472, %or3A_479 : vector<16xi32>
        %add3A_481 = arith.addi %add3A_472, %xor3A_480 : vector<16xi32>
        %shift_left3A_482 = arith.constant 24 : i32
        %shift_left3A_483 = vector.broadcast %shift_left3A_482 : i32 to vector<16xi32>
        %shift_left3A_484 = arith.shli %xor3A_480, %shift_left3A_483 : vector<16xi32>
        %shift_right_logical3A_485 = arith.constant 8 : i32
        %shift_right_logical3A_486 = vector.broadcast %shift_right_logical3A_485 : i32 to vector<16xi32>
        %shift_right_logical3A_487 = arith.shrui %xor3A_480, %shift_right_logical3A_486 : vector<16xi32>
        %or3A_488 = arith.ori %shift_left3A_484, %shift_right_logical3A_487 : vector<16xi32>
        %xor3A_489 = arith.xori %add3A_481, %or3A_488 : vector<16xi32>
        %add3A_490 = arith.constant -1042067111 : i32
        %add3A_491 = vector.broadcast %add3A_490 : i32 to vector<16xi32>
        %add3A_492 = arith.addi %add3A_481, %add3A_491 : vector<16xi32>
        %add3A_493 = arith.constant -332575353 : i32
        %add3A_494 = vector.broadcast %add3A_493 : i32 to vector<16xi32>
        %add3A_495 = arith.addi %xor3A_489, %add3A_494 : vector<16xi32>
        %add3A_496 = arith.addi %add3A_492, %add3A_495 : vector<16xi32>
        %shift_left3A_497 = arith.constant 13 : i32
        %shift_left3A_498 = vector.broadcast %shift_left3A_497 : i32 to vector<16xi32>
        %shift_left3A_499 = arith.shli %add3A_495, %shift_left3A_498 : vector<16xi32>
        %shift_right_logical3A_500 = arith.constant 19 : i32
        %shift_right_logical3A_501 = vector.broadcast %shift_right_logical3A_500 : i32 to vector<16xi32>
        %shift_right_logical3A_502 = arith.shrui %add3A_495, %shift_right_logical3A_501 : vector<16xi32>
        %or3A_503 = arith.ori %shift_left3A_499, %shift_right_logical3A_502 : vector<16xi32>
        %xor3A_504 = arith.xori %add3A_496, %or3A_503 : vector<16xi32>
        %add3A_505 = arith.addi %add3A_496, %xor3A_504 : vector<16xi32>
        %shift_left3A_506 = arith.constant 15 : i32
        %shift_left3A_507 = vector.broadcast %shift_left3A_506 : i32 to vector<16xi32>
        %shift_left3A_508 = arith.shli %xor3A_504, %shift_left3A_507 : vector<16xi32>
        %shift_right_logical3A_509 = arith.constant 17 : i32
        %shift_right_logical3A_510 = vector.broadcast %shift_right_logical3A_509 : i32 to vector<16xi32>
        %shift_right_logical3A_511 = arith.shrui %xor3A_504, %shift_right_logical3A_510 : vector<16xi32>
        %or3A_512 = arith.ori %shift_left3A_508, %shift_right_logical3A_511 : vector<16xi32>
        %xor3A_513 = arith.xori %add3A_505, %or3A_512 : vector<16xi32>
        %add3A_514 = arith.addi %add3A_505, %xor3A_513 : vector<16xi32>
        %shift_left3A_515 = arith.constant 26 : i32
        %shift_left3A_516 = vector.broadcast %shift_left3A_515 : i32 to vector<16xi32>
        %shift_left3A_517 = arith.shli %xor3A_513, %shift_left3A_516 : vector<16xi32>
        %shift_right_logical3A_518 = arith.constant 6 : i32
        %shift_right_logical3A_519 = vector.broadcast %shift_right_logical3A_518 : i32 to vector<16xi32>
        %shift_right_logical3A_520 = arith.shrui %xor3A_513, %shift_right_logical3A_519 : vector<16xi32>
        %or3A_521 = arith.ori %shift_left3A_517, %shift_right_logical3A_520 : vector<16xi32>
        %xor3A_522 = arith.xori %add3A_514, %or3A_521 : vector<16xi32>
        %add3A_523 = arith.addi %add3A_514, %xor3A_522 : vector<16xi32>
        %shift_left3A_524 = arith.constant 6 : i32
        %shift_left3A_525 = vector.broadcast %shift_left3A_524 : i32 to vector<16xi32>
        %shift_left3A_526 = arith.shli %xor3A_522, %shift_left3A_525 : vector<16xi32>
        %shift_right_logical3A_527 = arith.constant 26 : i32
        %shift_right_logical3A_528 = vector.broadcast %shift_right_logical3A_527 : i32 to vector<16xi32>
        %shift_right_logical3A_529 = arith.shrui %xor3A_522, %shift_right_logical3A_528 : vector<16xi32>
        %or3A_530 = arith.ori %shift_left3A_526, %shift_right_logical3A_529 : vector<16xi32>
        %xor3A_531 = arith.xori %add3A_523, %or3A_530 : vector<16xi32>
        %add3A_532 = arith.constant -332575357 : i32
        %add3A_533 = vector.broadcast %add3A_532 : i32 to vector<16xi32>
        %add3A_534 = arith.addi %add3A_523, %add3A_533 : vector<16xi32>
        %add3A_535 = arith.constant 908003077 : i32
        %add3A_536 = vector.broadcast %add3A_535 : i32 to vector<16xi32>
        %add3A_537 = arith.addi %xor3A_531, %add3A_536 : vector<16xi32>
        %xor3A_538 = arith.xori %add3A_534, %add3A_537 : vector<16xi32>
        %shift_right_logical3A_539 = arith.constant 9 : i32
        %shift_right_logical3A_540 = vector.broadcast %shift_right_logical3A_539 : i32 to vector<16xi32>
        %shift_right_logical3A_541 = arith.shrui %xor3A_538, %shift_right_logical3A_540 : vector<16xi32>
        %or3A_542 = arith.constant 1065353216 : i32
        %or3A_543 = vector.broadcast %or3A_542 : i32 to vector<16xi32>
        %or3A_544 = arith.ori %shift_right_logical3A_541, %or3A_543 : vector<16xi32>
        %bitcast_convert_type3A_545 = tpu.bitcast %or3A_544 : vector<16xi32> -> vector<16xf32>
        %sub3A_546 = arith.constant 1.000000e+00 : f32
        %sub3A_547 = vector.broadcast %sub3A_546 : f32 to vector<16xf32>
        %sub3A_548 = arith.subf %bitcast_convert_type3A_545, %sub3A_547 : vector<16xf32>
        %mul3A_549 = arith.constant 1.000000e+00 : f32
        %mul3A_550 = vector.broadcast %mul3A_549 : f32 to vector<16xf32>
        %mul3A_551 = arith.mulf %sub3A_548, %mul3A_550 : vector<16xf32>
        %add3A_552 = arith.constant 1.000000e-10 : f32
        %add3A_553 = vector.broadcast %add3A_552 : f32 to vector<16xf32>
        %add3A_554 = arith.addf %mul3A_551, %add3A_553 : vector<16xf32>
        %max3A_555 = arith.constant 1.000000e-10 : f32
        %max3A_556 = vector.broadcast %max3A_555 : f32 to vector<16xf32>
        %max3A_557 = arith.maximumf %max3A_556, %add3A_554 : vector<16xf32>
        %bitcast_convert_type3A_558 = tpu.bitcast %max3A_557 : vector<16xf32> -> vector<16xi32>
        %shift_right_logical3A_559 = arith.constant 23 : i32
        %shift_right_logical3A_560 = vector.broadcast %shift_right_logical3A_559 : i32 to vector<16xi32>
        %shift_right_logical3A_561 = arith.shrui %bitcast_convert_type3A_558, %shift_right_logical3A_560 : vector<16xi32>
        %bitcast_convert_type3A_562 = tpu.bitcast %shift_right_logical3A_561 : vector<16xi32> -> vector<16xi32>
        %sub3A_563 = arith.constant 127 : i32
        %sub3A_564 = vector.broadcast %sub3A_563 : i32 to vector<16xi32>
        %sub3A_565 = arith.subi %bitcast_convert_type3A_562, %sub3A_564 : vector<16xi32>
        %and3A_566 = arith.constant 8388607 : i32
        %and3A_567 = vector.broadcast %and3A_566 : i32 to vector<16xi32>
        %and3A_568 = arith.andi %bitcast_convert_type3A_558, %and3A_567 : vector<16xi32>
        %or3A_569 = arith.constant 1065353216 : i32
        %or3A_570 = vector.broadcast %or3A_569 : i32 to vector<16xi32>
        %or3A_571 = arith.ori %and3A_568, %or3A_570 : vector<16xi32>
        %bitcast_convert_type3A_572 = tpu.bitcast %or3A_571 : vector<16xi32> -> vector<16xf32>
        %sub3A_573 = arith.constant 1.000000e+00 : f32
        %sub3A_574 = vector.broadcast %sub3A_573 : f32 to vector<16xf32>
        %sub3A_575 = arith.subf %bitcast_convert_type3A_572, %sub3A_574 : vector<16xf32>
        %broadcast_in_dim3A_576 = arith.constant -0.00458208052 : f32
        %broadcast_in_dim3A_577 = vector.broadcast %broadcast_in_dim3A_576 : f32 to vector<16xf32>
        %mul3A_578 = arith.mulf %broadcast_in_dim3A_577, %sub3A_575 : vector<16xf32>
        %add3A_579 = arith.constant 0.0281939134 : f32
        %add3A_580 = vector.broadcast %add3A_579 : f32 to vector<16xf32>
        %add3A_581 = arith.addf %mul3A_578, %add3A_580 : vector<16xf32>
        %mul3A_582 = arith.mulf %add3A_581, %sub3A_575 : vector<16xf32>
        %add3A_583 = arith.constant -0.0813299268 : f32
        %add3A_584 = vector.broadcast %add3A_583 : f32 to vector<16xf32>
        %add3A_585 = arith.addf %mul3A_582, %add3A_584 : vector<16xf32>
        %mul3A_586 = arith.mulf %add3A_585, %sub3A_575 : vector<16xf32>
        %add3A_587 = arith.constant 0.152112335 : f32
        %add3A_588 = vector.broadcast %add3A_587 : f32 to vector<16xf32>
        %add3A_589 = arith.addf %mul3A_586, %add3A_588 : vector<16xf32>
        %mul3A_590 = arith.mulf %add3A_589, %sub3A_575 : vector<16xf32>
        %add3A_591 = arith.constant -0.220294729 : f32
        %add3A_592 = vector.broadcast %add3A_591 : f32 to vector<16xf32>
        %add3A_593 = arith.addf %mul3A_590, %add3A_592 : vector<16xf32>
        %mul3A_594 = arith.mulf %add3A_593, %sub3A_575 : vector<16xf32>
        %add3A_595 = arith.constant 0.283681065 : f32
        %add3A_596 = vector.broadcast %add3A_595 : f32 to vector<16xf32>
        %add3A_597 = arith.addf %mul3A_594, %add3A_596 : vector<16xf32>
        %mul3A_598 = arith.mulf %add3A_597, %sub3A_575 : vector<16xf32>
        %add3A_599 = arith.constant -0.359975725 : f32
        %add3A_600 = vector.broadcast %add3A_599 : f32 to vector<16xf32>
        %add3A_601 = arith.addf %mul3A_598, %add3A_600 : vector<16xf32>
        %mul3A_602 = arith.mulf %add3A_601, %sub3A_575 : vector<16xf32>
        %add3A_603 = arith.constant 0.480846077 : f32
        %add3A_604 = vector.broadcast %add3A_603 : f32 to vector<16xf32>
        %add3A_605 = arith.addf %mul3A_602, %add3A_604 : vector<16xf32>
        %mul3A_606 = arith.mulf %add3A_605, %sub3A_575 : vector<16xf32>
        %add3A_607 = arith.constant -0.721345961 : f32
        %add3A_608 = vector.broadcast %add3A_607 : f32 to vector<16xf32>
        %add3A_609 = arith.addf %mul3A_606, %add3A_608 : vector<16xf32>
        %mul3A_610 = arith.mulf %add3A_609, %sub3A_575 : vector<16xf32>
        %add3A_611 = arith.constant 1.44269502 : f32
        %add3A_612 = vector.broadcast %add3A_611 : f32 to vector<16xf32>
        %add3A_613 = arith.addf %mul3A_610, %add3A_612 : vector<16xf32>
        %convert_element_type3A_614 = arith.sitofp %sub3A_565 : vector<16xi32> to vector<16xf32>
        %mul3A_615 = arith.mulf %sub3A_575, %add3A_613 : vector<16xf32>
        %add3A_616 = arith.addf %convert_element_type3A_614, %mul3A_615 : vector<16xf32>
        %mul3A_617 = arith.constant 0.693147182 : f32
        %mul3A_618 = vector.broadcast %mul3A_617 : f32 to vector<16xf32>
        %mul3A_619 = arith.mulf %add3A_616, %mul3A_618 : vector<16xf32>
        %neg3A_620 = arith.constant 0.000000e+00 : f32
        %neg3A_621 = vector.broadcast %neg3A_620 : f32 to vector<16xf32>
        %neg3A_622 = arith.subf %neg3A_621, %mul3A_619 : vector<16xf32>
        %get3A = arith.index_cast %add3A_24 : i32 to index
        %get3A_623 = tpu.vector_load %arg4[%get3A] {strides = array<i32>} : memref<8448xf32, #tpu.memory_space<vmem>>, vector<16xf32>,
        %get3A_624 = vector.shape_cast %get3A_623 : vector<16xf32> to vector<16xf32>
        %sub3A_625 = arith.constant 1.000000e+00 : f32
        %sub3A_626 = vector.broadcast %sub3A_625 : f32 to vector<16xf32>
        %sub3A_627 = arith.subf %sub3A_626, %get3A_624 : vector<16xf32>
        %mul3A_628 = arith.mulf %sub3A_627, %neg3A_319 : vector<16xf32>
        %mul3A_629 = arith.mulf %get3A_624, %neg3A_622 : vector<16xf32>
        %gt3A = arith.cmpf ogt, %mul3A_628, %mul3A_629 : vector<16xf32>
        %jit3A = arith.constant 1.000000e+00 : f32
        %jit3A_630 = arith.constant 0.000000e+00 : f32
        %broadcast_in_dim3A_631 = vector.broadcast %jit3A : f32 to vector<16xf32>
        %broadcast_in_dim3A_632 = vector.broadcast %jit3A_630 : f32 to vector<16xf32>
        %select_n3A = arith.select %gt3A, %broadcast_in_dim3A_631, %broadcast_in_dim3A_632 : vector<16xi1>, vector<16xf32>
        %swap3A = arith.index_cast %add3A_24 : i32 to index
        %swap3A_633 = tpu.vector_load %arg5[%swap3A] {strides = array<i32>} : memref<8448xf32, #tpu.memory_space<vmem>>, vector<16xf32>,
        %swap3A_634 = vector.shape_cast %swap3A_633 : vector<16xf32> to vector<16xf32>
        %swap3A_635 = vector.shape_cast %select_n3A : vector<16xf32> to vector<16xf32>
        tpu.vector_store %arg5[%swap3A], %swap3A_635 {strides = array<i32>} : memref<8448xf32, #tpu.memory_space<vmem>>, vector<16xf32>,
        %add3A_636 = arith.constant 16 : i32
        %add3A_637 = arith.addi %mul3A_22, %add3A_636 : i32
        %add3A_638 = arith.constant 7837312 : i32
        %add3A_639 = arith.addi %add3A_638, %add3A_11 : i32
        %add3A_640 = arith.addi %add3A_639, %add3A_637 : i32
        %add3A_641 = vector.broadcast %add3A_640 : i32 to vector<16xi32>
        %add3A_642 = arith.addi %bitcast_convert_type3A, %add3A_641 : vector<16xi32>
        %broadcast_in_dim3A_643 = arith.constant 908003072 : i32
        %broadcast_in_dim3A_644 = vector.broadcast %broadcast_in_dim3A_643 : i32 to vector<16xi32>
        %add3A_645 = arith.constant -1042067111 : i32
        %add3A_646 = vector.broadcast %add3A_645 : i32 to vector<16xi32>
        %add3A_647 = arith.addi %add3A_642, %add3A_646 : vector<16xi32>
        %add3A_648 = arith.addi %broadcast_in_dim3A_644, %add3A_647 : vector<16xi32>
        %shift_left3A_649 = arith.constant 13 : i32
        %shift_left3A_650 = vector.broadcast %shift_left3A_649 : i32 to vector<16xi32>
        %shift_left3A_651 = arith.shli %add3A_647, %shift_left3A_650 : vector<16xi32>
        %shift_right_logical3A_652 = arith.constant 19 : i32
        %shift_right_logical3A_653 = vector.broadcast %shift_right_logical3A_652 : i32 to vector<16xi32>
        %shift_right_logical3A_654 = arith.shrui %add3A_647, %shift_right_logical3A_653 : vector<16xi32>
        %or3A_655 = arith.ori %shift_left3A_651, %shift_right_logical3A_654 : vector<16xi32>
        %xor3A_656 = arith.xori %add3A_648, %or3A_655 : vector<16xi32>
        %add3A_657 = arith.addi %add3A_648, %xor3A_656 : vector<16xi32>
        %shift_left3A_658 = arith.constant 15 : i32
        %shift_left3A_659 = vector.broadcast %shift_left3A_658 : i32 to vector<16xi32>
        %shift_left3A_660 = arith.shli %xor3A_656, %shift_left3A_659 : vector<16xi32>
        %shift_right_logical3A_661 = arith.constant 17 : i32
        %shift_right_logical3A_662 = vector.broadcast %shift_right_logical3A_661 : i32 to vector<16xi32>
        %shift_right_logical3A_663 = arith.shrui %xor3A_656, %shift_right_logical3A_662 : vector<16xi32>
        %or3A_664 = arith.ori %shift_left3A_660, %shift_right_logical3A_663 : vector<16xi32>
        %xor3A_665 = arith.xori %add3A_657, %or3A_664 : vector<16xi32>
        %add3A_666 = arith.addi %add3A_657, %xor3A_665 : vector<16xi32>
        %shift_left3A_667 = arith.constant 26 : i32
        %shift_left3A_668 = vector.broadcast %shift_left3A_667 : i32 to vector<16xi32>
        %shift_left3A_669 = arith.shli %xor3A_665, %shift_left3A_668 : vector<16xi32>
        %shift_right_logical3A_670 = arith.constant 6 : i32
        %shift_right_logical3A_671 = vector.broadcast %shift_right_logical3A_670 : i32 to vector<16xi32>
        %shift_right_logical3A_672 = arith.shrui %xor3A_665, %shift_right_logical3A_671 : vector<16xi32>
        %or3A_673 = arith.ori %shift_left3A_669, %shift_right_logical3A_672 : vector<16xi32>
        %xor3A_674 = arith.xori %add3A_666, %or3A_673 : vector<16xi32>
        %add3A_675 = arith.addi %add3A_666, %xor3A_674 : vector<16xi32>
        %shift_left3A_676 = arith.constant 6 : i32
        %shift_left3A_677 = vector.broadcast %shift_left3A_676 : i32 to vector<16xi32>
        %shift_left3A_678 = arith.shli %xor3A_674, %shift_left3A_677 : vector<16xi32>
        %shift_right_logical3A_679 = arith.constant 26 : i32
        %shift_right_logical3A_680 = vector.broadcast %shift_right_logical3A_679 : i32 to vector<16xi32>
        %shift_right_logical3A_681 = arith.shrui %xor3A_674, %shift_right_logical3A_680 : vector<16xi32>
        %or3A_682 = arith.ori %shift_left3A_678, %shift_right_logical3A_681 : vector<16xi32>
        %xor3A_683 = arith.xori %add3A_675, %or3A_682 : vector<16xi32>
        %add3A_684 = arith.constant -1042067111 : i32
        %add3A_685 = vector.broadcast %add3A_684 : i32 to vector<16xi32>
        %add3A_686 = arith.addi %add3A_675, %add3A_685 : vector<16xi32>
        %add3A_687 = arith.constant -332575356 : i32
        %add3A_688 = vector.broadcast %add3A_687 : i32 to vector<16xi32>
        %add3A_689 = arith.addi %xor3A_683, %add3A_688 : vector<16xi32>
        %add3A_690 = arith.addi %add3A_686, %add3A_689 : vector<16xi32>
        %shift_left3A_691 = arith.constant 17 : i32
        %shift_left3A_692 = vector.broadcast %shift_left3A_691 : i32 to vector<16xi32>
        %shift_left3A_693 = arith.shli %add3A_689, %shift_left3A_692 : vector<16xi32>
        %shift_right_logical3A_694 = arith.constant 15 : i32
        %shift_right_logical3A_695 = vector.broadcast %shift_right_logical3A_694 : i32 to vector<16xi32>
        %shift_right_logical3A_696 = arith.shrui %add3A_689, %shift_right_logical3A_695 : vector<16xi32>
        %or3A_697 = arith.ori %shift_left3A_693, %shift_right_logical3A_696 : vector<16xi32>
        %xor3A_698 = arith.xori %add3A_690, %or3A_697 : vector<16xi32>
        %add3A_699 = arith.addi %add3A_690, %xor3A_698 : vector<16xi32>
        %shift_left3A_700 = arith.constant 29 : i32
        %shift_left3A_701 = vector.broadcast %shift_left3A_700 : i32 to vector<16xi32>
        %shift_left3A_702 = arith.shli %xor3A_698, %shift_left3A_701 : vector<16xi32>
        %shift_right_logical3A_703 = arith.constant 3 : i32
        %shift_right_logical3A_704 = vector.broadcast %shift_right_logical3A_703 : i32 to vector<16xi32>
        %shift_right_logical3A_705 = arith.shrui %xor3A_698, %shift_right_logical3A_704 : vector<16xi32>
        %or3A_706 = arith.ori %shift_left3A_702, %shift_right_logical3A_705 : vector<16xi32>
        %xor3A_707 = arith.xori %add3A_699, %or3A_706 : vector<16xi32>
        %add3A_708 = arith.addi %add3A_699, %xor3A_707 : vector<16xi32>
        %shift_left3A_709 = arith.constant 16 : i32
        %shift_left3A_710 = vector.broadcast %shift_left3A_709 : i32 to vector<16xi32>
        %shift_left3A_711 = arith.shli %xor3A_707, %shift_left3A_710 : vector<16xi32>
        %shift_right_logical3A_712 = arith.constant 16 : i32
        %shift_right_logical3A_713 = vector.broadcast %shift_right_logical3A_712 : i32 to vector<16xi32>
        %shift_right_logical3A_714 = arith.shrui %xor3A_707, %shift_right_logical3A_713 : vector<16xi32>
        %or3A_715 = arith.ori %shift_left3A_711, %shift_right_logical3A_714 : vector<16xi32>
        %xor3A_716 = arith.xori %add3A_708, %or3A_715 : vector<16xi32>
        %add3A_717 = arith.addi %add3A_708, %xor3A_716 : vector<16xi32>
        %shift_left3A_718 = arith.constant 24 : i32
        %shift_left3A_719 = vector.broadcast %shift_left3A_718 : i32 to vector<16xi32>
        %shift_left3A_720 = arith.shli %xor3A_716, %shift_left3A_719 : vector<16xi32>
        %shift_right_logical3A_721 = arith.constant 8 : i32
        %shift_right_logical3A_722 = vector.broadcast %shift_right_logical3A_721 : i32 to vector<16xi32>
        %shift_right_logical3A_723 = arith.shrui %xor3A_716, %shift_right_logical3A_722 : vector<16xi32>
        %or3A_724 = arith.ori %shift_left3A_720, %shift_right_logical3A_723 : vector<16xi32>
        %xor3A_725 = arith.xori %add3A_717, %or3A_724 : vector<16xi32>
        %add3A_726 = arith.constant -332575357 : i32
        %add3A_727 = vector.broadcast %add3A_726 : i32 to vector<16xi32>
        %add3A_728 = arith.addi %add3A_717, %add3A_727 : vector<16xi32>
        %add3A_729 = arith.constant 908003074 : i32
        %add3A_730 = vector.broadcast %add3A_729 : i32 to vector<16xi32>
        %add3A_731 = arith.addi %xor3A_725, %add3A_730 : vector<16xi32>
        %add3A_732 = arith.addi %add3A_728, %add3A_731 : vector<16xi32>
        %shift_left3A_733 = arith.constant 13 : i32
        %shift_left3A_734 = vector.broadcast %shift_left3A_733 : i32 to vector<16xi32>
        %shift_left3A_735 = arith.shli %add3A_731, %shift_left3A_734 : vector<16xi32>
        %shift_right_logical3A_736 = arith.constant 19 : i32
        %shift_right_logical3A_737 = vector.broadcast %shift_right_logical3A_736 : i32 to vector<16xi32>
        %shift_right_logical3A_738 = arith.shrui %add3A_731, %shift_right_logical3A_737 : vector<16xi32>
        %or3A_739 = arith.ori %shift_left3A_735, %shift_right_logical3A_738 : vector<16xi32>
        %xor3A_740 = arith.xori %add3A_732, %or3A_739 : vector<16xi32>
        %add3A_741 = arith.addi %add3A_732, %xor3A_740 : vector<16xi32>
        %shift_left3A_742 = arith.constant 15 : i32
        %shift_left3A_743 = vector.broadcast %shift_left3A_742 : i32 to vector<16xi32>
        %shift_left3A_744 = arith.shli %xor3A_740, %shift_left3A_743 : vector<16xi32>
        %shift_right_logical3A_745 = arith.constant 17 : i32
        %shift_right_logical3A_746 = vector.broadcast %shift_right_logical3A_745 : i32 to vector<16xi32>
        %shift_right_logical3A_747 = arith.shrui %xor3A_740, %shift_right_logical3A_746 : vector<16xi32>
        %or3A_748 = arith.ori %shift_left3A_744, %shift_right_logical3A_747 : vector<16xi32>
        %xor3A_749 = arith.xori %add3A_741, %or3A_748 : vector<16xi32>
        %add3A_750 = arith.addi %add3A_741, %xor3A_749 : vector<16xi32>
        %shift_left3A_751 = arith.constant 26 : i32
        %shift_left3A_752 = vector.broadcast %shift_left3A_751 : i32 to vector<16xi32>
        %shift_left3A_753 = arith.shli %xor3A_749, %shift_left3A_752 : vector<16xi32>
        %shift_right_logical3A_754 = arith.constant 6 : i32
        %shift_right_logical3A_755 = vector.broadcast %shift_right_logical3A_754 : i32 to vector<16xi32>
        %shift_right_logical3A_756 = arith.shrui %xor3A_749, %shift_right_logical3A_755 : vector<16xi32>
        %or3A_757 = arith.ori %shift_left3A_753, %shift_right_logical3A_756 : vector<16xi32>
        %xor3A_758 = arith.xori %add3A_750, %or3A_757 : vector<16xi32>
        %add3A_759 = arith.addi %add3A_750, %xor3A_758 : vector<16xi32>
        %shift_left3A_760 = arith.constant 6 : i32
        %shift_left3A_761 = vector.broadcast %shift_left3A_760 : i32 to vector<16xi32>
        %shift_left3A_762 = arith.shli %xor3A_758, %shift_left3A_761 : vector<16xi32>
        %shift_right_logical3A_763 = arith.constant 26 : i32
        %shift_right_logical3A_764 = vector.broadcast %shift_right_logical3A_763 : i32 to vector<16xi32>
        %shift_right_logical3A_765 = arith.shrui %xor3A_758, %shift_right_logical3A_764 : vector<16xi32>
        %or3A_766 = arith.ori %shift_left3A_762, %shift_right_logical3A_765 : vector<16xi32>
        %xor3A_767 = arith.xori %add3A_759, %or3A_766 : vector<16xi32>
        %add3A_768 = arith.constant 908003072 : i32
        %add3A_769 = vector.broadcast %add3A_768 : i32 to vector<16xi32>
        %add3A_770 = arith.addi %add3A_759, %add3A_769 : vector<16xi32>
        %add3A_771 = arith.constant -1042067108 : i32
        %add3A_772 = vector.broadcast %add3A_771 : i32 to vector<16xi32>
        %add3A_773 = arith.addi %xor3A_767, %add3A_772 : vector<16xi32>
        %add3A_774 = arith.addi %add3A_770, %add3A_773 : vector<16xi32>
        %shift_left3A_775 = arith.constant 17 : i32
        %shift_left3A_776 = vector.broadcast %shift_left3A_775 : i32 to vector<16xi32>
        %shift_left3A_777 = arith.shli %add3A_773, %shift_left3A_776 : vector<16xi32>
        %shift_right_logical3A_778 = arith.constant 15 : i32
        %shift_right_logical3A_779 = vector.broadcast %shift_right_logical3A_778 : i32 to vector<16xi32>
        %shift_right_logical3A_780 = arith.shrui %add3A_773, %shift_right_logical3A_779 : vector<16xi32>
        %or3A_781 = arith.ori %shift_left3A_777, %shift_right_logical3A_780 : vector<16xi32>
        %xor3A_782 = arith.xori %add3A_774, %or3A_781 : vector<16xi32>
        %add3A_783 = arith.addi %add3A_774, %xor3A_782 : vector<16xi32>
        %shift_left3A_784 = arith.constant 29 : i32
        %shift_left3A_785 = vector.broadcast %shift_left3A_784 : i32 to vector<16xi32>
        %shift_left3A_786 = arith.shli %xor3A_782, %shift_left3A_785 : vector<16xi32>
        %shift_right_logical3A_787 = arith.constant 3 : i32
        %shift_right_logical3A_788 = vector.broadcast %shift_right_logical3A_787 : i32 to vector<16xi32>
        %shift_right_logical3A_789 = arith.shrui %xor3A_782, %shift_right_logical3A_788 : vector<16xi32>
        %or3A_790 = arith.ori %shift_left3A_786, %shift_right_logical3A_789 : vector<16xi32>
        %xor3A_791 = arith.xori %add3A_783, %or3A_790 : vector<16xi32>
        %add3A_792 = arith.addi %add3A_783, %xor3A_791 : vector<16xi32>
        %shift_left3A_793 = arith.constant 16 : i32
        %shift_left3A_794 = vector.broadcast %shift_left3A_793 : i32 to vector<16xi32>
        %shift_left3A_795 = arith.shli %xor3A_791, %shift_left3A_794 : vector<16xi32>
        %shift_right_logical3A_796 = arith.constant 16 : i32
        %shift_right_logical3A_797 = vector.broadcast %shift_right_logical3A_796 : i32 to vector<16xi32>
        %shift_right_logical3A_798 = arith.shrui %xor3A_791, %shift_right_logical3A_797 : vector<16xi32>
        %or3A_799 = arith.ori %shift_left3A_795, %shift_right_logical3A_798 : vector<16xi32>
        %xor3A_800 = arith.xori %add3A_792, %or3A_799 : vector<16xi32>
        %add3A_801 = arith.addi %add3A_792, %xor3A_800 : vector<16xi32>
        %shift_left3A_802 = arith.constant 24 : i32
        %shift_left3A_803 = vector.broadcast %shift_left3A_802 : i32 to vector<16xi32>
        %shift_left3A_804 = arith.shli %xor3A_800, %shift_left3A_803 : vector<16xi32>
        %shift_right_logical3A_805 = arith.constant 8 : i32
        %shift_right_logical3A_806 = vector.broadcast %shift_right_logical3A_805 : i32 to vector<16xi32>
        %shift_right_logical3A_807 = arith.shrui %xor3A_800, %shift_right_logical3A_806 : vector<16xi32>
        %or3A_808 = arith.ori %shift_left3A_804, %shift_right_logical3A_807 : vector<16xi32>
        %xor3A_809 = arith.xori %add3A_801, %or3A_808 : vector<16xi32>
        %add3A_810 = arith.constant -1042067111 : i32
        %add3A_811 = vector.broadcast %add3A_810 : i32 to vector<16xi32>
        %add3A_812 = arith.addi %add3A_801, %add3A_811 : vector<16xi32>
        %add3A_813 = arith.constant -332575353 : i32
        %add3A_814 = vector.broadcast %add3A_813 : i32 to vector<16xi32>
        %add3A_815 = arith.addi %xor3A_809, %add3A_814 : vector<16xi32>
        %add3A_816 = arith.addi %add3A_812, %add3A_815 : vector<16xi32>
        %shift_left3A_817 = arith.constant 13 : i32
        %shift_left3A_818 = vector.broadcast %shift_left3A_817 : i32 to vector<16xi32>
        %shift_left3A_819 = arith.shli %add3A_815, %shift_left3A_818 : vector<16xi32>
        %shift_right_logical3A_820 = arith.constant 19 : i32
        %shift_right_logical3A_821 = vector.broadcast %shift_right_logical3A_820 : i32 to vector<16xi32>
        %shift_right_logical3A_822 = arith.shrui %add3A_815, %shift_right_logical3A_821 : vector<16xi32>
        %or3A_823 = arith.ori %shift_left3A_819, %shift_right_logical3A_822 : vector<16xi32>
        %xor3A_824 = arith.xori %add3A_816, %or3A_823 : vector<16xi32>
        %add3A_825 = arith.addi %add3A_816, %xor3A_824 : vector<16xi32>
        %shift_left3A_826 = arith.constant 15 : i32
        %shift_left3A_827 = vector.broadcast %shift_left3A_826 : i32 to vector<16xi32>
        %shift_left3A_828 = arith.shli %xor3A_824, %shift_left3A_827 : vector<16xi32>
        %shift_right_logical3A_829 = arith.constant 17 : i32
        %shift_right_logical3A_830 = vector.broadcast %shift_right_logical3A_829 : i32 to vector<16xi32>
        %shift_right_logical3A_831 = arith.shrui %xor3A_824, %shift_right_logical3A_830 : vector<16xi32>
        %or3A_832 = arith.ori %shift_left3A_828, %shift_right_logical3A_831 : vector<16xi32>
        %xor3A_833 = arith.xori %add3A_825, %or3A_832 : vector<16xi32>
        %add3A_834 = arith.addi %add3A_825, %xor3A_833 : vector<16xi32>
        %shift_left3A_835 = arith.constant 26 : i32
        %shift_left3A_836 = vector.broadcast %shift_left3A_835 : i32 to vector<16xi32>
        %shift_left3A_837 = arith.shli %xor3A_833, %shift_left3A_836 : vector<16xi32>
        %shift_right_logical3A_838 = arith.constant 6 : i32
        %shift_right_logical3A_839 = vector.broadcast %shift_right_logical3A_838 : i32 to vector<16xi32>
        %shift_right_logical3A_840 = arith.shrui %xor3A_833, %shift_right_logical3A_839 : vector<16xi32>
        %or3A_841 = arith.ori %shift_left3A_837, %shift_right_logical3A_840 : vector<16xi32>
        %xor3A_842 = arith.xori %add3A_834, %or3A_841 : vector<16xi32>
        %add3A_843 = arith.addi %add3A_834, %xor3A_842 : vector<16xi32>
        %shift_left3A_844 = arith.constant 6 : i32
        %shift_left3A_845 = vector.broadcast %shift_left3A_844 : i32 to vector<16xi32>
        %shift_left3A_846 = arith.shli %xor3A_842, %shift_left3A_845 : vector<16xi32>
        %shift_right_logical3A_847 = arith.constant 26 : i32
        %shift_right_logical3A_848 = vector.broadcast %shift_right_logical3A_847 : i32 to vector<16xi32>
        %shift_right_logical3A_849 = arith.shrui %xor3A_842, %shift_right_logical3A_848 : vector<16xi32>
        %or3A_850 = arith.ori %shift_left3A_846, %shift_right_logical3A_849 : vector<16xi32>
        %xor3A_851 = arith.xori %add3A_843, %or3A_850 : vector<16xi32>
        %add3A_852 = arith.constant -332575357 : i32
        %add3A_853 = vector.broadcast %add3A_852 : i32 to vector<16xi32>
        %add3A_854 = arith.addi %add3A_843, %add3A_853 : vector<16xi32>
        %add3A_855 = arith.constant 908003077 : i32
        %add3A_856 = vector.broadcast %add3A_855 : i32 to vector<16xi32>
        %add3A_857 = arith.addi %xor3A_851, %add3A_856 : vector<16xi32>
        %xor3A_858 = arith.xori %add3A_854, %add3A_857 : vector<16xi32>
        %shift_right_logical3A_859 = arith.constant 9 : i32
        %shift_right_logical3A_860 = vector.broadcast %shift_right_logical3A_859 : i32 to vector<16xi32>
        %shift_right_logical3A_861 = arith.shrui %xor3A_858, %shift_right_logical3A_860 : vector<16xi32>
        %or3A_862 = arith.constant 1065353216 : i32
        %or3A_863 = vector.broadcast %or3A_862 : i32 to vector<16xi32>
        %or3A_864 = arith.ori %shift_right_logical3A_861, %or3A_863 : vector<16xi32>
        %bitcast_convert_type3A_865 = tpu.bitcast %or3A_864 : vector<16xi32> -> vector<16xf32>
        %sub3A_866 = arith.constant 1.000000e+00 : f32
        %sub3A_867 = vector.broadcast %sub3A_866 : f32 to vector<16xf32>
        %sub3A_868 = arith.subf %bitcast_convert_type3A_865, %sub3A_867 : vector<16xf32>
        %mul3A_869 = arith.constant 1.000000e+00 : f32
        %mul3A_870 = vector.broadcast %mul3A_869 : f32 to vector<16xf32>
        %mul3A_871 = arith.mulf %sub3A_868, %mul3A_870 : vector<16xf32>
        %add3A_872 = arith.constant 1.000000e-10 : f32
        %add3A_873 = vector.broadcast %add3A_872 : f32 to vector<16xf32>
        %add3A_874 = arith.addf %mul3A_871, %add3A_873 : vector<16xf32>
        %max3A_875 = arith.constant 1.000000e-10 : f32
        %max3A_876 = vector.broadcast %max3A_875 : f32 to vector<16xf32>
        %max3A_877 = arith.maximumf %max3A_876, %add3A_874 : vector<16xf32>
        %bitcast_convert_type3A_878 = tpu.bitcast %max3A_877 : vector<16xf32> -> vector<16xi32>
        %shift_right_logical3A_879 = arith.constant 23 : i32
        %shift_right_logical3A_880 = vector.broadcast %shift_right_logical3A_879 : i32 to vector<16xi32>
        %shift_right_logical3A_881 = arith.shrui %bitcast_convert_type3A_878, %shift_right_logical3A_880 : vector<16xi32>
        %bitcast_convert_type3A_882 = tpu.bitcast %shift_right_logical3A_881 : vector<16xi32> -> vector<16xi32>
        %sub3A_883 = arith.constant 127 : i32
        %sub3A_884 = vector.broadcast %sub3A_883 : i32 to vector<16xi32>
        %sub3A_885 = arith.subi %bitcast_convert_type3A_882, %sub3A_884 : vector<16xi32>
        %and3A_886 = arith.constant 8388607 : i32
        %and3A_887 = vector.broadcast %and3A_886 : i32 to vector<16xi32>
        %and3A_888 = arith.andi %bitcast_convert_type3A_878, %and3A_887 : vector<16xi32>
        %or3A_889 = arith.constant 1065353216 : i32
        %or3A_890 = vector.broadcast %or3A_889 : i32 to vector<16xi32>
        %or3A_891 = arith.ori %and3A_888, %or3A_890 : vector<16xi32>
        %bitcast_convert_type3A_892 = tpu.bitcast %or3A_891 : vector<16xi32> -> vector<16xf32>
        %sub3A_893 = arith.constant 1.000000e+00 : f32
        %sub3A_894 = vector.broadcast %sub3A_893 : f32 to vector<16xf32>
        %sub3A_895 = arith.subf %bitcast_convert_type3A_892, %sub3A_894 : vector<16xf32>
        %broadcast_in_dim3A_896 = arith.constant -0.00458208052 : f32
        %broadcast_in_dim3A_897 = vector.broadcast %broadcast_in_dim3A_896 : f32 to vector<16xf32>
        %mul3A_898 = arith.mulf %broadcast_in_dim3A_897, %sub3A_895 : vector<16xf32>
        %add3A_899 = arith.constant 0.0281939134 : f32
        %add3A_900 = vector.broadcast %add3A_899 : f32 to vector<16xf32>
        %add3A_901 = arith.addf %mul3A_898, %add3A_900 : vector<16xf32>
        %mul3A_902 = arith.mulf %add3A_901, %sub3A_895 : vector<16xf32>
        %add3A_903 = arith.constant -0.0813299268 : f32
        %add3A_904 = vector.broadcast %add3A_903 : f32 to vector<16xf32>
        %add3A_905 = arith.addf %mul3A_902, %add3A_904 : vector<16xf32>
        %mul3A_906 = arith.mulf %add3A_905, %sub3A_895 : vector<16xf32>
        %add3A_907 = arith.constant 0.152112335 : f32
        %add3A_908 = vector.broadcast %add3A_907 : f32 to vector<16xf32>
        %add3A_909 = arith.addf %mul3A_906, %add3A_908 : vector<16xf32>
        %mul3A_910 = arith.mulf %add3A_909, %sub3A_895 : vector<16xf32>
        %add3A_911 = arith.constant -0.220294729 : f32
        %add3A_912 = vector.broadcast %add3A_911 : f32 to vector<16xf32>
        %add3A_913 = arith.addf %mul3A_910, %add3A_912 : vector<16xf32>
        %mul3A_914 = arith.mulf %add3A_913, %sub3A_895 : vector<16xf32>
        %add3A_915 = arith.constant 0.283681065 : f32
        %add3A_916 = vector.broadcast %add3A_915 : f32 to vector<16xf32>
        %add3A_917 = arith.addf %mul3A_914, %add3A_916 : vector<16xf32>
        %mul3A_918 = arith.mulf %add3A_917, %sub3A_895 : vector<16xf32>
        %add3A_919 = arith.constant -0.359975725 : f32
        %add3A_920 = vector.broadcast %add3A_919 : f32 to vector<16xf32>
        %add3A_921 = arith.addf %mul3A_918, %add3A_920 : vector<16xf32>
        %mul3A_922 = arith.mulf %add3A_921, %sub3A_895 : vector<16xf32>
        %add3A_923 = arith.constant 0.480846077 : f32
        %add3A_924 = vector.broadcast %add3A_923 : f32 to vector<16xf32>
        %add3A_925 = arith.addf %mul3A_922, %add3A_924 : vector<16xf32>
        %mul3A_926 = arith.mulf %add3A_925, %sub3A_895 : vector<16xf32>
        %add3A_927 = arith.constant -0.721345961 : f32
        %add3A_928 = vector.broadcast %add3A_927 : f32 to vector<16xf32>
        %add3A_929 = arith.addf %mul3A_926, %add3A_928 : vector<16xf32>
        %mul3A_930 = arith.mulf %add3A_929, %sub3A_895 : vector<16xf32>
        %add3A_931 = arith.constant 1.44269502 : f32
        %add3A_932 = vector.broadcast %add3A_931 : f32 to vector<16xf32>
        %add3A_933 = arith.addf %mul3A_930, %add3A_932 : vector<16xf32>
        %convert_element_type3A_934 = arith.sitofp %sub3A_885 : vector<16xi32> to vector<16xf32>
        %mul3A_935 = arith.mulf %sub3A_895, %add3A_933 : vector<16xf32>
        %add3A_936 = arith.addf %convert_element_type3A_934, %mul3A_935 : vector<16xf32>
        %mul3A_937 = arith.constant 0.693147182 : f32
        %mul3A_938 = vector.broadcast %mul3A_937 : f32 to vector<16xf32>
        %mul3A_939 = arith.mulf %add3A_936, %mul3A_938 : vector<16xf32>
        %neg3A_940 = arith.constant 0.000000e+00 : f32
        %neg3A_941 = vector.broadcast %neg3A_940 : f32 to vector<16xf32>
        %neg3A_942 = arith.subf %neg3A_941, %mul3A_939 : vector<16xf32>
        %add3A_943 = arith.constant 10000000 : i32
        %add3A_944 = vector.broadcast %add3A_943 : i32 to vector<16xi32>
        %add3A_945 = arith.addi %add3A_642, %add3A_944 : vector<16xi32>
        %broadcast_in_dim3A_946 = arith.constant 908003072 : i32
        %broadcast_in_dim3A_947 = vector.broadcast %broadcast_in_dim3A_946 : i32 to vector<16xi32>
        %add3A_948 = arith.constant -1042067111 : i32
        %add3A_949 = vector.broadcast %add3A_948 : i32 to vector<16xi32>
        %add3A_950 = arith.addi %add3A_945, %add3A_949 : vector<16xi32>
        %add3A_951 = arith.addi %broadcast_in_dim3A_947, %add3A_950 : vector<16xi32>
        %shift_left3A_952 = arith.constant 13 : i32
        %shift_left3A_953 = vector.broadcast %shift_left3A_952 : i32 to vector<16xi32>
        %shift_left3A_954 = arith.shli %add3A_950, %shift_left3A_953 : vector<16xi32>
        %shift_right_logical3A_955 = arith.constant 19 : i32
        %shift_right_logical3A_956 = vector.broadcast %shift_right_logical3A_955 : i32 to vector<16xi32>
        %shift_right_logical3A_957 = arith.shrui %add3A_950, %shift_right_logical3A_956 : vector<16xi32>
        %or3A_958 = arith.ori %shift_left3A_954, %shift_right_logical3A_957 : vector<16xi32>
        %xor3A_959 = arith.xori %add3A_951, %or3A_958 : vector<16xi32>
        %add3A_960 = arith.addi %add3A_951, %xor3A_959 : vector<16xi32>
        %shift_left3A_961 = arith.constant 15 : i32
        %shift_left3A_962 = vector.broadcast %shift_left3A_961 : i32 to vector<16xi32>
        %shift_left3A_963 = arith.shli %xor3A_959, %shift_left3A_962 : vector<16xi32>
        %shift_right_logical3A_964 = arith.constant 17 : i32
        %shift_right_logical3A_965 = vector.broadcast %shift_right_logical3A_964 : i32 to vector<16xi32>
        %shift_right_logical3A_966 = arith.shrui %xor3A_959, %shift_right_logical3A_965 : vector<16xi32>
        %or3A_967 = arith.ori %shift_left3A_963, %shift_right_logical3A_966 : vector<16xi32>
        %xor3A_968 = arith.xori %add3A_960, %or3A_967 : vector<16xi32>
        %add3A_969 = arith.addi %add3A_960, %xor3A_968 : vector<16xi32>
        %shift_left3A_970 = arith.constant 26 : i32
        %shift_left3A_971 = vector.broadcast %shift_left3A_970 : i32 to vector<16xi32>
        %shift_left3A_972 = arith.shli %xor3A_968, %shift_left3A_971 : vector<16xi32>
        %shift_right_logical3A_973 = arith.constant 6 : i32
        %shift_right_logical3A_974 = vector.broadcast %shift_right_logical3A_973 : i32 to vector<16xi32>
        %shift_right_logical3A_975 = arith.shrui %xor3A_968, %shift_right_logical3A_974 : vector<16xi32>
        %or3A_976 = arith.ori %shift_left3A_972, %shift_right_logical3A_975 : vector<16xi32>
        %xor3A_977 = arith.xori %add3A_969, %or3A_976 : vector<16xi32>
        %add3A_978 = arith.addi %add3A_969, %xor3A_977 : vector<16xi32>
        %shift_left3A_979 = arith.constant 6 : i32
        %shift_left3A_980 = vector.broadcast %shift_left3A_979 : i32 to vector<16xi32>
        %shift_left3A_981 = arith.shli %xor3A_977, %shift_left3A_980 : vector<16xi32>
        %shift_right_logical3A_982 = arith.constant 26 : i32
        %shift_right_logical3A_983 = vector.broadcast %shift_right_logical3A_982 : i32 to vector<16xi32>
        %shift_right_logical3A_984 = arith.shrui %xor3A_977, %shift_right_logical3A_983 : vector<16xi32>
        %or3A_985 = arith.ori %shift_left3A_981, %shift_right_logical3A_984 : vector<16xi32>
        %xor3A_986 = arith.xori %add3A_978, %or3A_985 : vector<16xi32>
        %add3A_987 = arith.constant -1042067111 : i32
        %add3A_988 = vector.broadcast %add3A_987 : i32 to vector<16xi32>
        %add3A_989 = arith.addi %add3A_978, %add3A_988 : vector<16xi32>
        %add3A_990 = arith.constant -332575356 : i32
        %add3A_991 = vector.broadcast %add3A_990 : i32 to vector<16xi32>
        %add3A_992 = arith.addi %xor3A_986, %add3A_991 : vector<16xi32>
        %add3A_993 = arith.addi %add3A_989, %add3A_992 : vector<16xi32>
        %shift_left3A_994 = arith.constant 17 : i32
        %shift_left3A_995 = vector.broadcast %shift_left3A_994 : i32 to vector<16xi32>
        %shift_left3A_996 = arith.shli %add3A_992, %shift_left3A_995 : vector<16xi32>
        %shift_right_logical3A_997 = arith.constant 15 : i32
        %shift_right_logical3A_998 = vector.broadcast %shift_right_logical3A_997 : i32 to vector<16xi32>
        %shift_right_logical3A_999 = arith.shrui %add3A_992, %shift_right_logical3A_998 : vector<16xi32>
        %or3A_1000 = arith.ori %shift_left3A_996, %shift_right_logical3A_999 : vector<16xi32>
        %xor3A_1001 = arith.xori %add3A_993, %or3A_1000 : vector<16xi32>
        %add3A_1002 = arith.addi %add3A_993, %xor3A_1001 : vector<16xi32>
        %shift_left3A_1003 = arith.constant 29 : i32
        %shift_left3A_1004 = vector.broadcast %shift_left3A_1003 : i32 to vector<16xi32>
        %shift_left3A_1005 = arith.shli %xor3A_1001, %shift_left3A_1004 : vector<16xi32>
        %shift_right_logical3A_1006 = arith.constant 3 : i32
        %shift_right_logical3A_1007 = vector.broadcast %shift_right_logical3A_1006 : i32 to vector<16xi32>
        %shift_right_logical3A_1008 = arith.shrui %xor3A_1001, %shift_right_logical3A_1007 : vector<16xi32>
        %or3A_1009 = arith.ori %shift_left3A_1005, %shift_right_logical3A_1008 : vector<16xi32>
        %xor3A_1010 = arith.xori %add3A_1002, %or3A_1009 : vector<16xi32>
        %add3A_1011 = arith.addi %add3A_1002, %xor3A_1010 : vector<16xi32>
        %shift_left3A_1012 = arith.constant 16 : i32
        %shift_left3A_1013 = vector.broadcast %shift_left3A_1012 : i32 to vector<16xi32>
        %shift_left3A_1014 = arith.shli %xor3A_1010, %shift_left3A_1013 : vector<16xi32>
        %shift_right_logical3A_1015 = arith.constant 16 : i32
        %shift_right_logical3A_1016 = vector.broadcast %shift_right_logical3A_1015 : i32 to vector<16xi32>
        %shift_right_logical3A_1017 = arith.shrui %xor3A_1010, %shift_right_logical3A_1016 : vector<16xi32>
        %or3A_1018 = arith.ori %shift_left3A_1014, %shift_right_logical3A_1017 : vector<16xi32>
        %xor3A_1019 = arith.xori %add3A_1011, %or3A_1018 : vector<16xi32>
        %add3A_1020 = arith.addi %add3A_1011, %xor3A_1019 : vector<16xi32>
        %shift_left3A_1021 = arith.constant 24 : i32
        %shift_left3A_1022 = vector.broadcast %shift_left3A_1021 : i32 to vector<16xi32>
        %shift_left3A_1023 = arith.shli %xor3A_1019, %shift_left3A_1022 : vector<16xi32>
        %shift_right_logical3A_1024 = arith.constant 8 : i32
        %shift_right_logical3A_1025 = vector.broadcast %shift_right_logical3A_1024 : i32 to vector<16xi32>
        %shift_right_logical3A_1026 = arith.shrui %xor3A_1019, %shift_right_logical3A_1025 : vector<16xi32>
        %or3A_1027 = arith.ori %shift_left3A_1023, %shift_right_logical3A_1026 : vector<16xi32>
        %xor3A_1028 = arith.xori %add3A_1020, %or3A_1027 : vector<16xi32>
        %add3A_1029 = arith.constant -332575357 : i32
        %add3A_1030 = vector.broadcast %add3A_1029 : i32 to vector<16xi32>
        %add3A_1031 = arith.addi %add3A_1020, %add3A_1030 : vector<16xi32>
        %add3A_1032 = arith.constant 908003074 : i32
        %add3A_1033 = vector.broadcast %add3A_1032 : i32 to vector<16xi32>
        %add3A_1034 = arith.addi %xor3A_1028, %add3A_1033 : vector<16xi32>
        %add3A_1035 = arith.addi %add3A_1031, %add3A_1034 : vector<16xi32>
        %shift_left3A_1036 = arith.constant 13 : i32
        %shift_left3A_1037 = vector.broadcast %shift_left3A_1036 : i32 to vector<16xi32>
        %shift_left3A_1038 = arith.shli %add3A_1034, %shift_left3A_1037 : vector<16xi32>
        %shift_right_logical3A_1039 = arith.constant 19 : i32
        %shift_right_logical3A_1040 = vector.broadcast %shift_right_logical3A_1039 : i32 to vector<16xi32>
        %shift_right_logical3A_1041 = arith.shrui %add3A_1034, %shift_right_logical3A_1040 : vector<16xi32>
        %or3A_1042 = arith.ori %shift_left3A_1038, %shift_right_logical3A_1041 : vector<16xi32>
        %xor3A_1043 = arith.xori %add3A_1035, %or3A_1042 : vector<16xi32>
        %add3A_1044 = arith.addi %add3A_1035, %xor3A_1043 : vector<16xi32>
        %shift_left3A_1045 = arith.constant 15 : i32
        %shift_left3A_1046 = vector.broadcast %shift_left3A_1045 : i32 to vector<16xi32>
        %shift_left3A_1047 = arith.shli %xor3A_1043, %shift_left3A_1046 : vector<16xi32>
        %shift_right_logical3A_1048 = arith.constant 17 : i32
        %shift_right_logical3A_1049 = vector.broadcast %shift_right_logical3A_1048 : i32 to vector<16xi32>
        %shift_right_logical3A_1050 = arith.shrui %xor3A_1043, %shift_right_logical3A_1049 : vector<16xi32>
        %or3A_1051 = arith.ori %shift_left3A_1047, %shift_right_logical3A_1050 : vector<16xi32>
        %xor3A_1052 = arith.xori %add3A_1044, %or3A_1051 : vector<16xi32>
        %add3A_1053 = arith.addi %add3A_1044, %xor3A_1052 : vector<16xi32>
        %shift_left3A_1054 = arith.constant 26 : i32
        %shift_left3A_1055 = vector.broadcast %shift_left3A_1054 : i32 to vector<16xi32>
        %shift_left3A_1056 = arith.shli %xor3A_1052, %shift_left3A_1055 : vector<16xi32>
        %shift_right_logical3A_1057 = arith.constant 6 : i32
        %shift_right_logical3A_1058 = vector.broadcast %shift_right_logical3A_1057 : i32 to vector<16xi32>
        %shift_right_logical3A_1059 = arith.shrui %xor3A_1052, %shift_right_logical3A_1058 : vector<16xi32>
        %or3A_1060 = arith.ori %shift_left3A_1056, %shift_right_logical3A_1059 : vector<16xi32>
        %xor3A_1061 = arith.xori %add3A_1053, %or3A_1060 : vector<16xi32>
        %add3A_1062 = arith.addi %add3A_1053, %xor3A_1061 : vector<16xi32>
        %shift_left3A_1063 = arith.constant 6 : i32
        %shift_left3A_1064 = vector.broadcast %shift_left3A_1063 : i32 to vector<16xi32>
        %shift_left3A_1065 = arith.shli %xor3A_1061, %shift_left3A_1064 : vector<16xi32>
        %shift_right_logical3A_1066 = arith.constant 26 : i32
        %shift_right_logical3A_1067 = vector.broadcast %shift_right_logical3A_1066 : i32 to vector<16xi32>
        %shift_right_logical3A_1068 = arith.shrui %xor3A_1061, %shift_right_logical3A_1067 : vector<16xi32>
        %or3A_1069 = arith.ori %shift_left3A_1065, %shift_right_logical3A_1068 : vector<16xi32>
        %xor3A_1070 = arith.xori %add3A_1062, %or3A_1069 : vector<16xi32>
        %add3A_1071 = arith.constant 908003072 : i32
        %add3A_1072 = vector.broadcast %add3A_1071 : i32 to vector<16xi32>
        %add3A_1073 = arith.addi %add3A_1062, %add3A_1072 : vector<16xi32>
        %add3A_1074 = arith.constant -1042067108 : i32
        %add3A_1075 = vector.broadcast %add3A_1074 : i32 to vector<16xi32>
        %add3A_1076 = arith.addi %xor3A_1070, %add3A_1075 : vector<16xi32>
        %add3A_1077 = arith.addi %add3A_1073, %add3A_1076 : vector<16xi32>
        %shift_left3A_1078 = arith.constant 17 : i32
        %shift_left3A_1079 = vector.broadcast %shift_left3A_1078 : i32 to vector<16xi32>
        %shift_left3A_1080 = arith.shli %add3A_1076, %shift_left3A_1079 : vector<16xi32>
        %shift_right_logical3A_1081 = arith.constant 15 : i32
        %shift_right_logical3A_1082 = vector.broadcast %shift_right_logical3A_1081 : i32 to vector<16xi32>
        %shift_right_logical3A_1083 = arith.shrui %add3A_1076, %shift_right_logical3A_1082 : vector<16xi32>
        %or3A_1084 = arith.ori %shift_left3A_1080, %shift_right_logical3A_1083 : vector<16xi32>
        %xor3A_1085 = arith.xori %add3A_1077, %or3A_1084 : vector<16xi32>
        %add3A_1086 = arith.addi %add3A_1077, %xor3A_1085 : vector<16xi32>
        %shift_left3A_1087 = arith.constant 29 : i32
        %shift_left3A_1088 = vector.broadcast %shift_left3A_1087 : i32 to vector<16xi32>
        %shift_left3A_1089 = arith.shli %xor3A_1085, %shift_left3A_1088 : vector<16xi32>
        %shift_right_logical3A_1090 = arith.constant 3 : i32
        %shift_right_logical3A_1091 = vector.broadcast %shift_right_logical3A_1090 : i32 to vector<16xi32>
        %shift_right_logical3A_1092 = arith.shrui %xor3A_1085, %shift_right_logical3A_1091 : vector<16xi32>
        %or3A_1093 = arith.ori %shift_left3A_1089, %shift_right_logical3A_1092 : vector<16xi32>
        %xor3A_1094 = arith.xori %add3A_1086, %or3A_1093 : vector<16xi32>
        %add3A_1095 = arith.addi %add3A_1086, %xor3A_1094 : vector<16xi32>
        %shift_left3A_1096 = arith.constant 16 : i32
        %shift_left3A_1097 = vector.broadcast %shift_left3A_1096 : i32 to vector<16xi32>
        %shift_left3A_1098 = arith.shli %xor3A_1094, %shift_left3A_1097 : vector<16xi32>
        %shift_right_logical3A_1099 = arith.constant 16 : i32
        %shift_right_logical3A_1100 = vector.broadcast %shift_right_logical3A_1099 : i32 to vector<16xi32>
        %shift_right_logical3A_1101 = arith.shrui %xor3A_1094, %shift_right_logical3A_1100 : vector<16xi32>
        %or3A_1102 = arith.ori %shift_left3A_1098, %shift_right_logical3A_1101 : vector<16xi32>
        %xor3A_1103 = arith.xori %add3A_1095, %or3A_1102 : vector<16xi32>
        %add3A_1104 = arith.addi %add3A_1095, %xor3A_1103 : vector<16xi32>
        %shift_left3A_1105 = arith.constant 24 : i32
        %shift_left3A_1106 = vector.broadcast %shift_left3A_1105 : i32 to vector<16xi32>
        %shift_left3A_1107 = arith.shli %xor3A_1103, %shift_left3A_1106 : vector<16xi32>
        %shift_right_logical3A_1108 = arith.constant 8 : i32
        %shift_right_logical3A_1109 = vector.broadcast %shift_right_logical3A_1108 : i32 to vector<16xi32>
        %shift_right_logical3A_1110 = arith.shrui %xor3A_1103, %shift_right_logical3A_1109 : vector<16xi32>
        %or3A_1111 = arith.ori %shift_left3A_1107, %shift_right_logical3A_1110 : vector<16xi32>
        %xor3A_1112 = arith.xori %add3A_1104, %or3A_1111 : vector<16xi32>
        %add3A_1113 = arith.constant -1042067111 : i32
        %add3A_1114 = vector.broadcast %add3A_1113 : i32 to vector<16xi32>
        %add3A_1115 = arith.addi %add3A_1104, %add3A_1114 : vector<16xi32>
        %add3A_1116 = arith.constant -332575353 : i32
        %add3A_1117 = vector.broadcast %add3A_1116 : i32 to vector<16xi32>
        %add3A_1118 = arith.addi %xor3A_1112, %add3A_1117 : vector<16xi32>
        %add3A_1119 = arith.addi %add3A_1115, %add3A_1118 : vector<16xi32>
        %shift_left3A_1120 = arith.constant 13 : i32
        %shift_left3A_1121 = vector.broadcast %shift_left3A_1120 : i32 to vector<16xi32>
        %shift_left3A_1122 = arith.shli %add3A_1118, %shift_left3A_1121 : vector<16xi32>
        %shift_right_logical3A_1123 = arith.constant 19 : i32
        %shift_right_logical3A_1124 = vector.broadcast %shift_right_logical3A_1123 : i32 to vector<16xi32>
        %shift_right_logical3A_1125 = arith.shrui %add3A_1118, %shift_right_logical3A_1124 : vector<16xi32>
        %or3A_1126 = arith.ori %shift_left3A_1122, %shift_right_logical3A_1125 : vector<16xi32>
        %xor3A_1127 = arith.xori %add3A_1119, %or3A_1126 : vector<16xi32>
        %add3A_1128 = arith.addi %add3A_1119, %xor3A_1127 : vector<16xi32>
        %shift_left3A_1129 = arith.constant 15 : i32
        %shift_left3A_1130 = vector.broadcast %shift_left3A_1129 : i32 to vector<16xi32>
        %shift_left3A_1131 = arith.shli %xor3A_1127, %shift_left3A_1130 : vector<16xi32>
        %shift_right_logical3A_1132 = arith.constant 17 : i32
        %shift_right_logical3A_1133 = vector.broadcast %shift_right_logical3A_1132 : i32 to vector<16xi32>
        %shift_right_logical3A_1134 = arith.shrui %xor3A_1127, %shift_right_logical3A_1133 : vector<16xi32>
        %or3A_1135 = arith.ori %shift_left3A_1131, %shift_right_logical3A_1134 : vector<16xi32>
        %xor3A_1136 = arith.xori %add3A_1128, %or3A_1135 : vector<16xi32>
        %add3A_1137 = arith.addi %add3A_1128, %xor3A_1136 : vector<16xi32>
        %shift_left3A_1138 = arith.constant 26 : i32
        %shift_left3A_1139 = vector.broadcast %shift_left3A_1138 : i32 to vector<16xi32>
        %shift_left3A_1140 = arith.shli %xor3A_1136, %shift_left3A_1139 : vector<16xi32>
        %shift_right_logical3A_1141 = arith.constant 6 : i32
        %shift_right_logical3A_1142 = vector.broadcast %shift_right_logical3A_1141 : i32 to vector<16xi32>
        %shift_right_logical3A_1143 = arith.shrui %xor3A_1136, %shift_right_logical3A_1142 : vector<16xi32>
        %or3A_1144 = arith.ori %shift_left3A_1140, %shift_right_logical3A_1143 : vector<16xi32>
        %xor3A_1145 = arith.xori %add3A_1137, %or3A_1144 : vector<16xi32>
        %add3A_1146 = arith.addi %add3A_1137, %xor3A_1145 : vector<16xi32>
        %shift_left3A_1147 = arith.constant 6 : i32
        %shift_left3A_1148 = vector.broadcast %shift_left3A_1147 : i32 to vector<16xi32>
        %shift_left3A_1149 = arith.shli %xor3A_1145, %shift_left3A_1148 : vector<16xi32>
        %shift_right_logical3A_1150 = arith.constant 26 : i32
        %shift_right_logical3A_1151 = vector.broadcast %shift_right_logical3A_1150 : i32 to vector<16xi32>
        %shift_right_logical3A_1152 = arith.shrui %xor3A_1145, %shift_right_logical3A_1151 : vector<16xi32>
        %or3A_1153 = arith.ori %shift_left3A_1149, %shift_right_logical3A_1152 : vector<16xi32>
        %xor3A_1154 = arith.xori %add3A_1146, %or3A_1153 : vector<16xi32>
        %add3A_1155 = arith.constant -332575357 : i32
        %add3A_1156 = vector.broadcast %add3A_1155 : i32 to vector<16xi32>
        %add3A_1157 = arith.addi %add3A_1146, %add3A_1156 : vector<16xi32>
        %add3A_1158 = arith.constant 908003077 : i32
        %add3A_1159 = vector.broadcast %add3A_1158 : i32 to vector<16xi32>
        %add3A_1160 = arith.addi %xor3A_1154, %add3A_1159 : vector<16xi32>
        %xor3A_1161 = arith.xori %add3A_1157, %add3A_1160 : vector<16xi32>
        %shift_right_logical3A_1162 = arith.constant 9 : i32
        %shift_right_logical3A_1163 = vector.broadcast %shift_right_logical3A_1162 : i32 to vector<16xi32>
        %shift_right_logical3A_1164 = arith.shrui %xor3A_1161, %shift_right_logical3A_1163 : vector<16xi32>
        %or3A_1165 = arith.constant 1065353216 : i32
        %or3A_1166 = vector.broadcast %or3A_1165 : i32 to vector<16xi32>
        %or3A_1167 = arith.ori %shift_right_logical3A_1164, %or3A_1166 : vector<16xi32>
        %bitcast_convert_type3A_1168 = tpu.bitcast %or3A_1167 : vector<16xi32> -> vector<16xf32>
        %sub3A_1169 = arith.constant 1.000000e+00 : f32
        %sub3A_1170 = vector.broadcast %sub3A_1169 : f32 to vector<16xf32>
        %sub3A_1171 = arith.subf %bitcast_convert_type3A_1168, %sub3A_1170 : vector<16xf32>
        %mul3A_1172 = arith.constant 1.000000e+00 : f32
        %mul3A_1173 = vector.broadcast %mul3A_1172 : f32 to vector<16xf32>
        %mul3A_1174 = arith.mulf %sub3A_1171, %mul3A_1173 : vector<16xf32>
        %add3A_1175 = arith.constant 1.000000e-10 : f32
        %add3A_1176 = vector.broadcast %add3A_1175 : f32 to vector<16xf32>
        %add3A_1177 = arith.addf %mul3A_1174, %add3A_1176 : vector<16xf32>
        %max3A_1178 = arith.constant 1.000000e-10 : f32
        %max3A_1179 = vector.broadcast %max3A_1178 : f32 to vector<16xf32>
        %max3A_1180 = arith.maximumf %max3A_1179, %add3A_1177 : vector<16xf32>
        %bitcast_convert_type3A_1181 = tpu.bitcast %max3A_1180 : vector<16xf32> -> vector<16xi32>
        %shift_right_logical3A_1182 = arith.constant 23 : i32
        %shift_right_logical3A_1183 = vector.broadcast %shift_right_logical3A_1182 : i32 to vector<16xi32>
        %shift_right_logical3A_1184 = arith.shrui %bitcast_convert_type3A_1181, %shift_right_logical3A_1183 : vector<16xi32>
        %bitcast_convert_type3A_1185 = tpu.bitcast %shift_right_logical3A_1184 : vector<16xi32> -> vector<16xi32>
        %sub3A_1186 = arith.constant 127 : i32
        %sub3A_1187 = vector.broadcast %sub3A_1186 : i32 to vector<16xi32>
        %sub3A_1188 = arith.subi %bitcast_convert_type3A_1185, %sub3A_1187 : vector<16xi32>
        %and3A_1189 = arith.constant 8388607 : i32
        %and3A_1190 = vector.broadcast %and3A_1189 : i32 to vector<16xi32>
        %and3A_1191 = arith.andi %bitcast_convert_type3A_1181, %and3A_1190 : vector<16xi32>
        %or3A_1192 = arith.constant 1065353216 : i32
        %or3A_1193 = vector.broadcast %or3A_1192 : i32 to vector<16xi32>
        %or3A_1194 = arith.ori %and3A_1191, %or3A_1193 : vector<16xi32>
        %bitcast_convert_type3A_1195 = tpu.bitcast %or3A_1194 : vector<16xi32> -> vector<16xf32>
        %sub3A_1196 = arith.constant 1.000000e+00 : f32
        %sub3A_1197 = vector.broadcast %sub3A_1196 : f32 to vector<16xf32>
        %sub3A_1198 = arith.subf %bitcast_convert_type3A_1195, %sub3A_1197 : vector<16xf32>
        %broadcast_in_dim3A_1199 = arith.constant -0.00458208052 : f32
        %broadcast_in_dim3A_1200 = vector.broadcast %broadcast_in_dim3A_1199 : f32 to vector<16xf32>
        %mul3A_1201 = arith.mulf %broadcast_in_dim3A_1200, %sub3A_1198 : vector<16xf32>
        %add3A_1202 = arith.constant 0.0281939134 : f32
        %add3A_1203 = vector.broadcast %add3A_1202 : f32 to vector<16xf32>
        %add3A_1204 = arith.addf %mul3A_1201, %add3A_1203 : vector<16xf32>
        %mul3A_1205 = arith.mulf %add3A_1204, %sub3A_1198 : vector<16xf32>
        %add3A_1206 = arith.constant -0.0813299268 : f32
        %add3A_1207 = vector.broadcast %add3A_1206 : f32 to vector<16xf32>
        %add3A_1208 = arith.addf %mul3A_1205, %add3A_1207 : vector<16xf32>
        %mul3A_1209 = arith.mulf %add3A_1208, %sub3A_1198 : vector<16xf32>
        %add3A_1210 = arith.constant 0.152112335 : f32
        %add3A_1211 = vector.broadcast %add3A_1210 : f32 to vector<16xf32>
        %add3A_1212 = arith.addf %mul3A_1209, %add3A_1211 : vector<16xf32>
        %mul3A_1213 = arith.mulf %add3A_1212, %sub3A_1198 : vector<16xf32>
        %add3A_1214 = arith.constant -0.220294729 : f32
        %add3A_1215 = vector.broadcast %add3A_1214 : f32 to vector<16xf32>
        %add3A_1216 = arith.addf %mul3A_1213, %add3A_1215 : vector<16xf32>
        %mul3A_1217 = arith.mulf %add3A_1216, %sub3A_1198 : vector<16xf32>
        %add3A_1218 = arith.constant 0.283681065 : f32
        %add3A_1219 = vector.broadcast %add3A_1218 : f32 to vector<16xf32>
        %add3A_1220 = arith.addf %mul3A_1217, %add3A_1219 : vector<16xf32>
        %mul3A_1221 = arith.mulf %add3A_1220, %sub3A_1198 : vector<16xf32>
        %add3A_1222 = arith.constant -0.359975725 : f32
        %add3A_1223 = vector.broadcast %add3A_1222 : f32 to vector<16xf32>
        %add3A_1224 = arith.addf %mul3A_1221, %add3A_1223 : vector<16xf32>
        %mul3A_1225 = arith.mulf %add3A_1224, %sub3A_1198 : vector<16xf32>
        %add3A_1226 = arith.constant 0.480846077 : f32
        %add3A_1227 = vector.broadcast %add3A_1226 : f32 to vector<16xf32>
        %add3A_1228 = arith.addf %mul3A_1225, %add3A_1227 : vector<16xf32>
        %mul3A_1229 = arith.mulf %add3A_1228, %sub3A_1198 : vector<16xf32>
        %add3A_1230 = arith.constant -0.721345961 : f32
        %add3A_1231 = vector.broadcast %add3A_1230 : f32 to vector<16xf32>
        %add3A_1232 = arith.addf %mul3A_1229, %add3A_1231 : vector<16xf32>
        %mul3A_1233 = arith.mulf %add3A_1232, %sub3A_1198 : vector<16xf32>
        %add3A_1234 = arith.constant 1.44269502 : f32
        %add3A_1235 = vector.broadcast %add3A_1234 : f32 to vector<16xf32>
        %add3A_1236 = arith.addf %mul3A_1233, %add3A_1235 : vector<16xf32>
        %convert_element_type3A_1237 = arith.sitofp %sub3A_1188 : vector<16xi32> to vector<16xf32>
        %mul3A_1238 = arith.mulf %sub3A_1198, %add3A_1236 : vector<16xf32>
        %add3A_1239 = arith.addf %convert_element_type3A_1237, %mul3A_1238 : vector<16xf32>
        %mul3A_1240 = arith.constant 0.693147182 : f32
        %mul3A_1241 = vector.broadcast %mul3A_1240 : f32 to vector<16xf32>
        %mul3A_1242 = arith.mulf %add3A_1239, %mul3A_1241 : vector<16xf32>
        %neg3A_1243 = arith.constant 0.000000e+00 : f32
        %neg3A_1244 = vector.broadcast %neg3A_1243 : f32 to vector<16xf32>
        %neg3A_1245 = arith.subf %neg3A_1244, %mul3A_1242 : vector<16xf32>
        %get3A_1246 = arith.index_cast %add3A_637 : i32 to index
        %get3A_1247 = tpu.vector_load %arg4[%get3A_1246] {strides = array<i32>} : memref<8448xf32, #tpu.memory_space<vmem>>, vector<16xf32>,
        %get3A_1248 = vector.shape_cast %get3A_1247 : vector<16xf32> to vector<16xf32>
        %sub3A_1249 = arith.constant 1.000000e+00 : f32
        %sub3A_1250 = vector.broadcast %sub3A_1249 : f32 to vector<16xf32>
        %sub3A_1251 = arith.subf %sub3A_1250, %get3A_1248 : vector<16xf32>
        %mul3A_1252 = arith.mulf %sub3A_1251, %neg3A_942 : vector<16xf32>
        %mul3A_1253 = arith.mulf %get3A_1248, %neg3A_1245 : vector<16xf32>
        %gt3A_1254 = arith.cmpf ogt, %mul3A_1252, %mul3A_1253 : vector<16xf32>
        %jit3A_1255 = arith.constant 1.000000e+00 : f32
        %jit3A_1256 = arith.constant 0.000000e+00 : f32
        %broadcast_in_dim3A_1257 = vector.broadcast %jit3A_1255 : f32 to vector<16xf32>
        %broadcast_in_dim3A_1258 = vector.broadcast %jit3A_1256 : f32 to vector<16xf32>
        %select_n3A_1259 = arith.select %gt3A_1254, %broadcast_in_dim3A_1257, %broadcast_in_dim3A_1258 : vector<16xi1>, vector<16xf32>
        %swap3A_1260 = arith.index_cast %add3A_637 : i32 to index
        %swap3A_1261 = tpu.vector_load %arg5[%swap3A_1260] {strides = array<i32>} : memref<8448xf32, #tpu.memory_space<vmem>>, vector<16xf32>,
        %swap3A_1262 = vector.shape_cast %swap3A_1261 : vector<16xf32> to vector<16xf32>
        %swap3A_1263 = vector.shape_cast %select_n3A_1259 : vector<16xf32> to vector<16xf32>
        tpu.vector_store %arg5[%swap3A_1260], %swap3A_1263 {strides = array<i32>} : memref<8448xf32, #tpu.memory_space<vmem>>, vector<16xf32>,
        %add3A_1264 = arith.constant 32 : i32
        %add3A_1265 = arith.addi %mul3A_22, %add3A_1264 : i32
        %add3A_1266 = arith.constant 7837312 : i32
        %add3A_1267 = arith.addi %add3A_1266, %add3A_11 : i32
        %add3A_1268 = arith.addi %add3A_1267, %add3A_1265 : i32
        %add3A_1269 = vector.broadcast %add3A_1268 : i32 to vector<16xi32>
        %add3A_1270 = arith.addi %bitcast_convert_type3A, %add3A_1269 : vector<16xi32>
        %broadcast_in_dim3A_1271 = arith.constant 908003072 : i32
        %broadcast_in_dim3A_1272 = vector.broadcast %broadcast_in_dim3A_1271 : i32 to vector<16xi32>
        %add3A_1273 = arith.constant -1042067111 : i32
        %add3A_1274 = vector.broadcast %add3A_1273 : i32 to vector<16xi32>
        %add3A_1275 = arith.addi %add3A_1270, %add3A_1274 : vector<16xi32>
        %add3A_1276 = arith.addi %broadcast_in_dim3A_1272, %add3A_1275 : vector<16xi32>
        %shift_left3A_1277 = arith.constant 13 : i32
        %shift_left3A_1278 = vector.broadcast %shift_left3A_1277 : i32 to vector<16xi32>
        %shift_left3A_1279 = arith.shli %add3A_1275, %shift_left3A_1278 : vector<16xi32>
        %shift_right_logical3A_1280 = arith.constant 19 : i32
        %shift_right_logical3A_1281 = vector.broadcast %shift_right_logical3A_1280 : i32 to vector<16xi32>
        %shift_right_logical3A_1282 = arith.shrui %add3A_1275, %shift_right_logical3A_1281 : vector<16xi32>
        %or3A_1283 = arith.ori %shift_left3A_1279, %shift_right_logical3A_1282 : vector<16xi32>
        %xor3A_1284 = arith.xori %add3A_1276, %or3A_1283 : vector<16xi32>
        %add3A_1285 = arith.addi %add3A_1276, %xor3A_1284 : vector<16xi32>
        %shift_left3A_1286 = arith.constant 15 : i32
        %shift_left3A_1287 = vector.broadcast %shift_left3A_1286 : i32 to vector<16xi32>
        %shift_left3A_1288 = arith.shli %xor3A_1284, %shift_left3A_1287 : vector<16xi32>
        %shift_right_logical3A_1289 = arith.constant 17 : i32
        %shift_right_logical3A_1290 = vector.broadcast %shift_right_logical3A_1289 : i32 to vector<16xi32>
        %shift_right_logical3A_1291 = arith.shrui %xor3A_1284, %shift_right_logical3A_1290 : vector<16xi32>
        %or3A_1292 = arith.ori %shift_left3A_1288, %shift_right_logical3A_1291 : vector<16xi32>
        %xor3A_1293 = arith.xori %add3A_1285, %or3A_1292 : vector<16xi32>
        %add3A_1294 = arith.addi %add3A_1285, %xor3A_1293 : vector<16xi32>
        %shift_left3A_1295 = arith.constant 26 : i32
        %shift_left3A_1296 = vector.broadcast %shift_left3A_1295 : i32 to vector<16xi32>
        %shift_left3A_1297 = arith.shli %xor3A_1293, %shift_left3A_1296 : vector<16xi32>
        %shift_right_logical3A_1298 = arith.constant 6 : i32
        %shift_right_logical3A_1299 = vector.broadcast %shift_right_logical3A_1298 : i32 to vector<16xi32>
        %shift_right_logical3A_1300 = arith.shrui %xor3A_1293, %shift_right_logical3A_1299 : vector<16xi32>
        %or3A_1301 = arith.ori %shift_left3A_1297, %shift_right_logical3A_1300 : vector<16xi32>
        %xor3A_1302 = arith.xori %add3A_1294, %or3A_1301 : vector<16xi32>
        %add3A_1303 = arith.addi %add3A_1294, %xor3A_1302 : vector<16xi32>
        %shift_left3A_1304 = arith.constant 6 : i32
        %shift_left3A_1305 = vector.broadcast %shift_left3A_1304 : i32 to vector<16xi32>
        %shift_left3A_1306 = arith.shli %xor3A_1302, %shift_left3A_1305 : vector<16xi32>
        %shift_right_logical3A_1307 = arith.constant 26 : i32
        %shift_right_logical3A_1308 = vector.broadcast %shift_right_logical3A_1307 : i32 to vector<16xi32>
        %shift_right_logical3A_1309 = arith.shrui %xor3A_1302, %shift_right_logical3A_1308 : vector<16xi32>
        %or3A_1310 = arith.ori %shift_left3A_1306, %shift_right_logical3A_1309 : vector<16xi32>
        %xor3A_1311 = arith.xori %add3A_1303, %or3A_1310 : vector<16xi32>
        %add3A_1312 = arith.constant -1042067111 : i32
        %add3A_1313 = vector.broadcast %add3A_1312 : i32 to vector<16xi32>
        %add3A_1314 = arith.addi %add3A_1303, %add3A_1313 : vector<16xi32>
        %add3A_1315 = arith.constant -332575356 : i32
        %add3A_1316 = vector.broadcast %add3A_1315 : i32 to vector<16xi32>
        %add3A_1317 = arith.addi %xor3A_1311, %add3A_1316 : vector<16xi32>
        %add3A_1318 = arith.addi %add3A_1314, %add3A_1317 : vector<16xi32>
        %shift_left3A_1319 = arith.constant 17 : i32
        %shift_left3A_1320 = vector.broadcast %shift_left3A_1319 : i32 to vector<16xi32>
        %shift_left3A_1321 = arith.shli %add3A_1317, %shift_left3A_1320 : vector<16xi32>
        %shift_right_logical3A_1322 = arith.constant 15 : i32
        %shift_right_logical3A_1323 = vector.broadcast %shift_right_logical3A_1322 : i32 to vector<16xi32>
        %shift_right_logical3A_1324 = arith.shrui %add3A_1317, %shift_right_logical3A_1323 : vector<16xi32>
        %or3A_1325 = arith.ori %shift_left3A_1321, %shift_right_logical3A_1324 : vector<16xi32>
        %xor3A_1326 = arith.xori %add3A_1318, %or3A_1325 : vector<16xi32>
        %add3A_1327 = arith.addi %add3A_1318, %xor3A_1326 : vector<16xi32>
        %shift_left3A_1328 = arith.constant 29 : i32
        %shift_left3A_1329 = vector.broadcast %shift_left3A_1328 : i32 to vector<16xi32>
        %shift_left3A_1330 = arith.shli %xor3A_1326, %shift_left3A_1329 : vector<16xi32>
        %shift_right_logical3A_1331 = arith.constant 3 : i32
        %shift_right_logical3A_1332 = vector.broadcast %shift_right_logical3A_1331 : i32 to vector<16xi32>
        %shift_right_logical3A_1333 = arith.shrui %xor3A_1326, %shift_right_logical3A_1332 : vector<16xi32>
        %or3A_1334 = arith.ori %shift_left3A_1330, %shift_right_logical3A_1333 : vector<16xi32>
        %xor3A_1335 = arith.xori %add3A_1327, %or3A_1334 : vector<16xi32>
        %add3A_1336 = arith.addi %add3A_1327, %xor3A_1335 : vector<16xi32>
        %shift_left3A_1337 = arith.constant 16 : i32
        %shift_left3A_1338 = vector.broadcast %shift_left3A_1337 : i32 to vector<16xi32>
        %shift_left3A_1339 = arith.shli %xor3A_1335, %shift_left3A_1338 : vector<16xi32>
        %shift_right_logical3A_1340 = arith.constant 16 : i32
        %shift_right_logical3A_1341 = vector.broadcast %shift_right_logical3A_1340 : i32 to vector<16xi32>
        %shift_right_logical3A_1342 = arith.shrui %xor3A_1335, %shift_right_logical3A_1341 : vector<16xi32>
        %or3A_1343 = arith.ori %shift_left3A_1339, %shift_right_logical3A_1342 : vector<16xi32>
        %xor3A_1344 = arith.xori %add3A_1336, %or3A_1343 : vector<16xi32>
        %add3A_1345 = arith.addi %add3A_1336, %xor3A_1344 : vector<16xi32>
        %shift_left3A_1346 = arith.constant 24 : i32
        %shift_left3A_1347 = vector.broadcast %shift_left3A_1346 : i32 to vector<16xi32>
        %shift_left3A_1348 = arith.shli %xor3A_1344, %shift_left3A_1347 : vector<16xi32>
        %shift_right_logical3A_1349 = arith.constant 8 : i32
        %shift_right_logical3A_1350 = vector.broadcast %shift_right_logical3A_1349 : i32 to vector<16xi32>
        %shift_right_logical3A_1351 = arith.shrui %xor3A_1344, %shift_right_logical3A_1350 : vector<16xi32>
        %or3A_1352 = arith.ori %shift_left3A_1348, %shift_right_logical3A_1351 : vector<16xi32>
        %xor3A_1353 = arith.xori %add3A_1345, %or3A_1352 : vector<16xi32>
        %add3A_1354 = arith.constant -332575357 : i32
        %add3A_1355 = vector.broadcast %add3A_1354 : i32 to vector<16xi32>
        %add3A_1356 = arith.addi %add3A_1345, %add3A_1355 : vector<16xi32>
        %add3A_1357 = arith.constant 908003074 : i32
        %add3A_1358 = vector.broadcast %add3A_1357 : i32 to vector<16xi32>
        %add3A_1359 = arith.addi %xor3A_1353, %add3A_1358 : vector<16xi32>
        %add3A_1360 = arith.addi %add3A_1356, %add3A_1359 : vector<16xi32>
        %shift_left3A_1361 = arith.constant 13 : i32
        %shift_left3A_1362 = vector.broadcast %shift_left3A_1361 : i32 to vector<16xi32>
        %shift_left3A_1363 = arith.shli %add3A_1359, %shift_left3A_1362 : vector<16xi32>
        %shift_right_logical3A_1364 = arith.constant 19 : i32
        %shift_right_logical3A_1365 = vector.broadcast %shift_right_logical3A_1364 : i32 to vector<16xi32>
        %shift_right_logical3A_1366 = arith.shrui %add3A_1359, %shift_right_logical3A_1365 : vector<16xi32>
        %or3A_1367 = arith.ori %shift_left3A_1363, %shift_right_logical3A_1366 : vector<16xi32>
        %xor3A_1368 = arith.xori %add3A_1360, %or3A_1367 : vector<16xi32>
        %add3A_1369 = arith.addi %add3A_1360, %xor3A_1368 : vector<16xi32>
        %shift_left3A_1370 = arith.constant 15 : i32
        %shift_left3A_1371 = vector.broadcast %shift_left3A_1370 : i32 to vector<16xi32>
        %shift_left3A_1372 = arith.shli %xor3A_1368, %shift_left3A_1371 : vector<16xi32>
        %shift_right_logical3A_1373 = arith.constant 17 : i32
        %shift_right_logical3A_1374 = vector.broadcast %shift_right_logical3A_1373 : i32 to vector<16xi32>
        %shift_right_logical3A_1375 = arith.shrui %xor3A_1368, %shift_right_logical3A_1374 : vector<16xi32>
        %or3A_1376 = arith.ori %shift_left3A_1372, %shift_right_logical3A_1375 : vector<16xi32>
        %xor3A_1377 = arith.xori %add3A_1369, %or3A_1376 : vector<16xi32>
        %add3A_1378 = arith.addi %add3A_1369, %xor3A_1377 : vector<16xi32>
        %shift_left3A_1379 = arith.constant 26 : i32
        %shift_left3A_1380 = vector.broadcast %shift_left3A_1379 : i32 to vector<16xi32>
        %shift_left3A_1381 = arith.shli %xor3A_1377, %shift_left3A_1380 : vector<16xi32>
        %shift_right_logical3A_1382 = arith.constant 6 : i32
        %shift_right_logical3A_1383 = vector.broadcast %shift_right_logical3A_1382 : i32 to vector<16xi32>
        %shift_right_logical3A_1384 = arith.shrui %xor3A_1377, %shift_right_logical3A_1383 : vector<16xi32>
        %or3A_1385 = arith.ori %shift_left3A_1381, %shift_right_logical3A_1384 : vector<16xi32>
        %xor3A_1386 = arith.xori %add3A_1378, %or3A_1385 : vector<16xi32>
        %add3A_1387 = arith.addi %add3A_1378, %xor3A_1386 : vector<16xi32>
        %shift_left3A_1388 = arith.constant 6 : i32
        %shift_left3A_1389 = vector.broadcast %shift_left3A_1388 : i32 to vector<16xi32>
        %shift_left3A_1390 = arith.shli %xor3A_1386, %shift_left3A_1389 : vector<16xi32>
        %shift_right_logical3A_1391 = arith.constant 26 : i32
        %shift_right_logical3A_1392 = vector.broadcast %shift_right_logical3A_1391 : i32 to vector<16xi32>
        %shift_right_logical3A_1393 = arith.shrui %xor3A_1386, %shift_right_logical3A_1392 : vector<16xi32>
        %or3A_1394 = arith.ori %shift_left3A_1390, %shift_right_logical3A_1393 : vector<16xi32>
        %xor3A_1395 = arith.xori %add3A_1387, %or3A_1394 : vector<16xi32>
        %add3A_1396 = arith.constant 908003072 : i32
        %add3A_1397 = vector.broadcast %add3A_1396 : i32 to vector<16xi32>
        %add3A_1398 = arith.addi %add3A_1387, %add3A_1397 : vector<16xi32>
        %add3A_1399 = arith.constant -1042067108 : i32
        %add3A_1400 = vector.broadcast %add3A_1399 : i32 to vector<16xi32>
        %add3A_1401 = arith.addi %xor3A_1395, %add3A_1400 : vector<16xi32>
        %add3A_1402 = arith.addi %add3A_1398, %add3A_1401 : vector<16xi32>
        %shift_left3A_1403 = arith.constant 17 : i32
        %shift_left3A_1404 = vector.broadcast %shift_left3A_1403 : i32 to vector<16xi32>
        %shift_left3A_1405 = arith.shli %add3A_1401, %shift_left3A_1404 : vector<16xi32>
        %shift_right_logical3A_1406 = arith.constant 15 : i32
        %shift_right_logical3A_1407 = vector.broadcast %shift_right_logical3A_1406 : i32 to vector<16xi32>
        %shift_right_logical3A_1408 = arith.shrui %add3A_1401, %shift_right_logical3A_1407 : vector<16xi32>
        %or3A_1409 = arith.ori %shift_left3A_1405, %shift_right_logical3A_1408 : vector<16xi32>
        %xor3A_1410 = arith.xori %add3A_1402, %or3A_1409 : vector<16xi32>
        %add3A_1411 = arith.addi %add3A_1402, %xor3A_1410 : vector<16xi32>
        %shift_left3A_1412 = arith.constant 29 : i32
        %shift_left3A_1413 = vector.broadcast %shift_left3A_1412 : i32 to vector<16xi32>
        %shift_left3A_1414 = arith.shli %xor3A_1410, %shift_left3A_1413 : vector<16xi32>
        %shift_right_logical3A_1415 = arith.constant 3 : i32
        %shift_right_logical3A_1416 = vector.broadcast %shift_right_logical3A_1415 : i32 to vector<16xi32>
        %shift_right_logical3A_1417 = arith.shrui %xor3A_1410, %shift_right_logical3A_1416 : vector<16xi32>
        %or3A_1418 = arith.ori %shift_left3A_1414, %shift_right_logical3A_1417 : vector<16xi32>
        %xor3A_1419 = arith.xori %add3A_1411, %or3A_1418 : vector<16xi32>
        %add3A_1420 = arith.addi %add3A_1411, %xor3A_1419 : vector<16xi32>
        %shift_left3A_1421 = arith.constant 16 : i32
        %shift_left3A_1422 = vector.broadcast %shift_left3A_1421 : i32 to vector<16xi32>
        %shift_left3A_1423 = arith.shli %xor3A_1419, %shift_left3A_1422 : vector<16xi32>
        %shift_right_logical3A_1424 = arith.constant 16 : i32
        %shift_right_logical3A_1425 = vector.broadcast %shift_right_logical3A_1424 : i32 to vector<16xi32>
        %shift_right_logical3A_1426 = arith.shrui %xor3A_1419, %shift_right_logical3A_1425 : vector<16xi32>
        %or3A_1427 = arith.ori %shift_left3A_1423, %shift_right_logical3A_1426 : vector<16xi32>
        %xor3A_1428 = arith.xori %add3A_1420, %or3A_1427 : vector<16xi32>
        %add3A_1429 = arith.addi %add3A_1420, %xor3A_1428 : vector<16xi32>
        %shift_left3A_1430 = arith.constant 24 : i32
        %shift_left3A_1431 = vector.broadcast %shift_left3A_1430 : i32 to vector<16xi32>
        %shift_left3A_1432 = arith.shli %xor3A_1428, %shift_left3A_1431 : vector<16xi32>
        %shift_right_logical3A_1433 = arith.constant 8 : i32
        %shift_right_logical3A_1434 = vector.broadcast %shift_right_logical3A_1433 : i32 to vector<16xi32>
        %shift_right_logical3A_1435 = arith.shrui %xor3A_1428, %shift_right_logical3A_1434 : vector<16xi32>
        %or3A_1436 = arith.ori %shift_left3A_1432, %shift_right_logical3A_1435 : vector<16xi32>
        %xor3A_1437 = arith.xori %add3A_1429, %or3A_1436 : vector<16xi32>
        %add3A_1438 = arith.constant -1042067111 : i32
        %add3A_1439 = vector.broadcast %add3A_1438 : i32 to vector<16xi32>
        %add3A_1440 = arith.addi %add3A_1429, %add3A_1439 : vector<16xi32>
        %add3A_1441 = arith.constant -332575353 : i32
        %add3A_1442 = vector.broadcast %add3A_1441 : i32 to vector<16xi32>
        %add3A_1443 = arith.addi %xor3A_1437, %add3A_1442 : vector<16xi32>
        %add3A_1444 = arith.addi %add3A_1440, %add3A_1443 : vector<16xi32>
        %shift_left3A_1445 = arith.constant 13 : i32
        %shift_left3A_1446 = vector.broadcast %shift_left3A_1445 : i32 to vector<16xi32>
        %shift_left3A_1447 = arith.shli %add3A_1443, %shift_left3A_1446 : vector<16xi32>
        %shift_right_logical3A_1448 = arith.constant 19 : i32
        %shift_right_logical3A_1449 = vector.broadcast %shift_right_logical3A_1448 : i32 to vector<16xi32>
        %shift_right_logical3A_1450 = arith.shrui %add3A_1443, %shift_right_logical3A_1449 : vector<16xi32>
        %or3A_1451 = arith.ori %shift_left3A_1447, %shift_right_logical3A_1450 : vector<16xi32>
        %xor3A_1452 = arith.xori %add3A_1444, %or3A_1451 : vector<16xi32>
        %add3A_1453 = arith.addi %add3A_1444, %xor3A_1452 : vector<16xi32>
        %shift_left3A_1454 = arith.constant 15 : i32
        %shift_left3A_1455 = vector.broadcast %shift_left3A_1454 : i32 to vector<16xi32>
        %shift_left3A_1456 = arith.shli %xor3A_1452, %shift_left3A_1455 : vector<16xi32>
        %shift_right_logical3A_1457 = arith.constant 17 : i32
        %shift_right_logical3A_1458 = vector.broadcast %shift_right_logical3A_1457 : i32 to vector<16xi32>
        %shift_right_logical3A_1459 = arith.shrui %xor3A_1452, %shift_right_logical3A_1458 : vector<16xi32>
        %or3A_1460 = arith.ori %shift_left3A_1456, %shift_right_logical3A_1459 : vector<16xi32>
        %xor3A_1461 = arith.xori %add3A_1453, %or3A_1460 : vector<16xi32>
        %add3A_1462 = arith.addi %add3A_1453, %xor3A_1461 : vector<16xi32>
        %shift_left3A_1463 = arith.constant 26 : i32
        %shift_left3A_1464 = vector.broadcast %shift_left3A_1463 : i32 to vector<16xi32>
        %shift_left3A_1465 = arith.shli %xor3A_1461, %shift_left3A_1464 : vector<16xi32>
        %shift_right_logical3A_1466 = arith.constant 6 : i32
        %shift_right_logical3A_1467 = vector.broadcast %shift_right_logical3A_1466 : i32 to vector<16xi32>
        %shift_right_logical3A_1468 = arith.shrui %xor3A_1461, %shift_right_logical3A_1467 : vector<16xi32>
        %or3A_1469 = arith.ori %shift_left3A_1465, %shift_right_logical3A_1468 : vector<16xi32>
        %xor3A_1470 = arith.xori %add3A_1462, %or3A_1469 : vector<16xi32>
        %add3A_1471 = arith.addi %add3A_1462, %xor3A_1470 : vector<16xi32>
        %shift_left3A_1472 = arith.constant 6 : i32
        %shift_left3A_1473 = vector.broadcast %shift_left3A_1472 : i32 to vector<16xi32>
        %shift_left3A_1474 = arith.shli %xor3A_1470, %shift_left3A_1473 : vector<16xi32>
        %shift_right_logical3A_1475 = arith.constant 26 : i32
        %shift_right_logical3A_1476 = vector.broadcast %shift_right_logical3A_1475 : i32 to vector<16xi32>
        %shift_right_logical3A_1477 = arith.shrui %xor3A_1470, %shift_right_logical3A_1476 : vector<16xi32>
        %or3A_1478 = arith.ori %shift_left3A_1474, %shift_right_logical3A_1477 : vector<16xi32>
        %xor3A_1479 = arith.xori %add3A_1471, %or3A_1478 : vector<16xi32>
        %add3A_1480 = arith.constant -332575357 : i32
        %add3A_1481 = vector.broadcast %add3A_1480 : i32 to vector<16xi32>
        %add3A_1482 = arith.addi %add3A_1471, %add3A_1481 : vector<16xi32>
        %add3A_1483 = arith.constant 908003077 : i32
        %add3A_1484 = vector.broadcast %add3A_1483 : i32 to vector<16xi32>
        %add3A_1485 = arith.addi %xor3A_1479, %add3A_1484 : vector<16xi32>
        %xor3A_1486 = arith.xori %add3A_1482, %add3A_1485 : vector<16xi32>
        %shift_right_logical3A_1487 = arith.constant 9 : i32
        %shift_right_logical3A_1488 = vector.broadcast %shift_right_logical3A_1487 : i32 to vector<16xi32>
        %shift_right_logical3A_1489 = arith.shrui %xor3A_1486, %shift_right_logical3A_1488 : vector<16xi32>
        %or3A_1490 = arith.constant 1065353216 : i32
        %or3A_1491 = vector.broadcast %or3A_1490 : i32 to vector<16xi32>
        %or3A_1492 = arith.ori %shift_right_logical3A_1489, %or3A_1491 : vector<16xi32>
        %bitcast_convert_type3A_1493 = tpu.bitcast %or3A_1492 : vector<16xi32> -> vector<16xf32>
        %sub3A_1494 = arith.constant 1.000000e+00 : f32
        %sub3A_1495 = vector.broadcast %sub3A_1494 : f32 to vector<16xf32>
        %sub3A_1496 = arith.subf %bitcast_convert_type3A_1493, %sub3A_1495 : vector<16xf32>
        %mul3A_1497 = arith.constant 1.000000e+00 : f32
        %mul3A_1498 = vector.broadcast %mul3A_1497 : f32 to vector<16xf32>
        %mul3A_1499 = arith.mulf %sub3A_1496, %mul3A_1498 : vector<16xf32>
        %add3A_1500 = arith.constant 1.000000e-10 : f32
        %add3A_1501 = vector.broadcast %add3A_1500 : f32 to vector<16xf32>
        %add3A_1502 = arith.addf %mul3A_1499, %add3A_1501 : vector<16xf32>
        %max3A_1503 = arith.constant 1.000000e-10 : f32
        %max3A_1504 = vector.broadcast %max3A_1503 : f32 to vector<16xf32>
        %max3A_1505 = arith.maximumf %max3A_1504, %add3A_1502 : vector<16xf32>
        %bitcast_convert_type3A_1506 = tpu.bitcast %max3A_1505 : vector<16xf32> -> vector<16xi32>
        %shift_right_logical3A_1507 = arith.constant 23 : i32
        %shift_right_logical3A_1508 = vector.broadcast %shift_right_logical3A_1507 : i32 to vector<16xi32>
        %shift_right_logical3A_1509 = arith.shrui %bitcast_convert_type3A_1506, %shift_right_logical3A_1508 : vector<16xi32>
        %bitcast_convert_type3A_1510 = tpu.bitcast %shift_right_logical3A_1509 : vector<16xi32> -> vector<16xi32>
        %sub3A_1511 = arith.constant 127 : i32
        %sub3A_1512 = vector.broadcast %sub3A_1511 : i32 to vector<16xi32>
        %sub3A_1513 = arith.subi %bitcast_convert_type3A_1510, %sub3A_1512 : vector<16xi32>
        %and3A_1514 = arith.constant 8388607 : i32
        %and3A_1515 = vector.broadcast %and3A_1514 : i32 to vector<16xi32>
        %and3A_1516 = arith.andi %bitcast_convert_type3A_1506, %and3A_1515 : vector<16xi32>
        %or3A_1517 = arith.constant 1065353216 : i32
        %or3A_1518 = vector.broadcast %or3A_1517 : i32 to vector<16xi32>
        %or3A_1519 = arith.ori %and3A_1516, %or3A_1518 : vector<16xi32>
        %bitcast_convert_type3A_1520 = tpu.bitcast %or3A_1519 : vector<16xi32> -> vector<16xf32>
        %sub3A_1521 = arith.constant 1.000000e+00 : f32
        %sub3A_1522 = vector.broadcast %sub3A_1521 : f32 to vector<16xf32>
        %sub3A_1523 = arith.subf %bitcast_convert_type3A_1520, %sub3A_1522 : vector<16xf32>
        %broadcast_in_dim3A_1524 = arith.constant -0.00458208052 : f32
        %broadcast_in_dim3A_1525 = vector.broadcast %broadcast_in_dim3A_1524 : f32 to vector<16xf32>
        %mul3A_1526 = arith.mulf %broadcast_in_dim3A_1525, %sub3A_1523 : vector<16xf32>
        %add3A_1527 = arith.constant 0.0281939134 : f32
        %add3A_1528 = vector.broadcast %add3A_1527 : f32 to vector<16xf32>
        %add3A_1529 = arith.addf %mul3A_1526, %add3A_1528 : vector<16xf32>
        %mul3A_1530 = arith.mulf %add3A_1529, %sub3A_1523 : vector<16xf32>
        %add3A_1531 = arith.constant -0.0813299268 : f32
        %add3A_1532 = vector.broadcast %add3A_1531 : f32 to vector<16xf32>
        %add3A_1533 = arith.addf %mul3A_1530, %add3A_1532 : vector<16xf32>
        %mul3A_1534 = arith.mulf %add3A_1533, %sub3A_1523 : vector<16xf32>
        %add3A_1535 = arith.constant 0.152112335 : f32
        %add3A_1536 = vector.broadcast %add3A_1535 : f32 to vector<16xf32>
        %add3A_1537 = arith.addf %mul3A_1534, %add3A_1536 : vector<16xf32>
        %mul3A_1538 = arith.mulf %add3A_1537, %sub3A_1523 : vector<16xf32>
        %add3A_1539 = arith.constant -0.220294729 : f32
        %add3A_1540 = vector.broadcast %add3A_1539 : f32 to vector<16xf32>
        %add3A_1541 = arith.addf %mul3A_1538, %add3A_1540 : vector<16xf32>
        %mul3A_1542 = arith.mulf %add3A_1541, %sub3A_1523 : vector<16xf32>
        %add3A_1543 = arith.constant 0.283681065 : f32
        %add3A_1544 = vector.broadcast %add3A_1543 : f32 to vector<16xf32>
        %add3A_1545 = arith.addf %mul3A_1542, %add3A_1544 : vector<16xf32>
        %mul3A_1546 = arith.mulf %add3A_1545, %sub3A_1523 : vector<16xf32>
        %add3A_1547 = arith.constant -0.359975725 : f32
        %add3A_1548 = vector.broadcast %add3A_1547 : f32 to vector<16xf32>
        %add3A_1549 = arith.addf %mul3A_1546, %add3A_1548 : vector<16xf32>
        %mul3A_1550 = arith.mulf %add3A_1549, %sub3A_1523 : vector<16xf32>
        %add3A_1551 = arith.constant 0.480846077 : f32
        %add3A_1552 = vector.broadcast %add3A_1551 : f32 to vector<16xf32>
        %add3A_1553 = arith.addf %mul3A_1550, %add3A_1552 : vector<16xf32>
        %mul3A_1554 = arith.mulf %add3A_1553, %sub3A_1523 : vector<16xf32>
        %add3A_1555 = arith.constant -0.721345961 : f32
        %add3A_1556 = vector.broadcast %add3A_1555 : f32 to vector<16xf32>
        %add3A_1557 = arith.addf %mul3A_1554, %add3A_1556 : vector<16xf32>
        %mul3A_1558 = arith.mulf %add3A_1557, %sub3A_1523 : vector<16xf32>
        %add3A_1559 = arith.constant 1.44269502 : f32
        %add3A_1560 = vector.broadcast %add3A_1559 : f32 to vector<16xf32>
        %add3A_1561 = arith.addf %mul3A_1558, %add3A_1560 : vector<16xf32>
        %convert_element_type3A_1562 = arith.sitofp %sub3A_1513 : vector<16xi32> to vector<16xf32>
        %mul3A_1563 = arith.mulf %sub3A_1523, %add3A_1561 : vector<16xf32>
        %add3A_1564 = arith.addf %convert_element_type3A_1562, %mul3A_1563 : vector<16xf32>
        %mul3A_1565 = arith.constant 0.693147182 : f32
        %mul3A_1566 = vector.broadcast %mul3A_1565 : f32 to vector<16xf32>
        %mul3A_1567 = arith.mulf %add3A_1564, %mul3A_1566 : vector<16xf32>
        %neg3A_1568 = arith.constant 0.000000e+00 : f32
        %neg3A_1569 = vector.broadcast %neg3A_1568 : f32 to vector<16xf32>
        %neg3A_1570 = arith.subf %neg3A_1569, %mul3A_1567 : vector<16xf32>
        %add3A_1571 = arith.constant 10000000 : i32
        %add3A_1572 = vector.broadcast %add3A_1571 : i32 to vector<16xi32>
        %add3A_1573 = arith.addi %add3A_1270, %add3A_1572 : vector<16xi32>
        %broadcast_in_dim3A_1574 = arith.constant 908003072 : i32
        %broadcast_in_dim3A_1575 = vector.broadcast %broadcast_in_dim3A_1574 : i32 to vector<16xi32>
        %add3A_1576 = arith.constant -1042067111 : i32
        %add3A_1577 = vector.broadcast %add3A_1576 : i32 to vector<16xi32>
        %add3A_1578 = arith.addi %add3A_1573, %add3A_1577 : vector<16xi32>
        %add3A_1579 = arith.addi %broadcast_in_dim3A_1575, %add3A_1578 : vector<16xi32>
        %shift_left3A_1580 = arith.constant 13 : i32
        %shift_left3A_1581 = vector.broadcast %shift_left3A_1580 : i32 to vector<16xi32>
        %shift_left3A_1582 = arith.shli %add3A_1578, %shift_left3A_1581 : vector<16xi32>
        %shift_right_logical3A_1583 = arith.constant 19 : i32
        %shift_right_logical3A_1584 = vector.broadcast %shift_right_logical3A_1583 : i32 to vector<16xi32>
        %shift_right_logical3A_1585 = arith.shrui %add3A_1578, %shift_right_logical3A_1584 : vector<16xi32>
        %or3A_1586 = arith.ori %shift_left3A_1582, %shift_right_logical3A_1585 : vector<16xi32>
        %xor3A_1587 = arith.xori %add3A_1579, %or3A_1586 : vector<16xi32>
        %add3A_1588 = arith.addi %add3A_1579, %xor3A_1587 : vector<16xi32>
        %shift_left3A_1589 = arith.constant 15 : i32
        %shift_left3A_1590 = vector.broadcast %shift_left3A_1589 : i32 to vector<16xi32>
        %shift_left3A_1591 = arith.shli %xor3A_1587, %shift_left3A_1590 : vector<16xi32>
        %shift_right_logical3A_1592 = arith.constant 17 : i32
        %shift_right_logical3A_1593 = vector.broadcast %shift_right_logical3A_1592 : i32 to vector<16xi32>
        %shift_right_logical3A_1594 = arith.shrui %xor3A_1587, %shift_right_logical3A_1593 : vector<16xi32>
        %or3A_1595 = arith.ori %shift_left3A_1591, %shift_right_logical3A_1594 : vector<16xi32>
        %xor3A_1596 = arith.xori %add3A_1588, %or3A_1595 : vector<16xi32>
        %add3A_1597 = arith.addi %add3A_1588, %xor3A_1596 : vector<16xi32>
        %shift_left3A_1598 = arith.constant 26 : i32
        %shift_left3A_1599 = vector.broadcast %shift_left3A_1598 : i32 to vector<16xi32>
        %shift_left3A_1600 = arith.shli %xor3A_1596, %shift_left3A_1599 : vector<16xi32>
        %shift_right_logical3A_1601 = arith.constant 6 : i32
        %shift_right_logical3A_1602 = vector.broadcast %shift_right_logical3A_1601 : i32 to vector<16xi32>
        %shift_right_logical3A_1603 = arith.shrui %xor3A_1596, %shift_right_logical3A_1602 : vector<16xi32>
        %or3A_1604 = arith.ori %shift_left3A_1600, %shift_right_logical3A_1603 : vector<16xi32>
        %xor3A_1605 = arith.xori %add3A_1597, %or3A_1604 : vector<16xi32>
        %add3A_1606 = arith.addi %add3A_1597, %xor3A_1605 : vector<16xi32>
        %shift_left3A_1607 = arith.constant 6 : i32
        %shift_left3A_1608 = vector.broadcast %shift_left3A_1607 : i32 to vector<16xi32>
        %shift_left3A_1609 = arith.shli %xor3A_1605, %shift_left3A_1608 : vector<16xi32>
        %shift_right_logical3A_1610 = arith.constant 26 : i32
        %shift_right_logical3A_1611 = vector.broadcast %shift_right_logical3A_1610 : i32 to vector<16xi32>
        %shift_right_logical3A_1612 = arith.shrui %xor3A_1605, %shift_right_logical3A_1611 : vector<16xi32>
        %or3A_1613 = arith.ori %shift_left3A_1609, %shift_right_logical3A_1612 : vector<16xi32>
        %xor3A_1614 = arith.xori %add3A_1606, %or3A_1613 : vector<16xi32>
        %add3A_1615 = arith.constant -1042067111 : i32
        %add3A_1616 = vector.broadcast %add3A_1615 : i32 to vector<16xi32>
        %add3A_1617 = arith.addi %add3A_1606, %add3A_1616 : vector<16xi32>
        %add3A_1618 = arith.constant -332575356 : i32
        %add3A_1619 = vector.broadcast %add3A_1618 : i32 to vector<16xi32>
        %add3A_1620 = arith.addi %xor3A_1614, %add3A_1619 : vector<16xi32>
        %add3A_1621 = arith.addi %add3A_1617, %add3A_1620 : vector<16xi32>
        %shift_left3A_1622 = arith.constant 17 : i32
        %shift_left3A_1623 = vector.broadcast %shift_left3A_1622 : i32 to vector<16xi32>
        %shift_left3A_1624 = arith.shli %add3A_1620, %shift_left3A_1623 : vector<16xi32>
        %shift_right_logical3A_1625 = arith.constant 15 : i32
        %shift_right_logical3A_1626 = vector.broadcast %shift_right_logical3A_1625 : i32 to vector<16xi32>
        %shift_right_logical3A_1627 = arith.shrui %add3A_1620, %shift_right_logical3A_1626 : vector<16xi32>
        %or3A_1628 = arith.ori %shift_left3A_1624, %shift_right_logical3A_1627 : vector<16xi32>
        %xor3A_1629 = arith.xori %add3A_1621, %or3A_1628 : vector<16xi32>
        %add3A_1630 = arith.addi %add3A_1621, %xor3A_1629 : vector<16xi32>
        %shift_left3A_1631 = arith.constant 29 : i32
        %shift_left3A_1632 = vector.broadcast %shift_left3A_1631 : i32 to vector<16xi32>
        %shift_left3A_1633 = arith.shli %xor3A_1629, %shift_left3A_1632 : vector<16xi32>
        %shift_right_logical3A_1634 = arith.constant 3 : i32
        %shift_right_logical3A_1635 = vector.broadcast %shift_right_logical3A_1634 : i32 to vector<16xi32>
        %shift_right_logical3A_1636 = arith.shrui %xor3A_1629, %shift_right_logical3A_1635 : vector<16xi32>
        %or3A_1637 = arith.ori %shift_left3A_1633, %shift_right_logical3A_1636 : vector<16xi32>
        %xor3A_1638 = arith.xori %add3A_1630, %or3A_1637 : vector<16xi32>
        %add3A_1639 = arith.addi %add3A_1630, %xor3A_1638 : vector<16xi32>
        %shift_left3A_1640 = arith.constant 16 : i32
        %shift_left3A_1641 = vector.broadcast %shift_left3A_1640 : i32 to vector<16xi32>
        %shift_left3A_1642 = arith.shli %xor3A_1638, %shift_left3A_1641 : vector<16xi32>
        %shift_right_logical3A_1643 = arith.constant 16 : i32
        %shift_right_logical3A_1644 = vector.broadcast %shift_right_logical3A_1643 : i32 to vector<16xi32>
        %shift_right_logical3A_1645 = arith.shrui %xor3A_1638, %shift_right_logical3A_1644 : vector<16xi32>
        %or3A_1646 = arith.ori %shift_left3A_1642, %shift_right_logical3A_1645 : vector<16xi32>
        %xor3A_1647 = arith.xori %add3A_1639, %or3A_1646 : vector<16xi32>
        %add3A_1648 = arith.addi %add3A_1639, %xor3A_1647 : vector<16xi32>
        %shift_left3A_1649 = arith.constant 24 : i32
        %shift_left3A_1650 = vector.broadcast %shift_left3A_1649 : i32 to vector<16xi32>
        %shift_left3A_1651 = arith.shli %xor3A_1647, %shift_left3A_1650 : vector<16xi32>
        %shift_right_logical3A_1652 = arith.constant 8 : i32
        %shift_right_logical3A_1653 = vector.broadcast %shift_right_logical3A_1652 : i32 to vector<16xi32>
        %shift_right_logical3A_1654 = arith.shrui %xor3A_1647, %shift_right_logical3A_1653 : vector<16xi32>
        %or3A_1655 = arith.ori %shift_left3A_1651, %shift_right_logical3A_1654 : vector<16xi32>
        %xor3A_1656 = arith.xori %add3A_1648, %or3A_1655 : vector<16xi32>
        %add3A_1657 = arith.constant -332575357 : i32
        %add3A_1658 = vector.broadcast %add3A_1657 : i32 to vector<16xi32>
        %add3A_1659 = arith.addi %add3A_1648, %add3A_1658 : vector<16xi32>
        %add3A_1660 = arith.constant 908003074 : i32
        %add3A_1661 = vector.broadcast %add3A_1660 : i32 to vector<16xi32>
        %add3A_1662 = arith.addi %xor3A_1656, %add3A_1661 : vector<16xi32>
        %add3A_1663 = arith.addi %add3A_1659, %add3A_1662 : vector<16xi32>
        %shift_left3A_1664 = arith.constant 13 : i32
        %shift_left3A_1665 = vector.broadcast %shift_left3A_1664 : i32 to vector<16xi32>
        %shift_left3A_1666 = arith.shli %add3A_1662, %shift_left3A_1665 : vector<16xi32>
        %shift_right_logical3A_1667 = arith.constant 19 : i32
        %shift_right_logical3A_1668 = vector.broadcast %shift_right_logical3A_1667 : i32 to vector<16xi32>
        %shift_right_logical3A_1669 = arith.shrui %add3A_1662, %shift_right_logical3A_1668 : vector<16xi32>
        %or3A_1670 = arith.ori %shift_left3A_1666, %shift_right_logical3A_1669 : vector<16xi32>
        %xor3A_1671 = arith.xori %add3A_1663, %or3A_1670 : vector<16xi32>
        %add3A_1672 = arith.addi %add3A_1663, %xor3A_1671 : vector<16xi32>
        %shift_left3A_1673 = arith.constant 15 : i32
        %shift_left3A_1674 = vector.broadcast %shift_left3A_1673 : i32 to vector<16xi32>
        %shift_left3A_1675 = arith.shli %xor3A_1671, %shift_left3A_1674 : vector<16xi32>
        %shift_right_logical3A_1676 = arith.constant 17 : i32
        %shift_right_logical3A_1677 = vector.broadcast %shift_right_logical3A_1676 : i32 to vector<16xi32>
        %shift_right_logical3A_1678 = arith.shrui %xor3A_1671, %shift_right_logical3A_1677 : vector<16xi32>
        %or3A_1679 = arith.ori %shift_left3A_1675, %shift_right_logical3A_1678 : vector<16xi32>
        %xor3A_1680 = arith.xori %add3A_1672, %or3A_1679 : vector<16xi32>
        %add3A_1681 = arith.addi %add3A_1672, %xor3A_1680 : vector<16xi32>
        %shift_left3A_1682 = arith.constant 26 : i32
        %shift_left3A_1683 = vector.broadcast %shift_left3A_1682 : i32 to vector<16xi32>
        %shift_left3A_1684 = arith.shli %xor3A_1680, %shift_left3A_1683 : vector<16xi32>
        %shift_right_logical3A_1685 = arith.constant 6 : i32
        %shift_right_logical3A_1686 = vector.broadcast %shift_right_logical3A_1685 : i32 to vector<16xi32>
        %shift_right_logical3A_1687 = arith.shrui %xor3A_1680, %shift_right_logical3A_1686 : vector<16xi32>
        %or3A_1688 = arith.ori %shift_left3A_1684, %shift_right_logical3A_1687 : vector<16xi32>
        %xor3A_1689 = arith.xori %add3A_1681, %or3A_1688 : vector<16xi32>
        %add3A_1690 = arith.addi %add3A_1681, %xor3A_1689 : vector<16xi32>
        %shift_left3A_1691 = arith.constant 6 : i32
        %shift_left3A_1692 = vector.broadcast %shift_left3A_1691 : i32 to vector<16xi32>
        %shift_left3A_1693 = arith.shli %xor3A_1689, %shift_left3A_1692 : vector<16xi32>
        %shift_right_logical3A_1694 = arith.constant 26 : i32
        %shift_right_logical3A_1695 = vector.broadcast %shift_right_logical3A_1694 : i32 to vector<16xi32>
        %shift_right_logical3A_1696 = arith.shrui %xor3A_1689, %shift_right_logical3A_1695 : vector<16xi32>
        %or3A_1697 = arith.ori %shift_left3A_1693, %shift_right_logical3A_1696 : vector<16xi32>
        %xor3A_1698 = arith.xori %add3A_1690, %or3A_1697 : vector<16xi32>
        %add3A_1699 = arith.constant 908003072 : i32
        %add3A_1700 = vector.broadcast %add3A_1699 : i32 to vector<16xi32>
        %add3A_1701 = arith.addi %add3A_1690, %add3A_1700 : vector<16xi32>
        %add3A_1702 = arith.constant -1042067108 : i32
        %add3A_1703 = vector.broadcast %add3A_1702 : i32 to vector<16xi32>
        %add3A_1704 = arith.addi %xor3A_1698, %add3A_1703 : vector<16xi32>
        %add3A_1705 = arith.addi %add3A_1701, %add3A_1704 : vector<16xi32>
        %shift_left3A_1706 = arith.constant 17 : i32
        %shift_left3A_1707 = vector.broadcast %shift_left3A_1706 : i32 to vector<16xi32>
        %shift_left3A_1708 = arith.shli %add3A_1704, %shift_left3A_1707 : vector<16xi32>
        %shift_right_logical3A_1709 = arith.constant 15 : i32
        %shift_right_logical3A_1710 = vector.broadcast %shift_right_logical3A_1709 : i32 to vector<16xi32>
        %shift_right_logical3A_1711 = arith.shrui %add3A_1704, %shift_right_logical3A_1710 : vector<16xi32>
        %or3A_1712 = arith.ori %shift_left3A_1708, %shift_right_logical3A_1711 : vector<16xi32>
        %xor3A_1713 = arith.xori %add3A_1705, %or3A_1712 : vector<16xi32>
        %add3A_1714 = arith.addi %add3A_1705, %xor3A_1713 : vector<16xi32>
        %shift_left3A_1715 = arith.constant 29 : i32
        %shift_left3A_1716 = vector.broadcast %shift_left3A_1715 : i32 to vector<16xi32>
        %shift_left3A_1717 = arith.shli %xor3A_1713, %shift_left3A_1716 : vector<16xi32>
        %shift_right_logical3A_1718 = arith.constant 3 : i32
        %shift_right_logical3A_1719 = vector.broadcast %shift_right_logical3A_1718 : i32 to vector<16xi32>
        %shift_right_logical3A_1720 = arith.shrui %xor3A_1713, %shift_right_logical3A_1719 : vector<16xi32>
        %or3A_1721 = arith.ori %shift_left3A_1717, %shift_right_logical3A_1720 : vector<16xi32>
        %xor3A_1722 = arith.xori %add3A_1714, %or3A_1721 : vector<16xi32>
        %add3A_1723 = arith.addi %add3A_1714, %xor3A_1722 : vector<16xi32>
        %shift_left3A_1724 = arith.constant 16 : i32
        %shift_left3A_1725 = vector.broadcast %shift_left3A_1724 : i32 to vector<16xi32>
        %shift_left3A_1726 = arith.shli %xor3A_1722, %shift_left3A_1725 : vector<16xi32>
        %shift_right_logical3A_1727 = arith.constant 16 : i32
        %shift_right_logical3A_1728 = vector.broadcast %shift_right_logical3A_1727 : i32 to vector<16xi32>
        %shift_right_logical3A_1729 = arith.shrui %xor3A_1722, %shift_right_logical3A_1728 : vector<16xi32>
        %or3A_1730 = arith.ori %shift_left3A_1726, %shift_right_logical3A_1729 : vector<16xi32>
        %xor3A_1731 = arith.xori %add3A_1723, %or3A_1730 : vector<16xi32>
        %add3A_1732 = arith.addi %add3A_1723, %xor3A_1731 : vector<16xi32>
        %shift_left3A_1733 = arith.constant 24 : i32
        %shift_left3A_1734 = vector.broadcast %shift_left3A_1733 : i32 to vector<16xi32>
        %shift_left3A_1735 = arith.shli %xor3A_1731, %shift_left3A_1734 : vector<16xi32>
        %shift_right_logical3A_1736 = arith.constant 8 : i32
        %shift_right_logical3A_1737 = vector.broadcast %shift_right_logical3A_1736 : i32 to vector<16xi32>
        %shift_right_logical3A_1738 = arith.shrui %xor3A_1731, %shift_right_logical3A_1737 : vector<16xi32>
        %or3A_1739 = arith.ori %shift_left3A_1735, %shift_right_logical3A_1738 : vector<16xi32>
        %xor3A_1740 = arith.xori %add3A_1732, %or3A_1739 : vector<16xi32>
        %add3A_1741 = arith.constant -1042067111 : i32
        %add3A_1742 = vector.broadcast %add3A_1741 : i32 to vector<16xi32>
        %add3A_1743 = arith.addi %add3A_1732, %add3A_1742 : vector<16xi32>
        %add3A_1744 = arith.constant -332575353 : i32
        %add3A_1745 = vector.broadcast %add3A_1744 : i32 to vector<16xi32>
        %add3A_1746 = arith.addi %xor3A_1740, %add3A_1745 : vector<16xi32>
        %add3A_1747 = arith.addi %add3A_1743, %add3A_1746 : vector<16xi32>
        %shift_left3A_1748 = arith.constant 13 : i32
        %shift_left3A_1749 = vector.broadcast %shift_left3A_1748 : i32 to vector<16xi32>
        %shift_left3A_1750 = arith.shli %add3A_1746, %shift_left3A_1749 : vector<16xi32>
        %shift_right_logical3A_1751 = arith.constant 19 : i32
        %shift_right_logical3A_1752 = vector.broadcast %shift_right_logical3A_1751 : i32 to vector<16xi32>
        %shift_right_logical3A_1753 = arith.shrui %add3A_1746, %shift_right_logical3A_1752 : vector<16xi32>
        %or3A_1754 = arith.ori %shift_left3A_1750, %shift_right_logical3A_1753 : vector<16xi32>
        %xor3A_1755 = arith.xori %add3A_1747, %or3A_1754 : vector<16xi32>
        %add3A_1756 = arith.addi %add3A_1747, %xor3A_1755 : vector<16xi32>
        %shift_left3A_1757 = arith.constant 15 : i32
        %shift_left3A_1758 = vector.broadcast %shift_left3A_1757 : i32 to vector<16xi32>
        %shift_left3A_1759 = arith.shli %xor3A_1755, %shift_left3A_1758 : vector<16xi32>
        %shift_right_logical3A_1760 = arith.constant 17 : i32
        %shift_right_logical3A_1761 = vector.broadcast %shift_right_logical3A_1760 : i32 to vector<16xi32>
        %shift_right_logical3A_1762 = arith.shrui %xor3A_1755, %shift_right_logical3A_1761 : vector<16xi32>
        %or3A_1763 = arith.ori %shift_left3A_1759, %shift_right_logical3A_1762 : vector<16xi32>
        %xor3A_1764 = arith.xori %add3A_1756, %or3A_1763 : vector<16xi32>
        %add3A_1765 = arith.addi %add3A_1756, %xor3A_1764 : vector<16xi32>
        %shift_left3A_1766 = arith.constant 26 : i32
        %shift_left3A_1767 = vector.broadcast %shift_left3A_1766 : i32 to vector<16xi32>
        %shift_left3A_1768 = arith.shli %xor3A_1764, %shift_left3A_1767 : vector<16xi32>
        %shift_right_logical3A_1769 = arith.constant 6 : i32
        %shift_right_logical3A_1770 = vector.broadcast %shift_right_logical3A_1769 : i32 to vector<16xi32>
        %shift_right_logical3A_1771 = arith.shrui %xor3A_1764, %shift_right_logical3A_1770 : vector<16xi32>
        %or3A_1772 = arith.ori %shift_left3A_1768, %shift_right_logical3A_1771 : vector<16xi32>
        %xor3A_1773 = arith.xori %add3A_1765, %or3A_1772 : vector<16xi32>
        %add3A_1774 = arith.addi %add3A_1765, %xor3A_1773 : vector<16xi32>
        %shift_left3A_1775 = arith.constant 6 : i32
        %shift_left3A_1776 = vector.broadcast %shift_left3A_1775 : i32 to vector<16xi32>
        %shift_left3A_1777 = arith.shli %xor3A_1773, %shift_left3A_1776 : vector<16xi32>
        %shift_right_logical3A_1778 = arith.constant 26 : i32
        %shift_right_logical3A_1779 = vector.broadcast %shift_right_logical3A_1778 : i32 to vector<16xi32>
        %shift_right_logical3A_1780 = arith.shrui %xor3A_1773, %shift_right_logical3A_1779 : vector<16xi32>
        %or3A_1781 = arith.ori %shift_left3A_1777, %shift_right_logical3A_1780 : vector<16xi32>
        %xor3A_1782 = arith.xori %add3A_1774, %or3A_1781 : vector<16xi32>
        %add3A_1783 = arith.constant -332575357 : i32
        %add3A_1784 = vector.broadcast %add3A_1783 : i32 to vector<16xi32>
        %add3A_1785 = arith.addi %add3A_1774, %add3A_1784 : vector<16xi32>
        %add3A_1786 = arith.constant 908003077 : i32
        %add3A_1787 = vector.broadcast %add3A_1786 : i32 to vector<16xi32>
        %add3A_1788 = arith.addi %xor3A_1782, %add3A_1787 : vector<16xi32>
        %xor3A_1789 = arith.xori %add3A_1785, %add3A_1788 : vector<16xi32>
        %shift_right_logical3A_1790 = arith.constant 9 : i32
        %shift_right_logical3A_1791 = vector.broadcast %shift_right_logical3A_1790 : i32 to vector<16xi32>
        %shift_right_logical3A_1792 = arith.shrui %xor3A_1789, %shift_right_logical3A_1791 : vector<16xi32>
        %or3A_1793 = arith.constant 1065353216 : i32
        %or3A_1794 = vector.broadcast %or3A_1793 : i32 to vector<16xi32>
        %or3A_1795 = arith.ori %shift_right_logical3A_1792, %or3A_1794 : vector<16xi32>
        %bitcast_convert_type3A_1796 = tpu.bitcast %or3A_1795 : vector<16xi32> -> vector<16xf32>
        %sub3A_1797 = arith.constant 1.000000e+00 : f32
        %sub3A_1798 = vector.broadcast %sub3A_1797 : f32 to vector<16xf32>
        %sub3A_1799 = arith.subf %bitcast_convert_type3A_1796, %sub3A_1798 : vector<16xf32>
        %mul3A_1800 = arith.constant 1.000000e+00 : f32
        %mul3A_1801 = vector.broadcast %mul3A_1800 : f32 to vector<16xf32>
        %mul3A_1802 = arith.mulf %sub3A_1799, %mul3A_1801 : vector<16xf32>
        %add3A_1803 = arith.constant 1.000000e-10 : f32
        %add3A_1804 = vector.broadcast %add3A_1803 : f32 to vector<16xf32>
        %add3A_1805 = arith.addf %mul3A_1802, %add3A_1804 : vector<16xf32>
        %max3A_1806 = arith.constant 1.000000e-10 : f32
        %max3A_1807 = vector.broadcast %max3A_1806 : f32 to vector<16xf32>
        %max3A_1808 = arith.maximumf %max3A_1807, %add3A_1805 : vector<16xf32>
        %bitcast_convert_type3A_1809 = tpu.bitcast %max3A_1808 : vector<16xf32> -> vector<16xi32>
        %shift_right_logical3A_1810 = arith.constant 23 : i32
        %shift_right_logical3A_1811 = vector.broadcast %shift_right_logical3A_1810 : i32 to vector<16xi32>
        %shift_right_logical3A_1812 = arith.shrui %bitcast_convert_type3A_1809, %shift_right_logical3A_1811 : vector<16xi32>
        %bitcast_convert_type3A_1813 = tpu.bitcast %shift_right_logical3A_1812 : vector<16xi32> -> vector<16xi32>
        %sub3A_1814 = arith.constant 127 : i32
        %sub3A_1815 = vector.broadcast %sub3A_1814 : i32 to vector<16xi32>
        %sub3A_1816 = arith.subi %bitcast_convert_type3A_1813, %sub3A_1815 : vector<16xi32>
        %and3A_1817 = arith.constant 8388607 : i32
        %and3A_1818 = vector.broadcast %and3A_1817 : i32 to vector<16xi32>
        %and3A_1819 = arith.andi %bitcast_convert_type3A_1809, %and3A_1818 : vector<16xi32>
        %or3A_1820 = arith.constant 1065353216 : i32
        %or3A_1821 = vector.broadcast %or3A_1820 : i32 to vector<16xi32>
        %or3A_1822 = arith.ori %and3A_1819, %or3A_1821 : vector<16xi32>
        %bitcast_convert_type3A_1823 = tpu.bitcast %or3A_1822 : vector<16xi32> -> vector<16xf32>
        %sub3A_1824 = arith.constant 1.000000e+00 : f32
        %sub3A_1825 = vector.broadcast %sub3A_1824 : f32 to vector<16xf32>
        %sub3A_1826 = arith.subf %bitcast_convert_type3A_1823, %sub3A_1825 : vector<16xf32>
        %broadcast_in_dim3A_1827 = arith.constant -0.00458208052 : f32
        %broadcast_in_dim3A_1828 = vector.broadcast %broadcast_in_dim3A_1827 : f32 to vector<16xf32>
        %mul3A_1829 = arith.mulf %broadcast_in_dim3A_1828, %sub3A_1826 : vector<16xf32>
        %add3A_1830 = arith.constant 0.0281939134 : f32
        %add3A_1831 = vector.broadcast %add3A_1830 : f32 to vector<16xf32>
        %add3A_1832 = arith.addf %mul3A_1829, %add3A_1831 : vector<16xf32>
        %mul3A_1833 = arith.mulf %add3A_1832, %sub3A_1826 : vector<16xf32>
        %add3A_1834 = arith.constant -0.0813299268 : f32
        %add3A_1835 = vector.broadcast %add3A_1834 : f32 to vector<16xf32>
        %add3A_1836 = arith.addf %mul3A_1833, %add3A_1835 : vector<16xf32>
        %mul3A_1837 = arith.mulf %add3A_1836, %sub3A_1826 : vector<16xf32>
        %add3A_1838 = arith.constant 0.152112335 : f32
        %add3A_1839 = vector.broadcast %add3A_1838 : f32 to vector<16xf32>
        %add3A_1840 = arith.addf %mul3A_1837, %add3A_1839 : vector<16xf32>
        %mul3A_1841 = arith.mulf %add3A_1840, %sub3A_1826 : vector<16xf32>
        %add3A_1842 = arith.constant -0.220294729 : f32
        %add3A_1843 = vector.broadcast %add3A_1842 : f32 to vector<16xf32>
        %add3A_1844 = arith.addf %mul3A_1841, %add3A_1843 : vector<16xf32>
        %mul3A_1845 = arith.mulf %add3A_1844, %sub3A_1826 : vector<16xf32>
        %add3A_1846 = arith.constant 0.283681065 : f32
        %add3A_1847 = vector.broadcast %add3A_1846 : f32 to vector<16xf32>
        %add3A_1848 = arith.addf %mul3A_1845, %add3A_1847 : vector<16xf32>
        %mul3A_1849 = arith.mulf %add3A_1848, %sub3A_1826 : vector<16xf32>
        %add3A_1850 = arith.constant -0.359975725 : f32
        %add3A_1851 = vector.broadcast %add3A_1850 : f32 to vector<16xf32>
        %add3A_1852 = arith.addf %mul3A_1849, %add3A_1851 : vector<16xf32>
        %mul3A_1853 = arith.mulf %add3A_1852, %sub3A_1826 : vector<16xf32>
        %add3A_1854 = arith.constant 0.480846077 : f32
        %add3A_1855 = vector.broadcast %add3A_1854 : f32 to vector<16xf32>
        %add3A_1856 = arith.addf %mul3A_1853, %add3A_1855 : vector<16xf32>
        %mul3A_1857 = arith.mulf %add3A_1856, %sub3A_1826 : vector<16xf32>
        %add3A_1858 = arith.constant -0.721345961 : f32
        %add3A_1859 = vector.broadcast %add3A_1858 : f32 to vector<16xf32>
        %add3A_1860 = arith.addf %mul3A_1857, %add3A_1859 : vector<16xf32>
        %mul3A_1861 = arith.mulf %add3A_1860, %sub3A_1826 : vector<16xf32>
        %add3A_1862 = arith.constant 1.44269502 : f32
        %add3A_1863 = vector.broadcast %add3A_1862 : f32 to vector<16xf32>
        %add3A_1864 = arith.addf %mul3A_1861, %add3A_1863 : vector<16xf32>
        %convert_element_type3A_1865 = arith.sitofp %sub3A_1816 : vector<16xi32> to vector<16xf32>
        %mul3A_1866 = arith.mulf %sub3A_1826, %add3A_1864 : vector<16xf32>
        %add3A_1867 = arith.addf %convert_element_type3A_1865, %mul3A_1866 : vector<16xf32>
        %mul3A_1868 = arith.constant 0.693147182 : f32
        %mul3A_1869 = vector.broadcast %mul3A_1868 : f32 to vector<16xf32>
        %mul3A_1870 = arith.mulf %add3A_1867, %mul3A_1869 : vector<16xf32>
        %neg3A_1871 = arith.constant 0.000000e+00 : f32
        %neg3A_1872 = vector.broadcast %neg3A_1871 : f32 to vector<16xf32>
        %neg3A_1873 = arith.subf %neg3A_1872, %mul3A_1870 : vector<16xf32>
        %get3A_1874 = arith.index_cast %add3A_1265 : i32 to index
        %get3A_1875 = tpu.vector_load %arg4[%get3A_1874] {strides = array<i32>} : memref<8448xf32, #tpu.memory_space<vmem>>, vector<16xf32>,
        %get3A_1876 = vector.shape_cast %get3A_1875 : vector<16xf32> to vector<16xf32>
        %sub3A_1877 = arith.constant 1.000000e+00 : f32
        %sub3A_1878 = vector.broadcast %sub3A_1877 : f32 to vector<16xf32>
        %sub3A_1879 = arith.subf %sub3A_1878, %get3A_1876 : vector<16xf32>
        %mul3A_1880 = arith.mulf %sub3A_1879, %neg3A_1570 : vector<16xf32>
        %mul3A_1881 = arith.mulf %get3A_1876, %neg3A_1873 : vector<16xf32>
        %gt3A_1882 = arith.cmpf ogt, %mul3A_1880, %mul3A_1881 : vector<16xf32>
        %jit3A_1883 = arith.constant 1.000000e+00 : f32
        %jit3A_1884 = arith.constant 0.000000e+00 : f32
        %broadcast_in_dim3A_1885 = vector.broadcast %jit3A_1883 : f32 to vector<16xf32>
        %broadcast_in_dim3A_1886 = vector.broadcast %jit3A_1884 : f32 to vector<16xf32>
        %select_n3A_1887 = arith.select %gt3A_1882, %broadcast_in_dim3A_1885, %broadcast_in_dim3A_1886 : vector<16xi1>, vector<16xf32>
        %swap3A_1888 = arith.index_cast %add3A_1265 : i32 to index
        %swap3A_1889 = tpu.vector_load %arg5[%swap3A_1888] {strides = array<i32>} : memref<8448xf32, #tpu.memory_space<vmem>>, vector<16xf32>,
        %swap3A_1890 = vector.shape_cast %swap3A_1889 : vector<16xf32> to vector<16xf32>
        %swap3A_1891 = vector.shape_cast %select_n3A_1887 : vector<16xf32> to vector<16xf32>
        tpu.vector_store %arg5[%swap3A_1888], %swap3A_1891 {strides = array<i32>} : memref<8448xf32, #tpu.memory_space<vmem>>, vector<16xf32>,
        %add3A_1892 = arith.constant 48 : i32
        %add3A_1893 = arith.addi %mul3A_22, %add3A_1892 : i32
        %add3A_1894 = arith.constant 7837312 : i32
        %add3A_1895 = arith.addi %add3A_1894, %add3A_11 : i32
        %add3A_1896 = arith.addi %add3A_1895, %add3A_1893 : i32
        %add3A_1897 = vector.broadcast %add3A_1896 : i32 to vector<16xi32>
        %add3A_1898 = arith.addi %bitcast_convert_type3A, %add3A_1897 : vector<16xi32>
        %broadcast_in_dim3A_1899 = arith.constant 908003072 : i32
        %broadcast_in_dim3A_1900 = vector.broadcast %broadcast_in_dim3A_1899 : i32 to vector<16xi32>
        %add3A_1901 = arith.constant -1042067111 : i32
        %add3A_1902 = vector.broadcast %add3A_1901 : i32 to vector<16xi32>
        %add3A_1903 = arith.addi %add3A_1898, %add3A_1902 : vector<16xi32>
        %add3A_1904 = arith.addi %broadcast_in_dim3A_1900, %add3A_1903 : vector<16xi32>
        %shift_left3A_1905 = arith.constant 13 : i32
        %shift_left3A_1906 = vector.broadcast %shift_left3A_1905 : i32 to vector<16xi32>
        %shift_left3A_1907 = arith.shli %add3A_1903, %shift_left3A_1906 : vector<16xi32>
        %shift_right_logical3A_1908 = arith.constant 19 : i32
        %shift_right_logical3A_1909 = vector.broadcast %shift_right_logical3A_1908 : i32 to vector<16xi32>
        %shift_right_logical3A_1910 = arith.shrui %add3A_1903, %shift_right_logical3A_1909 : vector<16xi32>
        %or3A_1911 = arith.ori %shift_left3A_1907, %shift_right_logical3A_1910 : vector<16xi32>
        %xor3A_1912 = arith.xori %add3A_1904, %or3A_1911 : vector<16xi32>
        %add3A_1913 = arith.addi %add3A_1904, %xor3A_1912 : vector<16xi32>
        %shift_left3A_1914 = arith.constant 15 : i32
        %shift_left3A_1915 = vector.broadcast %shift_left3A_1914 : i32 to vector<16xi32>
        %shift_left3A_1916 = arith.shli %xor3A_1912, %shift_left3A_1915 : vector<16xi32>
        %shift_right_logical3A_1917 = arith.constant 17 : i32
        %shift_right_logical3A_1918 = vector.broadcast %shift_right_logical3A_1917 : i32 to vector<16xi32>
        %shift_right_logical3A_1919 = arith.shrui %xor3A_1912, %shift_right_logical3A_1918 : vector<16xi32>
        %or3A_1920 = arith.ori %shift_left3A_1916, %shift_right_logical3A_1919 : vector<16xi32>
        %xor3A_1921 = arith.xori %add3A_1913, %or3A_1920 : vector<16xi32>
        %add3A_1922 = arith.addi %add3A_1913, %xor3A_1921 : vector<16xi32>
        %shift_left3A_1923 = arith.constant 26 : i32
        %shift_left3A_1924 = vector.broadcast %shift_left3A_1923 : i32 to vector<16xi32>
        %shift_left3A_1925 = arith.shli %xor3A_1921, %shift_left3A_1924 : vector<16xi32>
        %shift_right_logical3A_1926 = arith.constant 6 : i32
        %shift_right_logical3A_1927 = vector.broadcast %shift_right_logical3A_1926 : i32 to vector<16xi32>
        %shift_right_logical3A_1928 = arith.shrui %xor3A_1921, %shift_right_logical3A_1927 : vector<16xi32>
        %or3A_1929 = arith.ori %shift_left3A_1925, %shift_right_logical3A_1928 : vector<16xi32>
        %xor3A_1930 = arith.xori %add3A_1922, %or3A_1929 : vector<16xi32>
        %add3A_1931 = arith.addi %add3A_1922, %xor3A_1930 : vector<16xi32>
        %shift_left3A_1932 = arith.constant 6 : i32
        %shift_left3A_1933 = vector.broadcast %shift_left3A_1932 : i32 to vector<16xi32>
        %shift_left3A_1934 = arith.shli %xor3A_1930, %shift_left3A_1933 : vector<16xi32>
        %shift_right_logical3A_1935 = arith.constant 26 : i32
        %shift_right_logical3A_1936 = vector.broadcast %shift_right_logical3A_1935 : i32 to vector<16xi32>
        %shift_right_logical3A_1937 = arith.shrui %xor3A_1930, %shift_right_logical3A_1936 : vector<16xi32>
        %or3A_1938 = arith.ori %shift_left3A_1934, %shift_right_logical3A_1937 : vector<16xi32>
        %xor3A_1939 = arith.xori %add3A_1931, %or3A_1938 : vector<16xi32>
        %add3A_1940 = arith.constant -1042067111 : i32
        %add3A_1941 = vector.broadcast %add3A_1940 : i32 to vector<16xi32>
        %add3A_1942 = arith.addi %add3A_1931, %add3A_1941 : vector<16xi32>
        %add3A_1943 = arith.constant -332575356 : i32
        %add3A_1944 = vector.broadcast %add3A_1943 : i32 to vector<16xi32>
        %add3A_1945 = arith.addi %xor3A_1939, %add3A_1944 : vector<16xi32>
        %add3A_1946 = arith.addi %add3A_1942, %add3A_1945 : vector<16xi32>
        %shift_left3A_1947 = arith.constant 17 : i32
        %shift_left3A_1948 = vector.broadcast %shift_left3A_1947 : i32 to vector<16xi32>
        %shift_left3A_1949 = arith.shli %add3A_1945, %shift_left3A_1948 : vector<16xi32>
        %shift_right_logical3A_1950 = arith.constant 15 : i32
        %shift_right_logical3A_1951 = vector.broadcast %shift_right_logical3A_1950 : i32 to vector<16xi32>
        %shift_right_logical3A_1952 = arith.shrui %add3A_1945, %shift_right_logical3A_1951 : vector<16xi32>
        %or3A_1953 = arith.ori %shift_left3A_1949, %shift_right_logical3A_1952 : vector<16xi32>
        %xor3A_1954 = arith.xori %add3A_1946, %or3A_1953 : vector<16xi32>
        %add3A_1955 = arith.addi %add3A_1946, %xor3A_1954 : vector<16xi32>
        %shift_left3A_1956 = arith.constant 29 : i32
        %shift_left3A_1957 = vector.broadcast %shift_left3A_1956 : i32 to vector<16xi32>
        %shift_left3A_1958 = arith.shli %xor3A_1954, %shift_left3A_1957 : vector<16xi32>
        %shift_right_logical3A_1959 = arith.constant 3 : i32
        %shift_right_logical3A_1960 = vector.broadcast %shift_right_logical3A_1959 : i32 to vector<16xi32>
        %shift_right_logical3A_1961 = arith.shrui %xor3A_1954, %shift_right_logical3A_1960 : vector<16xi32>
        %or3A_1962 = arith.ori %shift_left3A_1958, %shift_right_logical3A_1961 : vector<16xi32>
        %xor3A_1963 = arith.xori %add3A_1955, %or3A_1962 : vector<16xi32>
        %add3A_1964 = arith.addi %add3A_1955, %xor3A_1963 : vector<16xi32>
        %shift_left3A_1965 = arith.constant 16 : i32
        %shift_left3A_1966 = vector.broadcast %shift_left3A_1965 : i32 to vector<16xi32>
        %shift_left3A_1967 = arith.shli %xor3A_1963, %shift_left3A_1966 : vector<16xi32>
        %shift_right_logical3A_1968 = arith.constant 16 : i32
        %shift_right_logical3A_1969 = vector.broadcast %shift_right_logical3A_1968 : i32 to vector<16xi32>
        %shift_right_logical3A_1970 = arith.shrui %xor3A_1963, %shift_right_logical3A_1969 : vector<16xi32>
        %or3A_1971 = arith.ori %shift_left3A_1967, %shift_right_logical3A_1970 : vector<16xi32>
        %xor3A_1972 = arith.xori %add3A_1964, %or3A_1971 : vector<16xi32>
        %add3A_1973 = arith.addi %add3A_1964, %xor3A_1972 : vector<16xi32>
        %shift_left3A_1974 = arith.constant 24 : i32
        %shift_left3A_1975 = vector.broadcast %shift_left3A_1974 : i32 to vector<16xi32>
        %shift_left3A_1976 = arith.shli %xor3A_1972, %shift_left3A_1975 : vector<16xi32>
        %shift_right_logical3A_1977 = arith.constant 8 : i32
        %shift_right_logical3A_1978 = vector.broadcast %shift_right_logical3A_1977 : i32 to vector<16xi32>
        %shift_right_logical3A_1979 = arith.shrui %xor3A_1972, %shift_right_logical3A_1978 : vector<16xi32>
        %or3A_1980 = arith.ori %shift_left3A_1976, %shift_right_logical3A_1979 : vector<16xi32>
        %xor3A_1981 = arith.xori %add3A_1973, %or3A_1980 : vector<16xi32>
        %add3A_1982 = arith.constant -332575357 : i32
        %add3A_1983 = vector.broadcast %add3A_1982 : i32 to vector<16xi32>
        %add3A_1984 = arith.addi %add3A_1973, %add3A_1983 : vector<16xi32>
        %add3A_1985 = arith.constant 908003074 : i32
        %add3A_1986 = vector.broadcast %add3A_1985 : i32 to vector<16xi32>
        %add3A_1987 = arith.addi %xor3A_1981, %add3A_1986 : vector<16xi32>
        %add3A_1988 = arith.addi %add3A_1984, %add3A_1987 : vector<16xi32>
        %shift_left3A_1989 = arith.constant 13 : i32
        %shift_left3A_1990 = vector.broadcast %shift_left3A_1989 : i32 to vector<16xi32>
        %shift_left3A_1991 = arith.shli %add3A_1987, %shift_left3A_1990 : vector<16xi32>
        %shift_right_logical3A_1992 = arith.constant 19 : i32
        %shift_right_logical3A_1993 = vector.broadcast %shift_right_logical3A_1992 : i32 to vector<16xi32>
        %shift_right_logical3A_1994 = arith.shrui %add3A_1987, %shift_right_logical3A_1993 : vector<16xi32>
        %or3A_1995 = arith.ori %shift_left3A_1991, %shift_right_logical3A_1994 : vector<16xi32>
        %xor3A_1996 = arith.xori %add3A_1988, %or3A_1995 : vector<16xi32>
        %add3A_1997 = arith.addi %add3A_1988, %xor3A_1996 : vector<16xi32>
        %shift_left3A_1998 = arith.constant 15 : i32
        %shift_left3A_1999 = vector.broadcast %shift_left3A_1998 : i32 to vector<16xi32>
        %shift_left3A_2000 = arith.shli %xor3A_1996, %shift_left3A_1999 : vector<16xi32>
        %shift_right_logical3A_2001 = arith.constant 17 : i32
        %shift_right_logical3A_2002 = vector.broadcast %shift_right_logical3A_2001 : i32 to vector<16xi32>
        %shift_right_logical3A_2003 = arith.shrui %xor3A_1996, %shift_right_logical3A_2002 : vector<16xi32>
        %or3A_2004 = arith.ori %shift_left3A_2000, %shift_right_logical3A_2003 : vector<16xi32>
        %xor3A_2005 = arith.xori %add3A_1997, %or3A_2004 : vector<16xi32>
        %add3A_2006 = arith.addi %add3A_1997, %xor3A_2005 : vector<16xi32>
        %shift_left3A_2007 = arith.constant 26 : i32
        %shift_left3A_2008 = vector.broadcast %shift_left3A_2007 : i32 to vector<16xi32>
        %shift_left3A_2009 = arith.shli %xor3A_2005, %shift_left3A_2008 : vector<16xi32>
        %shift_right_logical3A_2010 = arith.constant 6 : i32
        %shift_right_logical3A_2011 = vector.broadcast %shift_right_logical3A_2010 : i32 to vector<16xi32>
        %shift_right_logical3A_2012 = arith.shrui %xor3A_2005, %shift_right_logical3A_2011 : vector<16xi32>
        %or3A_2013 = arith.ori %shift_left3A_2009, %shift_right_logical3A_2012 : vector<16xi32>
        %xor3A_2014 = arith.xori %add3A_2006, %or3A_2013 : vector<16xi32>
        %add3A_2015 = arith.addi %add3A_2006, %xor3A_2014 : vector<16xi32>
        %shift_left3A_2016 = arith.constant 6 : i32
        %shift_left3A_2017 = vector.broadcast %shift_left3A_2016 : i32 to vector<16xi32>
        %shift_left3A_2018 = arith.shli %xor3A_2014, %shift_left3A_2017 : vector<16xi32>
        %shift_right_logical3A_2019 = arith.constant 26 : i32
        %shift_right_logical3A_2020 = vector.broadcast %shift_right_logical3A_2019 : i32 to vector<16xi32>
        %shift_right_logical3A_2021 = arith.shrui %xor3A_2014, %shift_right_logical3A_2020 : vector<16xi32>
        %or3A_2022 = arith.ori %shift_left3A_2018, %shift_right_logical3A_2021 : vector<16xi32>
        %xor3A_2023 = arith.xori %add3A_2015, %or3A_2022 : vector<16xi32>
        %add3A_2024 = arith.constant 908003072 : i32
        %add3A_2025 = vector.broadcast %add3A_2024 : i32 to vector<16xi32>
        %add3A_2026 = arith.addi %add3A_2015, %add3A_2025 : vector<16xi32>
        %add3A_2027 = arith.constant -1042067108 : i32
        %add3A_2028 = vector.broadcast %add3A_2027 : i32 to vector<16xi32>
        %add3A_2029 = arith.addi %xor3A_2023, %add3A_2028 : vector<16xi32>
        %add3A_2030 = arith.addi %add3A_2026, %add3A_2029 : vector<16xi32>
        %shift_left3A_2031 = arith.constant 17 : i32
        %shift_left3A_2032 = vector.broadcast %shift_left3A_2031 : i32 to vector<16xi32>
        %shift_left3A_2033 = arith.shli %add3A_2029, %shift_left3A_2032 : vector<16xi32>
        %shift_right_logical3A_2034 = arith.constant 15 : i32
        %shift_right_logical3A_2035 = vector.broadcast %shift_right_logical3A_2034 : i32 to vector<16xi32>
        %shift_right_logical3A_2036 = arith.shrui %add3A_2029, %shift_right_logical3A_2035 : vector<16xi32>
        %or3A_2037 = arith.ori %shift_left3A_2033, %shift_right_logical3A_2036 : vector<16xi32>
        %xor3A_2038 = arith.xori %add3A_2030, %or3A_2037 : vector<16xi32>
        %add3A_2039 = arith.addi %add3A_2030, %xor3A_2038 : vector<16xi32>
        %shift_left3A_2040 = arith.constant 29 : i32
        %shift_left3A_2041 = vector.broadcast %shift_left3A_2040 : i32 to vector<16xi32>
        %shift_left3A_2042 = arith.shli %xor3A_2038, %shift_left3A_2041 : vector<16xi32>
        %shift_right_logical3A_2043 = arith.constant 3 : i32
        %shift_right_logical3A_2044 = vector.broadcast %shift_right_logical3A_2043 : i32 to vector<16xi32>
        %shift_right_logical3A_2045 = arith.shrui %xor3A_2038, %shift_right_logical3A_2044 : vector<16xi32>
        %or3A_2046 = arith.ori %shift_left3A_2042, %shift_right_logical3A_2045 : vector<16xi32>
        %xor3A_2047 = arith.xori %add3A_2039, %or3A_2046 : vector<16xi32>
        %add3A_2048 = arith.addi %add3A_2039, %xor3A_2047 : vector<16xi32>
        %shift_left3A_2049 = arith.constant 16 : i32
        %shift_left3A_2050 = vector.broadcast %shift_left3A_2049 : i32 to vector<16xi32>
        %shift_left3A_2051 = arith.shli %xor3A_2047, %shift_left3A_2050 : vector<16xi32>
        %shift_right_logical3A_2052 = arith.constant 16 : i32
        %shift_right_logical3A_2053 = vector.broadcast %shift_right_logical3A_2052 : i32 to vector<16xi32>
        %shift_right_logical3A_2054 = arith.shrui %xor3A_2047, %shift_right_logical3A_2053 : vector<16xi32>
        %or3A_2055 = arith.ori %shift_left3A_2051, %shift_right_logical3A_2054 : vector<16xi32>
        %xor3A_2056 = arith.xori %add3A_2048, %or3A_2055 : vector<16xi32>
        %add3A_2057 = arith.addi %add3A_2048, %xor3A_2056 : vector<16xi32>
        %shift_left3A_2058 = arith.constant 24 : i32
        %shift_left3A_2059 = vector.broadcast %shift_left3A_2058 : i32 to vector<16xi32>
        %shift_left3A_2060 = arith.shli %xor3A_2056, %shift_left3A_2059 : vector<16xi32>
        %shift_right_logical3A_2061 = arith.constant 8 : i32
        %shift_right_logical3A_2062 = vector.broadcast %shift_right_logical3A_2061 : i32 to vector<16xi32>
        %shift_right_logical3A_2063 = arith.shrui %xor3A_2056, %shift_right_logical3A_2062 : vector<16xi32>
        %or3A_2064 = arith.ori %shift_left3A_2060, %shift_right_logical3A_2063 : vector<16xi32>
        %xor3A_2065 = arith.xori %add3A_2057, %or3A_2064 : vector<16xi32>
        %add3A_2066 = arith.constant -1042067111 : i32
        %add3A_2067 = vector.broadcast %add3A_2066 : i32 to vector<16xi32>
        %add3A_2068 = arith.addi %add3A_2057, %add3A_2067 : vector<16xi32>
        %add3A_2069 = arith.constant -332575353 : i32
        %add3A_2070 = vector.broadcast %add3A_2069 : i32 to vector<16xi32>
        %add3A_2071 = arith.addi %xor3A_2065, %add3A_2070 : vector<16xi32>
        %add3A_2072 = arith.addi %add3A_2068, %add3A_2071 : vector<16xi32>
        %shift_left3A_2073 = arith.constant 13 : i32
        %shift_left3A_2074 = vector.broadcast %shift_left3A_2073 : i32 to vector<16xi32>
        %shift_left3A_2075 = arith.shli %add3A_2071, %shift_left3A_2074 : vector<16xi32>
        %shift_right_logical3A_2076 = arith.constant 19 : i32
        %shift_right_logical3A_2077 = vector.broadcast %shift_right_logical3A_2076 : i32 to vector<16xi32>
        %shift_right_logical3A_2078 = arith.shrui %add3A_2071, %shift_right_logical3A_2077 : vector<16xi32>
        %or3A_2079 = arith.ori %shift_left3A_2075, %shift_right_logical3A_2078 : vector<16xi32>
        %xor3A_2080 = arith.xori %add3A_2072, %or3A_2079 : vector<16xi32>
        %add3A_2081 = arith.addi %add3A_2072, %xor3A_2080 : vector<16xi32>
        %shift_left3A_2082 = arith.constant 15 : i32
        %shift_left3A_2083 = vector.broadcast %shift_left3A_2082 : i32 to vector<16xi32>
        %shift_left3A_2084 = arith.shli %xor3A_2080, %shift_left3A_2083 : vector<16xi32>
        %shift_right_logical3A_2085 = arith.constant 17 : i32
        %shift_right_logical3A_2086 = vector.broadcast %shift_right_logical3A_2085 : i32 to vector<16xi32>
        %shift_right_logical3A_2087 = arith.shrui %xor3A_2080, %shift_right_logical3A_2086 : vector<16xi32>
        %or3A_2088 = arith.ori %shift_left3A_2084, %shift_right_logical3A_2087 : vector<16xi32>
        %xor3A_2089 = arith.xori %add3A_2081, %or3A_2088 : vector<16xi32>
        %add3A_2090 = arith.addi %add3A_2081, %xor3A_2089 : vector<16xi32>
        %shift_left3A_2091 = arith.constant 26 : i32
        %shift_left3A_2092 = vector.broadcast %shift_left3A_2091 : i32 to vector<16xi32>
        %shift_left3A_2093 = arith.shli %xor3A_2089, %shift_left3A_2092 : vector<16xi32>
        %shift_right_logical3A_2094 = arith.constant 6 : i32
        %shift_right_logical3A_2095 = vector.broadcast %shift_right_logical3A_2094 : i32 to vector<16xi32>
        %shift_right_logical3A_2096 = arith.shrui %xor3A_2089, %shift_right_logical3A_2095 : vector<16xi32>
        %or3A_2097 = arith.ori %shift_left3A_2093, %shift_right_logical3A_2096 : vector<16xi32>
        %xor3A_2098 = arith.xori %add3A_2090, %or3A_2097 : vector<16xi32>
        %add3A_2099 = arith.addi %add3A_2090, %xor3A_2098 : vector<16xi32>
        %shift_left3A_2100 = arith.constant 6 : i32
        %shift_left3A_2101 = vector.broadcast %shift_left3A_2100 : i32 to vector<16xi32>
        %shift_left3A_2102 = arith.shli %xor3A_2098, %shift_left3A_2101 : vector<16xi32>
        %shift_right_logical3A_2103 = arith.constant 26 : i32
        %shift_right_logical3A_2104 = vector.broadcast %shift_right_logical3A_2103 : i32 to vector<16xi32>
        %shift_right_logical3A_2105 = arith.shrui %xor3A_2098, %shift_right_logical3A_2104 : vector<16xi32>
        %or3A_2106 = arith.ori %shift_left3A_2102, %shift_right_logical3A_2105 : vector<16xi32>
        %xor3A_2107 = arith.xori %add3A_2099, %or3A_2106 : vector<16xi32>
        %add3A_2108 = arith.constant -332575357 : i32
        %add3A_2109 = vector.broadcast %add3A_2108 : i32 to vector<16xi32>
        %add3A_2110 = arith.addi %add3A_2099, %add3A_2109 : vector<16xi32>
        %add3A_2111 = arith.constant 908003077 : i32
        %add3A_2112 = vector.broadcast %add3A_2111 : i32 to vector<16xi32>
        %add3A_2113 = arith.addi %xor3A_2107, %add3A_2112 : vector<16xi32>
        %xor3A_2114 = arith.xori %add3A_2110, %add3A_2113 : vector<16xi32>
        %shift_right_logical3A_2115 = arith.constant 9 : i32
        %shift_right_logical3A_2116 = vector.broadcast %shift_right_logical3A_2115 : i32 to vector<16xi32>
        %shift_right_logical3A_2117 = arith.shrui %xor3A_2114, %shift_right_logical3A_2116 : vector<16xi32>
        %or3A_2118 = arith.constant 1065353216 : i32
        %or3A_2119 = vector.broadcast %or3A_2118 : i32 to vector<16xi32>
        %or3A_2120 = arith.ori %shift_right_logical3A_2117, %or3A_2119 : vector<16xi32>
        %bitcast_convert_type3A_2121 = tpu.bitcast %or3A_2120 : vector<16xi32> -> vector<16xf32>
        %sub3A_2122 = arith.constant 1.000000e+00 : f32
        %sub3A_2123 = vector.broadcast %sub3A_2122 : f32 to vector<16xf32>
        %sub3A_2124 = arith.subf %bitcast_convert_type3A_2121, %sub3A_2123 : vector<16xf32>
        %mul3A_2125 = arith.constant 1.000000e+00 : f32
        %mul3A_2126 = vector.broadcast %mul3A_2125 : f32 to vector<16xf32>
        %mul3A_2127 = arith.mulf %sub3A_2124, %mul3A_2126 : vector<16xf32>
        %add3A_2128 = arith.constant 1.000000e-10 : f32
        %add3A_2129 = vector.broadcast %add3A_2128 : f32 to vector<16xf32>
        %add3A_2130 = arith.addf %mul3A_2127, %add3A_2129 : vector<16xf32>
        %max3A_2131 = arith.constant 1.000000e-10 : f32
        %max3A_2132 = vector.broadcast %max3A_2131 : f32 to vector<16xf32>
        %max3A_2133 = arith.maximumf %max3A_2132, %add3A_2130 : vector<16xf32>
        %bitcast_convert_type3A_2134 = tpu.bitcast %max3A_2133 : vector<16xf32> -> vector<16xi32>
        %shift_right_logical3A_2135 = arith.constant 23 : i32
        %shift_right_logical3A_2136 = vector.broadcast %shift_right_logical3A_2135 : i32 to vector<16xi32>
        %shift_right_logical3A_2137 = arith.shrui %bitcast_convert_type3A_2134, %shift_right_logical3A_2136 : vector<16xi32>
        %bitcast_convert_type3A_2138 = tpu.bitcast %shift_right_logical3A_2137 : vector<16xi32> -> vector<16xi32>
        %sub3A_2139 = arith.constant 127 : i32
        %sub3A_2140 = vector.broadcast %sub3A_2139 : i32 to vector<16xi32>
        %sub3A_2141 = arith.subi %bitcast_convert_type3A_2138, %sub3A_2140 : vector<16xi32>
        %and3A_2142 = arith.constant 8388607 : i32
        %and3A_2143 = vector.broadcast %and3A_2142 : i32 to vector<16xi32>
        %and3A_2144 = arith.andi %bitcast_convert_type3A_2134, %and3A_2143 : vector<16xi32>
        %or3A_2145 = arith.constant 1065353216 : i32
        %or3A_2146 = vector.broadcast %or3A_2145 : i32 to vector<16xi32>
        %or3A_2147 = arith.ori %and3A_2144, %or3A_2146 : vector<16xi32>
        %bitcast_convert_type3A_2148 = tpu.bitcast %or3A_2147 : vector<16xi32> -> vector<16xf32>
        %sub3A_2149 = arith.constant 1.000000e+00 : f32
        %sub3A_2150 = vector.broadcast %sub3A_2149 : f32 to vector<16xf32>
        %sub3A_2151 = arith.subf %bitcast_convert_type3A_2148, %sub3A_2150 : vector<16xf32>
        %broadcast_in_dim3A_2152 = arith.constant -0.00458208052 : f32
        %broadcast_in_dim3A_2153 = vector.broadcast %broadcast_in_dim3A_2152 : f32 to vector<16xf32>
        %mul3A_2154 = arith.mulf %broadcast_in_dim3A_2153, %sub3A_2151 : vector<16xf32>
        %add3A_2155 = arith.constant 0.0281939134 : f32
        %add3A_2156 = vector.broadcast %add3A_2155 : f32 to vector<16xf32>
        %add3A_2157 = arith.addf %mul3A_2154, %add3A_2156 : vector<16xf32>
        %mul3A_2158 = arith.mulf %add3A_2157, %sub3A_2151 : vector<16xf32>
        %add3A_2159 = arith.constant -0.0813299268 : f32
        %add3A_2160 = vector.broadcast %add3A_2159 : f32 to vector<16xf32>
        %add3A_2161 = arith.addf %mul3A_2158, %add3A_2160 : vector<16xf32>
        %mul3A_2162 = arith.mulf %add3A_2161, %sub3A_2151 : vector<16xf32>
        %add3A_2163 = arith.constant 0.152112335 : f32
        %add3A_2164 = vector.broadcast %add3A_2163 : f32 to vector<16xf32>
        %add3A_2165 = arith.addf %mul3A_2162, %add3A_2164 : vector<16xf32>
        %mul3A_2166 = arith.mulf %add3A_2165, %sub3A_2151 : vector<16xf32>
        %add3A_2167 = arith.constant -0.220294729 : f32
        %add3A_2168 = vector.broadcast %add3A_2167 : f32 to vector<16xf32>
        %add3A_2169 = arith.addf %mul3A_2166, %add3A_2168 : vector<16xf32>
        %mul3A_2170 = arith.mulf %add3A_2169, %sub3A_2151 : vector<16xf32>
        %add3A_2171 = arith.constant 0.283681065 : f32
        %add3A_2172 = vector.broadcast %add3A_2171 : f32 to vector<16xf32>
        %add3A_2173 = arith.addf %mul3A_2170, %add3A_2172 : vector<16xf32>
        %mul3A_2174 = arith.mulf %add3A_2173, %sub3A_2151 : vector<16xf32>
        %add3A_2175 = arith.constant -0.359975725 : f32
        %add3A_2176 = vector.broadcast %add3A_2175 : f32 to vector<16xf32>
        %add3A_2177 = arith.addf %mul3A_2174, %add3A_2176 : vector<16xf32>
        %mul3A_2178 = arith.mulf %add3A_2177, %sub3A_2151 : vector<16xf32>
        %add3A_2179 = arith.constant 0.480846077 : f32
        %add3A_2180 = vector.broadcast %add3A_2179 : f32 to vector<16xf32>
        %add3A_2181 = arith.addf %mul3A_2178, %add3A_2180 : vector<16xf32>
        %mul3A_2182 = arith.mulf %add3A_2181, %sub3A_2151 : vector<16xf32>
        %add3A_2183 = arith.constant -0.721345961 : f32
        %add3A_2184 = vector.broadcast %add3A_2183 : f32 to vector<16xf32>
        %add3A_2185 = arith.addf %mul3A_2182, %add3A_2184 : vector<16xf32>
        %mul3A_2186 = arith.mulf %add3A_2185, %sub3A_2151 : vector<16xf32>
        %add3A_2187 = arith.constant 1.44269502 : f32
        %add3A_2188 = vector.broadcast %add3A_2187 : f32 to vector<16xf32>
        %add3A_2189 = arith.addf %mul3A_2186, %add3A_2188 : vector<16xf32>
        %convert_element_type3A_2190 = arith.sitofp %sub3A_2141 : vector<16xi32> to vector<16xf32>
        %mul3A_2191 = arith.mulf %sub3A_2151, %add3A_2189 : vector<16xf32>
        %add3A_2192 = arith.addf %convert_element_type3A_2190, %mul3A_2191 : vector<16xf32>
        %mul3A_2193 = arith.constant 0.693147182 : f32
        %mul3A_2194 = vector.broadcast %mul3A_2193 : f32 to vector<16xf32>
        %mul3A_2195 = arith.mulf %add3A_2192, %mul3A_2194 : vector<16xf32>
        %neg3A_2196 = arith.constant 0.000000e+00 : f32
        %neg3A_2197 = vector.broadcast %neg3A_2196 : f32 to vector<16xf32>
        %neg3A_2198 = arith.subf %neg3A_2197, %mul3A_2195 : vector<16xf32>
        %add3A_2199 = arith.constant 10000000 : i32
        %add3A_2200 = vector.broadcast %add3A_2199 : i32 to vector<16xi32>
        %add3A_2201 = arith.addi %add3A_1898, %add3A_2200 : vector<16xi32>
        %broadcast_in_dim3A_2202 = arith.constant 908003072 : i32
        %broadcast_in_dim3A_2203 = vector.broadcast %broadcast_in_dim3A_2202 : i32 to vector<16xi32>
        %add3A_2204 = arith.constant -1042067111 : i32
        %add3A_2205 = vector.broadcast %add3A_2204 : i32 to vector<16xi32>
        %add3A_2206 = arith.addi %add3A_2201, %add3A_2205 : vector<16xi32>
        %add3A_2207 = arith.addi %broadcast_in_dim3A_2203, %add3A_2206 : vector<16xi32>
        %shift_left3A_2208 = arith.constant 13 : i32
        %shift_left3A_2209 = vector.broadcast %shift_left3A_2208 : i32 to vector<16xi32>
        %shift_left3A_2210 = arith.shli %add3A_2206, %shift_left3A_2209 : vector<16xi32>
        %shift_right_logical3A_2211 = arith.constant 19 : i32
        %shift_right_logical3A_2212 = vector.broadcast %shift_right_logical3A_2211 : i32 to vector<16xi32>
        %shift_right_logical3A_2213 = arith.shrui %add3A_2206, %shift_right_logical3A_2212 : vector<16xi32>
        %or3A_2214 = arith.ori %shift_left3A_2210, %shift_right_logical3A_2213 : vector<16xi32>
        %xor3A_2215 = arith.xori %add3A_2207, %or3A_2214 : vector<16xi32>
        %add3A_2216 = arith.addi %add3A_2207, %xor3A_2215 : vector<16xi32>
        %shift_left3A_2217 = arith.constant 15 : i32
        %shift_left3A_2218 = vector.broadcast %shift_left3A_2217 : i32 to vector<16xi32>
        %shift_left3A_2219 = arith.shli %xor3A_2215, %shift_left3A_2218 : vector<16xi32>
        %shift_right_logical3A_2220 = arith.constant 17 : i32
        %shift_right_logical3A_2221 = vector.broadcast %shift_right_logical3A_2220 : i32 to vector<16xi32>
        %shift_right_logical3A_2222 = arith.shrui %xor3A_2215, %shift_right_logical3A_2221 : vector<16xi32>
        %or3A_2223 = arith.ori %shift_left3A_2219, %shift_right_logical3A_2222 : vector<16xi32>
        %xor3A_2224 = arith.xori %add3A_2216, %or3A_2223 : vector<16xi32>
        %add3A_2225 = arith.addi %add3A_2216, %xor3A_2224 : vector<16xi32>
        %shift_left3A_2226 = arith.constant 26 : i32
        %shift_left3A_2227 = vector.broadcast %shift_left3A_2226 : i32 to vector<16xi32>
        %shift_left3A_2228 = arith.shli %xor3A_2224, %shift_left3A_2227 : vector<16xi32>
        %shift_right_logical3A_2229 = arith.constant 6 : i32
        %shift_right_logical3A_2230 = vector.broadcast %shift_right_logical3A_2229 : i32 to vector<16xi32>
        %shift_right_logical3A_2231 = arith.shrui %xor3A_2224, %shift_right_logical3A_2230 : vector<16xi32>
        %or3A_2232 = arith.ori %shift_left3A_2228, %shift_right_logical3A_2231 : vector<16xi32>
        %xor3A_2233 = arith.xori %add3A_2225, %or3A_2232 : vector<16xi32>
        %add3A_2234 = arith.addi %add3A_2225, %xor3A_2233 : vector<16xi32>
        %shift_left3A_2235 = arith.constant 6 : i32
        %shift_left3A_2236 = vector.broadcast %shift_left3A_2235 : i32 to vector<16xi32>
        %shift_left3A_2237 = arith.shli %xor3A_2233, %shift_left3A_2236 : vector<16xi32>
        %shift_right_logical3A_2238 = arith.constant 26 : i32
        %shift_right_logical3A_2239 = vector.broadcast %shift_right_logical3A_2238 : i32 to vector<16xi32>
        %shift_right_logical3A_2240 = arith.shrui %xor3A_2233, %shift_right_logical3A_2239 : vector<16xi32>
        %or3A_2241 = arith.ori %shift_left3A_2237, %shift_right_logical3A_2240 : vector<16xi32>
        %xor3A_2242 = arith.xori %add3A_2234, %or3A_2241 : vector<16xi32>
        %add3A_2243 = arith.constant -1042067111 : i32
        %add3A_2244 = vector.broadcast %add3A_2243 : i32 to vector<16xi32>
        %add3A_2245 = arith.addi %add3A_2234, %add3A_2244 : vector<16xi32>
        %add3A_2246 = arith.constant -332575356 : i32
        %add3A_2247 = vector.broadcast %add3A_2246 : i32 to vector<16xi32>
        %add3A_2248 = arith.addi %xor3A_2242, %add3A_2247 : vector<16xi32>
        %add3A_2249 = arith.addi %add3A_2245, %add3A_2248 : vector<16xi32>
        %shift_left3A_2250 = arith.constant 17 : i32
        %shift_left3A_2251 = vector.broadcast %shift_left3A_2250 : i32 to vector<16xi32>
        %shift_left3A_2252 = arith.shli %add3A_2248, %shift_left3A_2251 : vector<16xi32>
        %shift_right_logical3A_2253 = arith.constant 15 : i32
        %shift_right_logical3A_2254 = vector.broadcast %shift_right_logical3A_2253 : i32 to vector<16xi32>
        %shift_right_logical3A_2255 = arith.shrui %add3A_2248, %shift_right_logical3A_2254 : vector<16xi32>
        %or3A_2256 = arith.ori %shift_left3A_2252, %shift_right_logical3A_2255 : vector<16xi32>
        %xor3A_2257 = arith.xori %add3A_2249, %or3A_2256 : vector<16xi32>
        %add3A_2258 = arith.addi %add3A_2249, %xor3A_2257 : vector<16xi32>
        %shift_left3A_2259 = arith.constant 29 : i32
        %shift_left3A_2260 = vector.broadcast %shift_left3A_2259 : i32 to vector<16xi32>
        %shift_left3A_2261 = arith.shli %xor3A_2257, %shift_left3A_2260 : vector<16xi32>
        %shift_right_logical3A_2262 = arith.constant 3 : i32
        %shift_right_logical3A_2263 = vector.broadcast %shift_right_logical3A_2262 : i32 to vector<16xi32>
        %shift_right_logical3A_2264 = arith.shrui %xor3A_2257, %shift_right_logical3A_2263 : vector<16xi32>
        %or3A_2265 = arith.ori %shift_left3A_2261, %shift_right_logical3A_2264 : vector<16xi32>
        %xor3A_2266 = arith.xori %add3A_2258, %or3A_2265 : vector<16xi32>
        %add3A_2267 = arith.addi %add3A_2258, %xor3A_2266 : vector<16xi32>
        %shift_left3A_2268 = arith.constant 16 : i32
        %shift_left3A_2269 = vector.broadcast %shift_left3A_2268 : i32 to vector<16xi32>
        %shift_left3A_2270 = arith.shli %xor3A_2266, %shift_left3A_2269 : vector<16xi32>
        %shift_right_logical3A_2271 = arith.constant 16 : i32
        %shift_right_logical3A_2272 = vector.broadcast %shift_right_logical3A_2271 : i32 to vector<16xi32>
        %shift_right_logical3A_2273 = arith.shrui %xor3A_2266, %shift_right_logical3A_2272 : vector<16xi32>
        %or3A_2274 = arith.ori %shift_left3A_2270, %shift_right_logical3A_2273 : vector<16xi32>
        %xor3A_2275 = arith.xori %add3A_2267, %or3A_2274 : vector<16xi32>
        %add3A_2276 = arith.addi %add3A_2267, %xor3A_2275 : vector<16xi32>
        %shift_left3A_2277 = arith.constant 24 : i32
        %shift_left3A_2278 = vector.broadcast %shift_left3A_2277 : i32 to vector<16xi32>
        %shift_left3A_2279 = arith.shli %xor3A_2275, %shift_left3A_2278 : vector<16xi32>
        %shift_right_logical3A_2280 = arith.constant 8 : i32
        %shift_right_logical3A_2281 = vector.broadcast %shift_right_logical3A_2280 : i32 to vector<16xi32>
        %shift_right_logical3A_2282 = arith.shrui %xor3A_2275, %shift_right_logical3A_2281 : vector<16xi32>
        %or3A_2283 = arith.ori %shift_left3A_2279, %shift_right_logical3A_2282 : vector<16xi32>
        %xor3A_2284 = arith.xori %add3A_2276, %or3A_2283 : vector<16xi32>
        %add3A_2285 = arith.constant -332575357 : i32
        %add3A_2286 = vector.broadcast %add3A_2285 : i32 to vector<16xi32>
        %add3A_2287 = arith.addi %add3A_2276, %add3A_2286 : vector<16xi32>
        %add3A_2288 = arith.constant 908003074 : i32
        %add3A_2289 = vector.broadcast %add3A_2288 : i32 to vector<16xi32>
        %add3A_2290 = arith.addi %xor3A_2284, %add3A_2289 : vector<16xi32>
        %add3A_2291 = arith.addi %add3A_2287, %add3A_2290 : vector<16xi32>
        %shift_left3A_2292 = arith.constant 13 : i32
        %shift_left3A_2293 = vector.broadcast %shift_left3A_2292 : i32 to vector<16xi32>
        %shift_left3A_2294 = arith.shli %add3A_2290, %shift_left3A_2293 : vector<16xi32>
        %shift_right_logical3A_2295 = arith.constant 19 : i32
        %shift_right_logical3A_2296 = vector.broadcast %shift_right_logical3A_2295 : i32 to vector<16xi32>
        %shift_right_logical3A_2297 = arith.shrui %add3A_2290, %shift_right_logical3A_2296 : vector<16xi32>
        %or3A_2298 = arith.ori %shift_left3A_2294, %shift_right_logical3A_2297 : vector<16xi32>
        %xor3A_2299 = arith.xori %add3A_2291, %or3A_2298 : vector<16xi32>
        %add3A_2300 = arith.addi %add3A_2291, %xor3A_2299 : vector<16xi32>
        %shift_left3A_2301 = arith.constant 15 : i32
        %shift_left3A_2302 = vector.broadcast %shift_left3A_2301 : i32 to vector<16xi32>
        %shift_left3A_2303 = arith.shli %xor3A_2299, %shift_left3A_2302 : vector<16xi32>
        %shift_right_logical3A_2304 = arith.constant 17 : i32
        %shift_right_logical3A_2305 = vector.broadcast %shift_right_logical3A_2304 : i32 to vector<16xi32>
        %shift_right_logical3A_2306 = arith.shrui %xor3A_2299, %shift_right_logical3A_2305 : vector<16xi32>
        %or3A_2307 = arith.ori %shift_left3A_2303, %shift_right_logical3A_2306 : vector<16xi32>
        %xor3A_2308 = arith.xori %add3A_2300, %or3A_2307 : vector<16xi32>
        %add3A_2309 = arith.addi %add3A_2300, %xor3A_2308 : vector<16xi32>
        %shift_left3A_2310 = arith.constant 26 : i32
        %shift_left3A_2311 = vector.broadcast %shift_left3A_2310 : i32 to vector<16xi32>
        %shift_left3A_2312 = arith.shli %xor3A_2308, %shift_left3A_2311 : vector<16xi32>
        %shift_right_logical3A_2313 = arith.constant 6 : i32
        %shift_right_logical3A_2314 = vector.broadcast %shift_right_logical3A_2313 : i32 to vector<16xi32>
        %shift_right_logical3A_2315 = arith.shrui %xor3A_2308, %shift_right_logical3A_2314 : vector<16xi32>
        %or3A_2316 = arith.ori %shift_left3A_2312, %shift_right_logical3A_2315 : vector<16xi32>
        %xor3A_2317 = arith.xori %add3A_2309, %or3A_2316 : vector<16xi32>
        %add3A_2318 = arith.addi %add3A_2309, %xor3A_2317 : vector<16xi32>
        %shift_left3A_2319 = arith.constant 6 : i32
        %shift_left3A_2320 = vector.broadcast %shift_left3A_2319 : i32 to vector<16xi32>
        %shift_left3A_2321 = arith.shli %xor3A_2317, %shift_left3A_2320 : vector<16xi32>
        %shift_right_logical3A_2322 = arith.constant 26 : i32
        %shift_right_logical3A_2323 = vector.broadcast %shift_right_logical3A_2322 : i32 to vector<16xi32>
        %shift_right_logical3A_2324 = arith.shrui %xor3A_2317, %shift_right_logical3A_2323 : vector<16xi32>
        %or3A_2325 = arith.ori %shift_left3A_2321, %shift_right_logical3A_2324 : vector<16xi32>
        %xor3A_2326 = arith.xori %add3A_2318, %or3A_2325 : vector<16xi32>
        %add3A_2327 = arith.constant 908003072 : i32
        %add3A_2328 = vector.broadcast %add3A_2327 : i32 to vector<16xi32>
        %add3A_2329 = arith.addi %add3A_2318, %add3A_2328 : vector<16xi32>
        %add3A_2330 = arith.constant -1042067108 : i32
        %add3A_2331 = vector.broadcast %add3A_2330 : i32 to vector<16xi32>
        %add3A_2332 = arith.addi %xor3A_2326, %add3A_2331 : vector<16xi32>
        %add3A_2333 = arith.addi %add3A_2329, %add3A_2332 : vector<16xi32>
        %shift_left3A_2334 = arith.constant 17 : i32
        %shift_left3A_2335 = vector.broadcast %shift_left3A_2334 : i32 to vector<16xi32>
        %shift_left3A_2336 = arith.shli %add3A_2332, %shift_left3A_2335 : vector<16xi32>
        %shift_right_logical3A_2337 = arith.constant 15 : i32
        %shift_right_logical3A_2338 = vector.broadcast %shift_right_logical3A_2337 : i32 to vector<16xi32>
        %shift_right_logical3A_2339 = arith.shrui %add3A_2332, %shift_right_logical3A_2338 : vector<16xi32>
        %or3A_2340 = arith.ori %shift_left3A_2336, %shift_right_logical3A_2339 : vector<16xi32>
        %xor3A_2341 = arith.xori %add3A_2333, %or3A_2340 : vector<16xi32>
        %add3A_2342 = arith.addi %add3A_2333, %xor3A_2341 : vector<16xi32>
        %shift_left3A_2343 = arith.constant 29 : i32
        %shift_left3A_2344 = vector.broadcast %shift_left3A_2343 : i32 to vector<16xi32>
        %shift_left3A_2345 = arith.shli %xor3A_2341, %shift_left3A_2344 : vector<16xi32>
        %shift_right_logical3A_2346 = arith.constant 3 : i32
        %shift_right_logical3A_2347 = vector.broadcast %shift_right_logical3A_2346 : i32 to vector<16xi32>
        %shift_right_logical3A_2348 = arith.shrui %xor3A_2341, %shift_right_logical3A_2347 : vector<16xi32>
        %or3A_2349 = arith.ori %shift_left3A_2345, %shift_right_logical3A_2348 : vector<16xi32>
        %xor3A_2350 = arith.xori %add3A_2342, %or3A_2349 : vector<16xi32>
        %add3A_2351 = arith.addi %add3A_2342, %xor3A_2350 : vector<16xi32>
        %shift_left3A_2352 = arith.constant 16 : i32
        %shift_left3A_2353 = vector.broadcast %shift_left3A_2352 : i32 to vector<16xi32>
        %shift_left3A_2354 = arith.shli %xor3A_2350, %shift_left3A_2353 : vector<16xi32>
        %shift_right_logical3A_2355 = arith.constant 16 : i32
        %shift_right_logical3A_2356 = vector.broadcast %shift_right_logical3A_2355 : i32 to vector<16xi32>
        %shift_right_logical3A_2357 = arith.shrui %xor3A_2350, %shift_right_logical3A_2356 : vector<16xi32>
        %or3A_2358 = arith.ori %shift_left3A_2354, %shift_right_logical3A_2357 : vector<16xi32>
        %xor3A_2359 = arith.xori %add3A_2351, %or3A_2358 : vector<16xi32>
        %add3A_2360 = arith.addi %add3A_2351, %xor3A_2359 : vector<16xi32>
        %shift_left3A_2361 = arith.constant 24 : i32
        %shift_left3A_2362 = vector.broadcast %shift_left3A_2361 : i32 to vector<16xi32>
        %shift_left3A_2363 = arith.shli %xor3A_2359, %shift_left3A_2362 : vector<16xi32>
        %shift_right_logical3A_2364 = arith.constant 8 : i32
        %shift_right_logical3A_2365 = vector.broadcast %shift_right_logical3A_2364 : i32 to vector<16xi32>
        %shift_right_logical3A_2366 = arith.shrui %xor3A_2359, %shift_right_logical3A_2365 : vector<16xi32>
        %or3A_2367 = arith.ori %shift_left3A_2363, %shift_right_logical3A_2366 : vector<16xi32>
        %xor3A_2368 = arith.xori %add3A_2360, %or3A_2367 : vector<16xi32>
        %add3A_2369 = arith.constant -1042067111 : i32
        %add3A_2370 = vector.broadcast %add3A_2369 : i32 to vector<16xi32>
        %add3A_2371 = arith.addi %add3A_2360, %add3A_2370 : vector<16xi32>
        %add3A_2372 = arith.constant -332575353 : i32
        %add3A_2373 = vector.broadcast %add3A_2372 : i32 to vector<16xi32>
        %add3A_2374 = arith.addi %xor3A_2368, %add3A_2373 : vector<16xi32>
        %add3A_2375 = arith.addi %add3A_2371, %add3A_2374 : vector<16xi32>
        %shift_left3A_2376 = arith.constant 13 : i32
        %shift_left3A_2377 = vector.broadcast %shift_left3A_2376 : i32 to vector<16xi32>
        %shift_left3A_2378 = arith.shli %add3A_2374, %shift_left3A_2377 : vector<16xi32>
        %shift_right_logical3A_2379 = arith.constant 19 : i32
        %shift_right_logical3A_2380 = vector.broadcast %shift_right_logical3A_2379 : i32 to vector<16xi32>
        %shift_right_logical3A_2381 = arith.shrui %add3A_2374, %shift_right_logical3A_2380 : vector<16xi32>
        %or3A_2382 = arith.ori %shift_left3A_2378, %shift_right_logical3A_2381 : vector<16xi32>
        %xor3A_2383 = arith.xori %add3A_2375, %or3A_2382 : vector<16xi32>
        %add3A_2384 = arith.addi %add3A_2375, %xor3A_2383 : vector<16xi32>
        %shift_left3A_2385 = arith.constant 15 : i32
        %shift_left3A_2386 = vector.broadcast %shift_left3A_2385 : i32 to vector<16xi32>
        %shift_left3A_2387 = arith.shli %xor3A_2383, %shift_left3A_2386 : vector<16xi32>
        %shift_right_logical3A_2388 = arith.constant 17 : i32
        %shift_right_logical3A_2389 = vector.broadcast %shift_right_logical3A_2388 : i32 to vector<16xi32>
        %shift_right_logical3A_2390 = arith.shrui %xor3A_2383, %shift_right_logical3A_2389 : vector<16xi32>
        %or3A_2391 = arith.ori %shift_left3A_2387, %shift_right_logical3A_2390 : vector<16xi32>
        %xor3A_2392 = arith.xori %add3A_2384, %or3A_2391 : vector<16xi32>
        %add3A_2393 = arith.addi %add3A_2384, %xor3A_2392 : vector<16xi32>
        %shift_left3A_2394 = arith.constant 26 : i32
        %shift_left3A_2395 = vector.broadcast %shift_left3A_2394 : i32 to vector<16xi32>
        %shift_left3A_2396 = arith.shli %xor3A_2392, %shift_left3A_2395 : vector<16xi32>
        %shift_right_logical3A_2397 = arith.constant 6 : i32
        %shift_right_logical3A_2398 = vector.broadcast %shift_right_logical3A_2397 : i32 to vector<16xi32>
        %shift_right_logical3A_2399 = arith.shrui %xor3A_2392, %shift_right_logical3A_2398 : vector<16xi32>
        %or3A_2400 = arith.ori %shift_left3A_2396, %shift_right_logical3A_2399 : vector<16xi32>
        %xor3A_2401 = arith.xori %add3A_2393, %or3A_2400 : vector<16xi32>
        %add3A_2402 = arith.addi %add3A_2393, %xor3A_2401 : vector<16xi32>
        %shift_left3A_2403 = arith.constant 6 : i32
        %shift_left3A_2404 = vector.broadcast %shift_left3A_2403 : i32 to vector<16xi32>
        %shift_left3A_2405 = arith.shli %xor3A_2401, %shift_left3A_2404 : vector<16xi32>
        %shift_right_logical3A_2406 = arith.constant 26 : i32
        %shift_right_logical3A_2407 = vector.broadcast %shift_right_logical3A_2406 : i32 to vector<16xi32>
        %shift_right_logical3A_2408 = arith.shrui %xor3A_2401, %shift_right_logical3A_2407 : vector<16xi32>
        %or3A_2409 = arith.ori %shift_left3A_2405, %shift_right_logical3A_2408 : vector<16xi32>
        %xor3A_2410 = arith.xori %add3A_2402, %or3A_2409 : vector<16xi32>
        %add3A_2411 = arith.constant -332575357 : i32
        %add3A_2412 = vector.broadcast %add3A_2411 : i32 to vector<16xi32>
        %add3A_2413 = arith.addi %add3A_2402, %add3A_2412 : vector<16xi32>
        %add3A_2414 = arith.constant 908003077 : i32
        %add3A_2415 = vector.broadcast %add3A_2414 : i32 to vector<16xi32>
        %add3A_2416 = arith.addi %xor3A_2410, %add3A_2415 : vector<16xi32>
        %xor3A_2417 = arith.xori %add3A_2413, %add3A_2416 : vector<16xi32>
        %shift_right_logical3A_2418 = arith.constant 9 : i32
        %shift_right_logical3A_2419 = vector.broadcast %shift_right_logical3A_2418 : i32 to vector<16xi32>
        %shift_right_logical3A_2420 = arith.shrui %xor3A_2417, %shift_right_logical3A_2419 : vector<16xi32>
        %or3A_2421 = arith.constant 1065353216 : i32
        %or3A_2422 = vector.broadcast %or3A_2421 : i32 to vector<16xi32>
        %or3A_2423 = arith.ori %shift_right_logical3A_2420, %or3A_2422 : vector<16xi32>
        %bitcast_convert_type3A_2424 = tpu.bitcast %or3A_2423 : vector<16xi32> -> vector<16xf32>
        %sub3A_2425 = arith.constant 1.000000e+00 : f32
        %sub3A_2426 = vector.broadcast %sub3A_2425 : f32 to vector<16xf32>
        %sub3A_2427 = arith.subf %bitcast_convert_type3A_2424, %sub3A_2426 : vector<16xf32>
        %mul3A_2428 = arith.constant 1.000000e+00 : f32
        %mul3A_2429 = vector.broadcast %mul3A_2428 : f32 to vector<16xf32>
        %mul3A_2430 = arith.mulf %sub3A_2427, %mul3A_2429 : vector<16xf32>
        %add3A_2431 = arith.constant 1.000000e-10 : f32
        %add3A_2432 = vector.broadcast %add3A_2431 : f32 to vector<16xf32>
        %add3A_2433 = arith.addf %mul3A_2430, %add3A_2432 : vector<16xf32>
        %max3A_2434 = arith.constant 1.000000e-10 : f32
        %max3A_2435 = vector.broadcast %max3A_2434 : f32 to vector<16xf32>
        %max3A_2436 = arith.maximumf %max3A_2435, %add3A_2433 : vector<16xf32>
        %bitcast_convert_type3A_2437 = tpu.bitcast %max3A_2436 : vector<16xf32> -> vector<16xi32>
        %shift_right_logical3A_2438 = arith.constant 23 : i32
        %shift_right_logical3A_2439 = vector.broadcast %shift_right_logical3A_2438 : i32 to vector<16xi32>
        %shift_right_logical3A_2440 = arith.shrui %bitcast_convert_type3A_2437, %shift_right_logical3A_2439 : vector<16xi32>
        %bitcast_convert_type3A_2441 = tpu.bitcast %shift_right_logical3A_2440 : vector<16xi32> -> vector<16xi32>
        %sub3A_2442 = arith.constant 127 : i32
        %sub3A_2443 = vector.broadcast %sub3A_2442 : i32 to vector<16xi32>
        %sub3A_2444 = arith.subi %bitcast_convert_type3A_2441, %sub3A_2443 : vector<16xi32>
        %and3A_2445 = arith.constant 8388607 : i32
        %and3A_2446 = vector.broadcast %and3A_2445 : i32 to vector<16xi32>
        %and3A_2447 = arith.andi %bitcast_convert_type3A_2437, %and3A_2446 : vector<16xi32>
        %or3A_2448 = arith.constant 1065353216 : i32
        %or3A_2449 = vector.broadcast %or3A_2448 : i32 to vector<16xi32>
        %or3A_2450 = arith.ori %and3A_2447, %or3A_2449 : vector<16xi32>
        %bitcast_convert_type3A_2451 = tpu.bitcast %or3A_2450 : vector<16xi32> -> vector<16xf32>
        %sub3A_2452 = arith.constant 1.000000e+00 : f32
        %sub3A_2453 = vector.broadcast %sub3A_2452 : f32 to vector<16xf32>
        %sub3A_2454 = arith.subf %bitcast_convert_type3A_2451, %sub3A_2453 : vector<16xf32>
        %broadcast_in_dim3A_2455 = arith.constant -0.00458208052 : f32
        %broadcast_in_dim3A_2456 = vector.broadcast %broadcast_in_dim3A_2455 : f32 to vector<16xf32>
        %mul3A_2457 = arith.mulf %broadcast_in_dim3A_2456, %sub3A_2454 : vector<16xf32>
        %add3A_2458 = arith.constant 0.0281939134 : f32
        %add3A_2459 = vector.broadcast %add3A_2458 : f32 to vector<16xf32>
        %add3A_2460 = arith.addf %mul3A_2457, %add3A_2459 : vector<16xf32>
        %mul3A_2461 = arith.mulf %add3A_2460, %sub3A_2454 : vector<16xf32>
        %add3A_2462 = arith.constant -0.0813299268 : f32
        %add3A_2463 = vector.broadcast %add3A_2462 : f32 to vector<16xf32>
        %add3A_2464 = arith.addf %mul3A_2461, %add3A_2463 : vector<16xf32>
        %mul3A_2465 = arith.mulf %add3A_2464, %sub3A_2454 : vector<16xf32>
        %add3A_2466 = arith.constant 0.152112335 : f32
        %add3A_2467 = vector.broadcast %add3A_2466 : f32 to vector<16xf32>
        %add3A_2468 = arith.addf %mul3A_2465, %add3A_2467 : vector<16xf32>
        %mul3A_2469 = arith.mulf %add3A_2468, %sub3A_2454 : vector<16xf32>
        %add3A_2470 = arith.constant -0.220294729 : f32
        %add3A_2471 = vector.broadcast %add3A_2470 : f32 to vector<16xf32>
        %add3A_2472 = arith.addf %mul3A_2469, %add3A_2471 : vector<16xf32>
        %mul3A_2473 = arith.mulf %add3A_2472, %sub3A_2454 : vector<16xf32>
        %add3A_2474 = arith.constant 0.283681065 : f32
        %add3A_2475 = vector.broadcast %add3A_2474 : f32 to vector<16xf32>
        %add3A_2476 = arith.addf %mul3A_2473, %add3A_2475 : vector<16xf32>
        %mul3A_2477 = arith.mulf %add3A_2476, %sub3A_2454 : vector<16xf32>
        %add3A_2478 = arith.constant -0.359975725 : f32
        %add3A_2479 = vector.broadcast %add3A_2478 : f32 to vector<16xf32>
        %add3A_2480 = arith.addf %mul3A_2477, %add3A_2479 : vector<16xf32>
        %mul3A_2481 = arith.mulf %add3A_2480, %sub3A_2454 : vector<16xf32>
        %add3A_2482 = arith.constant 0.480846077 : f32
        %add3A_2483 = vector.broadcast %add3A_2482 : f32 to vector<16xf32>
        %add3A_2484 = arith.addf %mul3A_2481, %add3A_2483 : vector<16xf32>
        %mul3A_2485 = arith.mulf %add3A_2484, %sub3A_2454 : vector<16xf32>
        %add3A_2486 = arith.constant -0.721345961 : f32
        %add3A_2487 = vector.broadcast %add3A_2486 : f32 to vector<16xf32>
        %add3A_2488 = arith.addf %mul3A_2485, %add3A_2487 : vector<16xf32>
        %mul3A_2489 = arith.mulf %add3A_2488, %sub3A_2454 : vector<16xf32>
        %add3A_2490 = arith.constant 1.44269502 : f32
        %add3A_2491 = vector.broadcast %add3A_2490 : f32 to vector<16xf32>
        %add3A_2492 = arith.addf %mul3A_2489, %add3A_2491 : vector<16xf32>
        %convert_element_type3A_2493 = arith.sitofp %sub3A_2444 : vector<16xi32> to vector<16xf32>
        %mul3A_2494 = arith.mulf %sub3A_2454, %add3A_2492 : vector<16xf32>
        %add3A_2495 = arith.addf %convert_element_type3A_2493, %mul3A_2494 : vector<16xf32>
        %mul3A_2496 = arith.constant 0.693147182 : f32
        %mul3A_2497 = vector.broadcast %mul3A_2496 : f32 to vector<16xf32>
        %mul3A_2498 = arith.mulf %add3A_2495, %mul3A_2497 : vector<16xf32>
        %neg3A_2499 = arith.constant 0.000000e+00 : f32
        %neg3A_2500 = vector.broadcast %neg3A_2499 : f32 to vector<16xf32>
        %neg3A_2501 = arith.subf %neg3A_2500, %mul3A_2498 : vector<16xf32>
        %get3A_2502 = arith.index_cast %add3A_1893 : i32 to index
        %get3A_2503 = tpu.vector_load %arg4[%get3A_2502] {strides = array<i32>} : memref<8448xf32, #tpu.memory_space<vmem>>, vector<16xf32>,
        %get3A_2504 = vector.shape_cast %get3A_2503 : vector<16xf32> to vector<16xf32>
        %sub3A_2505 = arith.constant 1.000000e+00 : f32
        %sub3A_2506 = vector.broadcast %sub3A_2505 : f32 to vector<16xf32>
        %sub3A_2507 = arith.subf %sub3A_2506, %get3A_2504 : vector<16xf32>
        %mul3A_2508 = arith.mulf %sub3A_2507, %neg3A_2198 : vector<16xf32>
        %mul3A_2509 = arith.mulf %get3A_2504, %neg3A_2501 : vector<16xf32>
        %gt3A_2510 = arith.cmpf ogt, %mul3A_2508, %mul3A_2509 : vector<16xf32>
        %jit3A_2511 = arith.constant 1.000000e+00 : f32
        %jit3A_2512 = arith.constant 0.000000e+00 : f32
        %broadcast_in_dim3A_2513 = vector.broadcast %jit3A_2511 : f32 to vector<16xf32>
        %broadcast_in_dim3A_2514 = vector.broadcast %jit3A_2512 : f32 to vector<16xf32>
        %select_n3A_2515 = arith.select %gt3A_2510, %broadcast_in_dim3A_2513, %broadcast_in_dim3A_2514 : vector<16xi1>, vector<16xf32>
        %swap3A_2516 = arith.index_cast %add3A_1893 : i32 to index
        %swap3A_2517 = tpu.vector_load %arg5[%swap3A_2516] {strides = array<i32>} : memref<8448xf32, #tpu.memory_space<vmem>>, vector<16xf32>,
        %swap3A_2518 = vector.shape_cast %swap3A_2517 : vector<16xf32> to vector<16xf32>
        %swap3A_2519 = vector.shape_cast %select_n3A_2515 : vector<16xf32> to vector<16xf32>
        tpu.vector_store %arg5[%swap3A_2516], %swap3A_2519 {strides = array<i32>} : memref<8448xf32, #tpu.memory_space<vmem>>, vector<16xf32>,
        %add3A_2520 = arith.constant 64 : i32
        %add3A_2521 = arith.addi %mul3A_22, %add3A_2520 : i32
        %add3A_2522 = arith.constant 7837312 : i32
        %add3A_2523 = arith.addi %add3A_2522, %add3A_11 : i32
        %add3A_2524 = arith.addi %add3A_2523, %add3A_2521 : i32
        %add3A_2525 = vector.broadcast %add3A_2524 : i32 to vector<16xi32>
        %add3A_2526 = arith.addi %bitcast_convert_type3A, %add3A_2525 : vector<16xi32>
        %broadcast_in_dim3A_2527 = arith.constant 908003072 : i32
        %broadcast_in_dim3A_2528 = vector.broadcast %broadcast_in_dim3A_2527 : i32 to vector<16xi32>
        %add3A_2529 = arith.constant -1042067111 : i32
        %add3A_2530 = vector.broadcast %add3A_2529 : i32 to vector<16xi32>
        %add3A_2531 = arith.addi %add3A_2526, %add3A_2530 : vector<16xi32>
        %add3A_2532 = arith.addi %broadcast_in_dim3A_2528, %add3A_2531 : vector<16xi32>
        %shift_left3A_2533 = arith.constant 13 : i32
        %shift_left3A_2534 = vector.broadcast %shift_left3A_2533 : i32 to vector<16xi32>
        %shift_left3A_2535 = arith.shli %add3A_2531, %shift_left3A_2534 : vector<16xi32>
        %shift_right_logical3A_2536 = arith.constant 19 : i32
        %shift_right_logical3A_2537 = vector.broadcast %shift_right_logical3A_2536 : i32 to vector<16xi32>
        %shift_right_logical3A_2538 = arith.shrui %add3A_2531, %shift_right_logical3A_2537 : vector<16xi32>
        %or3A_2539 = arith.ori %shift_left3A_2535, %shift_right_logical3A_2538 : vector<16xi32>
        %xor3A_2540 = arith.xori %add3A_2532, %or3A_2539 : vector<16xi32>
        %add3A_2541 = arith.addi %add3A_2532, %xor3A_2540 : vector<16xi32>
        %shift_left3A_2542 = arith.constant 15 : i32
        %shift_left3A_2543 = vector.broadcast %shift_left3A_2542 : i32 to vector<16xi32>
        %shift_left3A_2544 = arith.shli %xor3A_2540, %shift_left3A_2543 : vector<16xi32>
        %shift_right_logical3A_2545 = arith.constant 17 : i32
        %shift_right_logical3A_2546 = vector.broadcast %shift_right_logical3A_2545 : i32 to vector<16xi32>
        %shift_right_logical3A_2547 = arith.shrui %xor3A_2540, %shift_right_logical3A_2546 : vector<16xi32>
        %or3A_2548 = arith.ori %shift_left3A_2544, %shift_right_logical3A_2547 : vector<16xi32>
        %xor3A_2549 = arith.xori %add3A_2541, %or3A_2548 : vector<16xi32>
        %add3A_2550 = arith.addi %add3A_2541, %xor3A_2549 : vector<16xi32>
        %shift_left3A_2551 = arith.constant 26 : i32
        %shift_left3A_2552 = vector.broadcast %shift_left3A_2551 : i32 to vector<16xi32>
        %shift_left3A_2553 = arith.shli %xor3A_2549, %shift_left3A_2552 : vector<16xi32>
        %shift_right_logical3A_2554 = arith.constant 6 : i32
        %shift_right_logical3A_2555 = vector.broadcast %shift_right_logical3A_2554 : i32 to vector<16xi32>
        %shift_right_logical3A_2556 = arith.shrui %xor3A_2549, %shift_right_logical3A_2555 : vector<16xi32>
        %or3A_2557 = arith.ori %shift_left3A_2553, %shift_right_logical3A_2556 : vector<16xi32>
        %xor3A_2558 = arith.xori %add3A_2550, %or3A_2557 : vector<16xi32>
        %add3A_2559 = arith.addi %add3A_2550, %xor3A_2558 : vector<16xi32>
        %shift_left3A_2560 = arith.constant 6 : i32
        %shift_left3A_2561 = vector.broadcast %shift_left3A_2560 : i32 to vector<16xi32>
        %shift_left3A_2562 = arith.shli %xor3A_2558, %shift_left3A_2561 : vector<16xi32>
        %shift_right_logical3A_2563 = arith.constant 26 : i32
        %shift_right_logical3A_2564 = vector.broadcast %shift_right_logical3A_2563 : i32 to vector<16xi32>
        %shift_right_logical3A_2565 = arith.shrui %xor3A_2558, %shift_right_logical3A_2564 : vector<16xi32>
        %or3A_2566 = arith.ori %shift_left3A_2562, %shift_right_logical3A_2565 : vector<16xi32>
        %xor3A_2567 = arith.xori %add3A_2559, %or3A_2566 : vector<16xi32>
        %add3A_2568 = arith.constant -1042067111 : i32
        %add3A_2569 = vector.broadcast %add3A_2568 : i32 to vector<16xi32>
        %add3A_2570 = arith.addi %add3A_2559, %add3A_2569 : vector<16xi32>
        %add3A_2571 = arith.constant -332575356 : i32
        %add3A_2572 = vector.broadcast %add3A_2571 : i32 to vector<16xi32>
        %add3A_2573 = arith.addi %xor3A_2567, %add3A_2572 : vector<16xi32>
        %add3A_2574 = arith.addi %add3A_2570, %add3A_2573 : vector<16xi32>
        %shift_left3A_2575 = arith.constant 17 : i32
        %shift_left3A_2576 = vector.broadcast %shift_left3A_2575 : i32 to vector<16xi32>
        %shift_left3A_2577 = arith.shli %add3A_2573, %shift_left3A_2576 : vector<16xi32>
        %shift_right_logical3A_2578 = arith.constant 15 : i32
        %shift_right_logical3A_2579 = vector.broadcast %shift_right_logical3A_2578 : i32 to vector<16xi32>
        %shift_right_logical3A_2580 = arith.shrui %add3A_2573, %shift_right_logical3A_2579 : vector<16xi32>
        %or3A_2581 = arith.ori %shift_left3A_2577, %shift_right_logical3A_2580 : vector<16xi32>
        %xor3A_2582 = arith.xori %add3A_2574, %or3A_2581 : vector<16xi32>
        %add3A_2583 = arith.addi %add3A_2574, %xor3A_2582 : vector<16xi32>
        %shift_left3A_2584 = arith.constant 29 : i32
        %shift_left3A_2585 = vector.broadcast %shift_left3A_2584 : i32 to vector<16xi32>
        %shift_left3A_2586 = arith.shli %xor3A_2582, %shift_left3A_2585 : vector<16xi32>
        %shift_right_logical3A_2587 = arith.constant 3 : i32
        %shift_right_logical3A_2588 = vector.broadcast %shift_right_logical3A_2587 : i32 to vector<16xi32>
        %shift_right_logical3A_2589 = arith.shrui %xor3A_2582, %shift_right_logical3A_2588 : vector<16xi32>
        %or3A_2590 = arith.ori %shift_left3A_2586, %shift_right_logical3A_2589 : vector<16xi32>
        %xor3A_2591 = arith.xori %add3A_2583, %or3A_2590 : vector<16xi32>
        %add3A_2592 = arith.addi %add3A_2583, %xor3A_2591 : vector<16xi32>
        %shift_left3A_2593 = arith.constant 16 : i32
        %shift_left3A_2594 = vector.broadcast %shift_left3A_2593 : i32 to vector<16xi32>
        %shift_left3A_2595 = arith.shli %xor3A_2591, %shift_left3A_2594 : vector<16xi32>
        %shift_right_logical3A_2596 = arith.constant 16 : i32
        %shift_right_logical3A_2597 = vector.broadcast %shift_right_logical3A_2596 : i32 to vector<16xi32>
        %shift_right_logical3A_2598 = arith.shrui %xor3A_2591, %shift_right_logical3A_2597 : vector<16xi32>
        %or3A_2599 = arith.ori %shift_left3A_2595, %shift_right_logical3A_2598 : vector<16xi32>
        %xor3A_2600 = arith.xori %add3A_2592, %or3A_2599 : vector<16xi32>
        %add3A_2601 = arith.addi %add3A_2592, %xor3A_2600 : vector<16xi32>
        %shift_left3A_2602 = arith.constant 24 : i32
        %shift_left3A_2603 = vector.broadcast %shift_left3A_2602 : i32 to vector<16xi32>
        %shift_left3A_2604 = arith.shli %xor3A_2600, %shift_left3A_2603 : vector<16xi32>
        %shift_right_logical3A_2605 = arith.constant 8 : i32
        %shift_right_logical3A_2606 = vector.broadcast %shift_right_logical3A_2605 : i32 to vector<16xi32>
        %shift_right_logical3A_2607 = arith.shrui %xor3A_2600, %shift_right_logical3A_2606 : vector<16xi32>
        %or3A_2608 = arith.ori %shift_left3A_2604, %shift_right_logical3A_2607 : vector<16xi32>
        %xor3A_2609 = arith.xori %add3A_2601, %or3A_2608 : vector<16xi32>
        %add3A_2610 = arith.constant -332575357 : i32
        %add3A_2611 = vector.broadcast %add3A_2610 : i32 to vector<16xi32>
        %add3A_2612 = arith.addi %add3A_2601, %add3A_2611 : vector<16xi32>
        %add3A_2613 = arith.constant 908003074 : i32
        %add3A_2614 = vector.broadcast %add3A_2613 : i32 to vector<16xi32>
        %add3A_2615 = arith.addi %xor3A_2609, %add3A_2614 : vector<16xi32>
        %add3A_2616 = arith.addi %add3A_2612, %add3A_2615 : vector<16xi32>
        %shift_left3A_2617 = arith.constant 13 : i32
        %shift_left3A_2618 = vector.broadcast %shift_left3A_2617 : i32 to vector<16xi32>
        %shift_left3A_2619 = arith.shli %add3A_2615, %shift_left3A_2618 : vector<16xi32>
        %shift_right_logical3A_2620 = arith.constant 19 : i32
        %shift_right_logical3A_2621 = vector.broadcast %shift_right_logical3A_2620 : i32 to vector<16xi32>
        %shift_right_logical3A_2622 = arith.shrui %add3A_2615, %shift_right_logical3A_2621 : vector<16xi32>
        %or3A_2623 = arith.ori %shift_left3A_2619, %shift_right_logical3A_2622 : vector<16xi32>
        %xor3A_2624 = arith.xori %add3A_2616, %or3A_2623 : vector<16xi32>
        %add3A_2625 = arith.addi %add3A_2616, %xor3A_2624 : vector<16xi32>
        %shift_left3A_2626 = arith.constant 15 : i32
        %shift_left3A_2627 = vector.broadcast %shift_left3A_2626 : i32 to vector<16xi32>
        %shift_left3A_2628 = arith.shli %xor3A_2624, %shift_left3A_2627 : vector<16xi32>
        %shift_right_logical3A_2629 = arith.constant 17 : i32
        %shift_right_logical3A_2630 = vector.broadcast %shift_right_logical3A_2629 : i32 to vector<16xi32>
        %shift_right_logical3A_2631 = arith.shrui %xor3A_2624, %shift_right_logical3A_2630 : vector<16xi32>
        %or3A_2632 = arith.ori %shift_left3A_2628, %shift_right_logical3A_2631 : vector<16xi32>
        %xor3A_2633 = arith.xori %add3A_2625, %or3A_2632 : vector<16xi32>
        %add3A_2634 = arith.addi %add3A_2625, %xor3A_2633 : vector<16xi32>
        %shift_left3A_2635 = arith.constant 26 : i32
        %shift_left3A_2636 = vector.broadcast %shift_left3A_2635 : i32 to vector<16xi32>
        %shift_left3A_2637 = arith.shli %xor3A_2633, %shift_left3A_2636 : vector<16xi32>
        %shift_right_logical3A_2638 = arith.constant 6 : i32
        %shift_right_logical3A_2639 = vector.broadcast %shift_right_logical3A_2638 : i32 to vector<16xi32>
        %shift_right_logical3A_2640 = arith.shrui %xor3A_2633, %shift_right_logical3A_2639 : vector<16xi32>
        %or3A_2641 = arith.ori %shift_left3A_2637, %shift_right_logical3A_2640 : vector<16xi32>
        %xor3A_2642 = arith.xori %add3A_2634, %or3A_2641 : vector<16xi32>
        %add3A_2643 = arith.addi %add3A_2634, %xor3A_2642 : vector<16xi32>
        %shift_left3A_2644 = arith.constant 6 : i32
        %shift_left3A_2645 = vector.broadcast %shift_left3A_2644 : i32 to vector<16xi32>
        %shift_left3A_2646 = arith.shli %xor3A_2642, %shift_left3A_2645 : vector<16xi32>
        %shift_right_logical3A_2647 = arith.constant 26 : i32
        %shift_right_logical3A_2648 = vector.broadcast %shift_right_logical3A_2647 : i32 to vector<16xi32>
        %shift_right_logical3A_2649 = arith.shrui %xor3A_2642, %shift_right_logical3A_2648 : vector<16xi32>
        %or3A_2650 = arith.ori %shift_left3A_2646, %shift_right_logical3A_2649 : vector<16xi32>
        %xor3A_2651 = arith.xori %add3A_2643, %or3A_2650 : vector<16xi32>
        %add3A_2652 = arith.constant 908003072 : i32
        %add3A_2653 = vector.broadcast %add3A_2652 : i32 to vector<16xi32>
        %add3A_2654 = arith.addi %add3A_2643, %add3A_2653 : vector<16xi32>
        %add3A_2655 = arith.constant -1042067108 : i32
        %add3A_2656 = vector.broadcast %add3A_2655 : i32 to vector<16xi32>
        %add3A_2657 = arith.addi %xor3A_2651, %add3A_2656 : vector<16xi32>
        %add3A_2658 = arith.addi %add3A_2654, %add3A_2657 : vector<16xi32>
        %shift_left3A_2659 = arith.constant 17 : i32
        %shift_left3A_2660 = vector.broadcast %shift_left3A_2659 : i32 to vector<16xi32>
        %shift_left3A_2661 = arith.shli %add3A_2657, %shift_left3A_2660 : vector<16xi32>
        %shift_right_logical3A_2662 = arith.constant 15 : i32
        %shift_right_logical3A_2663 = vector.broadcast %shift_right_logical3A_2662 : i32 to vector<16xi32>
        %shift_right_logical3A_2664 = arith.shrui %add3A_2657, %shift_right_logical3A_2663 : vector<16xi32>
        %or3A_2665 = arith.ori %shift_left3A_2661, %shift_right_logical3A_2664 : vector<16xi32>
        %xor3A_2666 = arith.xori %add3A_2658, %or3A_2665 : vector<16xi32>
        %add3A_2667 = arith.addi %add3A_2658, %xor3A_2666 : vector<16xi32>
        %shift_left3A_2668 = arith.constant 29 : i32
        %shift_left3A_2669 = vector.broadcast %shift_left3A_2668 : i32 to vector<16xi32>
        %shift_left3A_2670 = arith.shli %xor3A_2666, %shift_left3A_2669 : vector<16xi32>
        %shift_right_logical3A_2671 = arith.constant 3 : i32
        %shift_right_logical3A_2672 = vector.broadcast %shift_right_logical3A_2671 : i32 to vector<16xi32>
        %shift_right_logical3A_2673 = arith.shrui %xor3A_2666, %shift_right_logical3A_2672 : vector<16xi32>
        %or3A_2674 = arith.ori %shift_left3A_2670, %shift_right_logical3A_2673 : vector<16xi32>
        %xor3A_2675 = arith.xori %add3A_2667, %or3A_2674 : vector<16xi32>
        %add3A_2676 = arith.addi %add3A_2667, %xor3A_2675 : vector<16xi32>
        %shift_left3A_2677 = arith.constant 16 : i32
        %shift_left3A_2678 = vector.broadcast %shift_left3A_2677 : i32 to vector<16xi32>
        %shift_left3A_2679 = arith.shli %xor3A_2675, %shift_left3A_2678 : vector<16xi32>
        %shift_right_logical3A_2680 = arith.constant 16 : i32
        %shift_right_logical3A_2681 = vector.broadcast %shift_right_logical3A_2680 : i32 to vector<16xi32>
        %shift_right_logical3A_2682 = arith.shrui %xor3A_2675, %shift_right_logical3A_2681 : vector<16xi32>
        %or3A_2683 = arith.ori %shift_left3A_2679, %shift_right_logical3A_2682 : vector<16xi32>
        %xor3A_2684 = arith.xori %add3A_2676, %or3A_2683 : vector<16xi32>
        %add3A_2685 = arith.addi %add3A_2676, %xor3A_2684 : vector<16xi32>
        %shift_left3A_2686 = arith.constant 24 : i32
        %shift_left3A_2687 = vector.broadcast %shift_left3A_2686 : i32 to vector<16xi32>
        %shift_left3A_2688 = arith.shli %xor3A_2684, %shift_left3A_2687 : vector<16xi32>
        %shift_right_logical3A_2689 = arith.constant 8 : i32
        %shift_right_logical3A_2690 = vector.broadcast %shift_right_logical3A_2689 : i32 to vector<16xi32>
        %shift_right_logical3A_2691 = arith.shrui %xor3A_2684, %shift_right_logical3A_2690 : vector<16xi32>
        %or3A_2692 = arith.ori %shift_left3A_2688, %shift_right_logical3A_2691 : vector<16xi32>
        %xor3A_2693 = arith.xori %add3A_2685, %or3A_2692 : vector<16xi32>
        %add3A_2694 = arith.constant -1042067111 : i32
        %add3A_2695 = vector.broadcast %add3A_2694 : i32 to vector<16xi32>
        %add3A_2696 = arith.addi %add3A_2685, %add3A_2695 : vector<16xi32>
        %add3A_2697 = arith.constant -332575353 : i32
        %add3A_2698 = vector.broadcast %add3A_2697 : i32 to vector<16xi32>
        %add3A_2699 = arith.addi %xor3A_2693, %add3A_2698 : vector<16xi32>
        %add3A_2700 = arith.addi %add3A_2696, %add3A_2699 : vector<16xi32>
        %shift_left3A_2701 = arith.constant 13 : i32
        %shift_left3A_2702 = vector.broadcast %shift_left3A_2701 : i32 to vector<16xi32>
        %shift_left3A_2703 = arith.shli %add3A_2699, %shift_left3A_2702 : vector<16xi32>
        %shift_right_logical3A_2704 = arith.constant 19 : i32
        %shift_right_logical3A_2705 = vector.broadcast %shift_right_logical3A_2704 : i32 to vector<16xi32>
        %shift_right_logical3A_2706 = arith.shrui %add3A_2699, %shift_right_logical3A_2705 : vector<16xi32>
        %or3A_2707 = arith.ori %shift_left3A_2703, %shift_right_logical3A_2706 : vector<16xi32>
        %xor3A_2708 = arith.xori %add3A_2700, %or3A_2707 : vector<16xi32>
        %add3A_2709 = arith.addi %add3A_2700, %xor3A_2708 : vector<16xi32>
        %shift_left3A_2710 = arith.constant 15 : i32
        %shift_left3A_2711 = vector.broadcast %shift_left3A_2710 : i32 to vector<16xi32>
        %shift_left3A_2712 = arith.shli %xor3A_2708, %shift_left3A_2711 : vector<16xi32>
        %shift_right_logical3A_2713 = arith.constant 17 : i32
        %shift_right_logical3A_2714 = vector.broadcast %shift_right_logical3A_2713 : i32 to vector<16xi32>
        %shift_right_logical3A_2715 = arith.shrui %xor3A_2708, %shift_right_logical3A_2714 : vector<16xi32>
        %or3A_2716 = arith.ori %shift_left3A_2712, %shift_right_logical3A_2715 : vector<16xi32>
        %xor3A_2717 = arith.xori %add3A_2709, %or3A_2716 : vector<16xi32>
        %add3A_2718 = arith.addi %add3A_2709, %xor3A_2717 : vector<16xi32>
        %shift_left3A_2719 = arith.constant 26 : i32
        %shift_left3A_2720 = vector.broadcast %shift_left3A_2719 : i32 to vector<16xi32>
        %shift_left3A_2721 = arith.shli %xor3A_2717, %shift_left3A_2720 : vector<16xi32>
        %shift_right_logical3A_2722 = arith.constant 6 : i32
        %shift_right_logical3A_2723 = vector.broadcast %shift_right_logical3A_2722 : i32 to vector<16xi32>
        %shift_right_logical3A_2724 = arith.shrui %xor3A_2717, %shift_right_logical3A_2723 : vector<16xi32>
        %or3A_2725 = arith.ori %shift_left3A_2721, %shift_right_logical3A_2724 : vector<16xi32>
        %xor3A_2726 = arith.xori %add3A_2718, %or3A_2725 : vector<16xi32>
        %add3A_2727 = arith.addi %add3A_2718, %xor3A_2726 : vector<16xi32>
        %shift_left3A_2728 = arith.constant 6 : i32
        %shift_left3A_2729 = vector.broadcast %shift_left3A_2728 : i32 to vector<16xi32>
        %shift_left3A_2730 = arith.shli %xor3A_2726, %shift_left3A_2729 : vector<16xi32>
        %shift_right_logical3A_2731 = arith.constant 26 : i32
        %shift_right_logical3A_2732 = vector.broadcast %shift_right_logical3A_2731 : i32 to vector<16xi32>
        %shift_right_logical3A_2733 = arith.shrui %xor3A_2726, %shift_right_logical3A_2732 : vector<16xi32>
        %or3A_2734 = arith.ori %shift_left3A_2730, %shift_right_logical3A_2733 : vector<16xi32>
        %xor3A_2735 = arith.xori %add3A_2727, %or3A_2734 : vector<16xi32>
        %add3A_2736 = arith.constant -332575357 : i32
        %add3A_2737 = vector.broadcast %add3A_2736 : i32 to vector<16xi32>
        %add3A_2738 = arith.addi %add3A_2727, %add3A_2737 : vector<16xi32>
        %add3A_2739 = arith.constant 908003077 : i32
        %add3A_2740 = vector.broadcast %add3A_2739 : i32 to vector<16xi32>
        %add3A_2741 = arith.addi %xor3A_2735, %add3A_2740 : vector<16xi32>
        %xor3A_2742 = arith.xori %add3A_2738, %add3A_2741 : vector<16xi32>
        %shift_right_logical3A_2743 = arith.constant 9 : i32
        %shift_right_logical3A_2744 = vector.broadcast %shift_right_logical3A_2743 : i32 to vector<16xi32>
        %shift_right_logical3A_2745 = arith.shrui %xor3A_2742, %shift_right_logical3A_2744 : vector<16xi32>
        %or3A_2746 = arith.constant 1065353216 : i32
        %or3A_2747 = vector.broadcast %or3A_2746 : i32 to vector<16xi32>
        %or3A_2748 = arith.ori %shift_right_logical3A_2745, %or3A_2747 : vector<16xi32>
        %bitcast_convert_type3A_2749 = tpu.bitcast %or3A_2748 : vector<16xi32> -> vector<16xf32>
        %sub3A_2750 = arith.constant 1.000000e+00 : f32
        %sub3A_2751 = vector.broadcast %sub3A_2750 : f32 to vector<16xf32>
        %sub3A_2752 = arith.subf %bitcast_convert_type3A_2749, %sub3A_2751 : vector<16xf32>
        %mul3A_2753 = arith.constant 1.000000e+00 : f32
        %mul3A_2754 = vector.broadcast %mul3A_2753 : f32 to vector<16xf32>
        %mul3A_2755 = arith.mulf %sub3A_2752, %mul3A_2754 : vector<16xf32>
        %add3A_2756 = arith.constant 1.000000e-10 : f32
        %add3A_2757 = vector.broadcast %add3A_2756 : f32 to vector<16xf32>
        %add3A_2758 = arith.addf %mul3A_2755, %add3A_2757 : vector<16xf32>
        %max3A_2759 = arith.constant 1.000000e-10 : f32
        %max3A_2760 = vector.broadcast %max3A_2759 : f32 to vector<16xf32>
        %max3A_2761 = arith.maximumf %max3A_2760, %add3A_2758 : vector<16xf32>
        %bitcast_convert_type3A_2762 = tpu.bitcast %max3A_2761 : vector<16xf32> -> vector<16xi32>
        %shift_right_logical3A_2763 = arith.constant 23 : i32
        %shift_right_logical3A_2764 = vector.broadcast %shift_right_logical3A_2763 : i32 to vector<16xi32>
        %shift_right_logical3A_2765 = arith.shrui %bitcast_convert_type3A_2762, %shift_right_logical3A_2764 : vector<16xi32>
        %bitcast_convert_type3A_2766 = tpu.bitcast %shift_right_logical3A_2765 : vector<16xi32> -> vector<16xi32>
        %sub3A_2767 = arith.constant 127 : i32
        %sub3A_2768 = vector.broadcast %sub3A_2767 : i32 to vector<16xi32>
        %sub3A_2769 = arith.subi %bitcast_convert_type3A_2766, %sub3A_2768 : vector<16xi32>
        %and3A_2770 = arith.constant 8388607 : i32
        %and3A_2771 = vector.broadcast %and3A_2770 : i32 to vector<16xi32>
        %and3A_2772 = arith.andi %bitcast_convert_type3A_2762, %and3A_2771 : vector<16xi32>
        %or3A_2773 = arith.constant 1065353216 : i32
        %or3A_2774 = vector.broadcast %or3A_2773 : i32 to vector<16xi32>
        %or3A_2775 = arith.ori %and3A_2772, %or3A_2774 : vector<16xi32>
        %bitcast_convert_type3A_2776 = tpu.bitcast %or3A_2775 : vector<16xi32> -> vector<16xf32>
        %sub3A_2777 = arith.constant 1.000000e+00 : f32
        %sub3A_2778 = vector.broadcast %sub3A_2777 : f32 to vector<16xf32>
        %sub3A_2779 = arith.subf %bitcast_convert_type3A_2776, %sub3A_2778 : vector<16xf32>
        %broadcast_in_dim3A_2780 = arith.constant -0.00458208052 : f32
        %broadcast_in_dim3A_2781 = vector.broadcast %broadcast_in_dim3A_2780 : f32 to vector<16xf32>
        %mul3A_2782 = arith.mulf %broadcast_in_dim3A_2781, %sub3A_2779 : vector<16xf32>
        %add3A_2783 = arith.constant 0.0281939134 : f32
        %add3A_2784 = vector.broadcast %add3A_2783 : f32 to vector<16xf32>
        %add3A_2785 = arith.addf %mul3A_2782, %add3A_2784 : vector<16xf32>
        %mul3A_2786 = arith.mulf %add3A_2785, %sub3A_2779 : vector<16xf32>
        %add3A_2787 = arith.constant -0.0813299268 : f32
        %add3A_2788 = vector.broadcast %add3A_2787 : f32 to vector<16xf32>
        %add3A_2789 = arith.addf %mul3A_2786, %add3A_2788 : vector<16xf32>
        %mul3A_2790 = arith.mulf %add3A_2789, %sub3A_2779 : vector<16xf32>
        %add3A_2791 = arith.constant 0.152112335 : f32
        %add3A_2792 = vector.broadcast %add3A_2791 : f32 to vector<16xf32>
        %add3A_2793 = arith.addf %mul3A_2790, %add3A_2792 : vector<16xf32>
        %mul3A_2794 = arith.mulf %add3A_2793, %sub3A_2779 : vector<16xf32>
        %add3A_2795 = arith.constant -0.220294729 : f32
        %add3A_2796 = vector.broadcast %add3A_2795 : f32 to vector<16xf32>
        %add3A_2797 = arith.addf %mul3A_2794, %add3A_2796 : vector<16xf32>
        %mul3A_2798 = arith.mulf %add3A_2797, %sub3A_2779 : vector<16xf32>
        %add3A_2799 = arith.constant 0.283681065 : f32
        %add3A_2800 = vector.broadcast %add3A_2799 : f32 to vector<16xf32>
        %add3A_2801 = arith.addf %mul3A_2798, %add3A_2800 : vector<16xf32>
        %mul3A_2802 = arith.mulf %add3A_2801, %sub3A_2779 : vector<16xf32>
        %add3A_2803 = arith.constant -0.359975725 : f32
        %add3A_2804 = vector.broadcast %add3A_2803 : f32 to vector<16xf32>
        %add3A_2805 = arith.addf %mul3A_2802, %add3A_2804 : vector<16xf32>
        %mul3A_2806 = arith.mulf %add3A_2805, %sub3A_2779 : vector<16xf32>
        %add3A_2807 = arith.constant 0.480846077 : f32
        %add3A_2808 = vector.broadcast %add3A_2807 : f32 to vector<16xf32>
        %add3A_2809 = arith.addf %mul3A_2806, %add3A_2808 : vector<16xf32>
        %mul3A_2810 = arith.mulf %add3A_2809, %sub3A_2779 : vector<16xf32>
        %add3A_2811 = arith.constant -0.721345961 : f32
        %add3A_2812 = vector.broadcast %add3A_2811 : f32 to vector<16xf32>
        %add3A_2813 = arith.addf %mul3A_2810, %add3A_2812 : vector<16xf32>
        %mul3A_2814 = arith.mulf %add3A_2813, %sub3A_2779 : vector<16xf32>
        %add3A_2815 = arith.constant 1.44269502 : f32
        %add3A_2816 = vector.broadcast %add3A_2815 : f32 to vector<16xf32>
        %add3A_2817 = arith.addf %mul3A_2814, %add3A_2816 : vector<16xf32>
        %convert_element_type3A_2818 = arith.sitofp %sub3A_2769 : vector<16xi32> to vector<16xf32>
        %mul3A_2819 = arith.mulf %sub3A_2779, %add3A_2817 : vector<16xf32>
        %add3A_2820 = arith.addf %convert_element_type3A_2818, %mul3A_2819 : vector<16xf32>
        %mul3A_2821 = arith.constant 0.693147182 : f32
        %mul3A_2822 = vector.broadcast %mul3A_2821 : f32 to vector<16xf32>
        %mul3A_2823 = arith.mulf %add3A_2820, %mul3A_2822 : vector<16xf32>
        %neg3A_2824 = arith.constant 0.000000e+00 : f32
        %neg3A_2825 = vector.broadcast %neg3A_2824 : f32 to vector<16xf32>
        %neg3A_2826 = arith.subf %neg3A_2825, %mul3A_2823 : vector<16xf32>
        %add3A_2827 = arith.constant 10000000 : i32
        %add3A_2828 = vector.broadcast %add3A_2827 : i32 to vector<16xi32>
        %add3A_2829 = arith.addi %add3A_2526, %add3A_2828 : vector<16xi32>
        %broadcast_in_dim3A_2830 = arith.constant 908003072 : i32
        %broadcast_in_dim3A_2831 = vector.broadcast %broadcast_in_dim3A_2830 : i32 to vector<16xi32>
        %add3A_2832 = arith.constant -1042067111 : i32
        %add3A_2833 = vector.broadcast %add3A_2832 : i32 to vector<16xi32>
        %add3A_2834 = arith.addi %add3A_2829, %add3A_2833 : vector<16xi32>
        %add3A_2835 = arith.addi %broadcast_in_dim3A_2831, %add3A_2834 : vector<16xi32>
        %shift_left3A_2836 = arith.constant 13 : i32
        %shift_left3A_2837 = vector.broadcast %shift_left3A_2836 : i32 to vector<16xi32>
        %shift_left3A_2838 = arith.shli %add3A_2834, %shift_left3A_2837 : vector<16xi32>
        %shift_right_logical3A_2839 = arith.constant 19 : i32
        %shift_right_logical3A_2840 = vector.broadcast %shift_right_logical3A_2839 : i32 to vector<16xi32>
        %shift_right_logical3A_2841 = arith.shrui %add3A_2834, %shift_right_logical3A_2840 : vector<16xi32>
        %or3A_2842 = arith.ori %shift_left3A_2838, %shift_right_logical3A_2841 : vector<16xi32>
        %xor3A_2843 = arith.xori %add3A_2835, %or3A_2842 : vector<16xi32>
        %add3A_2844 = arith.addi %add3A_2835, %xor3A_2843 : vector<16xi32>
        %shift_left3A_2845 = arith.constant 15 : i32
        %shift_left3A_2846 = vector.broadcast %shift_left3A_2845 : i32 to vector<16xi32>
        %shift_left3A_2847 = arith.shli %xor3A_2843, %shift_left3A_2846 : vector<16xi32>
        %shift_right_logical3A_2848 = arith.constant 17 : i32
        %shift_right_logical3A_2849 = vector.broadcast %shift_right_logical3A_2848 : i32 to vector<16xi32>
        %shift_right_logical3A_2850 = arith.shrui %xor3A_2843, %shift_right_logical3A_2849 : vector<16xi32>
        %or3A_2851 = arith.ori %shift_left3A_2847, %shift_right_logical3A_2850 : vector<16xi32>
        %xor3A_2852 = arith.xori %add3A_2844, %or3A_2851 : vector<16xi32>
        %add3A_2853 = arith.addi %add3A_2844, %xor3A_2852 : vector<16xi32>
        %shift_left3A_2854 = arith.constant 26 : i32
        %shift_left3A_2855 = vector.broadcast %shift_left3A_2854 : i32 to vector<16xi32>
        %shift_left3A_2856 = arith.shli %xor3A_2852, %shift_left3A_2855 : vector<16xi32>
        %shift_right_logical3A_2857 = arith.constant 6 : i32
        %shift_right_logical3A_2858 = vector.broadcast %shift_right_logical3A_2857 : i32 to vector<16xi32>
        %shift_right_logical3A_2859 = arith.shrui %xor3A_2852, %shift_right_logical3A_2858 : vector<16xi32>
        %or3A_2860 = arith.ori %shift_left3A_2856, %shift_right_logical3A_2859 : vector<16xi32>
        %xor3A_2861 = arith.xori %add3A_2853, %or3A_2860 : vector<16xi32>
        %add3A_2862 = arith.addi %add3A_2853, %xor3A_2861 : vector<16xi32>
        %shift_left3A_2863 = arith.constant 6 : i32
        %shift_left3A_2864 = vector.broadcast %shift_left3A_2863 : i32 to vector<16xi32>
        %shift_left3A_2865 = arith.shli %xor3A_2861, %shift_left3A_2864 : vector<16xi32>
        %shift_right_logical3A_2866 = arith.constant 26 : i32
        %shift_right_logical3A_2867 = vector.broadcast %shift_right_logical3A_2866 : i32 to vector<16xi32>
        %shift_right_logical3A_2868 = arith.shrui %xor3A_2861, %shift_right_logical3A_2867 : vector<16xi32>
        %or3A_2869 = arith.ori %shift_left3A_2865, %shift_right_logical3A_2868 : vector<16xi32>
        %xor3A_2870 = arith.xori %add3A_2862, %or3A_2869 : vector<16xi32>
        %add3A_2871 = arith.constant -1042067111 : i32
        %add3A_2872 = vector.broadcast %add3A_2871 : i32 to vector<16xi32>
        %add3A_2873 = arith.addi %add3A_2862, %add3A_2872 : vector<16xi32>
        %add3A_2874 = arith.constant -332575356 : i32
        %add3A_2875 = vector.broadcast %add3A_2874 : i32 to vector<16xi32>
        %add3A_2876 = arith.addi %xor3A_2870, %add3A_2875 : vector<16xi32>
        %add3A_2877 = arith.addi %add3A_2873, %add3A_2876 : vector<16xi32>
        %shift_left3A_2878 = arith.constant 17 : i32
        %shift_left3A_2879 = vector.broadcast %shift_left3A_2878 : i32 to vector<16xi32>
        %shift_left3A_2880 = arith.shli %add3A_2876, %shift_left3A_2879 : vector<16xi32>
        %shift_right_logical3A_2881 = arith.constant 15 : i32
        %shift_right_logical3A_2882 = vector.broadcast %shift_right_logical3A_2881 : i32 to vector<16xi32>
        %shift_right_logical3A_2883 = arith.shrui %add3A_2876, %shift_right_logical3A_2882 : vector<16xi32>
        %or3A_2884 = arith.ori %shift_left3A_2880, %shift_right_logical3A_2883 : vector<16xi32>
        %xor3A_2885 = arith.xori %add3A_2877, %or3A_2884 : vector<16xi32>
        %add3A_2886 = arith.addi %add3A_2877, %xor3A_2885 : vector<16xi32>
        %shift_left3A_2887 = arith.constant 29 : i32
        %shift_left3A_2888 = vector.broadcast %shift_left3A_2887 : i32 to vector<16xi32>
        %shift_left3A_2889 = arith.shli %xor3A_2885, %shift_left3A_2888 : vector<16xi32>
        %shift_right_logical3A_2890 = arith.constant 3 : i32
        %shift_right_logical3A_2891 = vector.broadcast %shift_right_logical3A_2890 : i32 to vector<16xi32>
        %shift_right_logical3A_2892 = arith.shrui %xor3A_2885, %shift_right_logical3A_2891 : vector<16xi32>
        %or3A_2893 = arith.ori %shift_left3A_2889, %shift_right_logical3A_2892 : vector<16xi32>
        %xor3A_2894 = arith.xori %add3A_2886, %or3A_2893 : vector<16xi32>
        %add3A_2895 = arith.addi %add3A_2886, %xor3A_2894 : vector<16xi32>
        %shift_left3A_2896 = arith.constant 16 : i32
        %shift_left3A_2897 = vector.broadcast %shift_left3A_2896 : i32 to vector<16xi32>
        %shift_left3A_2898 = arith.shli %xor3A_2894, %shift_left3A_2897 : vector<16xi32>
        %shift_right_logical3A_2899 = arith.constant 16 : i32
        %shift_right_logical3A_2900 = vector.broadcast %shift_right_logical3A_2899 : i32 to vector<16xi32>
        %shift_right_logical3A_2901 = arith.shrui %xor3A_2894, %shift_right_logical3A_2900 : vector<16xi32>
        %or3A_2902 = arith.ori %shift_left3A_2898, %shift_right_logical3A_2901 : vector<16xi32>
        %xor3A_2903 = arith.xori %add3A_2895, %or3A_2902 : vector<16xi32>
        %add3A_2904 = arith.addi %add3A_2895, %xor3A_2903 : vector<16xi32>
        %shift_left3A_2905 = arith.constant 24 : i32
        %shift_left3A_2906 = vector.broadcast %shift_left3A_2905 : i32 to vector<16xi32>
        %shift_left3A_2907 = arith.shli %xor3A_2903, %shift_left3A_2906 : vector<16xi32>
        %shift_right_logical3A_2908 = arith.constant 8 : i32
        %shift_right_logical3A_2909 = vector.broadcast %shift_right_logical3A_2908 : i32 to vector<16xi32>
        %shift_right_logical3A_2910 = arith.shrui %xor3A_2903, %shift_right_logical3A_2909 : vector<16xi32>
        %or3A_2911 = arith.ori %shift_left3A_2907, %shift_right_logical3A_2910 : vector<16xi32>
        %xor3A_2912 = arith.xori %add3A_2904, %or3A_2911 : vector<16xi32>
        %add3A_2913 = arith.constant -332575357 : i32
        %add3A_2914 = vector.broadcast %add3A_2913 : i32 to vector<16xi32>
        %add3A_2915 = arith.addi %add3A_2904, %add3A_2914 : vector<16xi32>
        %add3A_2916 = arith.constant 908003074 : i32
        %add3A_2917 = vector.broadcast %add3A_2916 : i32 to vector<16xi32>
        %add3A_2918 = arith.addi %xor3A_2912, %add3A_2917 : vector<16xi32>
        %add3A_2919 = arith.addi %add3A_2915, %add3A_2918 : vector<16xi32>
        %shift_left3A_2920 = arith.constant 13 : i32
        %shift_left3A_2921 = vector.broadcast %shift_left3A_2920 : i32 to vector<16xi32>
        %shift_left3A_2922 = arith.shli %add3A_2918, %shift_left3A_2921 : vector<16xi32>
        %shift_right_logical3A_2923 = arith.constant 19 : i32
        %shift_right_logical3A_2924 = vector.broadcast %shift_right_logical3A_2923 : i32 to vector<16xi32>
        %shift_right_logical3A_2925 = arith.shrui %add3A_2918, %shift_right_logical3A_2924 : vector<16xi32>
        %or3A_2926 = arith.ori %shift_left3A_2922, %shift_right_logical3A_2925 : vector<16xi32>
        %xor3A_2927 = arith.xori %add3A_2919, %or3A_2926 : vector<16xi32>
        %add3A_2928 = arith.addi %add3A_2919, %xor3A_2927 : vector<16xi32>
        %shift_left3A_2929 = arith.constant 15 : i32
        %shift_left3A_2930 = vector.broadcast %shift_left3A_2929 : i32 to vector<16xi32>
        %shift_left3A_2931 = arith.shli %xor3A_2927, %shift_left3A_2930 : vector<16xi32>
        %shift_right_logical3A_2932 = arith.constant 17 : i32
        %shift_right_logical3A_2933 = vector.broadcast %shift_right_logical3A_2932 : i32 to vector<16xi32>
        %shift_right_logical3A_2934 = arith.shrui %xor3A_2927, %shift_right_logical3A_2933 : vector<16xi32>
        %or3A_2935 = arith.ori %shift_left3A_2931, %shift_right_logical3A_2934 : vector<16xi32>
        %xor3A_2936 = arith.xori %add3A_2928, %or3A_2935 : vector<16xi32>
        %add3A_2937 = arith.addi %add3A_2928, %xor3A_2936 : vector<16xi32>
        %shift_left3A_2938 = arith.constant 26 : i32
        %shift_left3A_2939 = vector.broadcast %shift_left3A_2938 : i32 to vector<16xi32>
        %shift_left3A_2940 = arith.shli %xor3A_2936, %shift_left3A_2939 : vector<16xi32>
        %shift_right_logical3A_2941 = arith.constant 6 : i32
        %shift_right_logical3A_2942 = vector.broadcast %shift_right_logical3A_2941 : i32 to vector<16xi32>
        %shift_right_logical3A_2943 = arith.shrui %xor3A_2936, %shift_right_logical3A_2942 : vector<16xi32>
        %or3A_2944 = arith.ori %shift_left3A_2940, %shift_right_logical3A_2943 : vector<16xi32>
        %xor3A_2945 = arith.xori %add3A_2937, %or3A_2944 : vector<16xi32>
        %add3A_2946 = arith.addi %add3A_2937, %xor3A_2945 : vector<16xi32>
        %shift_left3A_2947 = arith.constant 6 : i32
        %shift_left3A_2948 = vector.broadcast %shift_left3A_2947 : i32 to vector<16xi32>
        %shift_left3A_2949 = arith.shli %xor3A_2945, %shift_left3A_2948 : vector<16xi32>
        %shift_right_logical3A_2950 = arith.constant 26 : i32
        %shift_right_logical3A_2951 = vector.broadcast %shift_right_logical3A_2950 : i32 to vector<16xi32>
        %shift_right_logical3A_2952 = arith.shrui %xor3A_2945, %shift_right_logical3A_2951 : vector<16xi32>
        %or3A_2953 = arith.ori %shift_left3A_2949, %shift_right_logical3A_2952 : vector<16xi32>
        %xor3A_2954 = arith.xori %add3A_2946, %or3A_2953 : vector<16xi32>
        %add3A_2955 = arith.constant 908003072 : i32
        %add3A_2956 = vector.broadcast %add3A_2955 : i32 to vector<16xi32>
        %add3A_2957 = arith.addi %add3A_2946, %add3A_2956 : vector<16xi32>
        %add3A_2958 = arith.constant -1042067108 : i32
        %add3A_2959 = vector.broadcast %add3A_2958 : i32 to vector<16xi32>
        %add3A_2960 = arith.addi %xor3A_2954, %add3A_2959 : vector<16xi32>
        %add3A_2961 = arith.addi %add3A_2957, %add3A_2960 : vector<16xi32>
        %shift_left3A_2962 = arith.constant 17 : i32
        %shift_left3A_2963 = vector.broadcast %shift_left3A_2962 : i32 to vector<16xi32>
        %shift_left3A_2964 = arith.shli %add3A_2960, %shift_left3A_2963 : vector<16xi32>
        %shift_right_logical3A_2965 = arith.constant 15 : i32
        %shift_right_logical3A_2966 = vector.broadcast %shift_right_logical3A_2965 : i32 to vector<16xi32>
        %shift_right_logical3A_2967 = arith.shrui %add3A_2960, %shift_right_logical3A_2966 : vector<16xi32>
        %or3A_2968 = arith.ori %shift_left3A_2964, %shift_right_logical3A_2967 : vector<16xi32>
        %xor3A_2969 = arith.xori %add3A_2961, %or3A_2968 : vector<16xi32>
        %add3A_2970 = arith.addi %add3A_2961, %xor3A_2969 : vector<16xi32>
        %shift_left3A_2971 = arith.constant 29 : i32
        %shift_left3A_2972 = vector.broadcast %shift_left3A_2971 : i32 to vector<16xi32>
        %shift_left3A_2973 = arith.shli %xor3A_2969, %shift_left3A_2972 : vector<16xi32>
        %shift_right_logical3A_2974 = arith.constant 3 : i32
        %shift_right_logical3A_2975 = vector.broadcast %shift_right_logical3A_2974 : i32 to vector<16xi32>
        %shift_right_logical3A_2976 = arith.shrui %xor3A_2969, %shift_right_logical3A_2975 : vector<16xi32>
        %or3A_2977 = arith.ori %shift_left3A_2973, %shift_right_logical3A_2976 : vector<16xi32>
        %xor3A_2978 = arith.xori %add3A_2970, %or3A_2977 : vector<16xi32>
        %add3A_2979 = arith.addi %add3A_2970, %xor3A_2978 : vector<16xi32>
        %shift_left3A_2980 = arith.constant 16 : i32
        %shift_left3A_2981 = vector.broadcast %shift_left3A_2980 : i32 to vector<16xi32>
        %shift_left3A_2982 = arith.shli %xor3A_2978, %shift_left3A_2981 : vector<16xi32>
        %shift_right_logical3A_2983 = arith.constant 16 : i32
        %shift_right_logical3A_2984 = vector.broadcast %shift_right_logical3A_2983 : i32 to vector<16xi32>
        %shift_right_logical3A_2985 = arith.shrui %xor3A_2978, %shift_right_logical3A_2984 : vector<16xi32>
        %or3A_2986 = arith.ori %shift_left3A_2982, %shift_right_logical3A_2985 : vector<16xi32>
        %xor3A_2987 = arith.xori %add3A_2979, %or3A_2986 : vector<16xi32>
        %add3A_2988 = arith.addi %add3A_2979, %xor3A_2987 : vector<16xi32>
        %shift_left3A_2989 = arith.constant 24 : i32
        %shift_left3A_2990 = vector.broadcast %shift_left3A_2989 : i32 to vector<16xi32>
        %shift_left3A_2991 = arith.shli %xor3A_2987, %shift_left3A_2990 : vector<16xi32>
        %shift_right_logical3A_2992 = arith.constant 8 : i32
        %shift_right_logical3A_2993 = vector.broadcast %shift_right_logical3A_2992 : i32 to vector<16xi32>
        %shift_right_logical3A_2994 = arith.shrui %xor3A_2987, %shift_right_logical3A_2993 : vector<16xi32>
        %or3A_2995 = arith.ori %shift_left3A_2991, %shift_right_logical3A_2994 : vector<16xi32>
        %xor3A_2996 = arith.xori %add3A_2988, %or3A_2995 : vector<16xi32>
        %add3A_2997 = arith.constant -1042067111 : i32
        %add3A_2998 = vector.broadcast %add3A_2997 : i32 to vector<16xi32>
        %add3A_2999 = arith.addi %add3A_2988, %add3A_2998 : vector<16xi32>
        %add3A_3000 = arith.constant -332575353 : i32
        %add3A_3001 = vector.broadcast %add3A_3000 : i32 to vector<16xi32>
        %add3A_3002 = arith.addi %xor3A_2996, %add3A_3001 : vector<16xi32>
        %add3A_3003 = arith.addi %add3A_2999, %add3A_3002 : vector<16xi32>
        %shift_left3A_3004 = arith.constant 13 : i32
        %shift_left3A_3005 = vector.broadcast %shift_left3A_3004 : i32 to vector<16xi32>
        %shift_left3A_3006 = arith.shli %add3A_3002, %shift_left3A_3005 : vector<16xi32>
        %shift_right_logical3A_3007 = arith.constant 19 : i32
        %shift_right_logical3A_3008 = vector.broadcast %shift_right_logical3A_3007 : i32 to vector<16xi32>
        %shift_right_logical3A_3009 = arith.shrui %add3A_3002, %shift_right_logical3A_3008 : vector<16xi32>
        %or3A_3010 = arith.ori %shift_left3A_3006, %shift_right_logical3A_3009 : vector<16xi32>
        %xor3A_3011 = arith.xori %add3A_3003, %or3A_3010 : vector<16xi32>
        %add3A_3012 = arith.addi %add3A_3003, %xor3A_3011 : vector<16xi32>
        %shift_left3A_3013 = arith.constant 15 : i32
        %shift_left3A_3014 = vector.broadcast %shift_left3A_3013 : i32 to vector<16xi32>
        %shift_left3A_3015 = arith.shli %xor3A_3011, %shift_left3A_3014 : vector<16xi32>
        %shift_right_logical3A_3016 = arith.constant 17 : i32
        %shift_right_logical3A_3017 = vector.broadcast %shift_right_logical3A_3016 : i32 to vector<16xi32>
        %shift_right_logical3A_3018 = arith.shrui %xor3A_3011, %shift_right_logical3A_3017 : vector<16xi32>
        %or3A_3019 = arith.ori %shift_left3A_3015, %shift_right_logical3A_3018 : vector<16xi32>
        %xor3A_3020 = arith.xori %add3A_3012, %or3A_3019 : vector<16xi32>
        %add3A_3021 = arith.addi %add3A_3012, %xor3A_3020 : vector<16xi32>
        %shift_left3A_3022 = arith.constant 26 : i32
        %shift_left3A_3023 = vector.broadcast %shift_left3A_3022 : i32 to vector<16xi32>
        %shift_left3A_3024 = arith.shli %xor3A_3020, %shift_left3A_3023 : vector<16xi32>
        %shift_right_logical3A_3025 = arith.constant 6 : i32
        %shift_right_logical3A_3026 = vector.broadcast %shift_right_logical3A_3025 : i32 to vector<16xi32>
        %shift_right_logical3A_3027 = arith.shrui %xor3A_3020, %shift_right_logical3A_3026 : vector<16xi32>
        %or3A_3028 = arith.ori %shift_left3A_3024, %shift_right_logical3A_3027 : vector<16xi32>
        %xor3A_3029 = arith.xori %add3A_3021, %or3A_3028 : vector<16xi32>
        %add3A_3030 = arith.addi %add3A_3021, %xor3A_3029 : vector<16xi32>
        %shift_left3A_3031 = arith.constant 6 : i32
        %shift_left3A_3032 = vector.broadcast %shift_left3A_3031 : i32 to vector<16xi32>
        %shift_left3A_3033 = arith.shli %xor3A_3029, %shift_left3A_3032 : vector<16xi32>
        %shift_right_logical3A_3034 = arith.constant 26 : i32
        %shift_right_logical3A_3035 = vector.broadcast %shift_right_logical3A_3034 : i32 to vector<16xi32>
        %shift_right_logical3A_3036 = arith.shrui %xor3A_3029, %shift_right_logical3A_3035 : vector<16xi32>
        %or3A_3037 = arith.ori %shift_left3A_3033, %shift_right_logical3A_3036 : vector<16xi32>
        %xor3A_3038 = arith.xori %add3A_3030, %or3A_3037 : vector<16xi32>
        %add3A_3039 = arith.constant -332575357 : i32
        %add3A_3040 = vector.broadcast %add3A_3039 : i32 to vector<16xi32>
        %add3A_3041 = arith.addi %add3A_3030, %add3A_3040 : vector<16xi32>
        %add3A_3042 = arith.constant 908003077 : i32
        %add3A_3043 = vector.broadcast %add3A_3042 : i32 to vector<16xi32>
        %add3A_3044 = arith.addi %xor3A_3038, %add3A_3043 : vector<16xi32>
        %xor3A_3045 = arith.xori %add3A_3041, %add3A_3044 : vector<16xi32>
        %shift_right_logical3A_3046 = arith.constant 9 : i32
        %shift_right_logical3A_3047 = vector.broadcast %shift_right_logical3A_3046 : i32 to vector<16xi32>
        %shift_right_logical3A_3048 = arith.shrui %xor3A_3045, %shift_right_logical3A_3047 : vector<16xi32>
        %or3A_3049 = arith.constant 1065353216 : i32
        %or3A_3050 = vector.broadcast %or3A_3049 : i32 to vector<16xi32>
        %or3A_3051 = arith.ori %shift_right_logical3A_3048, %or3A_3050 : vector<16xi32>
        %bitcast_convert_type3A_3052 = tpu.bitcast %or3A_3051 : vector<16xi32> -> vector<16xf32>
        %sub3A_3053 = arith.constant 1.000000e+00 : f32
        %sub3A_3054 = vector.broadcast %sub3A_3053 : f32 to vector<16xf32>
        %sub3A_3055 = arith.subf %bitcast_convert_type3A_3052, %sub3A_3054 : vector<16xf32>
        %mul3A_3056 = arith.constant 1.000000e+00 : f32
        %mul3A_3057 = vector.broadcast %mul3A_3056 : f32 to vector<16xf32>
        %mul3A_3058 = arith.mulf %sub3A_3055, %mul3A_3057 : vector<16xf32>
        %add3A_3059 = arith.constant 1.000000e-10 : f32
        %add3A_3060 = vector.broadcast %add3A_3059 : f32 to vector<16xf32>
        %add3A_3061 = arith.addf %mul3A_3058, %add3A_3060 : vector<16xf32>
        %max3A_3062 = arith.constant 1.000000e-10 : f32
        %max3A_3063 = vector.broadcast %max3A_3062 : f32 to vector<16xf32>
        %max3A_3064 = arith.maximumf %max3A_3063, %add3A_3061 : vector<16xf32>
        %bitcast_convert_type3A_3065 = tpu.bitcast %max3A_3064 : vector<16xf32> -> vector<16xi32>
        %shift_right_logical3A_3066 = arith.constant 23 : i32
        %shift_right_logical3A_3067 = vector.broadcast %shift_right_logical3A_3066 : i32 to vector<16xi32>
        %shift_right_logical3A_3068 = arith.shrui %bitcast_convert_type3A_3065, %shift_right_logical3A_3067 : vector<16xi32>
        %bitcast_convert_type3A_3069 = tpu.bitcast %shift_right_logical3A_3068 : vector<16xi32> -> vector<16xi32>
        %sub3A_3070 = arith.constant 127 : i32
        %sub3A_3071 = vector.broadcast %sub3A_3070 : i32 to vector<16xi32>
        %sub3A_3072 = arith.subi %bitcast_convert_type3A_3069, %sub3A_3071 : vector<16xi32>
        %and3A_3073 = arith.constant 8388607 : i32
        %and3A_3074 = vector.broadcast %and3A_3073 : i32 to vector<16xi32>
        %and3A_3075 = arith.andi %bitcast_convert_type3A_3065, %and3A_3074 : vector<16xi32>
        %or3A_3076 = arith.constant 1065353216 : i32
        %or3A_3077 = vector.broadcast %or3A_3076 : i32 to vector<16xi32>
        %or3A_3078 = arith.ori %and3A_3075, %or3A_3077 : vector<16xi32>
        %bitcast_convert_type3A_3079 = tpu.bitcast %or3A_3078 : vector<16xi32> -> vector<16xf32>
        %sub3A_3080 = arith.constant 1.000000e+00 : f32
        %sub3A_3081 = vector.broadcast %sub3A_3080 : f32 to vector<16xf32>
        %sub3A_3082 = arith.subf %bitcast_convert_type3A_3079, %sub3A_3081 : vector<16xf32>
        %broadcast_in_dim3A_3083 = arith.constant -0.00458208052 : f32
        %broadcast_in_dim3A_3084 = vector.broadcast %broadcast_in_dim3A_3083 : f32 to vector<16xf32>
        %mul3A_3085 = arith.mulf %broadcast_in_dim3A_3084, %sub3A_3082 : vector<16xf32>
        %add3A_3086 = arith.constant 0.0281939134 : f32
        %add3A_3087 = vector.broadcast %add3A_3086 : f32 to vector<16xf32>
        %add3A_3088 = arith.addf %mul3A_3085, %add3A_3087 : vector<16xf32>
        %mul3A_3089 = arith.mulf %add3A_3088, %sub3A_3082 : vector<16xf32>
        %add3A_3090 = arith.constant -0.0813299268 : f32
        %add3A_3091 = vector.broadcast %add3A_3090 : f32 to vector<16xf32>
        %add3A_3092 = arith.addf %mul3A_3089, %add3A_3091 : vector<16xf32>
        %mul3A_3093 = arith.mulf %add3A_3092, %sub3A_3082 : vector<16xf32>
        %add3A_3094 = arith.constant 0.152112335 : f32
        %add3A_3095 = vector.broadcast %add3A_3094 : f32 to vector<16xf32>
        %add3A_3096 = arith.addf %mul3A_3093, %add3A_3095 : vector<16xf32>
        %mul3A_3097 = arith.mulf %add3A_3096, %sub3A_3082 : vector<16xf32>
        %add3A_3098 = arith.constant -0.220294729 : f32
        %add3A_3099 = vector.broadcast %add3A_3098 : f32 to vector<16xf32>
        %add3A_3100 = arith.addf %mul3A_3097, %add3A_3099 : vector<16xf32>
        %mul3A_3101 = arith.mulf %add3A_3100, %sub3A_3082 : vector<16xf32>
        %add3A_3102 = arith.constant 0.283681065 : f32
        %add3A_3103 = vector.broadcast %add3A_3102 : f32 to vector<16xf32>
        %add3A_3104 = arith.addf %mul3A_3101, %add3A_3103 : vector<16xf32>
        %mul3A_3105 = arith.mulf %add3A_3104, %sub3A_3082 : vector<16xf32>
        %add3A_3106 = arith.constant -0.359975725 : f32
        %add3A_3107 = vector.broadcast %add3A_3106 : f32 to vector<16xf32>
        %add3A_3108 = arith.addf %mul3A_3105, %add3A_3107 : vector<16xf32>
        %mul3A_3109 = arith.mulf %add3A_3108, %sub3A_3082 : vector<16xf32>
        %add3A_3110 = arith.constant 0.480846077 : f32
        %add3A_3111 = vector.broadcast %add3A_3110 : f32 to vector<16xf32>
        %add3A_3112 = arith.addf %mul3A_3109, %add3A_3111 : vector<16xf32>
        %mul3A_3113 = arith.mulf %add3A_3112, %sub3A_3082 : vector<16xf32>
        %add3A_3114 = arith.constant -0.721345961 : f32
        %add3A_3115 = vector.broadcast %add3A_3114 : f32 to vector<16xf32>
        %add3A_3116 = arith.addf %mul3A_3113, %add3A_3115 : vector<16xf32>
        %mul3A_3117 = arith.mulf %add3A_3116, %sub3A_3082 : vector<16xf32>
        %add3A_3118 = arith.constant 1.44269502 : f32
        %add3A_3119 = vector.broadcast %add3A_3118 : f32 to vector<16xf32>
        %add3A_3120 = arith.addf %mul3A_3117, %add3A_3119 : vector<16xf32>
        %convert_element_type3A_3121 = arith.sitofp %sub3A_3072 : vector<16xi32> to vector<16xf32>
        %mul3A_3122 = arith.mulf %sub3A_3082, %add3A_3120 : vector<16xf32>
        %add3A_3123 = arith.addf %convert_element_type3A_3121, %mul3A_3122 : vector<16xf32>
        %mul3A_3124 = arith.constant 0.693147182 : f32
        %mul3A_3125 = vector.broadcast %mul3A_3124 : f32 to vector<16xf32>
        %mul3A_3126 = arith.mulf %add3A_3123, %mul3A_3125 : vector<16xf32>
        %neg3A_3127 = arith.constant 0.000000e+00 : f32
        %neg3A_3128 = vector.broadcast %neg3A_3127 : f32 to vector<16xf32>
        %neg3A_3129 = arith.subf %neg3A_3128, %mul3A_3126 : vector<16xf32>
        %get3A_3130 = arith.index_cast %add3A_2521 : i32 to index
        %get3A_3131 = tpu.vector_load %arg4[%get3A_3130] {strides = array<i32>} : memref<8448xf32, #tpu.memory_space<vmem>>, vector<16xf32>,
        %get3A_3132 = vector.shape_cast %get3A_3131 : vector<16xf32> to vector<16xf32>
        %sub3A_3133 = arith.constant 1.000000e+00 : f32
        %sub3A_3134 = vector.broadcast %sub3A_3133 : f32 to vector<16xf32>
        %sub3A_3135 = arith.subf %sub3A_3134, %get3A_3132 : vector<16xf32>
        %mul3A_3136 = arith.mulf %sub3A_3135, %neg3A_2826 : vector<16xf32>
        %mul3A_3137 = arith.mulf %get3A_3132, %neg3A_3129 : vector<16xf32>
        %gt3A_3138 = arith.cmpf ogt, %mul3A_3136, %mul3A_3137 : vector<16xf32>
        %jit3A_3139 = arith.constant 1.000000e+00 : f32
        %jit3A_3140 = arith.constant 0.000000e+00 : f32
        %broadcast_in_dim3A_3141 = vector.broadcast %jit3A_3139 : f32 to vector<16xf32>
        %broadcast_in_dim3A_3142 = vector.broadcast %jit3A_3140 : f32 to vector<16xf32>
        %select_n3A_3143 = arith.select %gt3A_3138, %broadcast_in_dim3A_3141, %broadcast_in_dim3A_3142 : vector<16xi1>, vector<16xf32>
        %swap3A_3144 = arith.index_cast %add3A_2521 : i32 to index
        %swap3A_3145 = tpu.vector_load %arg5[%swap3A_3144] {strides = array<i32>} : memref<8448xf32, #tpu.memory_space<vmem>>, vector<16xf32>,
        %swap3A_3146 = vector.shape_cast %swap3A_3145 : vector<16xf32> to vector<16xf32>
        %swap3A_3147 = vector.shape_cast %select_n3A_3143 : vector<16xf32> to vector<16xf32>
        tpu.vector_store %arg5[%swap3A_3144], %swap3A_3147 {strides = array<i32>} : memref<8448xf32, #tpu.memory_space<vmem>>, vector<16xf32>,
        %add3A_3148 = arith.constant 80 : i32
        %add3A_3149 = arith.addi %mul3A_22, %add3A_3148 : i32
        %add3A_3150 = arith.constant 7837312 : i32
        %add3A_3151 = arith.addi %add3A_3150, %add3A_11 : i32
        %add3A_3152 = arith.addi %add3A_3151, %add3A_3149 : i32
        %add3A_3153 = vector.broadcast %add3A_3152 : i32 to vector<16xi32>
        %add3A_3154 = arith.addi %bitcast_convert_type3A, %add3A_3153 : vector<16xi32>
        %broadcast_in_dim3A_3155 = arith.constant 908003072 : i32
        %broadcast_in_dim3A_3156 = vector.broadcast %broadcast_in_dim3A_3155 : i32 to vector<16xi32>
        %add3A_3157 = arith.constant -1042067111 : i32
        %add3A_3158 = vector.broadcast %add3A_3157 : i32 to vector<16xi32>
        %add3A_3159 = arith.addi %add3A_3154, %add3A_3158 : vector<16xi32>
        %add3A_3160 = arith.addi %broadcast_in_dim3A_3156, %add3A_3159 : vector<16xi32>
        %shift_left3A_3161 = arith.constant 13 : i32
        %shift_left3A_3162 = vector.broadcast %shift_left3A_3161 : i32 to vector<16xi32>
        %shift_left3A_3163 = arith.shli %add3A_3159, %shift_left3A_3162 : vector<16xi32>
        %shift_right_logical3A_3164 = arith.constant 19 : i32
        %shift_right_logical3A_3165 = vector.broadcast %shift_right_logical3A_3164 : i32 to vector<16xi32>
        %shift_right_logical3A_3166 = arith.shrui %add3A_3159, %shift_right_logical3A_3165 : vector<16xi32>
        %or3A_3167 = arith.ori %shift_left3A_3163, %shift_right_logical3A_3166 : vector<16xi32>
        %xor3A_3168 = arith.xori %add3A_3160, %or3A_3167 : vector<16xi32>
        %add3A_3169 = arith.addi %add3A_3160, %xor3A_3168 : vector<16xi32>
        %shift_left3A_3170 = arith.constant 15 : i32
        %shift_left3A_3171 = vector.broadcast %shift_left3A_3170 : i32 to vector<16xi32>
        %shift_left3A_3172 = arith.shli %xor3A_3168, %shift_left3A_3171 : vector<16xi32>
        %shift_right_logical3A_3173 = arith.constant 17 : i32
        %shift_right_logical3A_3174 = vector.broadcast %shift_right_logical3A_3173 : i32 to vector<16xi32>
        %shift_right_logical3A_3175 = arith.shrui %xor3A_3168, %shift_right_logical3A_3174 : vector<16xi32>
        %or3A_3176 = arith.ori %shift_left3A_3172, %shift_right_logical3A_3175 : vector<16xi32>
        %xor3A_3177 = arith.xori %add3A_3169, %or3A_3176 : vector<16xi32>
        %add3A_3178 = arith.addi %add3A_3169, %xor3A_3177 : vector<16xi32>
        %shift_left3A_3179 = arith.constant 26 : i32
        %shift_left3A_3180 = vector.broadcast %shift_left3A_3179 : i32 to vector<16xi32>
        %shift_left3A_3181 = arith.shli %xor3A_3177, %shift_left3A_3180 : vector<16xi32>
        %shift_right_logical3A_3182 = arith.constant 6 : i32
        %shift_right_logical3A_3183 = vector.broadcast %shift_right_logical3A_3182 : i32 to vector<16xi32>
        %shift_right_logical3A_3184 = arith.shrui %xor3A_3177, %shift_right_logical3A_3183 : vector<16xi32>
        %or3A_3185 = arith.ori %shift_left3A_3181, %shift_right_logical3A_3184 : vector<16xi32>
        %xor3A_3186 = arith.xori %add3A_3178, %or3A_3185 : vector<16xi32>
        %add3A_3187 = arith.addi %add3A_3178, %xor3A_3186 : vector<16xi32>
        %shift_left3A_3188 = arith.constant 6 : i32
        %shift_left3A_3189 = vector.broadcast %shift_left3A_3188 : i32 to vector<16xi32>
        %shift_left3A_3190 = arith.shli %xor3A_3186, %shift_left3A_3189 : vector<16xi32>
        %shift_right_logical3A_3191 = arith.constant 26 : i32
        %shift_right_logical3A_3192 = vector.broadcast %shift_right_logical3A_3191 : i32 to vector<16xi32>
        %shift_right_logical3A_3193 = arith.shrui %xor3A_3186, %shift_right_logical3A_3192 : vector<16xi32>
        %or3A_3194 = arith.ori %shift_left3A_3190, %shift_right_logical3A_3193 : vector<16xi32>
        %xor3A_3195 = arith.xori %add3A_3187, %or3A_3194 : vector<16xi32>
        %add3A_3196 = arith.constant -1042067111 : i32
        %add3A_3197 = vector.broadcast %add3A_3196 : i32 to vector<16xi32>
        %add3A_3198 = arith.addi %add3A_3187, %add3A_3197 : vector<16xi32>
        %add3A_3199 = arith.constant -332575356 : i32
        %add3A_3200 = vector.broadcast %add3A_3199 : i32 to vector<16xi32>
        %add3A_3201 = arith.addi %xor3A_3195, %add3A_3200 : vector<16xi32>
        %add3A_3202 = arith.addi %add3A_3198, %add3A_3201 : vector<16xi32>
        %shift_left3A_3203 = arith.constant 17 : i32
        %shift_left3A_3204 = vector.broadcast %shift_left3A_3203 : i32 to vector<16xi32>
        %shift_left3A_3205 = arith.shli %add3A_3201, %shift_left3A_3204 : vector<16xi32>
        %shift_right_logical3A_3206 = arith.constant 15 : i32
        %shift_right_logical3A_3207 = vector.broadcast %shift_right_logical3A_3206 : i32 to vector<16xi32>
        %shift_right_logical3A_3208 = arith.shrui %add3A_3201, %shift_right_logical3A_3207 : vector<16xi32>
        %or3A_3209 = arith.ori %shift_left3A_3205, %shift_right_logical3A_3208 : vector<16xi32>
        %xor3A_3210 = arith.xori %add3A_3202, %or3A_3209 : vector<16xi32>
        %add3A_3211 = arith.addi %add3A_3202, %xor3A_3210 : vector<16xi32>
        %shift_left3A_3212 = arith.constant 29 : i32
        %shift_left3A_3213 = vector.broadcast %shift_left3A_3212 : i32 to vector<16xi32>
        %shift_left3A_3214 = arith.shli %xor3A_3210, %shift_left3A_3213 : vector<16xi32>
        %shift_right_logical3A_3215 = arith.constant 3 : i32
        %shift_right_logical3A_3216 = vector.broadcast %shift_right_logical3A_3215 : i32 to vector<16xi32>
        %shift_right_logical3A_3217 = arith.shrui %xor3A_3210, %shift_right_logical3A_3216 : vector<16xi32>
        %or3A_3218 = arith.ori %shift_left3A_3214, %shift_right_logical3A_3217 : vector<16xi32>
        %xor3A_3219 = arith.xori %add3A_3211, %or3A_3218 : vector<16xi32>
        %add3A_3220 = arith.addi %add3A_3211, %xor3A_3219 : vector<16xi32>
        %shift_left3A_3221 = arith.constant 16 : i32
        %shift_left3A_3222 = vector.broadcast %shift_left3A_3221 : i32 to vector<16xi32>
        %shift_left3A_3223 = arith.shli %xor3A_3219, %shift_left3A_3222 : vector<16xi32>
        %shift_right_logical3A_3224 = arith.constant 16 : i32
        %shift_right_logical3A_3225 = vector.broadcast %shift_right_logical3A_3224 : i32 to vector<16xi32>
        %shift_right_logical3A_3226 = arith.shrui %xor3A_3219, %shift_right_logical3A_3225 : vector<16xi32>
        %or3A_3227 = arith.ori %shift_left3A_3223, %shift_right_logical3A_3226 : vector<16xi32>
        %xor3A_3228 = arith.xori %add3A_3220, %or3A_3227 : vector<16xi32>
        %add3A_3229 = arith.addi %add3A_3220, %xor3A_3228 : vector<16xi32>
        %shift_left3A_3230 = arith.constant 24 : i32
        %shift_left3A_3231 = vector.broadcast %shift_left3A_3230 : i32 to vector<16xi32>
        %shift_left3A_3232 = arith.shli %xor3A_3228, %shift_left3A_3231 : vector<16xi32>
        %shift_right_logical3A_3233 = arith.constant 8 : i32
        %shift_right_logical3A_3234 = vector.broadcast %shift_right_logical3A_3233 : i32 to vector<16xi32>
        %shift_right_logical3A_3235 = arith.shrui %xor3A_3228, %shift_right_logical3A_3234 : vector<16xi32>
        %or3A_3236 = arith.ori %shift_left3A_3232, %shift_right_logical3A_3235 : vector<16xi32>
        %xor3A_3237 = arith.xori %add3A_3229, %or3A_3236 : vector<16xi32>
        %add3A_3238 = arith.constant -332575357 : i32
        %add3A_3239 = vector.broadcast %add3A_3238 : i32 to vector<16xi32>
        %add3A_3240 = arith.addi %add3A_3229, %add3A_3239 : vector<16xi32>
        %add3A_3241 = arith.constant 908003074 : i32
        %add3A_3242 = vector.broadcast %add3A_3241 : i32 to vector<16xi32>
        %add3A_3243 = arith.addi %xor3A_3237, %add3A_3242 : vector<16xi32>
        %add3A_3244 = arith.addi %add3A_3240, %add3A_3243 : vector<16xi32>
        %shift_left3A_3245 = arith.constant 13 : i32
        %shift_left3A_3246 = vector.broadcast %shift_left3A_3245 : i32 to vector<16xi32>
        %shift_left3A_3247 = arith.shli %add3A_3243, %shift_left3A_3246 : vector<16xi32>
        %shift_right_logical3A_3248 = arith.constant 19 : i32
        %shift_right_logical3A_3249 = vector.broadcast %shift_right_logical3A_3248 : i32 to vector<16xi32>
        %shift_right_logical3A_3250 = arith.shrui %add3A_3243, %shift_right_logical3A_3249 : vector<16xi32>
        %or3A_3251 = arith.ori %shift_left3A_3247, %shift_right_logical3A_3250 : vector<16xi32>
        %xor3A_3252 = arith.xori %add3A_3244, %or3A_3251 : vector<16xi32>
        %add3A_3253 = arith.addi %add3A_3244, %xor3A_3252 : vector<16xi32>
        %shift_left3A_3254 = arith.constant 15 : i32
        %shift_left3A_3255 = vector.broadcast %shift_left3A_3254 : i32 to vector<16xi32>
        %shift_left3A_3256 = arith.shli %xor3A_3252, %shift_left3A_3255 : vector<16xi32>
        %shift_right_logical3A_3257 = arith.constant 17 : i32
        %shift_right_logical3A_3258 = vector.broadcast %shift_right_logical3A_3257 : i32 to vector<16xi32>
        %shift_right_logical3A_3259 = arith.shrui %xor3A_3252, %shift_right_logical3A_3258 : vector<16xi32>
        %or3A_3260 = arith.ori %shift_left3A_3256, %shift_right_logical3A_3259 : vector<16xi32>
        %xor3A_3261 = arith.xori %add3A_3253, %or3A_3260 : vector<16xi32>
        %add3A_3262 = arith.addi %add3A_3253, %xor3A_3261 : vector<16xi32>
        %shift_left3A_3263 = arith.constant 26 : i32
        %shift_left3A_3264 = vector.broadcast %shift_left3A_3263 : i32 to vector<16xi32>
        %shift_left3A_3265 = arith.shli %xor3A_3261, %shift_left3A_3264 : vector<16xi32>
        %shift_right_logical3A_3266 = arith.constant 6 : i32
        %shift_right_logical3A_3267 = vector.broadcast %shift_right_logical3A_3266 : i32 to vector<16xi32>
        %shift_right_logical3A_3268 = arith.shrui %xor3A_3261, %shift_right_logical3A_3267 : vector<16xi32>
        %or3A_3269 = arith.ori %shift_left3A_3265, %shift_right_logical3A_3268 : vector<16xi32>
        %xor3A_3270 = arith.xori %add3A_3262, %or3A_3269 : vector<16xi32>
        %add3A_3271 = arith.addi %add3A_3262, %xor3A_3270 : vector<16xi32>
        %shift_left3A_3272 = arith.constant 6 : i32
        %shift_left3A_3273 = vector.broadcast %shift_left3A_3272 : i32 to vector<16xi32>
        %shift_left3A_3274 = arith.shli %xor3A_3270, %shift_left3A_3273 : vector<16xi32>
        %shift_right_logical3A_3275 = arith.constant 26 : i32
        %shift_right_logical3A_3276 = vector.broadcast %shift_right_logical3A_3275 : i32 to vector<16xi32>
        %shift_right_logical3A_3277 = arith.shrui %xor3A_3270, %shift_right_logical3A_3276 : vector<16xi32>
        %or3A_3278 = arith.ori %shift_left3A_3274, %shift_right_logical3A_3277 : vector<16xi32>
        %xor3A_3279 = arith.xori %add3A_3271, %or3A_3278 : vector<16xi32>
        %add3A_3280 = arith.constant 908003072 : i32
        %add3A_3281 = vector.broadcast %add3A_3280 : i32 to vector<16xi32>
        %add3A_3282 = arith.addi %add3A_3271, %add3A_3281 : vector<16xi32>
        %add3A_3283 = arith.constant -1042067108 : i32
        %add3A_3284 = vector.broadcast %add3A_3283 : i32 to vector<16xi32>
        %add3A_3285 = arith.addi %xor3A_3279, %add3A_3284 : vector<16xi32>
        %add3A_3286 = arith.addi %add3A_3282, %add3A_3285 : vector<16xi32>
        %shift_left3A_3287 = arith.constant 17 : i32
        %shift_left3A_3288 = vector.broadcast %shift_left3A_3287 : i32 to vector<16xi32>
        %shift_left3A_3289 = arith.shli %add3A_3285, %shift_left3A_3288 : vector<16xi32>
        %shift_right_logical3A_3290 = arith.constant 15 : i32
        %shift_right_logical3A_3291 = vector.broadcast %shift_right_logical3A_3290 : i32 to vector<16xi32>
        %shift_right_logical3A_3292 = arith.shrui %add3A_3285, %shift_right_logical3A_3291 : vector<16xi32>
        %or3A_3293 = arith.ori %shift_left3A_3289, %shift_right_logical3A_3292 : vector<16xi32>
        %xor3A_3294 = arith.xori %add3A_3286, %or3A_3293 : vector<16xi32>
        %add3A_3295 = arith.addi %add3A_3286, %xor3A_3294 : vector<16xi32>
        %shift_left3A_3296 = arith.constant 29 : i32
        %shift_left3A_3297 = vector.broadcast %shift_left3A_3296 : i32 to vector<16xi32>
        %shift_left3A_3298 = arith.shli %xor3A_3294, %shift_left3A_3297 : vector<16xi32>
        %shift_right_logical3A_3299 = arith.constant 3 : i32
        %shift_right_logical3A_3300 = vector.broadcast %shift_right_logical3A_3299 : i32 to vector<16xi32>
        %shift_right_logical3A_3301 = arith.shrui %xor3A_3294, %shift_right_logical3A_3300 : vector<16xi32>
        %or3A_3302 = arith.ori %shift_left3A_3298, %shift_right_logical3A_3301 : vector<16xi32>
        %xor3A_3303 = arith.xori %add3A_3295, %or3A_3302 : vector<16xi32>
        %add3A_3304 = arith.addi %add3A_3295, %xor3A_3303 : vector<16xi32>
        %shift_left3A_3305 = arith.constant 16 : i32
        %shift_left3A_3306 = vector.broadcast %shift_left3A_3305 : i32 to vector<16xi32>
        %shift_left3A_3307 = arith.shli %xor3A_3303, %shift_left3A_3306 : vector<16xi32>
        %shift_right_logical3A_3308 = arith.constant 16 : i32
        %shift_right_logical3A_3309 = vector.broadcast %shift_right_logical3A_3308 : i32 to vector<16xi32>
        %shift_right_logical3A_3310 = arith.shrui %xor3A_3303, %shift_right_logical3A_3309 : vector<16xi32>
        %or3A_3311 = arith.ori %shift_left3A_3307, %shift_right_logical3A_3310 : vector<16xi32>
        %xor3A_3312 = arith.xori %add3A_3304, %or3A_3311 : vector<16xi32>
        %add3A_3313 = arith.addi %add3A_3304, %xor3A_3312 : vector<16xi32>
        %shift_left3A_3314 = arith.constant 24 : i32
        %shift_left3A_3315 = vector.broadcast %shift_left3A_3314 : i32 to vector<16xi32>
        %shift_left3A_3316 = arith.shli %xor3A_3312, %shift_left3A_3315 : vector<16xi32>
        %shift_right_logical3A_3317 = arith.constant 8 : i32
        %shift_right_logical3A_3318 = vector.broadcast %shift_right_logical3A_3317 : i32 to vector<16xi32>
        %shift_right_logical3A_3319 = arith.shrui %xor3A_3312, %shift_right_logical3A_3318 : vector<16xi32>
        %or3A_3320 = arith.ori %shift_left3A_3316, %shift_right_logical3A_3319 : vector<16xi32>
        %xor3A_3321 = arith.xori %add3A_3313, %or3A_3320 : vector<16xi32>
        %add3A_3322 = arith.constant -1042067111 : i32
        %add3A_3323 = vector.broadcast %add3A_3322 : i32 to vector<16xi32>
        %add3A_3324 = arith.addi %add3A_3313, %add3A_3323 : vector<16xi32>
        %add3A_3325 = arith.constant -332575353 : i32
        %add3A_3326 = vector.broadcast %add3A_3325 : i32 to vector<16xi32>
        %add3A_3327 = arith.addi %xor3A_3321, %add3A_3326 : vector<16xi32>
        %add3A_3328 = arith.addi %add3A_3324, %add3A_3327 : vector<16xi32>
        %shift_left3A_3329 = arith.constant 13 : i32
        %shift_left3A_3330 = vector.broadcast %shift_left3A_3329 : i32 to vector<16xi32>
        %shift_left3A_3331 = arith.shli %add3A_3327, %shift_left3A_3330 : vector<16xi32>
        %shift_right_logical3A_3332 = arith.constant 19 : i32
        %shift_right_logical3A_3333 = vector.broadcast %shift_right_logical3A_3332 : i32 to vector<16xi32>
        %shift_right_logical3A_3334 = arith.shrui %add3A_3327, %shift_right_logical3A_3333 : vector<16xi32>
        %or3A_3335 = arith.ori %shift_left3A_3331, %shift_right_logical3A_3334 : vector<16xi32>
        %xor3A_3336 = arith.xori %add3A_3328, %or3A_3335 : vector<16xi32>
        %add3A_3337 = arith.addi %add3A_3328, %xor3A_3336 : vector<16xi32>
        %shift_left3A_3338 = arith.constant 15 : i32
        %shift_left3A_3339 = vector.broadcast %shift_left3A_3338 : i32 to vector<16xi32>
        %shift_left3A_3340 = arith.shli %xor3A_3336, %shift_left3A_3339 : vector<16xi32>
        %shift_right_logical3A_3341 = arith.constant 17 : i32
        %shift_right_logical3A_3342 = vector.broadcast %shift_right_logical3A_3341 : i32 to vector<16xi32>
        %shift_right_logical3A_3343 = arith.shrui %xor3A_3336, %shift_right_logical3A_3342 : vector<16xi32>
        %or3A_3344 = arith.ori %shift_left3A_3340, %shift_right_logical3A_3343 : vector<16xi32>
        %xor3A_3345 = arith.xori %add3A_3337, %or3A_3344 : vector<16xi32>
        %add3A_3346 = arith.addi %add3A_3337, %xor3A_3345 : vector<16xi32>
        %shift_left3A_3347 = arith.constant 26 : i32
        %shift_left3A_3348 = vector.broadcast %shift_left3A_3347 : i32 to vector<16xi32>
        %shift_left3A_3349 = arith.shli %xor3A_3345, %shift_left3A_3348 : vector<16xi32>
        %shift_right_logical3A_3350 = arith.constant 6 : i32
        %shift_right_logical3A_3351 = vector.broadcast %shift_right_logical3A_3350 : i32 to vector<16xi32>
        %shift_right_logical3A_3352 = arith.shrui %xor3A_3345, %shift_right_logical3A_3351 : vector<16xi32>
        %or3A_3353 = arith.ori %shift_left3A_3349, %shift_right_logical3A_3352 : vector<16xi32>
        %xor3A_3354 = arith.xori %add3A_3346, %or3A_3353 : vector<16xi32>
        %add3A_3355 = arith.addi %add3A_3346, %xor3A_3354 : vector<16xi32>
        %shift_left3A_3356 = arith.constant 6 : i32
        %shift_left3A_3357 = vector.broadcast %shift_left3A_3356 : i32 to vector<16xi32>
        %shift_left3A_3358 = arith.shli %xor3A_3354, %shift_left3A_3357 : vector<16xi32>
        %shift_right_logical3A_3359 = arith.constant 26 : i32
        %shift_right_logical3A_3360 = vector.broadcast %shift_right_logical3A_3359 : i32 to vector<16xi32>
        %shift_right_logical3A_3361 = arith.shrui %xor3A_3354, %shift_right_logical3A_3360 : vector<16xi32>
        %or3A_3362 = arith.ori %shift_left3A_3358, %shift_right_logical3A_3361 : vector<16xi32>
        %xor3A_3363 = arith.xori %add3A_3355, %or3A_3362 : vector<16xi32>
        %add3A_3364 = arith.constant -332575357 : i32
        %add3A_3365 = vector.broadcast %add3A_3364 : i32 to vector<16xi32>
        %add3A_3366 = arith.addi %add3A_3355, %add3A_3365 : vector<16xi32>
        %add3A_3367 = arith.constant 908003077 : i32
        %add3A_3368 = vector.broadcast %add3A_3367 : i32 to vector<16xi32>
        %add3A_3369 = arith.addi %xor3A_3363, %add3A_3368 : vector<16xi32>
        %xor3A_3370 = arith.xori %add3A_3366, %add3A_3369 : vector<16xi32>
        %shift_right_logical3A_3371 = arith.constant 9 : i32
        %shift_right_logical3A_3372 = vector.broadcast %shift_right_logical3A_3371 : i32 to vector<16xi32>
        %shift_right_logical3A_3373 = arith.shrui %xor3A_3370, %shift_right_logical3A_3372 : vector<16xi32>
        %or3A_3374 = arith.constant 1065353216 : i32
        %or3A_3375 = vector.broadcast %or3A_3374 : i32 to vector<16xi32>
        %or3A_3376 = arith.ori %shift_right_logical3A_3373, %or3A_3375 : vector<16xi32>
        %bitcast_convert_type3A_3377 = tpu.bitcast %or3A_3376 : vector<16xi32> -> vector<16xf32>
        %sub3A_3378 = arith.constant 1.000000e+00 : f32
        %sub3A_3379 = vector.broadcast %sub3A_3378 : f32 to vector<16xf32>
        %sub3A_3380 = arith.subf %bitcast_convert_type3A_3377, %sub3A_3379 : vector<16xf32>
        %mul3A_3381 = arith.constant 1.000000e+00 : f32
        %mul3A_3382 = vector.broadcast %mul3A_3381 : f32 to vector<16xf32>
        %mul3A_3383 = arith.mulf %sub3A_3380, %mul3A_3382 : vector<16xf32>
        %add3A_3384 = arith.constant 1.000000e-10 : f32
        %add3A_3385 = vector.broadcast %add3A_3384 : f32 to vector<16xf32>
        %add3A_3386 = arith.addf %mul3A_3383, %add3A_3385 : vector<16xf32>
        %max3A_3387 = arith.constant 1.000000e-10 : f32
        %max3A_3388 = vector.broadcast %max3A_3387 : f32 to vector<16xf32>
        %max3A_3389 = arith.maximumf %max3A_3388, %add3A_3386 : vector<16xf32>
        %bitcast_convert_type3A_3390 = tpu.bitcast %max3A_3389 : vector<16xf32> -> vector<16xi32>
        %shift_right_logical3A_3391 = arith.constant 23 : i32
        %shift_right_logical3A_3392 = vector.broadcast %shift_right_logical3A_3391 : i32 to vector<16xi32>
        %shift_right_logical3A_3393 = arith.shrui %bitcast_convert_type3A_3390, %shift_right_logical3A_3392 : vector<16xi32>
        %bitcast_convert_type3A_3394 = tpu.bitcast %shift_right_logical3A_3393 : vector<16xi32> -> vector<16xi32>
        %sub3A_3395 = arith.constant 127 : i32
        %sub3A_3396 = vector.broadcast %sub3A_3395 : i32 to vector<16xi32>
        %sub3A_3397 = arith.subi %bitcast_convert_type3A_3394, %sub3A_3396 : vector<16xi32>
        %and3A_3398 = arith.constant 8388607 : i32
        %and3A_3399 = vector.broadcast %and3A_3398 : i32 to vector<16xi32>
        %and3A_3400 = arith.andi %bitcast_convert_type3A_3390, %and3A_3399 : vector<16xi32>
        %or3A_3401 = arith.constant 1065353216 : i32
        %or3A_3402 = vector.broadcast %or3A_3401 : i32 to vector<16xi32>
        %or3A_3403 = arith.ori %and3A_3400, %or3A_3402 : vector<16xi32>
        %bitcast_convert_type3A_3404 = tpu.bitcast %or3A_3403 : vector<16xi32> -> vector<16xf32>
        %sub3A_3405 = arith.constant 1.000000e+00 : f32
        %sub3A_3406 = vector.broadcast %sub3A_3405 : f32 to vector<16xf32>
        %sub3A_3407 = arith.subf %bitcast_convert_type3A_3404, %sub3A_3406 : vector<16xf32>
        %broadcast_in_dim3A_3408 = arith.constant -0.00458208052 : f32
        %broadcast_in_dim3A_3409 = vector.broadcast %broadcast_in_dim3A_3408 : f32 to vector<16xf32>
        %mul3A_3410 = arith.mulf %broadcast_in_dim3A_3409, %sub3A_3407 : vector<16xf32>
        %add3A_3411 = arith.constant 0.0281939134 : f32
        %add3A_3412 = vector.broadcast %add3A_3411 : f32 to vector<16xf32>
        %add3A_3413 = arith.addf %mul3A_3410, %add3A_3412 : vector<16xf32>
        %mul3A_3414 = arith.mulf %add3A_3413, %sub3A_3407 : vector<16xf32>
        %add3A_3415 = arith.constant -0.0813299268 : f32
        %add3A_3416 = vector.broadcast %add3A_3415 : f32 to vector<16xf32>
        %add3A_3417 = arith.addf %mul3A_3414, %add3A_3416 : vector<16xf32>
        %mul3A_3418 = arith.mulf %add3A_3417, %sub3A_3407 : vector<16xf32>
        %add3A_3419 = arith.constant 0.152112335 : f32
        %add3A_3420 = vector.broadcast %add3A_3419 : f32 to vector<16xf32>
        %add3A_3421 = arith.addf %mul3A_3418, %add3A_3420 : vector<16xf32>
        %mul3A_3422 = arith.mulf %add3A_3421, %sub3A_3407 : vector<16xf32>
        %add3A_3423 = arith.constant -0.220294729 : f32
        %add3A_3424 = vector.broadcast %add3A_3423 : f32 to vector<16xf32>
        %add3A_3425 = arith.addf %mul3A_3422, %add3A_3424 : vector<16xf32>
        %mul3A_3426 = arith.mulf %add3A_3425, %sub3A_3407 : vector<16xf32>
        %add3A_3427 = arith.constant 0.283681065 : f32
        %add3A_3428 = vector.broadcast %add3A_3427 : f32 to vector<16xf32>
        %add3A_3429 = arith.addf %mul3A_3426, %add3A_3428 : vector<16xf32>
        %mul3A_3430 = arith.mulf %add3A_3429, %sub3A_3407 : vector<16xf32>
        %add3A_3431 = arith.constant -0.359975725 : f32
        %add3A_3432 = vector.broadcast %add3A_3431 : f32 to vector<16xf32>
        %add3A_3433 = arith.addf %mul3A_3430, %add3A_3432 : vector<16xf32>
        %mul3A_3434 = arith.mulf %add3A_3433, %sub3A_3407 : vector<16xf32>
        %add3A_3435 = arith.constant 0.480846077 : f32
        %add3A_3436 = vector.broadcast %add3A_3435 : f32 to vector<16xf32>
        %add3A_3437 = arith.addf %mul3A_3434, %add3A_3436 : vector<16xf32>
        %mul3A_3438 = arith.mulf %add3A_3437, %sub3A_3407 : vector<16xf32>
        %add3A_3439 = arith.constant -0.721345961 : f32
        %add3A_3440 = vector.broadcast %add3A_3439 : f32 to vector<16xf32>
        %add3A_3441 = arith.addf %mul3A_3438, %add3A_3440 : vector<16xf32>
        %mul3A_3442 = arith.mulf %add3A_3441, %sub3A_3407 : vector<16xf32>
        %add3A_3443 = arith.constant 1.44269502 : f32
        %add3A_3444 = vector.broadcast %add3A_3443 : f32 to vector<16xf32>
        %add3A_3445 = arith.addf %mul3A_3442, %add3A_3444 : vector<16xf32>
        %convert_element_type3A_3446 = arith.sitofp %sub3A_3397 : vector<16xi32> to vector<16xf32>
        %mul3A_3447 = arith.mulf %sub3A_3407, %add3A_3445 : vector<16xf32>
        %add3A_3448 = arith.addf %convert_element_type3A_3446, %mul3A_3447 : vector<16xf32>
        %mul3A_3449 = arith.constant 0.693147182 : f32
        %mul3A_3450 = vector.broadcast %mul3A_3449 : f32 to vector<16xf32>
        %mul3A_3451 = arith.mulf %add3A_3448, %mul3A_3450 : vector<16xf32>
        %neg3A_3452 = arith.constant 0.000000e+00 : f32
        %neg3A_3453 = vector.broadcast %neg3A_3452 : f32 to vector<16xf32>
        %neg3A_3454 = arith.subf %neg3A_3453, %mul3A_3451 : vector<16xf32>
        %add3A_3455 = arith.constant 10000000 : i32
        %add3A_3456 = vector.broadcast %add3A_3455 : i32 to vector<16xi32>
        %add3A_3457 = arith.addi %add3A_3154, %add3A_3456 : vector<16xi32>
        %broadcast_in_dim3A_3458 = arith.constant 908003072 : i32
        %broadcast_in_dim3A_3459 = vector.broadcast %broadcast_in_dim3A_3458 : i32 to vector<16xi32>
        %add3A_3460 = arith.constant -1042067111 : i32
        %add3A_3461 = vector.broadcast %add3A_3460 : i32 to vector<16xi32>
        %add3A_3462 = arith.addi %add3A_3457, %add3A_3461 : vector<16xi32>
        %add3A_3463 = arith.addi %broadcast_in_dim3A_3459, %add3A_3462 : vector<16xi32>
        %shift_left3A_3464 = arith.constant 13 : i32
        %shift_left3A_3465 = vector.broadcast %shift_left3A_3464 : i32 to vector<16xi32>
        %shift_left3A_3466 = arith.shli %add3A_3462, %shift_left3A_3465 : vector<16xi32>
        %shift_right_logical3A_3467 = arith.constant 19 : i32
        %shift_right_logical3A_3468 = vector.broadcast %shift_right_logical3A_3467 : i32 to vector<16xi32>
        %shift_right_logical3A_3469 = arith.shrui %add3A_3462, %shift_right_logical3A_3468 : vector<16xi32>
        %or3A_3470 = arith.ori %shift_left3A_3466, %shift_right_logical3A_3469 : vector<16xi32>
        %xor3A_3471 = arith.xori %add3A_3463, %or3A_3470 : vector<16xi32>
        %add3A_3472 = arith.addi %add3A_3463, %xor3A_3471 : vector<16xi32>
        %shift_left3A_3473 = arith.constant 15 : i32
        %shift_left3A_3474 = vector.broadcast %shift_left3A_3473 : i32 to vector<16xi32>
        %shift_left3A_3475 = arith.shli %xor3A_3471, %shift_left3A_3474 : vector<16xi32>
        %shift_right_logical3A_3476 = arith.constant 17 : i32
        %shift_right_logical3A_3477 = vector.broadcast %shift_right_logical3A_3476 : i32 to vector<16xi32>
        %shift_right_logical3A_3478 = arith.shrui %xor3A_3471, %shift_right_logical3A_3477 : vector<16xi32>
        %or3A_3479 = arith.ori %shift_left3A_3475, %shift_right_logical3A_3478 : vector<16xi32>
        %xor3A_3480 = arith.xori %add3A_3472, %or3A_3479 : vector<16xi32>
        %add3A_3481 = arith.addi %add3A_3472, %xor3A_3480 : vector<16xi32>
        %shift_left3A_3482 = arith.constant 26 : i32
        %shift_left3A_3483 = vector.broadcast %shift_left3A_3482 : i32 to vector<16xi32>
        %shift_left3A_3484 = arith.shli %xor3A_3480, %shift_left3A_3483 : vector<16xi32>
        %shift_right_logical3A_3485 = arith.constant 6 : i32
        %shift_right_logical3A_3486 = vector.broadcast %shift_right_logical3A_3485 : i32 to vector<16xi32>
        %shift_right_logical3A_3487 = arith.shrui %xor3A_3480, %shift_right_logical3A_3486 : vector<16xi32>
        %or3A_3488 = arith.ori %shift_left3A_3484, %shift_right_logical3A_3487 : vector<16xi32>
        %xor3A_3489 = arith.xori %add3A_3481, %or3A_3488 : vector<16xi32>
        %add3A_3490 = arith.addi %add3A_3481, %xor3A_3489 : vector<16xi32>
        %shift_left3A_3491 = arith.constant 6 : i32
        %shift_left3A_3492 = vector.broadcast %shift_left3A_3491 : i32 to vector<16xi32>
        %shift_left3A_3493 = arith.shli %xor3A_3489, %shift_left3A_3492 : vector<16xi32>
        %shift_right_logical3A_3494 = arith.constant 26 : i32
        %shift_right_logical3A_3495 = vector.broadcast %shift_right_logical3A_3494 : i32 to vector<16xi32>
        %shift_right_logical3A_3496 = arith.shrui %xor3A_3489, %shift_right_logical3A_3495 : vector<16xi32>
        %or3A_3497 = arith.ori %shift_left3A_3493, %shift_right_logical3A_3496 : vector<16xi32>
        %xor3A_3498 = arith.xori %add3A_3490, %or3A_3497 : vector<16xi32>
        %add3A_3499 = arith.constant -1042067111 : i32
        %add3A_3500 = vector.broadcast %add3A_3499 : i32 to vector<16xi32>
        %add3A_3501 = arith.addi %add3A_3490, %add3A_3500 : vector<16xi32>
        %add3A_3502 = arith.constant -332575356 : i32
        %add3A_3503 = vector.broadcast %add3A_3502 : i32 to vector<16xi32>
        %add3A_3504 = arith.addi %xor3A_3498, %add3A_3503 : vector<16xi32>
        %add3A_3505 = arith.addi %add3A_3501, %add3A_3504 : vector<16xi32>
        %shift_left3A_3506 = arith.constant 17 : i32
        %shift_left3A_3507 = vector.broadcast %shift_left3A_3506 : i32 to vector<16xi32>
        %shift_left3A_3508 = arith.shli %add3A_3504, %shift_left3A_3507 : vector<16xi32>
        %shift_right_logical3A_3509 = arith.constant 15 : i32
        %shift_right_logical3A_3510 = vector.broadcast %shift_right_logical3A_3509 : i32 to vector<16xi32>
        %shift_right_logical3A_3511 = arith.shrui %add3A_3504, %shift_right_logical3A_3510 : vector<16xi32>
        %or3A_3512 = arith.ori %shift_left3A_3508, %shift_right_logical3A_3511 : vector<16xi32>
        %xor3A_3513 = arith.xori %add3A_3505, %or3A_3512 : vector<16xi32>
        %add3A_3514 = arith.addi %add3A_3505, %xor3A_3513 : vector<16xi32>
        %shift_left3A_3515 = arith.constant 29 : i32
        %shift_left3A_3516 = vector.broadcast %shift_left3A_3515 : i32 to vector<16xi32>
        %shift_left3A_3517 = arith.shli %xor3A_3513, %shift_left3A_3516 : vector<16xi32>
        %shift_right_logical3A_3518 = arith.constant 3 : i32
        %shift_right_logical3A_3519 = vector.broadcast %shift_right_logical3A_3518 : i32 to vector<16xi32>
        %shift_right_logical3A_3520 = arith.shrui %xor3A_3513, %shift_right_logical3A_3519 : vector<16xi32>
        %or3A_3521 = arith.ori %shift_left3A_3517, %shift_right_logical3A_3520 : vector<16xi32>
        %xor3A_3522 = arith.xori %add3A_3514, %or3A_3521 : vector<16xi32>
        %add3A_3523 = arith.addi %add3A_3514, %xor3A_3522 : vector<16xi32>
        %shift_left3A_3524 = arith.constant 16 : i32
        %shift_left3A_3525 = vector.broadcast %shift_left3A_3524 : i32 to vector<16xi32>
        %shift_left3A_3526 = arith.shli %xor3A_3522, %shift_left3A_3525 : vector<16xi32>
        %shift_right_logical3A_3527 = arith.constant 16 : i32
        %shift_right_logical3A_3528 = vector.broadcast %shift_right_logical3A_3527 : i32 to vector<16xi32>
        %shift_right_logical3A_3529 = arith.shrui %xor3A_3522, %shift_right_logical3A_3528 : vector<16xi32>
        %or3A_3530 = arith.ori %shift_left3A_3526, %shift_right_logical3A_3529 : vector<16xi32>
        %xor3A_3531 = arith.xori %add3A_3523, %or3A_3530 : vector<16xi32>
        %add3A_3532 = arith.addi %add3A_3523, %xor3A_3531 : vector<16xi32>
        %shift_left3A_3533 = arith.constant 24 : i32
        %shift_left3A_3534 = vector.broadcast %shift_left3A_3533 : i32 to vector<16xi32>
        %shift_left3A_3535 = arith.shli %xor3A_3531, %shift_left3A_3534 : vector<16xi32>
        %shift_right_logical3A_3536 = arith.constant 8 : i32
        %shift_right_logical3A_3537 = vector.broadcast %shift_right_logical3A_3536 : i32 to vector<16xi32>
        %shift_right_logical3A_3538 = arith.shrui %xor3A_3531, %shift_right_logical3A_3537 : vector<16xi32>
        %or3A_3539 = arith.ori %shift_left3A_3535, %shift_right_logical3A_3538 : vector<16xi32>
        %xor3A_3540 = arith.xori %add3A_3532, %or3A_3539 : vector<16xi32>
        %add3A_3541 = arith.constant -332575357 : i32
        %add3A_3542 = vector.broadcast %add3A_3541 : i32 to vector<16xi32>
        %add3A_3543 = arith.addi %add3A_3532, %add3A_3542 : vector<16xi32>
        %add3A_3544 = arith.constant 908003074 : i32
        %add3A_3545 = vector.broadcast %add3A_3544 : i32 to vector<16xi32>
        %add3A_3546 = arith.addi %xor3A_3540, %add3A_3545 : vector<16xi32>
        %add3A_3547 = arith.addi %add3A_3543, %add3A_3546 : vector<16xi32>
        %shift_left3A_3548 = arith.constant 13 : i32
        %shift_left3A_3549 = vector.broadcast %shift_left3A_3548 : i32 to vector<16xi32>
        %shift_left3A_3550 = arith.shli %add3A_3546, %shift_left3A_3549 : vector<16xi32>
        %shift_right_logical3A_3551 = arith.constant 19 : i32
        %shift_right_logical3A_3552 = vector.broadcast %shift_right_logical3A_3551 : i32 to vector<16xi32>
        %shift_right_logical3A_3553 = arith.shrui %add3A_3546, %shift_right_logical3A_3552 : vector<16xi32>
        %or3A_3554 = arith.ori %shift_left3A_3550, %shift_right_logical3A_3553 : vector<16xi32>
        %xor3A_3555 = arith.xori %add3A_3547, %or3A_3554 : vector<16xi32>
        %add3A_3556 = arith.addi %add3A_3547, %xor3A_3555 : vector<16xi32>
        %shift_left3A_3557 = arith.constant 15 : i32
        %shift_left3A_3558 = vector.broadcast %shift_left3A_3557 : i32 to vector<16xi32>
        %shift_left3A_3559 = arith.shli %xor3A_3555, %shift_left3A_3558 : vector<16xi32>
        %shift_right_logical3A_3560 = arith.constant 17 : i32
        %shift_right_logical3A_3561 = vector.broadcast %shift_right_logical3A_3560 : i32 to vector<16xi32>
        %shift_right_logical3A_3562 = arith.shrui %xor3A_3555, %shift_right_logical3A_3561 : vector<16xi32>
        %or3A_3563 = arith.ori %shift_left3A_3559, %shift_right_logical3A_3562 : vector<16xi32>
        %xor3A_3564 = arith.xori %add3A_3556, %or3A_3563 : vector<16xi32>
        %add3A_3565 = arith.addi %add3A_3556, %xor3A_3564 : vector<16xi32>
        %shift_left3A_3566 = arith.constant 26 : i32
        %shift_left3A_3567 = vector.broadcast %shift_left3A_3566 : i32 to vector<16xi32>
        %shift_left3A_3568 = arith.shli %xor3A_3564, %shift_left3A_3567 : vector<16xi32>
        %shift_right_logical3A_3569 = arith.constant 6 : i32
        %shift_right_logical3A_3570 = vector.broadcast %shift_right_logical3A_3569 : i32 to vector<16xi32>
        %shift_right_logical3A_3571 = arith.shrui %xor3A_3564, %shift_right_logical3A_3570 : vector<16xi32>
        %or3A_3572 = arith.ori %shift_left3A_3568, %shift_right_logical3A_3571 : vector<16xi32>
        %xor3A_3573 = arith.xori %add3A_3565, %or3A_3572 : vector<16xi32>
        %add3A_3574 = arith.addi %add3A_3565, %xor3A_3573 : vector<16xi32>
        %shift_left3A_3575 = arith.constant 6 : i32
        %shift_left3A_3576 = vector.broadcast %shift_left3A_3575 : i32 to vector<16xi32>
        %shift_left3A_3577 = arith.shli %xor3A_3573, %shift_left3A_3576 : vector<16xi32>
        %shift_right_logical3A_3578 = arith.constant 26 : i32
        %shift_right_logical3A_3579 = vector.broadcast %shift_right_logical3A_3578 : i32 to vector<16xi32>
        %shift_right_logical3A_3580 = arith.shrui %xor3A_3573, %shift_right_logical3A_3579 : vector<16xi32>
        %or3A_3581 = arith.ori %shift_left3A_3577, %shift_right_logical3A_3580 : vector<16xi32>
        %xor3A_3582 = arith.xori %add3A_3574, %or3A_3581 : vector<16xi32>
        %add3A_3583 = arith.constant 908003072 : i32
        %add3A_3584 = vector.broadcast %add3A_3583 : i32 to vector<16xi32>
        %add3A_3585 = arith.addi %add3A_3574, %add3A_3584 : vector<16xi32>
        %add3A_3586 = arith.constant -1042067108 : i32
        %add3A_3587 = vector.broadcast %add3A_3586 : i32 to vector<16xi32>
        %add3A_3588 = arith.addi %xor3A_3582, %add3A_3587 : vector<16xi32>
        %add3A_3589 = arith.addi %add3A_3585, %add3A_3588 : vector<16xi32>
        %shift_left3A_3590 = arith.constant 17 : i32
        %shift_left3A_3591 = vector.broadcast %shift_left3A_3590 : i32 to vector<16xi32>
        %shift_left3A_3592 = arith.shli %add3A_3588, %shift_left3A_3591 : vector<16xi32>
        %shift_right_logical3A_3593 = arith.constant 15 : i32
        %shift_right_logical3A_3594 = vector.broadcast %shift_right_logical3A_3593 : i32 to vector<16xi32>
        %shift_right_logical3A_3595 = arith.shrui %add3A_3588, %shift_right_logical3A_3594 : vector<16xi32>
        %or3A_3596 = arith.ori %shift_left3A_3592, %shift_right_logical3A_3595 : vector<16xi32>
        %xor3A_3597 = arith.xori %add3A_3589, %or3A_3596 : vector<16xi32>
        %add3A_3598 = arith.addi %add3A_3589, %xor3A_3597 : vector<16xi32>
        %shift_left3A_3599 = arith.constant 29 : i32
        %shift_left3A_3600 = vector.broadcast %shift_left3A_3599 : i32 to vector<16xi32>
        %shift_left3A_3601 = arith.shli %xor3A_3597, %shift_left3A_3600 : vector<16xi32>
        %shift_right_logical3A_3602 = arith.constant 3 : i32
        %shift_right_logical3A_3603 = vector.broadcast %shift_right_logical3A_3602 : i32 to vector<16xi32>
        %shift_right_logical3A_3604 = arith.shrui %xor3A_3597, %shift_right_logical3A_3603 : vector<16xi32>
        %or3A_3605 = arith.ori %shift_left3A_3601, %shift_right_logical3A_3604 : vector<16xi32>
        %xor3A_3606 = arith.xori %add3A_3598, %or3A_3605 : vector<16xi32>
        %add3A_3607 = arith.addi %add3A_3598, %xor3A_3606 : vector<16xi32>
        %shift_left3A_3608 = arith.constant 16 : i32
        %shift_left3A_3609 = vector.broadcast %shift_left3A_3608 : i32 to vector<16xi32>
        %shift_left3A_3610 = arith.shli %xor3A_3606, %shift_left3A_3609 : vector<16xi32>
        %shift_right_logical3A_3611 = arith.constant 16 : i32
        %shift_right_logical3A_3612 = vector.broadcast %shift_right_logical3A_3611 : i32 to vector<16xi32>
        %shift_right_logical3A_3613 = arith.shrui %xor3A_3606, %shift_right_logical3A_3612 : vector<16xi32>
        %or3A_3614 = arith.ori %shift_left3A_3610, %shift_right_logical3A_3613 : vector<16xi32>
        %xor3A_3615 = arith.xori %add3A_3607, %or3A_3614 : vector<16xi32>
        %add3A_3616 = arith.addi %add3A_3607, %xor3A_3615 : vector<16xi32>
        %shift_left3A_3617 = arith.constant 24 : i32
        %shift_left3A_3618 = vector.broadcast %shift_left3A_3617 : i32 to vector<16xi32>
        %shift_left3A_3619 = arith.shli %xor3A_3615, %shift_left3A_3618 : vector<16xi32>
        %shift_right_logical3A_3620 = arith.constant 8 : i32
        %shift_right_logical3A_3621 = vector.broadcast %shift_right_logical3A_3620 : i32 to vector<16xi32>
        %shift_right_logical3A_3622 = arith.shrui %xor3A_3615, %shift_right_logical3A_3621 : vector<16xi32>
        %or3A_3623 = arith.ori %shift_left3A_3619, %shift_right_logical3A_3622 : vector<16xi32>
        %xor3A_3624 = arith.xori %add3A_3616, %or3A_3623 : vector<16xi32>
        %add3A_3625 = arith.constant -1042067111 : i32
        %add3A_3626 = vector.broadcast %add3A_3625 : i32 to vector<16xi32>
        %add3A_3627 = arith.addi %add3A_3616, %add3A_3626 : vector<16xi32>
        %add3A_3628 = arith.constant -332575353 : i32
        %add3A_3629 = vector.broadcast %add3A_3628 : i32 to vector<16xi32>
        %add3A_3630 = arith.addi %xor3A_3624, %add3A_3629 : vector<16xi32>
        %add3A_3631 = arith.addi %add3A_3627, %add3A_3630 : vector<16xi32>
        %shift_left3A_3632 = arith.constant 13 : i32
        %shift_left3A_3633 = vector.broadcast %shift_left3A_3632 : i32 to vector<16xi32>
        %shift_left3A_3634 = arith.shli %add3A_3630, %shift_left3A_3633 : vector<16xi32>
        %shift_right_logical3A_3635 = arith.constant 19 : i32
        %shift_right_logical3A_3636 = vector.broadcast %shift_right_logical3A_3635 : i32 to vector<16xi32>
        %shift_right_logical3A_3637 = arith.shrui %add3A_3630, %shift_right_logical3A_3636 : vector<16xi32>
        %or3A_3638 = arith.ori %shift_left3A_3634, %shift_right_logical3A_3637 : vector<16xi32>
        %xor3A_3639 = arith.xori %add3A_3631, %or3A_3638 : vector<16xi32>
        %add3A_3640 = arith.addi %add3A_3631, %xor3A_3639 : vector<16xi32>
        %shift_left3A_3641 = arith.constant 15 : i32
        %shift_left3A_3642 = vector.broadcast %shift_left3A_3641 : i32 to vector<16xi32>
        %shift_left3A_3643 = arith.shli %xor3A_3639, %shift_left3A_3642 : vector<16xi32>
        %shift_right_logical3A_3644 = arith.constant 17 : i32
        %shift_right_logical3A_3645 = vector.broadcast %shift_right_logical3A_3644 : i32 to vector<16xi32>
        %shift_right_logical3A_3646 = arith.shrui %xor3A_3639, %shift_right_logical3A_3645 : vector<16xi32>
        %or3A_3647 = arith.ori %shift_left3A_3643, %shift_right_logical3A_3646 : vector<16xi32>
        %xor3A_3648 = arith.xori %add3A_3640, %or3A_3647 : vector<16xi32>
        %add3A_3649 = arith.addi %add3A_3640, %xor3A_3648 : vector<16xi32>
        %shift_left3A_3650 = arith.constant 26 : i32
        %shift_left3A_3651 = vector.broadcast %shift_left3A_3650 : i32 to vector<16xi32>
        %shift_left3A_3652 = arith.shli %xor3A_3648, %shift_left3A_3651 : vector<16xi32>
        %shift_right_logical3A_3653 = arith.constant 6 : i32
        %shift_right_logical3A_3654 = vector.broadcast %shift_right_logical3A_3653 : i32 to vector<16xi32>
        %shift_right_logical3A_3655 = arith.shrui %xor3A_3648, %shift_right_logical3A_3654 : vector<16xi32>
        %or3A_3656 = arith.ori %shift_left3A_3652, %shift_right_logical3A_3655 : vector<16xi32>
        %xor3A_3657 = arith.xori %add3A_3649, %or3A_3656 : vector<16xi32>
        %add3A_3658 = arith.addi %add3A_3649, %xor3A_3657 : vector<16xi32>
        %shift_left3A_3659 = arith.constant 6 : i32
        %shift_left3A_3660 = vector.broadcast %shift_left3A_3659 : i32 to vector<16xi32>
        %shift_left3A_3661 = arith.shli %xor3A_3657, %shift_left3A_3660 : vector<16xi32>
        %shift_right_logical3A_3662 = arith.constant 26 : i32
        %shift_right_logical3A_3663 = vector.broadcast %shift_right_logical3A_3662 : i32 to vector<16xi32>
        %shift_right_logical3A_3664 = arith.shrui %xor3A_3657, %shift_right_logical3A_3663 : vector<16xi32>
        %or3A_3665 = arith.ori %shift_left3A_3661, %shift_right_logical3A_3664 : vector<16xi32>
        %xor3A_3666 = arith.xori %add3A_3658, %or3A_3665 : vector<16xi32>
        %add3A_3667 = arith.constant -332575357 : i32
        %add3A_3668 = vector.broadcast %add3A_3667 : i32 to vector<16xi32>
        %add3A_3669 = arith.addi %add3A_3658, %add3A_3668 : vector<16xi32>
        %add3A_3670 = arith.constant 908003077 : i32
        %add3A_3671 = vector.broadcast %add3A_3670 : i32 to vector<16xi32>
        %add3A_3672 = arith.addi %xor3A_3666, %add3A_3671 : vector<16xi32>
        %xor3A_3673 = arith.xori %add3A_3669, %add3A_3672 : vector<16xi32>
        %shift_right_logical3A_3674 = arith.constant 9 : i32
        %shift_right_logical3A_3675 = vector.broadcast %shift_right_logical3A_3674 : i32 to vector<16xi32>
        %shift_right_logical3A_3676 = arith.shrui %xor3A_3673, %shift_right_logical3A_3675 : vector<16xi32>
        %or3A_3677 = arith.constant 1065353216 : i32
        %or3A_3678 = vector.broadcast %or3A_3677 : i32 to vector<16xi32>
        %or3A_3679 = arith.ori %shift_right_logical3A_3676, %or3A_3678 : vector<16xi32>
        %bitcast_convert_type3A_3680 = tpu.bitcast %or3A_3679 : vector<16xi32> -> vector<16xf32>
        %sub3A_3681 = arith.constant 1.000000e+00 : f32
        %sub3A_3682 = vector.broadcast %sub3A_3681 : f32 to vector<16xf32>
        %sub3A_3683 = arith.subf %bitcast_convert_type3A_3680, %sub3A_3682 : vector<16xf32>
        %mul3A_3684 = arith.constant 1.000000e+00 : f32
        %mul3A_3685 = vector.broadcast %mul3A_3684 : f32 to vector<16xf32>
        %mul3A_3686 = arith.mulf %sub3A_3683, %mul3A_3685 : vector<16xf32>
        %add3A_3687 = arith.constant 1.000000e-10 : f32
        %add3A_3688 = vector.broadcast %add3A_3687 : f32 to vector<16xf32>
        %add3A_3689 = arith.addf %mul3A_3686, %add3A_3688 : vector<16xf32>
        %max3A_3690 = arith.constant 1.000000e-10 : f32
        %max3A_3691 = vector.broadcast %max3A_3690 : f32 to vector<16xf32>
        %max3A_3692 = arith.maximumf %max3A_3691, %add3A_3689 : vector<16xf32>
        %bitcast_convert_type3A_3693 = tpu.bitcast %max3A_3692 : vector<16xf32> -> vector<16xi32>
        %shift_right_logical3A_3694 = arith.constant 23 : i32
        %shift_right_logical3A_3695 = vector.broadcast %shift_right_logical3A_3694 : i32 to vector<16xi32>
        %shift_right_logical3A_3696 = arith.shrui %bitcast_convert_type3A_3693, %shift_right_logical3A_3695 : vector<16xi32>
        %bitcast_convert_type3A_3697 = tpu.bitcast %shift_right_logical3A_3696 : vector<16xi32> -> vector<16xi32>
        %sub3A_3698 = arith.constant 127 : i32
        %sub3A_3699 = vector.broadcast %sub3A_3698 : i32 to vector<16xi32>
        %sub3A_3700 = arith.subi %bitcast_convert_type3A_3697, %sub3A_3699 : vector<16xi32>
        %and3A_3701 = arith.constant 8388607 : i32
        %and3A_3702 = vector.broadcast %and3A_3701 : i32 to vector<16xi32>
        %and3A_3703 = arith.andi %bitcast_convert_type3A_3693, %and3A_3702 : vector<16xi32>
        %or3A_3704 = arith.constant 1065353216 : i32
        %or3A_3705 = vector.broadcast %or3A_3704 : i32 to vector<16xi32>
        %or3A_3706 = arith.ori %and3A_3703, %or3A_3705 : vector<16xi32>
        %bitcast_convert_type3A_3707 = tpu.bitcast %or3A_3706 : vector<16xi32> -> vector<16xf32>
        %sub3A_3708 = arith.constant 1.000000e+00 : f32
        %sub3A_3709 = vector.broadcast %sub3A_3708 : f32 to vector<16xf32>
        %sub3A_3710 = arith.subf %bitcast_convert_type3A_3707, %sub3A_3709 : vector<16xf32>
        %broadcast_in_dim3A_3711 = arith.constant -0.00458208052 : f32
        %broadcast_in_dim3A_3712 = vector.broadcast %broadcast_in_dim3A_3711 : f32 to vector<16xf32>
        %mul3A_3713 = arith.mulf %broadcast_in_dim3A_3712, %sub3A_3710 : vector<16xf32>
        %add3A_3714 = arith.constant 0.0281939134 : f32
        %add3A_3715 = vector.broadcast %add3A_3714 : f32 to vector<16xf32>
        %add3A_3716 = arith.addf %mul3A_3713, %add3A_3715 : vector<16xf32>
        %mul3A_3717 = arith.mulf %add3A_3716, %sub3A_3710 : vector<16xf32>
        %add3A_3718 = arith.constant -0.0813299268 : f32
        %add3A_3719 = vector.broadcast %add3A_3718 : f32 to vector<16xf32>
        %add3A_3720 = arith.addf %mul3A_3717, %add3A_3719 : vector<16xf32>
        %mul3A_3721 = arith.mulf %add3A_3720, %sub3A_3710 : vector<16xf32>
        %add3A_3722 = arith.constant 0.152112335 : f32
        %add3A_3723 = vector.broadcast %add3A_3722 : f32 to vector<16xf32>
        %add3A_3724 = arith.addf %mul3A_3721, %add3A_3723 : vector<16xf32>
        %mul3A_3725 = arith.mulf %add3A_3724, %sub3A_3710 : vector<16xf32>
        %add3A_3726 = arith.constant -0.220294729 : f32
        %add3A_3727 = vector.broadcast %add3A_3726 : f32 to vector<16xf32>
        %add3A_3728 = arith.addf %mul3A_3725, %add3A_3727 : vector<16xf32>
        %mul3A_3729 = arith.mulf %add3A_3728, %sub3A_3710 : vector<16xf32>
        %add3A_3730 = arith.constant 0.283681065 : f32
        %add3A_3731 = vector.broadcast %add3A_3730 : f32 to vector<16xf32>
        %add3A_3732 = arith.addf %mul3A_3729, %add3A_3731 : vector<16xf32>
        %mul3A_3733 = arith.mulf %add3A_3732, %sub3A_3710 : vector<16xf32>
        %add3A_3734 = arith.constant -0.359975725 : f32
        %add3A_3735 = vector.broadcast %add3A_3734 : f32 to vector<16xf32>
        %add3A_3736 = arith.addf %mul3A_3733, %add3A_3735 : vector<16xf32>
        %mul3A_3737 = arith.mulf %add3A_3736, %sub3A_3710 : vector<16xf32>
        %add3A_3738 = arith.constant 0.480846077 : f32
        %add3A_3739 = vector.broadcast %add3A_3738 : f32 to vector<16xf32>
        %add3A_3740 = arith.addf %mul3A_3737, %add3A_3739 : vector<16xf32>
        %mul3A_3741 = arith.mulf %add3A_3740, %sub3A_3710 : vector<16xf32>
        %add3A_3742 = arith.constant -0.721345961 : f32
        %add3A_3743 = vector.broadcast %add3A_3742 : f32 to vector<16xf32>
        %add3A_3744 = arith.addf %mul3A_3741, %add3A_3743 : vector<16xf32>
        %mul3A_3745 = arith.mulf %add3A_3744, %sub3A_3710 : vector<16xf32>
        %add3A_3746 = arith.constant 1.44269502 : f32
        %add3A_3747 = vector.broadcast %add3A_3746 : f32 to vector<16xf32>
        %add3A_3748 = arith.addf %mul3A_3745, %add3A_3747 : vector<16xf32>
        %convert_element_type3A_3749 = arith.sitofp %sub3A_3700 : vector<16xi32> to vector<16xf32>
        %mul3A_3750 = arith.mulf %sub3A_3710, %add3A_3748 : vector<16xf32>
        %add3A_3751 = arith.addf %convert_element_type3A_3749, %mul3A_3750 : vector<16xf32>
        %mul3A_3752 = arith.constant 0.693147182 : f32
        %mul3A_3753 = vector.broadcast %mul3A_3752 : f32 to vector<16xf32>
        %mul3A_3754 = arith.mulf %add3A_3751, %mul3A_3753 : vector<16xf32>
        %neg3A_3755 = arith.constant 0.000000e+00 : f32
        %neg3A_3756 = vector.broadcast %neg3A_3755 : f32 to vector<16xf32>
        %neg3A_3757 = arith.subf %neg3A_3756, %mul3A_3754 : vector<16xf32>
        %get3A_3758 = arith.index_cast %add3A_3149 : i32 to index
        %get3A_3759 = tpu.vector_load %arg4[%get3A_3758] {strides = array<i32>} : memref<8448xf32, #tpu.memory_space<vmem>>, vector<16xf32>,
        %get3A_3760 = vector.shape_cast %get3A_3759 : vector<16xf32> to vector<16xf32>
        %sub3A_3761 = arith.constant 1.000000e+00 : f32
        %sub3A_3762 = vector.broadcast %sub3A_3761 : f32 to vector<16xf32>
        %sub3A_3763 = arith.subf %sub3A_3762, %get3A_3760 : vector<16xf32>
        %mul3A_3764 = arith.mulf %sub3A_3763, %neg3A_3454 : vector<16xf32>
        %mul3A_3765 = arith.mulf %get3A_3760, %neg3A_3757 : vector<16xf32>
        %gt3A_3766 = arith.cmpf ogt, %mul3A_3764, %mul3A_3765 : vector<16xf32>
        %jit3A_3767 = arith.constant 1.000000e+00 : f32
        %jit3A_3768 = arith.constant 0.000000e+00 : f32
        %broadcast_in_dim3A_3769 = vector.broadcast %jit3A_3767 : f32 to vector<16xf32>
        %broadcast_in_dim3A_3770 = vector.broadcast %jit3A_3768 : f32 to vector<16xf32>
        %select_n3A_3771 = arith.select %gt3A_3766, %broadcast_in_dim3A_3769, %broadcast_in_dim3A_3770 : vector<16xi1>, vector<16xf32>
        %swap3A_3772 = arith.index_cast %add3A_3149 : i32 to index
        %swap3A_3773 = tpu.vector_load %arg5[%swap3A_3772] {strides = array<i32>} : memref<8448xf32, #tpu.memory_space<vmem>>, vector<16xf32>,
        %swap3A_3774 = vector.shape_cast %swap3A_3773 : vector<16xf32> to vector<16xf32>
        %swap3A_3775 = vector.shape_cast %select_n3A_3771 : vector<16xf32> to vector<16xf32>
        tpu.vector_store %arg5[%swap3A_3772], %swap3A_3775 {strides = array<i32>} : memref<8448xf32, #tpu.memory_space<vmem>>, vector<16xf32>,
        %add3A_3776 = arith.constant 96 : i32
        %add3A_3777 = arith.addi %mul3A_22, %add3A_3776 : i32
        %add3A_3778 = arith.constant 7837312 : i32
        %add3A_3779 = arith.addi %add3A_3778, %add3A_11 : i32
        %add3A_3780 = arith.addi %add3A_3779, %add3A_3777 : i32
        %add3A_3781 = vector.broadcast %add3A_3780 : i32 to vector<16xi32>
        %add3A_3782 = arith.addi %bitcast_convert_type3A, %add3A_3781 : vector<16xi32>
        %broadcast_in_dim3A_3783 = arith.constant 908003072 : i32
        %broadcast_in_dim3A_3784 = vector.broadcast %broadcast_in_dim3A_3783 : i32 to vector<16xi32>
        %add3A_3785 = arith.constant -1042067111 : i32
        %add3A_3786 = vector.broadcast %add3A_3785 : i32 to vector<16xi32>
        %add3A_3787 = arith.addi %add3A_3782, %add3A_3786 : vector<16xi32>
        %add3A_3788 = arith.addi %broadcast_in_dim3A_3784, %add3A_3787 : vector<16xi32>
        %shift_left3A_3789 = arith.constant 13 : i32
        %shift_left3A_3790 = vector.broadcast %shift_left3A_3789 : i32 to vector<16xi32>
        %shift_left3A_3791 = arith.shli %add3A_3787, %shift_left3A_3790 : vector<16xi32>
        %shift_right_logical3A_3792 = arith.constant 19 : i32
        %shift_right_logical3A_3793 = vector.broadcast %shift_right_logical3A_3792 : i32 to vector<16xi32>
        %shift_right_logical3A_3794 = arith.shrui %add3A_3787, %shift_right_logical3A_3793 : vector<16xi32>
        %or3A_3795 = arith.ori %shift_left3A_3791, %shift_right_logical3A_3794 : vector<16xi32>
        %xor3A_3796 = arith.xori %add3A_3788, %or3A_3795 : vector<16xi32>
        %add3A_3797 = arith.addi %add3A_3788, %xor3A_3796 : vector<16xi32>
        %shift_left3A_3798 = arith.constant 15 : i32
        %shift_left3A_3799 = vector.broadcast %shift_left3A_3798 : i32 to vector<16xi32>
        %shift_left3A_3800 = arith.shli %xor3A_3796, %shift_left3A_3799 : vector<16xi32>
        %shift_right_logical3A_3801 = arith.constant 17 : i32
        %shift_right_logical3A_3802 = vector.broadcast %shift_right_logical3A_3801 : i32 to vector<16xi32>
        %shift_right_logical3A_3803 = arith.shrui %xor3A_3796, %shift_right_logical3A_3802 : vector<16xi32>
        %or3A_3804 = arith.ori %shift_left3A_3800, %shift_right_logical3A_3803 : vector<16xi32>
        %xor3A_3805 = arith.xori %add3A_3797, %or3A_3804 : vector<16xi32>
        %add3A_3806 = arith.addi %add3A_3797, %xor3A_3805 : vector<16xi32>
        %shift_left3A_3807 = arith.constant 26 : i32
        %shift_left3A_3808 = vector.broadcast %shift_left3A_3807 : i32 to vector<16xi32>
        %shift_left3A_3809 = arith.shli %xor3A_3805, %shift_left3A_3808 : vector<16xi32>
        %shift_right_logical3A_3810 = arith.constant 6 : i32
        %shift_right_logical3A_3811 = vector.broadcast %shift_right_logical3A_3810 : i32 to vector<16xi32>
        %shift_right_logical3A_3812 = arith.shrui %xor3A_3805, %shift_right_logical3A_3811 : vector<16xi32>
        %or3A_3813 = arith.ori %shift_left3A_3809, %shift_right_logical3A_3812 : vector<16xi32>
        %xor3A_3814 = arith.xori %add3A_3806, %or3A_3813 : vector<16xi32>
        %add3A_3815 = arith.addi %add3A_3806, %xor3A_3814 : vector<16xi32>
        %shift_left3A_3816 = arith.constant 6 : i32
        %shift_left3A_3817 = vector.broadcast %shift_left3A_3816 : i32 to vector<16xi32>
        %shift_left3A_3818 = arith.shli %xor3A_3814, %shift_left3A_3817 : vector<16xi32>
        %shift_right_logical3A_3819 = arith.constant 26 : i32
        %shift_right_logical3A_3820 = vector.broadcast %shift_right_logical3A_3819 : i32 to vector<16xi32>
        %shift_right_logical3A_3821 = arith.shrui %xor3A_3814, %shift_right_logical3A_3820 : vector<16xi32>
        %or3A_3822 = arith.ori %shift_left3A_3818, %shift_right_logical3A_3821 : vector<16xi32>
        %xor3A_3823 = arith.xori %add3A_3815, %or3A_3822 : vector<16xi32>
        %add3A_3824 = arith.constant -1042067111 : i32
        %add3A_3825 = vector.broadcast %add3A_3824 : i32 to vector<16xi32>
        %add3A_3826 = arith.addi %add3A_3815, %add3A_3825 : vector<16xi32>
        %add3A_3827 = arith.constant -332575356 : i32
        %add3A_3828 = vector.broadcast %add3A_3827 : i32 to vector<16xi32>
        %add3A_3829 = arith.addi %xor3A_3823, %add3A_3828 : vector<16xi32>
        %add3A_3830 = arith.addi %add3A_3826, %add3A_3829 : vector<16xi32>
        %shift_left3A_3831 = arith.constant 17 : i32
        %shift_left3A_3832 = vector.broadcast %shift_left3A_3831 : i32 to vector<16xi32>
        %shift_left3A_3833 = arith.shli %add3A_3829, %shift_left3A_3832 : vector<16xi32>
        %shift_right_logical3A_3834 = arith.constant 15 : i32
        %shift_right_logical3A_3835 = vector.broadcast %shift_right_logical3A_3834 : i32 to vector<16xi32>
        %shift_right_logical3A_3836 = arith.shrui %add3A_3829, %shift_right_logical3A_3835 : vector<16xi32>
        %or3A_3837 = arith.ori %shift_left3A_3833, %shift_right_logical3A_3836 : vector<16xi32>
        %xor3A_3838 = arith.xori %add3A_3830, %or3A_3837 : vector<16xi32>
        %add3A_3839 = arith.addi %add3A_3830, %xor3A_3838 : vector<16xi32>
        %shift_left3A_3840 = arith.constant 29 : i32
        %shift_left3A_3841 = vector.broadcast %shift_left3A_3840 : i32 to vector<16xi32>
        %shift_left3A_3842 = arith.shli %xor3A_3838, %shift_left3A_3841 : vector<16xi32>
        %shift_right_logical3A_3843 = arith.constant 3 : i32
        %shift_right_logical3A_3844 = vector.broadcast %shift_right_logical3A_3843 : i32 to vector<16xi32>
        %shift_right_logical3A_3845 = arith.shrui %xor3A_3838, %shift_right_logical3A_3844 : vector<16xi32>
        %or3A_3846 = arith.ori %shift_left3A_3842, %shift_right_logical3A_3845 : vector<16xi32>
        %xor3A_3847 = arith.xori %add3A_3839, %or3A_3846 : vector<16xi32>
        %add3A_3848 = arith.addi %add3A_3839, %xor3A_3847 : vector<16xi32>
        %shift_left3A_3849 = arith.constant 16 : i32
        %shift_left3A_3850 = vector.broadcast %shift_left3A_3849 : i32 to vector<16xi32>
        %shift_left3A_3851 = arith.shli %xor3A_3847, %shift_left3A_3850 : vector<16xi32>
        %shift_right_logical3A_3852 = arith.constant 16 : i32
        %shift_right_logical3A_3853 = vector.broadcast %shift_right_logical3A_3852 : i32 to vector<16xi32>
        %shift_right_logical3A_3854 = arith.shrui %xor3A_3847, %shift_right_logical3A_3853 : vector<16xi32>
        %or3A_3855 = arith.ori %shift_left3A_3851, %shift_right_logical3A_3854 : vector<16xi32>
        %xor3A_3856 = arith.xori %add3A_3848, %or3A_3855 : vector<16xi32>
        %add3A_3857 = arith.addi %add3A_3848, %xor3A_3856 : vector<16xi32>
        %shift_left3A_3858 = arith.constant 24 : i32
        %shift_left3A_3859 = vector.broadcast %shift_left3A_3858 : i32 to vector<16xi32>
        %shift_left3A_3860 = arith.shli %xor3A_3856, %shift_left3A_3859 : vector<16xi32>
        %shift_right_logical3A_3861 = arith.constant 8 : i32
        %shift_right_logical3A_3862 = vector.broadcast %shift_right_logical3A_3861 : i32 to vector<16xi32>
        %shift_right_logical3A_3863 = arith.shrui %xor3A_3856, %shift_right_logical3A_3862 : vector<16xi32>
        %or3A_3864 = arith.ori %shift_left3A_3860, %shift_right_logical3A_3863 : vector<16xi32>
        %xor3A_3865 = arith.xori %add3A_3857, %or3A_3864 : vector<16xi32>
        %add3A_3866 = arith.constant -332575357 : i32
        %add3A_3867 = vector.broadcast %add3A_3866 : i32 to vector<16xi32>
        %add3A_3868 = arith.addi %add3A_3857, %add3A_3867 : vector<16xi32>
        %add3A_3869 = arith.constant 908003074 : i32
        %add3A_3870 = vector.broadcast %add3A_3869 : i32 to vector<16xi32>
        %add3A_3871 = arith.addi %xor3A_3865, %add3A_3870 : vector<16xi32>
        %add3A_3872 = arith.addi %add3A_3868, %add3A_3871 : vector<16xi32>
        %shift_left3A_3873 = arith.constant 13 : i32
        %shift_left3A_3874 = vector.broadcast %shift_left3A_3873 : i32 to vector<16xi32>
        %shift_left3A_3875 = arith.shli %add3A_3871, %shift_left3A_3874 : vector<16xi32>
        %shift_right_logical3A_3876 = arith.constant 19 : i32
        %shift_right_logical3A_3877 = vector.broadcast %shift_right_logical3A_3876 : i32 to vector<16xi32>
        %shift_right_logical3A_3878 = arith.shrui %add3A_3871, %shift_right_logical3A_3877 : vector<16xi32>
        %or3A_3879 = arith.ori %shift_left3A_3875, %shift_right_logical3A_3878 : vector<16xi32>
        %xor3A_3880 = arith.xori %add3A_3872, %or3A_3879 : vector<16xi32>
        %add3A_3881 = arith.addi %add3A_3872, %xor3A_3880 : vector<16xi32>
        %shift_left3A_3882 = arith.constant 15 : i32
        %shift_left3A_3883 = vector.broadcast %shift_left3A_3882 : i32 to vector<16xi32>
        %shift_left3A_3884 = arith.shli %xor3A_3880, %shift_left3A_3883 : vector<16xi32>
        %shift_right_logical3A_3885 = arith.constant 17 : i32
        %shift_right_logical3A_3886 = vector.broadcast %shift_right_logical3A_3885 : i32 to vector<16xi32>
        %shift_right_logical3A_3887 = arith.shrui %xor3A_3880, %shift_right_logical3A_3886 : vector<16xi32>
        %or3A_3888 = arith.ori %shift_left3A_3884, %shift_right_logical3A_3887 : vector<16xi32>
        %xor3A_3889 = arith.xori %add3A_3881, %or3A_3888 : vector<16xi32>
        %add3A_3890 = arith.addi %add3A_3881, %xor3A_3889 : vector<16xi32>
        %shift_left3A_3891 = arith.constant 26 : i32
        %shift_left3A_3892 = vector.broadcast %shift_left3A_3891 : i32 to vector<16xi32>
        %shift_left3A_3893 = arith.shli %xor3A_3889, %shift_left3A_3892 : vector<16xi32>
        %shift_right_logical3A_3894 = arith.constant 6 : i32
        %shift_right_logical3A_3895 = vector.broadcast %shift_right_logical3A_3894 : i32 to vector<16xi32>
        %shift_right_logical3A_3896 = arith.shrui %xor3A_3889, %shift_right_logical3A_3895 : vector<16xi32>
        %or3A_3897 = arith.ori %shift_left3A_3893, %shift_right_logical3A_3896 : vector<16xi32>
        %xor3A_3898 = arith.xori %add3A_3890, %or3A_3897 : vector<16xi32>
        %add3A_3899 = arith.addi %add3A_3890, %xor3A_3898 : vector<16xi32>
        %shift_left3A_3900 = arith.constant 6 : i32
        %shift_left3A_3901 = vector.broadcast %shift_left3A_3900 : i32 to vector<16xi32>
        %shift_left3A_3902 = arith.shli %xor3A_3898, %shift_left3A_3901 : vector<16xi32>
        %shift_right_logical3A_3903 = arith.constant 26 : i32
        %shift_right_logical3A_3904 = vector.broadcast %shift_right_logical3A_3903 : i32 to vector<16xi32>
        %shift_right_logical3A_3905 = arith.shrui %xor3A_3898, %shift_right_logical3A_3904 : vector<16xi32>
        %or3A_3906 = arith.ori %shift_left3A_3902, %shift_right_logical3A_3905 : vector<16xi32>
        %xor3A_3907 = arith.xori %add3A_3899, %or3A_3906 : vector<16xi32>
        %add3A_3908 = arith.constant 908003072 : i32
        %add3A_3909 = vector.broadcast %add3A_3908 : i32 to vector<16xi32>
        %add3A_3910 = arith.addi %add3A_3899, %add3A_3909 : vector<16xi32>
        %add3A_3911 = arith.constant -1042067108 : i32
        %add3A_3912 = vector.broadcast %add3A_3911 : i32 to vector<16xi32>
        %add3A_3913 = arith.addi %xor3A_3907, %add3A_3912 : vector<16xi32>
        %add3A_3914 = arith.addi %add3A_3910, %add3A_3913 : vector<16xi32>
        %shift_left3A_3915 = arith.constant 17 : i32
        %shift_left3A_3916 = vector.broadcast %shift_left3A_3915 : i32 to vector<16xi32>
        %shift_left3A_3917 = arith.shli %add3A_3913, %shift_left3A_3916 : vector<16xi32>
        %shift_right_logical3A_3918 = arith.constant 15 : i32
        %shift_right_logical3A_3919 = vector.broadcast %shift_right_logical3A_3918 : i32 to vector<16xi32>
        %shift_right_logical3A_3920 = arith.shrui %add3A_3913, %shift_right_logical3A_3919 : vector<16xi32>
        %or3A_3921 = arith.ori %shift_left3A_3917, %shift_right_logical3A_3920 : vector<16xi32>
        %xor3A_3922 = arith.xori %add3A_3914, %or3A_3921 : vector<16xi32>
        %add3A_3923 = arith.addi %add3A_3914, %xor3A_3922 : vector<16xi32>
        %shift_left3A_3924 = arith.constant 29 : i32
        %shift_left3A_3925 = vector.broadcast %shift_left3A_3924 : i32 to vector<16xi32>
        %shift_left3A_3926 = arith.shli %xor3A_3922, %shift_left3A_3925 : vector<16xi32>
        %shift_right_logical3A_3927 = arith.constant 3 : i32
        %shift_right_logical3A_3928 = vector.broadcast %shift_right_logical3A_3927 : i32 to vector<16xi32>
        %shift_right_logical3A_3929 = arith.shrui %xor3A_3922, %shift_right_logical3A_3928 : vector<16xi32>
        %or3A_3930 = arith.ori %shift_left3A_3926, %shift_right_logical3A_3929 : vector<16xi32>
        %xor3A_3931 = arith.xori %add3A_3923, %or3A_3930 : vector<16xi32>
        %add3A_3932 = arith.addi %add3A_3923, %xor3A_3931 : vector<16xi32>
        %shift_left3A_3933 = arith.constant 16 : i32
        %shift_left3A_3934 = vector.broadcast %shift_left3A_3933 : i32 to vector<16xi32>
        %shift_left3A_3935 = arith.shli %xor3A_3931, %shift_left3A_3934 : vector<16xi32>
        %shift_right_logical3A_3936 = arith.constant 16 : i32
        %shift_right_logical3A_3937 = vector.broadcast %shift_right_logical3A_3936 : i32 to vector<16xi32>
        %shift_right_logical3A_3938 = arith.shrui %xor3A_3931, %shift_right_logical3A_3937 : vector<16xi32>
        %or3A_3939 = arith.ori %shift_left3A_3935, %shift_right_logical3A_3938 : vector<16xi32>
        %xor3A_3940 = arith.xori %add3A_3932, %or3A_3939 : vector<16xi32>
        %add3A_3941 = arith.addi %add3A_3932, %xor3A_3940 : vector<16xi32>
        %shift_left3A_3942 = arith.constant 24 : i32
        %shift_left3A_3943 = vector.broadcast %shift_left3A_3942 : i32 to vector<16xi32>
        %shift_left3A_3944 = arith.shli %xor3A_3940, %shift_left3A_3943 : vector<16xi32>
        %shift_right_logical3A_3945 = arith.constant 8 : i32
        %shift_right_logical3A_3946 = vector.broadcast %shift_right_logical3A_3945 : i32 to vector<16xi32>
        %shift_right_logical3A_3947 = arith.shrui %xor3A_3940, %shift_right_logical3A_3946 : vector<16xi32>
        %or3A_3948 = arith.ori %shift_left3A_3944, %shift_right_logical3A_3947 : vector<16xi32>
        %xor3A_3949 = arith.xori %add3A_3941, %or3A_3948 : vector<16xi32>
        %add3A_3950 = arith.constant -1042067111 : i32
        %add3A_3951 = vector.broadcast %add3A_3950 : i32 to vector<16xi32>
        %add3A_3952 = arith.addi %add3A_3941, %add3A_3951 : vector<16xi32>
        %add3A_3953 = arith.constant -332575353 : i32
        %add3A_3954 = vector.broadcast %add3A_3953 : i32 to vector<16xi32>
        %add3A_3955 = arith.addi %xor3A_3949, %add3A_3954 : vector<16xi32>
        %add3A_3956 = arith.addi %add3A_3952, %add3A_3955 : vector<16xi32>
        %shift_left3A_3957 = arith.constant 13 : i32
        %shift_left3A_3958 = vector.broadcast %shift_left3A_3957 : i32 to vector<16xi32>
        %shift_left3A_3959 = arith.shli %add3A_3955, %shift_left3A_3958 : vector<16xi32>
        %shift_right_logical3A_3960 = arith.constant 19 : i32
        %shift_right_logical3A_3961 = vector.broadcast %shift_right_logical3A_3960 : i32 to vector<16xi32>
        %shift_right_logical3A_3962 = arith.shrui %add3A_3955, %shift_right_logical3A_3961 : vector<16xi32>
        %or3A_3963 = arith.ori %shift_left3A_3959, %shift_right_logical3A_3962 : vector<16xi32>
        %xor3A_3964 = arith.xori %add3A_3956, %or3A_3963 : vector<16xi32>
        %add3A_3965 = arith.addi %add3A_3956, %xor3A_3964 : vector<16xi32>
        %shift_left3A_3966 = arith.constant 15 : i32
        %shift_left3A_3967 = vector.broadcast %shift_left3A_3966 : i32 to vector<16xi32>
        %shift_left3A_3968 = arith.shli %xor3A_3964, %shift_left3A_3967 : vector<16xi32>
        %shift_right_logical3A_3969 = arith.constant 17 : i32
        %shift_right_logical3A_3970 = vector.broadcast %shift_right_logical3A_3969 : i32 to vector<16xi32>
        %shift_right_logical3A_3971 = arith.shrui %xor3A_3964, %shift_right_logical3A_3970 : vector<16xi32>
        %or3A_3972 = arith.ori %shift_left3A_3968, %shift_right_logical3A_3971 : vector<16xi32>
        %xor3A_3973 = arith.xori %add3A_3965, %or3A_3972 : vector<16xi32>
        %add3A_3974 = arith.addi %add3A_3965, %xor3A_3973 : vector<16xi32>
        %shift_left3A_3975 = arith.constant 26 : i32
        %shift_left3A_3976 = vector.broadcast %shift_left3A_3975 : i32 to vector<16xi32>
        %shift_left3A_3977 = arith.shli %xor3A_3973, %shift_left3A_3976 : vector<16xi32>
        %shift_right_logical3A_3978 = arith.constant 6 : i32
        %shift_right_logical3A_3979 = vector.broadcast %shift_right_logical3A_3978 : i32 to vector<16xi32>
        %shift_right_logical3A_3980 = arith.shrui %xor3A_3973, %shift_right_logical3A_3979 : vector<16xi32>
        %or3A_3981 = arith.ori %shift_left3A_3977, %shift_right_logical3A_3980 : vector<16xi32>
        %xor3A_3982 = arith.xori %add3A_3974, %or3A_3981 : vector<16xi32>
        %add3A_3983 = arith.addi %add3A_3974, %xor3A_3982 : vector<16xi32>
        %shift_left3A_3984 = arith.constant 6 : i32
        %shift_left3A_3985 = vector.broadcast %shift_left3A_3984 : i32 to vector<16xi32>
        %shift_left3A_3986 = arith.shli %xor3A_3982, %shift_left3A_3985 : vector<16xi32>
        %shift_right_logical3A_3987 = arith.constant 26 : i32
        %shift_right_logical3A_3988 = vector.broadcast %shift_right_logical3A_3987 : i32 to vector<16xi32>
        %shift_right_logical3A_3989 = arith.shrui %xor3A_3982, %shift_right_logical3A_3988 : vector<16xi32>
        %or3A_3990 = arith.ori %shift_left3A_3986, %shift_right_logical3A_3989 : vector<16xi32>
        %xor3A_3991 = arith.xori %add3A_3983, %or3A_3990 : vector<16xi32>
        %add3A_3992 = arith.constant -332575357 : i32
        %add3A_3993 = vector.broadcast %add3A_3992 : i32 to vector<16xi32>
        %add3A_3994 = arith.addi %add3A_3983, %add3A_3993 : vector<16xi32>
        %add3A_3995 = arith.constant 908003077 : i32
        %add3A_3996 = vector.broadcast %add3A_3995 : i32 to vector<16xi32>
        %add3A_3997 = arith.addi %xor3A_3991, %add3A_3996 : vector<16xi32>
        %xor3A_3998 = arith.xori %add3A_3994, %add3A_3997 : vector<16xi32>
        %shift_right_logical3A_3999 = arith.constant 9 : i32
        %shift_right_logical3A_4000 = vector.broadcast %shift_right_logical3A_3999 : i32 to vector<16xi32>
        %shift_right_logical3A_4001 = arith.shrui %xor3A_3998, %shift_right_logical3A_4000 : vector<16xi32>
        %or3A_4002 = arith.constant 1065353216 : i32
        %or3A_4003 = vector.broadcast %or3A_4002 : i32 to vector<16xi32>
        %or3A_4004 = arith.ori %shift_right_logical3A_4001, %or3A_4003 : vector<16xi32>
        %bitcast_convert_type3A_4005 = tpu.bitcast %or3A_4004 : vector<16xi32> -> vector<16xf32>
        %sub3A_4006 = arith.constant 1.000000e+00 : f32
        %sub3A_4007 = vector.broadcast %sub3A_4006 : f32 to vector<16xf32>
        %sub3A_4008 = arith.subf %bitcast_convert_type3A_4005, %sub3A_4007 : vector<16xf32>
        %mul3A_4009 = arith.constant 1.000000e+00 : f32
        %mul3A_4010 = vector.broadcast %mul3A_4009 : f32 to vector<16xf32>
        %mul3A_4011 = arith.mulf %sub3A_4008, %mul3A_4010 : vector<16xf32>
        %add3A_4012 = arith.constant 1.000000e-10 : f32
        %add3A_4013 = vector.broadcast %add3A_4012 : f32 to vector<16xf32>
        %add3A_4014 = arith.addf %mul3A_4011, %add3A_4013 : vector<16xf32>
        %max3A_4015 = arith.constant 1.000000e-10 : f32
        %max3A_4016 = vector.broadcast %max3A_4015 : f32 to vector<16xf32>
        %max3A_4017 = arith.maximumf %max3A_4016, %add3A_4014 : vector<16xf32>
        %bitcast_convert_type3A_4018 = tpu.bitcast %max3A_4017 : vector<16xf32> -> vector<16xi32>
        %shift_right_logical3A_4019 = arith.constant 23 : i32
        %shift_right_logical3A_4020 = vector.broadcast %shift_right_logical3A_4019 : i32 to vector<16xi32>
        %shift_right_logical3A_4021 = arith.shrui %bitcast_convert_type3A_4018, %shift_right_logical3A_4020 : vector<16xi32>
        %bitcast_convert_type3A_4022 = tpu.bitcast %shift_right_logical3A_4021 : vector<16xi32> -> vector<16xi32>
        %sub3A_4023 = arith.constant 127 : i32
        %sub3A_4024 = vector.broadcast %sub3A_4023 : i32 to vector<16xi32>
        %sub3A_4025 = arith.subi %bitcast_convert_type3A_4022, %sub3A_4024 : vector<16xi32>
        %and3A_4026 = arith.constant 8388607 : i32
        %and3A_4027 = vector.broadcast %and3A_4026 : i32 to vector<16xi32>
        %and3A_4028 = arith.andi %bitcast_convert_type3A_4018, %and3A_4027 : vector<16xi32>
        %or3A_4029 = arith.constant 1065353216 : i32
        %or3A_4030 = vector.broadcast %or3A_4029 : i32 to vector<16xi32>
        %or3A_4031 = arith.ori %and3A_4028, %or3A_4030 : vector<16xi32>
        %bitcast_convert_type3A_4032 = tpu.bitcast %or3A_4031 : vector<16xi32> -> vector<16xf32>
        %sub3A_4033 = arith.constant 1.000000e+00 : f32
        %sub3A_4034 = vector.broadcast %sub3A_4033 : f32 to vector<16xf32>
        %sub3A_4035 = arith.subf %bitcast_convert_type3A_4032, %sub3A_4034 : vector<16xf32>
        %broadcast_in_dim3A_4036 = arith.constant -0.00458208052 : f32
        %broadcast_in_dim3A_4037 = vector.broadcast %broadcast_in_dim3A_4036 : f32 to vector<16xf32>
        %mul3A_4038 = arith.mulf %broadcast_in_dim3A_4037, %sub3A_4035 : vector<16xf32>
        %add3A_4039 = arith.constant 0.0281939134 : f32
        %add3A_4040 = vector.broadcast %add3A_4039 : f32 to vector<16xf32>
        %add3A_4041 = arith.addf %mul3A_4038, %add3A_4040 : vector<16xf32>
        %mul3A_4042 = arith.mulf %add3A_4041, %sub3A_4035 : vector<16xf32>
        %add3A_4043 = arith.constant -0.0813299268 : f32
        %add3A_4044 = vector.broadcast %add3A_4043 : f32 to vector<16xf32>
        %add3A_4045 = arith.addf %mul3A_4042, %add3A_4044 : vector<16xf32>
        %mul3A_4046 = arith.mulf %add3A_4045, %sub3A_4035 : vector<16xf32>
        %add3A_4047 = arith.constant 0.152112335 : f32
        %add3A_4048 = vector.broadcast %add3A_4047 : f32 to vector<16xf32>
        %add3A_4049 = arith.addf %mul3A_4046, %add3A_4048 : vector<16xf32>
        %mul3A_4050 = arith.mulf %add3A_4049, %sub3A_4035 : vector<16xf32>
        %add3A_4051 = arith.constant -0.220294729 : f32
        %add3A_4052 = vector.broadcast %add3A_4051 : f32 to vector<16xf32>
        %add3A_4053 = arith.addf %mul3A_4050, %add3A_4052 : vector<16xf32>
        %mul3A_4054 = arith.mulf %add3A_4053, %sub3A_4035 : vector<16xf32>
        %add3A_4055 = arith.constant 0.283681065 : f32
        %add3A_4056 = vector.broadcast %add3A_4055 : f32 to vector<16xf32>
        %add3A_4057 = arith.addf %mul3A_4054, %add3A_4056 : vector<16xf32>
        %mul3A_4058 = arith.mulf %add3A_4057, %sub3A_4035 : vector<16xf32>
        %add3A_4059 = arith.constant -0.359975725 : f32
        %add3A_4060 = vector.broadcast %add3A_4059 : f32 to vector<16xf32>
        %add3A_4061 = arith.addf %mul3A_4058, %add3A_4060 : vector<16xf32>
        %mul3A_4062 = arith.mulf %add3A_4061, %sub3A_4035 : vector<16xf32>
        %add3A_4063 = arith.constant 0.480846077 : f32
        %add3A_4064 = vector.broadcast %add3A_4063 : f32 to vector<16xf32>
        %add3A_4065 = arith.addf %mul3A_4062, %add3A_4064 : vector<16xf32>
        %mul3A_4066 = arith.mulf %add3A_4065, %sub3A_4035 : vector<16xf32>
        %add3A_4067 = arith.constant -0.721345961 : f32
        %add3A_4068 = vector.broadcast %add3A_4067 : f32 to vector<16xf32>
        %add3A_4069 = arith.addf %mul3A_4066, %add3A_4068 : vector<16xf32>
        %mul3A_4070 = arith.mulf %add3A_4069, %sub3A_4035 : vector<16xf32>
        %add3A_4071 = arith.constant 1.44269502 : f32
        %add3A_4072 = vector.broadcast %add3A_4071 : f32 to vector<16xf32>
        %add3A_4073 = arith.addf %mul3A_4070, %add3A_4072 : vector<16xf32>
        %convert_element_type3A_4074 = arith.sitofp %sub3A_4025 : vector<16xi32> to vector<16xf32>
        %mul3A_4075 = arith.mulf %sub3A_4035, %add3A_4073 : vector<16xf32>
        %add3A_4076 = arith.addf %convert_element_type3A_4074, %mul3A_4075 : vector<16xf32>
        %mul3A_4077 = arith.constant 0.693147182 : f32
        %mul3A_4078 = vector.broadcast %mul3A_4077 : f32 to vector<16xf32>
        %mul3A_4079 = arith.mulf %add3A_4076, %mul3A_4078 : vector<16xf32>
        %neg3A_4080 = arith.constant 0.000000e+00 : f32
        %neg3A_4081 = vector.broadcast %neg3A_4080 : f32 to vector<16xf32>
        %neg3A_4082 = arith.subf %neg3A_4081, %mul3A_4079 : vector<16xf32>
        %add3A_4083 = arith.constant 10000000 : i32
        %add3A_4084 = vector.broadcast %add3A_4083 : i32 to vector<16xi32>
        %add3A_4085 = arith.addi %add3A_3782, %add3A_4084 : vector<16xi32>
        %broadcast_in_dim3A_4086 = arith.constant 908003072 : i32
        %broadcast_in_dim3A_4087 = vector.broadcast %broadcast_in_dim3A_4086 : i32 to vector<16xi32>
        %add3A_4088 = arith.constant -1042067111 : i32
        %add3A_4089 = vector.broadcast %add3A_4088 : i32 to vector<16xi32>
        %add3A_4090 = arith.addi %add3A_4085, %add3A_4089 : vector<16xi32>
        %add3A_4091 = arith.addi %broadcast_in_dim3A_4087, %add3A_4090 : vector<16xi32>
        %shift_left3A_4092 = arith.constant 13 : i32
        %shift_left3A_4093 = vector.broadcast %shift_left3A_4092 : i32 to vector<16xi32>
        %shift_left3A_4094 = arith.shli %add3A_4090, %shift_left3A_4093 : vector<16xi32>
        %shift_right_logical3A_4095 = arith.constant 19 : i32
        %shift_right_logical3A_4096 = vector.broadcast %shift_right_logical3A_4095 : i32 to vector<16xi32>
        %shift_right_logical3A_4097 = arith.shrui %add3A_4090, %shift_right_logical3A_4096 : vector<16xi32>
        %or3A_4098 = arith.ori %shift_left3A_4094, %shift_right_logical3A_4097 : vector<16xi32>
        %xor3A_4099 = arith.xori %add3A_4091, %or3A_4098 : vector<16xi32>
        %add3A_4100 = arith.addi %add3A_4091, %xor3A_4099 : vector<16xi32>
        %shift_left3A_4101 = arith.constant 15 : i32
        %shift_left3A_4102 = vector.broadcast %shift_left3A_4101 : i32 to vector<16xi32>
        %shift_left3A_4103 = arith.shli %xor3A_4099, %shift_left3A_4102 : vector<16xi32>
        %shift_right_logical3A_4104 = arith.constant 17 : i32
        %shift_right_logical3A_4105 = vector.broadcast %shift_right_logical3A_4104 : i32 to vector<16xi32>
        %shift_right_logical3A_4106 = arith.shrui %xor3A_4099, %shift_right_logical3A_4105 : vector<16xi32>
        %or3A_4107 = arith.ori %shift_left3A_4103, %shift_right_logical3A_4106 : vector<16xi32>
        %xor3A_4108 = arith.xori %add3A_4100, %or3A_4107 : vector<16xi32>
        %add3A_4109 = arith.addi %add3A_4100, %xor3A_4108 : vector<16xi32>
        %shift_left3A_4110 = arith.constant 26 : i32
        %shift_left3A_4111 = vector.broadcast %shift_left3A_4110 : i32 to vector<16xi32>
        %shift_left3A_4112 = arith.shli %xor3A_4108, %shift_left3A_4111 : vector<16xi32>
        %shift_right_logical3A_4113 = arith.constant 6 : i32
        %shift_right_logical3A_4114 = vector.broadcast %shift_right_logical3A_4113 : i32 to vector<16xi32>
        %shift_right_logical3A_4115 = arith.shrui %xor3A_4108, %shift_right_logical3A_4114 : vector<16xi32>
        %or3A_4116 = arith.ori %shift_left3A_4112, %shift_right_logical3A_4115 : vector<16xi32>
        %xor3A_4117 = arith.xori %add3A_4109, %or3A_4116 : vector<16xi32>
        %add3A_4118 = arith.addi %add3A_4109, %xor3A_4117 : vector<16xi32>
        %shift_left3A_4119 = arith.constant 6 : i32
        %shift_left3A_4120 = vector.broadcast %shift_left3A_4119 : i32 to vector<16xi32>
        %shift_left3A_4121 = arith.shli %xor3A_4117, %shift_left3A_4120 : vector<16xi32>
        %shift_right_logical3A_4122 = arith.constant 26 : i32
        %shift_right_logical3A_4123 = vector.broadcast %shift_right_logical3A_4122 : i32 to vector<16xi32>
        %shift_right_logical3A_4124 = arith.shrui %xor3A_4117, %shift_right_logical3A_4123 : vector<16xi32>
        %or3A_4125 = arith.ori %shift_left3A_4121, %shift_right_logical3A_4124 : vector<16xi32>
        %xor3A_4126 = arith.xori %add3A_4118, %or3A_4125 : vector<16xi32>
        %add3A_4127 = arith.constant -1042067111 : i32
        %add3A_4128 = vector.broadcast %add3A_4127 : i32 to vector<16xi32>
        %add3A_4129 = arith.addi %add3A_4118, %add3A_4128 : vector<16xi32>
        %add3A_4130 = arith.constant -332575356 : i32
        %add3A_4131 = vector.broadcast %add3A_4130 : i32 to vector<16xi32>
        %add3A_4132 = arith.addi %xor3A_4126, %add3A_4131 : vector<16xi32>
        %add3A_4133 = arith.addi %add3A_4129, %add3A_4132 : vector<16xi32>
        %shift_left3A_4134 = arith.constant 17 : i32
        %shift_left3A_4135 = vector.broadcast %shift_left3A_4134 : i32 to vector<16xi32>
        %shift_left3A_4136 = arith.shli %add3A_4132, %shift_left3A_4135 : vector<16xi32>
        %shift_right_logical3A_4137 = arith.constant 15 : i32
        %shift_right_logical3A_4138 = vector.broadcast %shift_right_logical3A_4137 : i32 to vector<16xi32>
        %shift_right_logical3A_4139 = arith.shrui %add3A_4132, %shift_right_logical3A_4138 : vector<16xi32>
        %or3A_4140 = arith.ori %shift_left3A_4136, %shift_right_logical3A_4139 : vector<16xi32>
        %xor3A_4141 = arith.xori %add3A_4133, %or3A_4140 : vector<16xi32>
        %add3A_4142 = arith.addi %add3A_4133, %xor3A_4141 : vector<16xi32>
        %shift_left3A_4143 = arith.constant 29 : i32
        %shift_left3A_4144 = vector.broadcast %shift_left3A_4143 : i32 to vector<16xi32>
        %shift_left3A_4145 = arith.shli %xor3A_4141, %shift_left3A_4144 : vector<16xi32>
        %shift_right_logical3A_4146 = arith.constant 3 : i32
        %shift_right_logical3A_4147 = vector.broadcast %shift_right_logical3A_4146 : i32 to vector<16xi32>
        %shift_right_logical3A_4148 = arith.shrui %xor3A_4141, %shift_right_logical3A_4147 : vector<16xi32>
        %or3A_4149 = arith.ori %shift_left3A_4145, %shift_right_logical3A_4148 : vector<16xi32>
        %xor3A_4150 = arith.xori %add3A_4142, %or3A_4149 : vector<16xi32>
        %add3A_4151 = arith.addi %add3A_4142, %xor3A_4150 : vector<16xi32>
        %shift_left3A_4152 = arith.constant 16 : i32
        %shift_left3A_4153 = vector.broadcast %shift_left3A_4152 : i32 to vector<16xi32>
        %shift_left3A_4154 = arith.shli %xor3A_4150, %shift_left3A_4153 : vector<16xi32>
        %shift_right_logical3A_4155 = arith.constant 16 : i32
        %shift_right_logical3A_4156 = vector.broadcast %shift_right_logical3A_4155 : i32 to vector<16xi32>
        %shift_right_logical3A_4157 = arith.shrui %xor3A_4150, %shift_right_logical3A_4156 : vector<16xi32>
        %or3A_4158 = arith.ori %shift_left3A_4154, %shift_right_logical3A_4157 : vector<16xi32>
        %xor3A_4159 = arith.xori %add3A_4151, %or3A_4158 : vector<16xi32>
        %add3A_4160 = arith.addi %add3A_4151, %xor3A_4159 : vector<16xi32>
        %shift_left3A_4161 = arith.constant 24 : i32
        %shift_left3A_4162 = vector.broadcast %shift_left3A_4161 : i32 to vector<16xi32>
        %shift_left3A_4163 = arith.shli %xor3A_4159, %shift_left3A_4162 : vector<16xi32>
        %shift_right_logical3A_4164 = arith.constant 8 : i32
        %shift_right_logical3A_4165 = vector.broadcast %shift_right_logical3A_4164 : i32 to vector<16xi32>
        %shift_right_logical3A_4166 = arith.shrui %xor3A_4159, %shift_right_logical3A_4165 : vector<16xi32>
        %or3A_4167 = arith.ori %shift_left3A_4163, %shift_right_logical3A_4166 : vector<16xi32>
        %xor3A_4168 = arith.xori %add3A_4160, %or3A_4167 : vector<16xi32>
        %add3A_4169 = arith.constant -332575357 : i32
        %add3A_4170 = vector.broadcast %add3A_4169 : i32 to vector<16xi32>
        %add3A_4171 = arith.addi %add3A_4160, %add3A_4170 : vector<16xi32>
        %add3A_4172 = arith.constant 908003074 : i32
        %add3A_4173 = vector.broadcast %add3A_4172 : i32 to vector<16xi32>
        %add3A_4174 = arith.addi %xor3A_4168, %add3A_4173 : vector<16xi32>
        %add3A_4175 = arith.addi %add3A_4171, %add3A_4174 : vector<16xi32>
        %shift_left3A_4176 = arith.constant 13 : i32
        %shift_left3A_4177 = vector.broadcast %shift_left3A_4176 : i32 to vector<16xi32>
        %shift_left3A_4178 = arith.shli %add3A_4174, %shift_left3A_4177 : vector<16xi32>
        %shift_right_logical3A_4179 = arith.constant 19 : i32
        %shift_right_logical3A_4180 = vector.broadcast %shift_right_logical3A_4179 : i32 to vector<16xi32>
        %shift_right_logical3A_4181 = arith.shrui %add3A_4174, %shift_right_logical3A_4180 : vector<16xi32>
        %or3A_4182 = arith.ori %shift_left3A_4178, %shift_right_logical3A_4181 : vector<16xi32>
        %xor3A_4183 = arith.xori %add3A_4175, %or3A_4182 : vector<16xi32>
        %add3A_4184 = arith.addi %add3A_4175, %xor3A_4183 : vector<16xi32>
        %shift_left3A_4185 = arith.constant 15 : i32
        %shift_left3A_4186 = vector.broadcast %shift_left3A_4185 : i32 to vector<16xi32>
        %shift_left3A_4187 = arith.shli %xor3A_4183, %shift_left3A_4186 : vector<16xi32>
        %shift_right_logical3A_4188 = arith.constant 17 : i32
        %shift_right_logical3A_4189 = vector.broadcast %shift_right_logical3A_4188 : i32 to vector<16xi32>
        %shift_right_logical3A_4190 = arith.shrui %xor3A_4183, %shift_right_logical3A_4189 : vector<16xi32>
        %or3A_4191 = arith.ori %shift_left3A_4187, %shift_right_logical3A_4190 : vector<16xi32>
        %xor3A_4192 = arith.xori %add3A_4184, %or3A_4191 : vector<16xi32>
        %add3A_4193 = arith.addi %add3A_4184, %xor3A_4192 : vector<16xi32>
        %shift_left3A_4194 = arith.constant 26 : i32
        %shift_left3A_4195 = vector.broadcast %shift_left3A_4194 : i32 to vector<16xi32>
        %shift_left3A_4196 = arith.shli %xor3A_4192, %shift_left3A_4195 : vector<16xi32>
        %shift_right_logical3A_4197 = arith.constant 6 : i32
        %shift_right_logical3A_4198 = vector.broadcast %shift_right_logical3A_4197 : i32 to vector<16xi32>
        %shift_right_logical3A_4199 = arith.shrui %xor3A_4192, %shift_right_logical3A_4198 : vector<16xi32>
        %or3A_4200 = arith.ori %shift_left3A_4196, %shift_right_logical3A_4199 : vector<16xi32>
        %xor3A_4201 = arith.xori %add3A_4193, %or3A_4200 : vector<16xi32>
        %add3A_4202 = arith.addi %add3A_4193, %xor3A_4201 : vector<16xi32>
        %shift_left3A_4203 = arith.constant 6 : i32
        %shift_left3A_4204 = vector.broadcast %shift_left3A_4203 : i32 to vector<16xi32>
        %shift_left3A_4205 = arith.shli %xor3A_4201, %shift_left3A_4204 : vector<16xi32>
        %shift_right_logical3A_4206 = arith.constant 26 : i32
        %shift_right_logical3A_4207 = vector.broadcast %shift_right_logical3A_4206 : i32 to vector<16xi32>
        %shift_right_logical3A_4208 = arith.shrui %xor3A_4201, %shift_right_logical3A_4207 : vector<16xi32>
        %or3A_4209 = arith.ori %shift_left3A_4205, %shift_right_logical3A_4208 : vector<16xi32>
        %xor3A_4210 = arith.xori %add3A_4202, %or3A_4209 : vector<16xi32>
        %add3A_4211 = arith.constant 908003072 : i32
        %add3A_4212 = vector.broadcast %add3A_4211 : i32 to vector<16xi32>
        %add3A_4213 = arith.addi %add3A_4202, %add3A_4212 : vector<16xi32>
        %add3A_4214 = arith.constant -1042067108 : i32
        %add3A_4215 = vector.broadcast %add3A_4214 : i32 to vector<16xi32>
        %add3A_4216 = arith.addi %xor3A_4210, %add3A_4215 : vector<16xi32>
        %add3A_4217 = arith.addi %add3A_4213, %add3A_4216 : vector<16xi32>
        %shift_left3A_4218 = arith.constant 17 : i32
        %shift_left3A_4219 = vector.broadcast %shift_left3A_4218 : i32 to vector<16xi32>
        %shift_left3A_4220 = arith.shli %add3A_4216, %shift_left3A_4219 : vector<16xi32>
        %shift_right_logical3A_4221 = arith.constant 15 : i32
        %shift_right_logical3A_4222 = vector.broadcast %shift_right_logical3A_4221 : i32 to vector<16xi32>
        %shift_right_logical3A_4223 = arith.shrui %add3A_4216, %shift_right_logical3A_4222 : vector<16xi32>
        %or3A_4224 = arith.ori %shift_left3A_4220, %shift_right_logical3A_4223 : vector<16xi32>
        %xor3A_4225 = arith.xori %add3A_4217, %or3A_4224 : vector<16xi32>
        %add3A_4226 = arith.addi %add3A_4217, %xor3A_4225 : vector<16xi32>
        %shift_left3A_4227 = arith.constant 29 : i32
        %shift_left3A_4228 = vector.broadcast %shift_left3A_4227 : i32 to vector<16xi32>
        %shift_left3A_4229 = arith.shli %xor3A_4225, %shift_left3A_4228 : vector<16xi32>
        %shift_right_logical3A_4230 = arith.constant 3 : i32
        %shift_right_logical3A_4231 = vector.broadcast %shift_right_logical3A_4230 : i32 to vector<16xi32>
        %shift_right_logical3A_4232 = arith.shrui %xor3A_4225, %shift_right_logical3A_4231 : vector<16xi32>
        %or3A_4233 = arith.ori %shift_left3A_4229, %shift_right_logical3A_4232 : vector<16xi32>
        %xor3A_4234 = arith.xori %add3A_4226, %or3A_4233 : vector<16xi32>
        %add3A_4235 = arith.addi %add3A_4226, %xor3A_4234 : vector<16xi32>
        %shift_left3A_4236 = arith.constant 16 : i32
        %shift_left3A_4237 = vector.broadcast %shift_left3A_4236 : i32 to vector<16xi32>
        %shift_left3A_4238 = arith.shli %xor3A_4234, %shift_left3A_4237 : vector<16xi32>
        %shift_right_logical3A_4239 = arith.constant 16 : i32
        %shift_right_logical3A_4240 = vector.broadcast %shift_right_logical3A_4239 : i32 to vector<16xi32>
        %shift_right_logical3A_4241 = arith.shrui %xor3A_4234, %shift_right_logical3A_4240 : vector<16xi32>
        %or3A_4242 = arith.ori %shift_left3A_4238, %shift_right_logical3A_4241 : vector<16xi32>
        %xor3A_4243 = arith.xori %add3A_4235, %or3A_4242 : vector<16xi32>
        %add3A_4244 = arith.addi %add3A_4235, %xor3A_4243 : vector<16xi32>
        %shift_left3A_4245 = arith.constant 24 : i32
        %shift_left3A_4246 = vector.broadcast %shift_left3A_4245 : i32 to vector<16xi32>
        %shift_left3A_4247 = arith.shli %xor3A_4243, %shift_left3A_4246 : vector<16xi32>
        %shift_right_logical3A_4248 = arith.constant 8 : i32
        %shift_right_logical3A_4249 = vector.broadcast %shift_right_logical3A_4248 : i32 to vector<16xi32>
        %shift_right_logical3A_4250 = arith.shrui %xor3A_4243, %shift_right_logical3A_4249 : vector<16xi32>
        %or3A_4251 = arith.ori %shift_left3A_4247, %shift_right_logical3A_4250 : vector<16xi32>
        %xor3A_4252 = arith.xori %add3A_4244, %or3A_4251 : vector<16xi32>
        %add3A_4253 = arith.constant -1042067111 : i32
        %add3A_4254 = vector.broadcast %add3A_4253 : i32 to vector<16xi32>
        %add3A_4255 = arith.addi %add3A_4244, %add3A_4254 : vector<16xi32>
        %add3A_4256 = arith.constant -332575353 : i32
        %add3A_4257 = vector.broadcast %add3A_4256 : i32 to vector<16xi32>
        %add3A_4258 = arith.addi %xor3A_4252, %add3A_4257 : vector<16xi32>
        %add3A_4259 = arith.addi %add3A_4255, %add3A_4258 : vector<16xi32>
        %shift_left3A_4260 = arith.constant 13 : i32
        %shift_left3A_4261 = vector.broadcast %shift_left3A_4260 : i32 to vector<16xi32>
        %shift_left3A_4262 = arith.shli %add3A_4258, %shift_left3A_4261 : vector<16xi32>
        %shift_right_logical3A_4263 = arith.constant 19 : i32
        %shift_right_logical3A_4264 = vector.broadcast %shift_right_logical3A_4263 : i32 to vector<16xi32>
        %shift_right_logical3A_4265 = arith.shrui %add3A_4258, %shift_right_logical3A_4264 : vector<16xi32>
        %or3A_4266 = arith.ori %shift_left3A_4262, %shift_right_logical3A_4265 : vector<16xi32>
        %xor3A_4267 = arith.xori %add3A_4259, %or3A_4266 : vector<16xi32>
        %add3A_4268 = arith.addi %add3A_4259, %xor3A_4267 : vector<16xi32>
        %shift_left3A_4269 = arith.constant 15 : i32
        %shift_left3A_4270 = vector.broadcast %shift_left3A_4269 : i32 to vector<16xi32>
        %shift_left3A_4271 = arith.shli %xor3A_4267, %shift_left3A_4270 : vector<16xi32>
        %shift_right_logical3A_4272 = arith.constant 17 : i32
        %shift_right_logical3A_4273 = vector.broadcast %shift_right_logical3A_4272 : i32 to vector<16xi32>
        %shift_right_logical3A_4274 = arith.shrui %xor3A_4267, %shift_right_logical3A_4273 : vector<16xi32>
        %or3A_4275 = arith.ori %shift_left3A_4271, %shift_right_logical3A_4274 : vector<16xi32>
        %xor3A_4276 = arith.xori %add3A_4268, %or3A_4275 : vector<16xi32>
        %add3A_4277 = arith.addi %add3A_4268, %xor3A_4276 : vector<16xi32>
        %shift_left3A_4278 = arith.constant 26 : i32
        %shift_left3A_4279 = vector.broadcast %shift_left3A_4278 : i32 to vector<16xi32>
        %shift_left3A_4280 = arith.shli %xor3A_4276, %shift_left3A_4279 : vector<16xi32>
        %shift_right_logical3A_4281 = arith.constant 6 : i32
        %shift_right_logical3A_4282 = vector.broadcast %shift_right_logical3A_4281 : i32 to vector<16xi32>
        %shift_right_logical3A_4283 = arith.shrui %xor3A_4276, %shift_right_logical3A_4282 : vector<16xi32>
        %or3A_4284 = arith.ori %shift_left3A_4280, %shift_right_logical3A_4283 : vector<16xi32>
        %xor3A_4285 = arith.xori %add3A_4277, %or3A_4284 : vector<16xi32>
        %add3A_4286 = arith.addi %add3A_4277, %xor3A_4285 : vector<16xi32>
        %shift_left3A_4287 = arith.constant 6 : i32
        %shift_left3A_4288 = vector.broadcast %shift_left3A_4287 : i32 to vector<16xi32>
        %shift_left3A_4289 = arith.shli %xor3A_4285, %shift_left3A_4288 : vector<16xi32>
        %shift_right_logical3A_4290 = arith.constant 26 : i32
        %shift_right_logical3A_4291 = vector.broadcast %shift_right_logical3A_4290 : i32 to vector<16xi32>
        %shift_right_logical3A_4292 = arith.shrui %xor3A_4285, %shift_right_logical3A_4291 : vector<16xi32>
        %or3A_4293 = arith.ori %shift_left3A_4289, %shift_right_logical3A_4292 : vector<16xi32>
        %xor3A_4294 = arith.xori %add3A_4286, %or3A_4293 : vector<16xi32>
        %add3A_4295 = arith.constant -332575357 : i32
        %add3A_4296 = vector.broadcast %add3A_4295 : i32 to vector<16xi32>
        %add3A_4297 = arith.addi %add3A_4286, %add3A_4296 : vector<16xi32>
        %add3A_4298 = arith.constant 908003077 : i32
        %add3A_4299 = vector.broadcast %add3A_4298 : i32 to vector<16xi32>
        %add3A_4300 = arith.addi %xor3A_4294, %add3A_4299 : vector<16xi32>
        %xor3A_4301 = arith.xori %add3A_4297, %add3A_4300 : vector<16xi32>
        %shift_right_logical3A_4302 = arith.constant 9 : i32
        %shift_right_logical3A_4303 = vector.broadcast %shift_right_logical3A_4302 : i32 to vector<16xi32>
        %shift_right_logical3A_4304 = arith.shrui %xor3A_4301, %shift_right_logical3A_4303 : vector<16xi32>
        %or3A_4305 = arith.constant 1065353216 : i32
        %or3A_4306 = vector.broadcast %or3A_4305 : i32 to vector<16xi32>
        %or3A_4307 = arith.ori %shift_right_logical3A_4304, %or3A_4306 : vector<16xi32>
        %bitcast_convert_type3A_4308 = tpu.bitcast %or3A_4307 : vector<16xi32> -> vector<16xf32>
        %sub3A_4309 = arith.constant 1.000000e+00 : f32
        %sub3A_4310 = vector.broadcast %sub3A_4309 : f32 to vector<16xf32>
        %sub3A_4311 = arith.subf %bitcast_convert_type3A_4308, %sub3A_4310 : vector<16xf32>
        %mul3A_4312 = arith.constant 1.000000e+00 : f32
        %mul3A_4313 = vector.broadcast %mul3A_4312 : f32 to vector<16xf32>
        %mul3A_4314 = arith.mulf %sub3A_4311, %mul3A_4313 : vector<16xf32>
        %add3A_4315 = arith.constant 1.000000e-10 : f32
        %add3A_4316 = vector.broadcast %add3A_4315 : f32 to vector<16xf32>
        %add3A_4317 = arith.addf %mul3A_4314, %add3A_4316 : vector<16xf32>
        %max3A_4318 = arith.constant 1.000000e-10 : f32
        %max3A_4319 = vector.broadcast %max3A_4318 : f32 to vector<16xf32>
        %max3A_4320 = arith.maximumf %max3A_4319, %add3A_4317 : vector<16xf32>
        %bitcast_convert_type3A_4321 = tpu.bitcast %max3A_4320 : vector<16xf32> -> vector<16xi32>
        %shift_right_logical3A_4322 = arith.constant 23 : i32
        %shift_right_logical3A_4323 = vector.broadcast %shift_right_logical3A_4322 : i32 to vector<16xi32>
        %shift_right_logical3A_4324 = arith.shrui %bitcast_convert_type3A_4321, %shift_right_logical3A_4323 : vector<16xi32>
        %bitcast_convert_type3A_4325 = tpu.bitcast %shift_right_logical3A_4324 : vector<16xi32> -> vector<16xi32>
        %sub3A_4326 = arith.constant 127 : i32
        %sub3A_4327 = vector.broadcast %sub3A_4326 : i32 to vector<16xi32>
        %sub3A_4328 = arith.subi %bitcast_convert_type3A_4325, %sub3A_4327 : vector<16xi32>
        %and3A_4329 = arith.constant 8388607 : i32
        %and3A_4330 = vector.broadcast %and3A_4329 : i32 to vector<16xi32>
        %and3A_4331 = arith.andi %bitcast_convert_type3A_4321, %and3A_4330 : vector<16xi32>
        %or3A_4332 = arith.constant 1065353216 : i32
        %or3A_4333 = vector.broadcast %or3A_4332 : i32 to vector<16xi32>
        %or3A_4334 = arith.ori %and3A_4331, %or3A_4333 : vector<16xi32>
        %bitcast_convert_type3A_4335 = tpu.bitcast %or3A_4334 : vector<16xi32> -> vector<16xf32>
        %sub3A_4336 = arith.constant 1.000000e+00 : f32
        %sub3A_4337 = vector.broadcast %sub3A_4336 : f32 to vector<16xf32>
        %sub3A_4338 = arith.subf %bitcast_convert_type3A_4335, %sub3A_4337 : vector<16xf32>
        %broadcast_in_dim3A_4339 = arith.constant -0.00458208052 : f32
        %broadcast_in_dim3A_4340 = vector.broadcast %broadcast_in_dim3A_4339 : f32 to vector<16xf32>
        %mul3A_4341 = arith.mulf %broadcast_in_dim3A_4340, %sub3A_4338 : vector<16xf32>
        %add3A_4342 = arith.constant 0.0281939134 : f32
        %add3A_4343 = vector.broadcast %add3A_4342 : f32 to vector<16xf32>
        %add3A_4344 = arith.addf %mul3A_4341, %add3A_4343 : vector<16xf32>
        %mul3A_4345 = arith.mulf %add3A_4344, %sub3A_4338 : vector<16xf32>
        %add3A_4346 = arith.constant -0.0813299268 : f32
        %add3A_4347 = vector.broadcast %add3A_4346 : f32 to vector<16xf32>
        %add3A_4348 = arith.addf %mul3A_4345, %add3A_4347 : vector<16xf32>
        %mul3A_4349 = arith.mulf %add3A_4348, %sub3A_4338 : vector<16xf32>
        %add3A_4350 = arith.constant 0.152112335 : f32
        %add3A_4351 = vector.broadcast %add3A_4350 : f32 to vector<16xf32>
        %add3A_4352 = arith.addf %mul3A_4349, %add3A_4351 : vector<16xf32>
        %mul3A_4353 = arith.mulf %add3A_4352, %sub3A_4338 : vector<16xf32>
        %add3A_4354 = arith.constant -0.220294729 : f32
        %add3A_4355 = vector.broadcast %add3A_4354 : f32 to vector<16xf32>
        %add3A_4356 = arith.addf %mul3A_4353, %add3A_4355 : vector<16xf32>
        %mul3A_4357 = arith.mulf %add3A_4356, %sub3A_4338 : vector<16xf32>
        %add3A_4358 = arith.constant 0.283681065 : f32
        %add3A_4359 = vector.broadcast %add3A_4358 : f32 to vector<16xf32>
        %add3A_4360 = arith.addf %mul3A_4357, %add3A_4359 : vector<16xf32>
        %mul3A_4361 = arith.mulf %add3A_4360, %sub3A_4338 : vector<16xf32>
        %add3A_4362 = arith.constant -0.359975725 : f32
        %add3A_4363 = vector.broadcast %add3A_4362 : f32 to vector<16xf32>
        %add3A_4364 = arith.addf %mul3A_4361, %add3A_4363 : vector<16xf32>
        %mul3A_4365 = arith.mulf %add3A_4364, %sub3A_4338 : vector<16xf32>
        %add3A_4366 = arith.constant 0.480846077 : f32
        %add3A_4367 = vector.broadcast %add3A_4366 : f32 to vector<16xf32>
        %add3A_4368 = arith.addf %mul3A_4365, %add3A_4367 : vector<16xf32>
        %mul3A_4369 = arith.mulf %add3A_4368, %sub3A_4338 : vector<16xf32>
        %add3A_4370 = arith.constant -0.721345961 : f32
        %add3A_4371 = vector.broadcast %add3A_4370 : f32 to vector<16xf32>
        %add3A_4372 = arith.addf %mul3A_4369, %add3A_4371 : vector<16xf32>
        %mul3A_4373 = arith.mulf %add3A_4372, %sub3A_4338 : vector<16xf32>
        %add3A_4374 = arith.constant 1.44269502 : f32
        %add3A_4375 = vector.broadcast %add3A_4374 : f32 to vector<16xf32>
        %add3A_4376 = arith.addf %mul3A_4373, %add3A_4375 : vector<16xf32>
        %convert_element_type3A_4377 = arith.sitofp %sub3A_4328 : vector<16xi32> to vector<16xf32>
        %mul3A_4378 = arith.mulf %sub3A_4338, %add3A_4376 : vector<16xf32>
        %add3A_4379 = arith.addf %convert_element_type3A_4377, %mul3A_4378 : vector<16xf32>
        %mul3A_4380 = arith.constant 0.693147182 : f32
        %mul3A_4381 = vector.broadcast %mul3A_4380 : f32 to vector<16xf32>
        %mul3A_4382 = arith.mulf %add3A_4379, %mul3A_4381 : vector<16xf32>
        %neg3A_4383 = arith.constant 0.000000e+00 : f32
        %neg3A_4384 = vector.broadcast %neg3A_4383 : f32 to vector<16xf32>
        %neg3A_4385 = arith.subf %neg3A_4384, %mul3A_4382 : vector<16xf32>
        %get3A_4386 = arith.index_cast %add3A_3777 : i32 to index
        %get3A_4387 = tpu.vector_load %arg4[%get3A_4386] {strides = array<i32>} : memref<8448xf32, #tpu.memory_space<vmem>>, vector<16xf32>,
        %get3A_4388 = vector.shape_cast %get3A_4387 : vector<16xf32> to vector<16xf32>
        %sub3A_4389 = arith.constant 1.000000e+00 : f32
        %sub3A_4390 = vector.broadcast %sub3A_4389 : f32 to vector<16xf32>
        %sub3A_4391 = arith.subf %sub3A_4390, %get3A_4388 : vector<16xf32>
        %mul3A_4392 = arith.mulf %sub3A_4391, %neg3A_4082 : vector<16xf32>
        %mul3A_4393 = arith.mulf %get3A_4388, %neg3A_4385 : vector<16xf32>
        %gt3A_4394 = arith.cmpf ogt, %mul3A_4392, %mul3A_4393 : vector<16xf32>
        %jit3A_4395 = arith.constant 1.000000e+00 : f32
        %jit3A_4396 = arith.constant 0.000000e+00 : f32
        %broadcast_in_dim3A_4397 = vector.broadcast %jit3A_4395 : f32 to vector<16xf32>
        %broadcast_in_dim3A_4398 = vector.broadcast %jit3A_4396 : f32 to vector<16xf32>
        %select_n3A_4399 = arith.select %gt3A_4394, %broadcast_in_dim3A_4397, %broadcast_in_dim3A_4398 : vector<16xi1>, vector<16xf32>
        %swap3A_4400 = arith.index_cast %add3A_3777 : i32 to index
        %swap3A_4401 = tpu.vector_load %arg5[%swap3A_4400] {strides = array<i32>} : memref<8448xf32, #tpu.memory_space<vmem>>, vector<16xf32>,
        %swap3A_4402 = vector.shape_cast %swap3A_4401 : vector<16xf32> to vector<16xf32>
        %swap3A_4403 = vector.shape_cast %select_n3A_4399 : vector<16xf32> to vector<16xf32>
        tpu.vector_store %arg5[%swap3A_4400], %swap3A_4403 {strides = array<i32>} : memref<8448xf32, #tpu.memory_space<vmem>>, vector<16xf32>,
        %add3A_4404 = arith.constant 112 : i32
        %add3A_4405 = arith.addi %mul3A_22, %add3A_4404 : i32
        %add3A_4406 = arith.constant 7837312 : i32
        %add3A_4407 = arith.addi %add3A_4406, %add3A_11 : i32
        %add3A_4408 = arith.addi %add3A_4407, %add3A_4405 : i32
        %add3A_4409 = vector.broadcast %add3A_4408 : i32 to vector<16xi32>
        %add3A_4410 = arith.addi %bitcast_convert_type3A, %add3A_4409 : vector<16xi32>
        %broadcast_in_dim3A_4411 = arith.constant 908003072 : i32
        %broadcast_in_dim3A_4412 = vector.broadcast %broadcast_in_dim3A_4411 : i32 to vector<16xi32>
        %add3A_4413 = arith.constant -1042067111 : i32
        %add3A_4414 = vector.broadcast %add3A_4413 : i32 to vector<16xi32>
        %add3A_4415 = arith.addi %add3A_4410, %add3A_4414 : vector<16xi32>
        %add3A_4416 = arith.addi %broadcast_in_dim3A_4412, %add3A_4415 : vector<16xi32>
        %shift_left3A_4417 = arith.constant 13 : i32
        %shift_left3A_4418 = vector.broadcast %shift_left3A_4417 : i32 to vector<16xi32>
        %shift_left3A_4419 = arith.shli %add3A_4415, %shift_left3A_4418 : vector<16xi32>
        %shift_right_logical3A_4420 = arith.constant 19 : i32
        %shift_right_logical3A_4421 = vector.broadcast %shift_right_logical3A_4420 : i32 to vector<16xi32>
        %shift_right_logical3A_4422 = arith.shrui %add3A_4415, %shift_right_logical3A_4421 : vector<16xi32>
        %or3A_4423 = arith.ori %shift_left3A_4419, %shift_right_logical3A_4422 : vector<16xi32>
        %xor3A_4424 = arith.xori %add3A_4416, %or3A_4423 : vector<16xi32>
        %add3A_4425 = arith.addi %add3A_4416, %xor3A_4424 : vector<16xi32>
        %shift_left3A_4426 = arith.constant 15 : i32
        %shift_left3A_4427 = vector.broadcast %shift_left3A_4426 : i32 to vector<16xi32>
        %shift_left3A_4428 = arith.shli %xor3A_4424, %shift_left3A_4427 : vector<16xi32>
        %shift_right_logical3A_4429 = arith.constant 17 : i32
        %shift_right_logical3A_4430 = vector.broadcast %shift_right_logical3A_4429 : i32 to vector<16xi32>
        %shift_right_logical3A_4431 = arith.shrui %xor3A_4424, %shift_right_logical3A_4430 : vector<16xi32>
        %or3A_4432 = arith.ori %shift_left3A_4428, %shift_right_logical3A_4431 : vector<16xi32>
        %xor3A_4433 = arith.xori %add3A_4425, %or3A_4432 : vector<16xi32>
        %add3A_4434 = arith.addi %add3A_4425, %xor3A_4433 : vector<16xi32>
        %shift_left3A_4435 = arith.constant 26 : i32
        %shift_left3A_4436 = vector.broadcast %shift_left3A_4435 : i32 to vector<16xi32>
        %shift_left3A_4437 = arith.shli %xor3A_4433, %shift_left3A_4436 : vector<16xi32>
        %shift_right_logical3A_4438 = arith.constant 6 : i32
        %shift_right_logical3A_4439 = vector.broadcast %shift_right_logical3A_4438 : i32 to vector<16xi32>
        %shift_right_logical3A_4440 = arith.shrui %xor3A_4433, %shift_right_logical3A_4439 : vector<16xi32>
        %or3A_4441 = arith.ori %shift_left3A_4437, %shift_right_logical3A_4440 : vector<16xi32>
        %xor3A_4442 = arith.xori %add3A_4434, %or3A_4441 : vector<16xi32>
        %add3A_4443 = arith.addi %add3A_4434, %xor3A_4442 : vector<16xi32>
        %shift_left3A_4444 = arith.constant 6 : i32
        %shift_left3A_4445 = vector.broadcast %shift_left3A_4444 : i32 to vector<16xi32>
        %shift_left3A_4446 = arith.shli %xor3A_4442, %shift_left3A_4445 : vector<16xi32>
        %shift_right_logical3A_4447 = arith.constant 26 : i32
        %shift_right_logical3A_4448 = vector.broadcast %shift_right_logical3A_4447 : i32 to vector<16xi32>
        %shift_right_logical3A_4449 = arith.shrui %xor3A_4442, %shift_right_logical3A_4448 : vector<16xi32>
        %or3A_4450 = arith.ori %shift_left3A_4446, %shift_right_logical3A_4449 : vector<16xi32>
        %xor3A_4451 = arith.xori %add3A_4443, %or3A_4450 : vector<16xi32>
        %add3A_4452 = arith.constant -1042067111 : i32
        %add3A_4453 = vector.broadcast %add3A_4452 : i32 to vector<16xi32>
        %add3A_4454 = arith.addi %add3A_4443, %add3A_4453 : vector<16xi32>
        %add3A_4455 = arith.constant -332575356 : i32
        %add3A_4456 = vector.broadcast %add3A_4455 : i32 to vector<16xi32>
        %add3A_4457 = arith.addi %xor3A_4451, %add3A_4456 : vector<16xi32>
        %add3A_4458 = arith.addi %add3A_4454, %add3A_4457 : vector<16xi32>
        %shift_left3A_4459 = arith.constant 17 : i32
        %shift_left3A_4460 = vector.broadcast %shift_left3A_4459 : i32 to vector<16xi32>
        %shift_left3A_4461 = arith.shli %add3A_4457, %shift_left3A_4460 : vector<16xi32>
        %shift_right_logical3A_4462 = arith.constant 15 : i32
        %shift_right_logical3A_4463 = vector.broadcast %shift_right_logical3A_4462 : i32 to vector<16xi32>
        %shift_right_logical3A_4464 = arith.shrui %add3A_4457, %shift_right_logical3A_4463 : vector<16xi32>
        %or3A_4465 = arith.ori %shift_left3A_4461, %shift_right_logical3A_4464 : vector<16xi32>
        %xor3A_4466 = arith.xori %add3A_4458, %or3A_4465 : vector<16xi32>
        %add3A_4467 = arith.addi %add3A_4458, %xor3A_4466 : vector<16xi32>
        %shift_left3A_4468 = arith.constant 29 : i32
        %shift_left3A_4469 = vector.broadcast %shift_left3A_4468 : i32 to vector<16xi32>
        %shift_left3A_4470 = arith.shli %xor3A_4466, %shift_left3A_4469 : vector<16xi32>
        %shift_right_logical3A_4471 = arith.constant 3 : i32
        %shift_right_logical3A_4472 = vector.broadcast %shift_right_logical3A_4471 : i32 to vector<16xi32>
        %shift_right_logical3A_4473 = arith.shrui %xor3A_4466, %shift_right_logical3A_4472 : vector<16xi32>
        %or3A_4474 = arith.ori %shift_left3A_4470, %shift_right_logical3A_4473 : vector<16xi32>
        %xor3A_4475 = arith.xori %add3A_4467, %or3A_4474 : vector<16xi32>
        %add3A_4476 = arith.addi %add3A_4467, %xor3A_4475 : vector<16xi32>
        %shift_left3A_4477 = arith.constant 16 : i32
        %shift_left3A_4478 = vector.broadcast %shift_left3A_4477 : i32 to vector<16xi32>
        %shift_left3A_4479 = arith.shli %xor3A_4475, %shift_left3A_4478 : vector<16xi32>
        %shift_right_logical3A_4480 = arith.constant 16 : i32
        %shift_right_logical3A_4481 = vector.broadcast %shift_right_logical3A_4480 : i32 to vector<16xi32>
        %shift_right_logical3A_4482 = arith.shrui %xor3A_4475, %shift_right_logical3A_4481 : vector<16xi32>
        %or3A_4483 = arith.ori %shift_left3A_4479, %shift_right_logical3A_4482 : vector<16xi32>
        %xor3A_4484 = arith.xori %add3A_4476, %or3A_4483 : vector<16xi32>
        %add3A_4485 = arith.addi %add3A_4476, %xor3A_4484 : vector<16xi32>
        %shift_left3A_4486 = arith.constant 24 : i32
        %shift_left3A_4487 = vector.broadcast %shift_left3A_4486 : i32 to vector<16xi32>
        %shift_left3A_4488 = arith.shli %xor3A_4484, %shift_left3A_4487 : vector<16xi32>
        %shift_right_logical3A_4489 = arith.constant 8 : i32
        %shift_right_logical3A_4490 = vector.broadcast %shift_right_logical3A_4489 : i32 to vector<16xi32>
        %shift_right_logical3A_4491 = arith.shrui %xor3A_4484, %shift_right_logical3A_4490 : vector<16xi32>
        %or3A_4492 = arith.ori %shift_left3A_4488, %shift_right_logical3A_4491 : vector<16xi32>
        %xor3A_4493 = arith.xori %add3A_4485, %or3A_4492 : vector<16xi32>
        %add3A_4494 = arith.constant -332575357 : i32
        %add3A_4495 = vector.broadcast %add3A_4494 : i32 to vector<16xi32>
        %add3A_4496 = arith.addi %add3A_4485, %add3A_4495 : vector<16xi32>
        %add3A_4497 = arith.constant 908003074 : i32
        %add3A_4498 = vector.broadcast %add3A_4497 : i32 to vector<16xi32>
        %add3A_4499 = arith.addi %xor3A_4493, %add3A_4498 : vector<16xi32>
        %add3A_4500 = arith.addi %add3A_4496, %add3A_4499 : vector<16xi32>
        %shift_left3A_4501 = arith.constant 13 : i32
        %shift_left3A_4502 = vector.broadcast %shift_left3A_4501 : i32 to vector<16xi32>
        %shift_left3A_4503 = arith.shli %add3A_4499, %shift_left3A_4502 : vector<16xi32>
        %shift_right_logical3A_4504 = arith.constant 19 : i32
        %shift_right_logical3A_4505 = vector.broadcast %shift_right_logical3A_4504 : i32 to vector<16xi32>
        %shift_right_logical3A_4506 = arith.shrui %add3A_4499, %shift_right_logical3A_4505 : vector<16xi32>
        %or3A_4507 = arith.ori %shift_left3A_4503, %shift_right_logical3A_4506 : vector<16xi32>
        %xor3A_4508 = arith.xori %add3A_4500, %or3A_4507 : vector<16xi32>
        %add3A_4509 = arith.addi %add3A_4500, %xor3A_4508 : vector<16xi32>
        %shift_left3A_4510 = arith.constant 15 : i32
        %shift_left3A_4511 = vector.broadcast %shift_left3A_4510 : i32 to vector<16xi32>
        %shift_left3A_4512 = arith.shli %xor3A_4508, %shift_left3A_4511 : vector<16xi32>
        %shift_right_logical3A_4513 = arith.constant 17 : i32
        %shift_right_logical3A_4514 = vector.broadcast %shift_right_logical3A_4513 : i32 to vector<16xi32>
        %shift_right_logical3A_4515 = arith.shrui %xor3A_4508, %shift_right_logical3A_4514 : vector<16xi32>
        %or3A_4516 = arith.ori %shift_left3A_4512, %shift_right_logical3A_4515 : vector<16xi32>
        %xor3A_4517 = arith.xori %add3A_4509, %or3A_4516 : vector<16xi32>
        %add3A_4518 = arith.addi %add3A_4509, %xor3A_4517 : vector<16xi32>
        %shift_left3A_4519 = arith.constant 26 : i32
        %shift_left3A_4520 = vector.broadcast %shift_left3A_4519 : i32 to vector<16xi32>
        %shift_left3A_4521 = arith.shli %xor3A_4517, %shift_left3A_4520 : vector<16xi32>
        %shift_right_logical3A_4522 = arith.constant 6 : i32
        %shift_right_logical3A_4523 = vector.broadcast %shift_right_logical3A_4522 : i32 to vector<16xi32>
        %shift_right_logical3A_4524 = arith.shrui %xor3A_4517, %shift_right_logical3A_4523 : vector<16xi32>
        %or3A_4525 = arith.ori %shift_left3A_4521, %shift_right_logical3A_4524 : vector<16xi32>
        %xor3A_4526 = arith.xori %add3A_4518, %or3A_4525 : vector<16xi32>
        %add3A_4527 = arith.addi %add3A_4518, %xor3A_4526 : vector<16xi32>
        %shift_left3A_4528 = arith.constant 6 : i32
        %shift_left3A_4529 = vector.broadcast %shift_left3A_4528 : i32 to vector<16xi32>
        %shift_left3A_4530 = arith.shli %xor3A_4526, %shift_left3A_4529 : vector<16xi32>
        %shift_right_logical3A_4531 = arith.constant 26 : i32
        %shift_right_logical3A_4532 = vector.broadcast %shift_right_logical3A_4531 : i32 to vector<16xi32>
        %shift_right_logical3A_4533 = arith.shrui %xor3A_4526, %shift_right_logical3A_4532 : vector<16xi32>
        %or3A_4534 = arith.ori %shift_left3A_4530, %shift_right_logical3A_4533 : vector<16xi32>
        %xor3A_4535 = arith.xori %add3A_4527, %or3A_4534 : vector<16xi32>
        %add3A_4536 = arith.constant 908003072 : i32
        %add3A_4537 = vector.broadcast %add3A_4536 : i32 to vector<16xi32>
        %add3A_4538 = arith.addi %add3A_4527, %add3A_4537 : vector<16xi32>
        %add3A_4539 = arith.constant -1042067108 : i32
        %add3A_4540 = vector.broadcast %add3A_4539 : i32 to vector<16xi32>
        %add3A_4541 = arith.addi %xor3A_4535, %add3A_4540 : vector<16xi32>
        %add3A_4542 = arith.addi %add3A_4538, %add3A_4541 : vector<16xi32>
        %shift_left3A_4543 = arith.constant 17 : i32
        %shift_left3A_4544 = vector.broadcast %shift_left3A_4543 : i32 to vector<16xi32>
        %shift_left3A_4545 = arith.shli %add3A_4541, %shift_left3A_4544 : vector<16xi32>
        %shift_right_logical3A_4546 = arith.constant 15 : i32
        %shift_right_logical3A_4547 = vector.broadcast %shift_right_logical3A_4546 : i32 to vector<16xi32>
        %shift_right_logical3A_4548 = arith.shrui %add3A_4541, %shift_right_logical3A_4547 : vector<16xi32>
        %or3A_4549 = arith.ori %shift_left3A_4545, %shift_right_logical3A_4548 : vector<16xi32>
        %xor3A_4550 = arith.xori %add3A_4542, %or3A_4549 : vector<16xi32>
        %add3A_4551 = arith.addi %add3A_4542, %xor3A_4550 : vector<16xi32>
        %shift_left3A_4552 = arith.constant 29 : i32
        %shift_left3A_4553 = vector.broadcast %shift_left3A_4552 : i32 to vector<16xi32>
        %shift_left3A_4554 = arith.shli %xor3A_4550, %shift_left3A_4553 : vector<16xi32>
        %shift_right_logical3A_4555 = arith.constant 3 : i32
        %shift_right_logical3A_4556 = vector.broadcast %shift_right_logical3A_4555 : i32 to vector<16xi32>
        %shift_right_logical3A_4557 = arith.shrui %xor3A_4550, %shift_right_logical3A_4556 : vector<16xi32>
        %or3A_4558 = arith.ori %shift_left3A_4554, %shift_right_logical3A_4557 : vector<16xi32>
        %xor3A_4559 = arith.xori %add3A_4551, %or3A_4558 : vector<16xi32>
        %add3A_4560 = arith.addi %add3A_4551, %xor3A_4559 : vector<16xi32>
        %shift_left3A_4561 = arith.constant 16 : i32
        %shift_left3A_4562 = vector.broadcast %shift_left3A_4561 : i32 to vector<16xi32>
        %shift_left3A_4563 = arith.shli %xor3A_4559, %shift_left3A_4562 : vector<16xi32>
        %shift_right_logical3A_4564 = arith.constant 16 : i32
        %shift_right_logical3A_4565 = vector.broadcast %shift_right_logical3A_4564 : i32 to vector<16xi32>
        %shift_right_logical3A_4566 = arith.shrui %xor3A_4559, %shift_right_logical3A_4565 : vector<16xi32>
        %or3A_4567 = arith.ori %shift_left3A_4563, %shift_right_logical3A_4566 : vector<16xi32>
        %xor3A_4568 = arith.xori %add3A_4560, %or3A_4567 : vector<16xi32>
        %add3A_4569 = arith.addi %add3A_4560, %xor3A_4568 : vector<16xi32>
        %shift_left3A_4570 = arith.constant 24 : i32
        %shift_left3A_4571 = vector.broadcast %shift_left3A_4570 : i32 to vector<16xi32>
        %shift_left3A_4572 = arith.shli %xor3A_4568, %shift_left3A_4571 : vector<16xi32>
        %shift_right_logical3A_4573 = arith.constant 8 : i32
        %shift_right_logical3A_4574 = vector.broadcast %shift_right_logical3A_4573 : i32 to vector<16xi32>
        %shift_right_logical3A_4575 = arith.shrui %xor3A_4568, %shift_right_logical3A_4574 : vector<16xi32>
        %or3A_4576 = arith.ori %shift_left3A_4572, %shift_right_logical3A_4575 : vector<16xi32>
        %xor3A_4577 = arith.xori %add3A_4569, %or3A_4576 : vector<16xi32>
        %add3A_4578 = arith.constant -1042067111 : i32
        %add3A_4579 = vector.broadcast %add3A_4578 : i32 to vector<16xi32>
        %add3A_4580 = arith.addi %add3A_4569, %add3A_4579 : vector<16xi32>
        %add3A_4581 = arith.constant -332575353 : i32
        %add3A_4582 = vector.broadcast %add3A_4581 : i32 to vector<16xi32>
        %add3A_4583 = arith.addi %xor3A_4577, %add3A_4582 : vector<16xi32>
        %add3A_4584 = arith.addi %add3A_4580, %add3A_4583 : vector<16xi32>
        %shift_left3A_4585 = arith.constant 13 : i32
        %shift_left3A_4586 = vector.broadcast %shift_left3A_4585 : i32 to vector<16xi32>
        %shift_left3A_4587 = arith.shli %add3A_4583, %shift_left3A_4586 : vector<16xi32>
        %shift_right_logical3A_4588 = arith.constant 19 : i32
        %shift_right_logical3A_4589 = vector.broadcast %shift_right_logical3A_4588 : i32 to vector<16xi32>
        %shift_right_logical3A_4590 = arith.shrui %add3A_4583, %shift_right_logical3A_4589 : vector<16xi32>
        %or3A_4591 = arith.ori %shift_left3A_4587, %shift_right_logical3A_4590 : vector<16xi32>
        %xor3A_4592 = arith.xori %add3A_4584, %or3A_4591 : vector<16xi32>
        %add3A_4593 = arith.addi %add3A_4584, %xor3A_4592 : vector<16xi32>
        %shift_left3A_4594 = arith.constant 15 : i32
        %shift_left3A_4595 = vector.broadcast %shift_left3A_4594 : i32 to vector<16xi32>
        %shift_left3A_4596 = arith.shli %xor3A_4592, %shift_left3A_4595 : vector<16xi32>
        %shift_right_logical3A_4597 = arith.constant 17 : i32
        %shift_right_logical3A_4598 = vector.broadcast %shift_right_logical3A_4597 : i32 to vector<16xi32>
        %shift_right_logical3A_4599 = arith.shrui %xor3A_4592, %shift_right_logical3A_4598 : vector<16xi32>
        %or3A_4600 = arith.ori %shift_left3A_4596, %shift_right_logical3A_4599 : vector<16xi32>
        %xor3A_4601 = arith.xori %add3A_4593, %or3A_4600 : vector<16xi32>
        %add3A_4602 = arith.addi %add3A_4593, %xor3A_4601 : vector<16xi32>
        %shift_left3A_4603 = arith.constant 26 : i32
        %shift_left3A_4604 = vector.broadcast %shift_left3A_4603 : i32 to vector<16xi32>
        %shift_left3A_4605 = arith.shli %xor3A_4601, %shift_left3A_4604 : vector<16xi32>
        %shift_right_logical3A_4606 = arith.constant 6 : i32
        %shift_right_logical3A_4607 = vector.broadcast %shift_right_logical3A_4606 : i32 to vector<16xi32>
        %shift_right_logical3A_4608 = arith.shrui %xor3A_4601, %shift_right_logical3A_4607 : vector<16xi32>
        %or3A_4609 = arith.ori %shift_left3A_4605, %shift_right_logical3A_4608 : vector<16xi32>
        %xor3A_4610 = arith.xori %add3A_4602, %or3A_4609 : vector<16xi32>
        %add3A_4611 = arith.addi %add3A_4602, %xor3A_4610 : vector<16xi32>
        %shift_left3A_4612 = arith.constant 6 : i32
        %shift_left3A_4613 = vector.broadcast %shift_left3A_4612 : i32 to vector<16xi32>
        %shift_left3A_4614 = arith.shli %xor3A_4610, %shift_left3A_4613 : vector<16xi32>
        %shift_right_logical3A_4615 = arith.constant 26 : i32
        %shift_right_logical3A_4616 = vector.broadcast %shift_right_logical3A_4615 : i32 to vector<16xi32>
        %shift_right_logical3A_4617 = arith.shrui %xor3A_4610, %shift_right_logical3A_4616 : vector<16xi32>
        %or3A_4618 = arith.ori %shift_left3A_4614, %shift_right_logical3A_4617 : vector<16xi32>
        %xor3A_4619 = arith.xori %add3A_4611, %or3A_4618 : vector<16xi32>
        %add3A_4620 = arith.constant -332575357 : i32
        %add3A_4621 = vector.broadcast %add3A_4620 : i32 to vector<16xi32>
        %add3A_4622 = arith.addi %add3A_4611, %add3A_4621 : vector<16xi32>
        %add3A_4623 = arith.constant 908003077 : i32
        %add3A_4624 = vector.broadcast %add3A_4623 : i32 to vector<16xi32>
        %add3A_4625 = arith.addi %xor3A_4619, %add3A_4624 : vector<16xi32>
        %xor3A_4626 = arith.xori %add3A_4622, %add3A_4625 : vector<16xi32>
        %shift_right_logical3A_4627 = arith.constant 9 : i32
        %shift_right_logical3A_4628 = vector.broadcast %shift_right_logical3A_4627 : i32 to vector<16xi32>
        %shift_right_logical3A_4629 = arith.shrui %xor3A_4626, %shift_right_logical3A_4628 : vector<16xi32>
        %or3A_4630 = arith.constant 1065353216 : i32
        %or3A_4631 = vector.broadcast %or3A_4630 : i32 to vector<16xi32>
        %or3A_4632 = arith.ori %shift_right_logical3A_4629, %or3A_4631 : vector<16xi32>
        %bitcast_convert_type3A_4633 = tpu.bitcast %or3A_4632 : vector<16xi32> -> vector<16xf32>
        %sub3A_4634 = arith.constant 1.000000e+00 : f32
        %sub3A_4635 = vector.broadcast %sub3A_4634 : f32 to vector<16xf32>
        %sub3A_4636 = arith.subf %bitcast_convert_type3A_4633, %sub3A_4635 : vector<16xf32>
        %mul3A_4637 = arith.constant 1.000000e+00 : f32
        %mul3A_4638 = vector.broadcast %mul3A_4637 : f32 to vector<16xf32>
        %mul3A_4639 = arith.mulf %sub3A_4636, %mul3A_4638 : vector<16xf32>
        %add3A_4640 = arith.constant 1.000000e-10 : f32
        %add3A_4641 = vector.broadcast %add3A_4640 : f32 to vector<16xf32>
        %add3A_4642 = arith.addf %mul3A_4639, %add3A_4641 : vector<16xf32>
        %max3A_4643 = arith.constant 1.000000e-10 : f32
        %max3A_4644 = vector.broadcast %max3A_4643 : f32 to vector<16xf32>
        %max3A_4645 = arith.maximumf %max3A_4644, %add3A_4642 : vector<16xf32>
        %bitcast_convert_type3A_4646 = tpu.bitcast %max3A_4645 : vector<16xf32> -> vector<16xi32>
        %shift_right_logical3A_4647 = arith.constant 23 : i32
        %shift_right_logical3A_4648 = vector.broadcast %shift_right_logical3A_4647 : i32 to vector<16xi32>
        %shift_right_logical3A_4649 = arith.shrui %bitcast_convert_type3A_4646, %shift_right_logical3A_4648 : vector<16xi32>
        %bitcast_convert_type3A_4650 = tpu.bitcast %shift_right_logical3A_4649 : vector<16xi32> -> vector<16xi32>
        %sub3A_4651 = arith.constant 127 : i32
        %sub3A_4652 = vector.broadcast %sub3A_4651 : i32 to vector<16xi32>
        %sub3A_4653 = arith.subi %bitcast_convert_type3A_4650, %sub3A_4652 : vector<16xi32>
        %and3A_4654 = arith.constant 8388607 : i32
        %and3A_4655 = vector.broadcast %and3A_4654 : i32 to vector<16xi32>
        %and3A_4656 = arith.andi %bitcast_convert_type3A_4646, %and3A_4655 : vector<16xi32>
        %or3A_4657 = arith.constant 1065353216 : i32
        %or3A_4658 = vector.broadcast %or3A_4657 : i32 to vector<16xi32>
        %or3A_4659 = arith.ori %and3A_4656, %or3A_4658 : vector<16xi32>
        %bitcast_convert_type3A_4660 = tpu.bitcast %or3A_4659 : vector<16xi32> -> vector<16xf32>
        %sub3A_4661 = arith.constant 1.000000e+00 : f32
        %sub3A_4662 = vector.broadcast %sub3A_4661 : f32 to vector<16xf32>
        %sub3A_4663 = arith.subf %bitcast_convert_type3A_4660, %sub3A_4662 : vector<16xf32>
        %broadcast_in_dim3A_4664 = arith.constant -0.00458208052 : f32
        %broadcast_in_dim3A_4665 = vector.broadcast %broadcast_in_dim3A_4664 : f32 to vector<16xf32>
        %mul3A_4666 = arith.mulf %broadcast_in_dim3A_4665, %sub3A_4663 : vector<16xf32>
        %add3A_4667 = arith.constant 0.0281939134 : f32
        %add3A_4668 = vector.broadcast %add3A_4667 : f32 to vector<16xf32>
        %add3A_4669 = arith.addf %mul3A_4666, %add3A_4668 : vector<16xf32>
        %mul3A_4670 = arith.mulf %add3A_4669, %sub3A_4663 : vector<16xf32>
        %add3A_4671 = arith.constant -0.0813299268 : f32
        %add3A_4672 = vector.broadcast %add3A_4671 : f32 to vector<16xf32>
        %add3A_4673 = arith.addf %mul3A_4670, %add3A_4672 : vector<16xf32>
        %mul3A_4674 = arith.mulf %add3A_4673, %sub3A_4663 : vector<16xf32>
        %add3A_4675 = arith.constant 0.152112335 : f32
        %add3A_4676 = vector.broadcast %add3A_4675 : f32 to vector<16xf32>
        %add3A_4677 = arith.addf %mul3A_4674, %add3A_4676 : vector<16xf32>
        %mul3A_4678 = arith.mulf %add3A_4677, %sub3A_4663 : vector<16xf32>
        %add3A_4679 = arith.constant -0.220294729 : f32
        %add3A_4680 = vector.broadcast %add3A_4679 : f32 to vector<16xf32>
        %add3A_4681 = arith.addf %mul3A_4678, %add3A_4680 : vector<16xf32>
        %mul3A_4682 = arith.mulf %add3A_4681, %sub3A_4663 : vector<16xf32>
        %add3A_4683 = arith.constant 0.283681065 : f32
        %add3A_4684 = vector.broadcast %add3A_4683 : f32 to vector<16xf32>
        %add3A_4685 = arith.addf %mul3A_4682, %add3A_4684 : vector<16xf32>
        %mul3A_4686 = arith.mulf %add3A_4685, %sub3A_4663 : vector<16xf32>
        %add3A_4687 = arith.constant -0.359975725 : f32
        %add3A_4688 = vector.broadcast %add3A_4687 : f32 to vector<16xf32>
        %add3A_4689 = arith.addf %mul3A_4686, %add3A_4688 : vector<16xf32>
        %mul3A_4690 = arith.mulf %add3A_4689, %sub3A_4663 : vector<16xf32>
        %add3A_4691 = arith.constant 0.480846077 : f32
        %add3A_4692 = vector.broadcast %add3A_4691 : f32 to vector<16xf32>
        %add3A_4693 = arith.addf %mul3A_4690, %add3A_4692 : vector<16xf32>
        %mul3A_4694 = arith.mulf %add3A_4693, %sub3A_4663 : vector<16xf32>
        %add3A_4695 = arith.constant -0.721345961 : f32
        %add3A_4696 = vector.broadcast %add3A_4695 : f32 to vector<16xf32>
        %add3A_4697 = arith.addf %mul3A_4694, %add3A_4696 : vector<16xf32>
        %mul3A_4698 = arith.mulf %add3A_4697, %sub3A_4663 : vector<16xf32>
        %add3A_4699 = arith.constant 1.44269502 : f32
        %add3A_4700 = vector.broadcast %add3A_4699 : f32 to vector<16xf32>
        %add3A_4701 = arith.addf %mul3A_4698, %add3A_4700 : vector<16xf32>
        %convert_element_type3A_4702 = arith.sitofp %sub3A_4653 : vector<16xi32> to vector<16xf32>
        %mul3A_4703 = arith.mulf %sub3A_4663, %add3A_4701 : vector<16xf32>
        %add3A_4704 = arith.addf %convert_element_type3A_4702, %mul3A_4703 : vector<16xf32>
        %mul3A_4705 = arith.constant 0.693147182 : f32
        %mul3A_4706 = vector.broadcast %mul3A_4705 : f32 to vector<16xf32>
        %mul3A_4707 = arith.mulf %add3A_4704, %mul3A_4706 : vector<16xf32>
        %neg3A_4708 = arith.constant 0.000000e+00 : f32
        %neg3A_4709 = vector.broadcast %neg3A_4708 : f32 to vector<16xf32>
        %neg3A_4710 = arith.subf %neg3A_4709, %mul3A_4707 : vector<16xf32>
        %add3A_4711 = arith.constant 10000000 : i32
        %add3A_4712 = vector.broadcast %add3A_4711 : i32 to vector<16xi32>
        %add3A_4713 = arith.addi %add3A_4410, %add3A_4712 : vector<16xi32>
        %broadcast_in_dim3A_4714 = arith.constant 908003072 : i32
        %broadcast_in_dim3A_4715 = vector.broadcast %broadcast_in_dim3A_4714 : i32 to vector<16xi32>
        %add3A_4716 = arith.constant -1042067111 : i32
        %add3A_4717 = vector.broadcast %add3A_4716 : i32 to vector<16xi32>
        %add3A_4718 = arith.addi %add3A_4713, %add3A_4717 : vector<16xi32>
        %add3A_4719 = arith.addi %broadcast_in_dim3A_4715, %add3A_4718 : vector<16xi32>
        %shift_left3A_4720 = arith.constant 13 : i32
        %shift_left3A_4721 = vector.broadcast %shift_left3A_4720 : i32 to vector<16xi32>
        %shift_left3A_4722 = arith.shli %add3A_4718, %shift_left3A_4721 : vector<16xi32>
        %shift_right_logical3A_4723 = arith.constant 19 : i32
        %shift_right_logical3A_4724 = vector.broadcast %shift_right_logical3A_4723 : i32 to vector<16xi32>
        %shift_right_logical3A_4725 = arith.shrui %add3A_4718, %shift_right_logical3A_4724 : vector<16xi32>
        %or3A_4726 = arith.ori %shift_left3A_4722, %shift_right_logical3A_4725 : vector<16xi32>
        %xor3A_4727 = arith.xori %add3A_4719, %or3A_4726 : vector<16xi32>
        %add3A_4728 = arith.addi %add3A_4719, %xor3A_4727 : vector<16xi32>
        %shift_left3A_4729 = arith.constant 15 : i32
        %shift_left3A_4730 = vector.broadcast %shift_left3A_4729 : i32 to vector<16xi32>
        %shift_left3A_4731 = arith.shli %xor3A_4727, %shift_left3A_4730 : vector<16xi32>
        %shift_right_logical3A_4732 = arith.constant 17 : i32
        %shift_right_logical3A_4733 = vector.broadcast %shift_right_logical3A_4732 : i32 to vector<16xi32>
        %shift_right_logical3A_4734 = arith.shrui %xor3A_4727, %shift_right_logical3A_4733 : vector<16xi32>
        %or3A_4735 = arith.ori %shift_left3A_4731, %shift_right_logical3A_4734 : vector<16xi32>
        %xor3A_4736 = arith.xori %add3A_4728, %or3A_4735 : vector<16xi32>
        %add3A_4737 = arith.addi %add3A_4728, %xor3A_4736 : vector<16xi32>
        %shift_left3A_4738 = arith.constant 26 : i32
        %shift_left3A_4739 = vector.broadcast %shift_left3A_4738 : i32 to vector<16xi32>
        %shift_left3A_4740 = arith.shli %xor3A_4736, %shift_left3A_4739 : vector<16xi32>
        %shift_right_logical3A_4741 = arith.constant 6 : i32
        %shift_right_logical3A_4742 = vector.broadcast %shift_right_logical3A_4741 : i32 to vector<16xi32>
        %shift_right_logical3A_4743 = arith.shrui %xor3A_4736, %shift_right_logical3A_4742 : vector<16xi32>
        %or3A_4744 = arith.ori %shift_left3A_4740, %shift_right_logical3A_4743 : vector<16xi32>
        %xor3A_4745 = arith.xori %add3A_4737, %or3A_4744 : vector<16xi32>
        %add3A_4746 = arith.addi %add3A_4737, %xor3A_4745 : vector<16xi32>
        %shift_left3A_4747 = arith.constant 6 : i32
        %shift_left3A_4748 = vector.broadcast %shift_left3A_4747 : i32 to vector<16xi32>
        %shift_left3A_4749 = arith.shli %xor3A_4745, %shift_left3A_4748 : vector<16xi32>
        %shift_right_logical3A_4750 = arith.constant 26 : i32
        %shift_right_logical3A_4751 = vector.broadcast %shift_right_logical3A_4750 : i32 to vector<16xi32>
        %shift_right_logical3A_4752 = arith.shrui %xor3A_4745, %shift_right_logical3A_4751 : vector<16xi32>
        %or3A_4753 = arith.ori %shift_left3A_4749, %shift_right_logical3A_4752 : vector<16xi32>
        %xor3A_4754 = arith.xori %add3A_4746, %or3A_4753 : vector<16xi32>
        %add3A_4755 = arith.constant -1042067111 : i32
        %add3A_4756 = vector.broadcast %add3A_4755 : i32 to vector<16xi32>
        %add3A_4757 = arith.addi %add3A_4746, %add3A_4756 : vector<16xi32>
        %add3A_4758 = arith.constant -332575356 : i32
        %add3A_4759 = vector.broadcast %add3A_4758 : i32 to vector<16xi32>
        %add3A_4760 = arith.addi %xor3A_4754, %add3A_4759 : vector<16xi32>
        %add3A_4761 = arith.addi %add3A_4757, %add3A_4760 : vector<16xi32>
        %shift_left3A_4762 = arith.constant 17 : i32
        %shift_left3A_4763 = vector.broadcast %shift_left3A_4762 : i32 to vector<16xi32>
        %shift_left3A_4764 = arith.shli %add3A_4760, %shift_left3A_4763 : vector<16xi32>
        %shift_right_logical3A_4765 = arith.constant 15 : i32
        %shift_right_logical3A_4766 = vector.broadcast %shift_right_logical3A_4765 : i32 to vector<16xi32>
        %shift_right_logical3A_4767 = arith.shrui %add3A_4760, %shift_right_logical3A_4766 : vector<16xi32>
        %or3A_4768 = arith.ori %shift_left3A_4764, %shift_right_logical3A_4767 : vector<16xi32>
        %xor3A_4769 = arith.xori %add3A_4761, %or3A_4768 : vector<16xi32>
        %add3A_4770 = arith.addi %add3A_4761, %xor3A_4769 : vector<16xi32>
        %shift_left3A_4771 = arith.constant 29 : i32
        %shift_left3A_4772 = vector.broadcast %shift_left3A_4771 : i32 to vector<16xi32>
        %shift_left3A_4773 = arith.shli %xor3A_4769, %shift_left3A_4772 : vector<16xi32>
        %shift_right_logical3A_4774 = arith.constant 3 : i32
        %shift_right_logical3A_4775 = vector.broadcast %shift_right_logical3A_4774 : i32 to vector<16xi32>
        %shift_right_logical3A_4776 = arith.shrui %xor3A_4769, %shift_right_logical3A_4775 : vector<16xi32>
        %or3A_4777 = arith.ori %shift_left3A_4773, %shift_right_logical3A_4776 : vector<16xi32>
        %xor3A_4778 = arith.xori %add3A_4770, %or3A_4777 : vector<16xi32>
        %add3A_4779 = arith.addi %add3A_4770, %xor3A_4778 : vector<16xi32>
        %shift_left3A_4780 = arith.constant 16 : i32
        %shift_left3A_4781 = vector.broadcast %shift_left3A_4780 : i32 to vector<16xi32>
        %shift_left3A_4782 = arith.shli %xor3A_4778, %shift_left3A_4781 : vector<16xi32>
        %shift_right_logical3A_4783 = arith.constant 16 : i32
        %shift_right_logical3A_4784 = vector.broadcast %shift_right_logical3A_4783 : i32 to vector<16xi32>
        %shift_right_logical3A_4785 = arith.shrui %xor3A_4778, %shift_right_logical3A_4784 : vector<16xi32>
        %or3A_4786 = arith.ori %shift_left3A_4782, %shift_right_logical3A_4785 : vector<16xi32>
        %xor3A_4787 = arith.xori %add3A_4779, %or3A_4786 : vector<16xi32>
        %add3A_4788 = arith.addi %add3A_4779, %xor3A_4787 : vector<16xi32>
        %shift_left3A_4789 = arith.constant 24 : i32
        %shift_left3A_4790 = vector.broadcast %shift_left3A_4789 : i32 to vector<16xi32>
        %shift_left3A_4791 = arith.shli %xor3A_4787, %shift_left3A_4790 : vector<16xi32>
        %shift_right_logical3A_4792 = arith.constant 8 : i32
        %shift_right_logical3A_4793 = vector.broadcast %shift_right_logical3A_4792 : i32 to vector<16xi32>
        %shift_right_logical3A_4794 = arith.shrui %xor3A_4787, %shift_right_logical3A_4793 : vector<16xi32>
        %or3A_4795 = arith.ori %shift_left3A_4791, %shift_right_logical3A_4794 : vector<16xi32>
        %xor3A_4796 = arith.xori %add3A_4788, %or3A_4795 : vector<16xi32>
        %add3A_4797 = arith.constant -332575357 : i32
        %add3A_4798 = vector.broadcast %add3A_4797 : i32 to vector<16xi32>
        %add3A_4799 = arith.addi %add3A_4788, %add3A_4798 : vector<16xi32>
        %add3A_4800 = arith.constant 908003074 : i32
        %add3A_4801 = vector.broadcast %add3A_4800 : i32 to vector<16xi32>
        %add3A_4802 = arith.addi %xor3A_4796, %add3A_4801 : vector<16xi32>
        %add3A_4803 = arith.addi %add3A_4799, %add3A_4802 : vector<16xi32>
        %shift_left3A_4804 = arith.constant 13 : i32
        %shift_left3A_4805 = vector.broadcast %shift_left3A_4804 : i32 to vector<16xi32>
        %shift_left3A_4806 = arith.shli %add3A_4802, %shift_left3A_4805 : vector<16xi32>
        %shift_right_logical3A_4807 = arith.constant 19 : i32
        %shift_right_logical3A_4808 = vector.broadcast %shift_right_logical3A_4807 : i32 to vector<16xi32>
        %shift_right_logical3A_4809 = arith.shrui %add3A_4802, %shift_right_logical3A_4808 : vector<16xi32>
        %or3A_4810 = arith.ori %shift_left3A_4806, %shift_right_logical3A_4809 : vector<16xi32>
        %xor3A_4811 = arith.xori %add3A_4803, %or3A_4810 : vector<16xi32>
        %add3A_4812 = arith.addi %add3A_4803, %xor3A_4811 : vector<16xi32>
        %shift_left3A_4813 = arith.constant 15 : i32
        %shift_left3A_4814 = vector.broadcast %shift_left3A_4813 : i32 to vector<16xi32>
        %shift_left3A_4815 = arith.shli %xor3A_4811, %shift_left3A_4814 : vector<16xi32>
        %shift_right_logical3A_4816 = arith.constant 17 : i32
        %shift_right_logical3A_4817 = vector.broadcast %shift_right_logical3A_4816 : i32 to vector<16xi32>
        %shift_right_logical3A_4818 = arith.shrui %xor3A_4811, %shift_right_logical3A_4817 : vector<16xi32>
        %or3A_4819 = arith.ori %shift_left3A_4815, %shift_right_logical3A_4818 : vector<16xi32>
        %xor3A_4820 = arith.xori %add3A_4812, %or3A_4819 : vector<16xi32>
        %add3A_4821 = arith.addi %add3A_4812, %xor3A_4820 : vector<16xi32>
        %shift_left3A_4822 = arith.constant 26 : i32
        %shift_left3A_4823 = vector.broadcast %shift_left3A_4822 : i32 to vector<16xi32>
        %shift_left3A_4824 = arith.shli %xor3A_4820, %shift_left3A_4823 : vector<16xi32>
        %shift_right_logical3A_4825 = arith.constant 6 : i32
        %shift_right_logical3A_4826 = vector.broadcast %shift_right_logical3A_4825 : i32 to vector<16xi32>
        %shift_right_logical3A_4827 = arith.shrui %xor3A_4820, %shift_right_logical3A_4826 : vector<16xi32>
        %or3A_4828 = arith.ori %shift_left3A_4824, %shift_right_logical3A_4827 : vector<16xi32>
        %xor3A_4829 = arith.xori %add3A_4821, %or3A_4828 : vector<16xi32>
        %add3A_4830 = arith.addi %add3A_4821, %xor3A_4829 : vector<16xi32>
        %shift_left3A_4831 = arith.constant 6 : i32
        %shift_left3A_4832 = vector.broadcast %shift_left3A_4831 : i32 to vector<16xi32>
        %shift_left3A_4833 = arith.shli %xor3A_4829, %shift_left3A_4832 : vector<16xi32>
        %shift_right_logical3A_4834 = arith.constant 26 : i32
        %shift_right_logical3A_4835 = vector.broadcast %shift_right_logical3A_4834 : i32 to vector<16xi32>
        %shift_right_logical3A_4836 = arith.shrui %xor3A_4829, %shift_right_logical3A_4835 : vector<16xi32>
        %or3A_4837 = arith.ori %shift_left3A_4833, %shift_right_logical3A_4836 : vector<16xi32>
        %xor3A_4838 = arith.xori %add3A_4830, %or3A_4837 : vector<16xi32>
        %add3A_4839 = arith.constant 908003072 : i32
        %add3A_4840 = vector.broadcast %add3A_4839 : i32 to vector<16xi32>
        %add3A_4841 = arith.addi %add3A_4830, %add3A_4840 : vector<16xi32>
        %add3A_4842 = arith.constant -1042067108 : i32
        %add3A_4843 = vector.broadcast %add3A_4842 : i32 to vector<16xi32>
        %add3A_4844 = arith.addi %xor3A_4838, %add3A_4843 : vector<16xi32>
        %add3A_4845 = arith.addi %add3A_4841, %add3A_4844 : vector<16xi32>
        %shift_left3A_4846 = arith.constant 17 : i32
        %shift_left3A_4847 = vector.broadcast %shift_left3A_4846 : i32 to vector<16xi32>
        %shift_left3A_4848 = arith.shli %add3A_4844, %shift_left3A_4847 : vector<16xi32>
        %shift_right_logical3A_4849 = arith.constant 15 : i32
        %shift_right_logical3A_4850 = vector.broadcast %shift_right_logical3A_4849 : i32 to vector<16xi32>
        %shift_right_logical3A_4851 = arith.shrui %add3A_4844, %shift_right_logical3A_4850 : vector<16xi32>
        %or3A_4852 = arith.ori %shift_left3A_4848, %shift_right_logical3A_4851 : vector<16xi32>
        %xor3A_4853 = arith.xori %add3A_4845, %or3A_4852 : vector<16xi32>
        %add3A_4854 = arith.addi %add3A_4845, %xor3A_4853 : vector<16xi32>
        %shift_left3A_4855 = arith.constant 29 : i32
        %shift_left3A_4856 = vector.broadcast %shift_left3A_4855 : i32 to vector<16xi32>
        %shift_left3A_4857 = arith.shli %xor3A_4853, %shift_left3A_4856 : vector<16xi32>
        %shift_right_logical3A_4858 = arith.constant 3 : i32
        %shift_right_logical3A_4859 = vector.broadcast %shift_right_logical3A_4858 : i32 to vector<16xi32>
        %shift_right_logical3A_4860 = arith.shrui %xor3A_4853, %shift_right_logical3A_4859 : vector<16xi32>
        %or3A_4861 = arith.ori %shift_left3A_4857, %shift_right_logical3A_4860 : vector<16xi32>
        %xor3A_4862 = arith.xori %add3A_4854, %or3A_4861 : vector<16xi32>
        %add3A_4863 = arith.addi %add3A_4854, %xor3A_4862 : vector<16xi32>
        %shift_left3A_4864 = arith.constant 16 : i32
        %shift_left3A_4865 = vector.broadcast %shift_left3A_4864 : i32 to vector<16xi32>
        %shift_left3A_4866 = arith.shli %xor3A_4862, %shift_left3A_4865 : vector<16xi32>
        %shift_right_logical3A_4867 = arith.constant 16 : i32
        %shift_right_logical3A_4868 = vector.broadcast %shift_right_logical3A_4867 : i32 to vector<16xi32>
        %shift_right_logical3A_4869 = arith.shrui %xor3A_4862, %shift_right_logical3A_4868 : vector<16xi32>
        %or3A_4870 = arith.ori %shift_left3A_4866, %shift_right_logical3A_4869 : vector<16xi32>
        %xor3A_4871 = arith.xori %add3A_4863, %or3A_4870 : vector<16xi32>
        %add3A_4872 = arith.addi %add3A_4863, %xor3A_4871 : vector<16xi32>
        %shift_left3A_4873 = arith.constant 24 : i32
        %shift_left3A_4874 = vector.broadcast %shift_left3A_4873 : i32 to vector<16xi32>
        %shift_left3A_4875 = arith.shli %xor3A_4871, %shift_left3A_4874 : vector<16xi32>
        %shift_right_logical3A_4876 = arith.constant 8 : i32
        %shift_right_logical3A_4877 = vector.broadcast %shift_right_logical3A_4876 : i32 to vector<16xi32>
        %shift_right_logical3A_4878 = arith.shrui %xor3A_4871, %shift_right_logical3A_4877 : vector<16xi32>
        %or3A_4879 = arith.ori %shift_left3A_4875, %shift_right_logical3A_4878 : vector<16xi32>
        %xor3A_4880 = arith.xori %add3A_4872, %or3A_4879 : vector<16xi32>
        %add3A_4881 = arith.constant -1042067111 : i32
        %add3A_4882 = vector.broadcast %add3A_4881 : i32 to vector<16xi32>
        %add3A_4883 = arith.addi %add3A_4872, %add3A_4882 : vector<16xi32>
        %add3A_4884 = arith.constant -332575353 : i32
        %add3A_4885 = vector.broadcast %add3A_4884 : i32 to vector<16xi32>
        %add3A_4886 = arith.addi %xor3A_4880, %add3A_4885 : vector<16xi32>
        %add3A_4887 = arith.addi %add3A_4883, %add3A_4886 : vector<16xi32>
        %shift_left3A_4888 = arith.constant 13 : i32
        %shift_left3A_4889 = vector.broadcast %shift_left3A_4888 : i32 to vector<16xi32>
        %shift_left3A_4890 = arith.shli %add3A_4886, %shift_left3A_4889 : vector<16xi32>
        %shift_right_logical3A_4891 = arith.constant 19 : i32
        %shift_right_logical3A_4892 = vector.broadcast %shift_right_logical3A_4891 : i32 to vector<16xi32>
        %shift_right_logical3A_4893 = arith.shrui %add3A_4886, %shift_right_logical3A_4892 : vector<16xi32>
        %or3A_4894 = arith.ori %shift_left3A_4890, %shift_right_logical3A_4893 : vector<16xi32>
        %xor3A_4895 = arith.xori %add3A_4887, %or3A_4894 : vector<16xi32>
        %add3A_4896 = arith.addi %add3A_4887, %xor3A_4895 : vector<16xi32>
        %shift_left3A_4897 = arith.constant 15 : i32
        %shift_left3A_4898 = vector.broadcast %shift_left3A_4897 : i32 to vector<16xi32>
        %shift_left3A_4899 = arith.shli %xor3A_4895, %shift_left3A_4898 : vector<16xi32>
        %shift_right_logical3A_4900 = arith.constant 17 : i32
        %shift_right_logical3A_4901 = vector.broadcast %shift_right_logical3A_4900 : i32 to vector<16xi32>
        %shift_right_logical3A_4902 = arith.shrui %xor3A_4895, %shift_right_logical3A_4901 : vector<16xi32>
        %or3A_4903 = arith.ori %shift_left3A_4899, %shift_right_logical3A_4902 : vector<16xi32>
        %xor3A_4904 = arith.xori %add3A_4896, %or3A_4903 : vector<16xi32>
        %add3A_4905 = arith.addi %add3A_4896, %xor3A_4904 : vector<16xi32>
        %shift_left3A_4906 = arith.constant 26 : i32
        %shift_left3A_4907 = vector.broadcast %shift_left3A_4906 : i32 to vector<16xi32>
        %shift_left3A_4908 = arith.shli %xor3A_4904, %shift_left3A_4907 : vector<16xi32>
        %shift_right_logical3A_4909 = arith.constant 6 : i32
        %shift_right_logical3A_4910 = vector.broadcast %shift_right_logical3A_4909 : i32 to vector<16xi32>
        %shift_right_logical3A_4911 = arith.shrui %xor3A_4904, %shift_right_logical3A_4910 : vector<16xi32>
        %or3A_4912 = arith.ori %shift_left3A_4908, %shift_right_logical3A_4911 : vector<16xi32>
        %xor3A_4913 = arith.xori %add3A_4905, %or3A_4912 : vector<16xi32>
        %add3A_4914 = arith.addi %add3A_4905, %xor3A_4913 : vector<16xi32>
        %shift_left3A_4915 = arith.constant 6 : i32
        %shift_left3A_4916 = vector.broadcast %shift_left3A_4915 : i32 to vector<16xi32>
        %shift_left3A_4917 = arith.shli %xor3A_4913, %shift_left3A_4916 : vector<16xi32>
        %shift_right_logical3A_4918 = arith.constant 26 : i32
        %shift_right_logical3A_4919 = vector.broadcast %shift_right_logical3A_4918 : i32 to vector<16xi32>
        %shift_right_logical3A_4920 = arith.shrui %xor3A_4913, %shift_right_logical3A_4919 : vector<16xi32>
        %or3A_4921 = arith.ori %shift_left3A_4917, %shift_right_logical3A_4920 : vector<16xi32>
        %xor3A_4922 = arith.xori %add3A_4914, %or3A_4921 : vector<16xi32>
        %add3A_4923 = arith.constant -332575357 : i32
        %add3A_4924 = vector.broadcast %add3A_4923 : i32 to vector<16xi32>
        %add3A_4925 = arith.addi %add3A_4914, %add3A_4924 : vector<16xi32>
        %add3A_4926 = arith.constant 908003077 : i32
        %add3A_4927 = vector.broadcast %add3A_4926 : i32 to vector<16xi32>
        %add3A_4928 = arith.addi %xor3A_4922, %add3A_4927 : vector<16xi32>
        %xor3A_4929 = arith.xori %add3A_4925, %add3A_4928 : vector<16xi32>
        %shift_right_logical3A_4930 = arith.constant 9 : i32
        %shift_right_logical3A_4931 = vector.broadcast %shift_right_logical3A_4930 : i32 to vector<16xi32>
        %shift_right_logical3A_4932 = arith.shrui %xor3A_4929, %shift_right_logical3A_4931 : vector<16xi32>
        %or3A_4933 = arith.constant 1065353216 : i32
        %or3A_4934 = vector.broadcast %or3A_4933 : i32 to vector<16xi32>
        %or3A_4935 = arith.ori %shift_right_logical3A_4932, %or3A_4934 : vector<16xi32>
        %bitcast_convert_type3A_4936 = tpu.bitcast %or3A_4935 : vector<16xi32> -> vector<16xf32>
        %sub3A_4937 = arith.constant 1.000000e+00 : f32
        %sub3A_4938 = vector.broadcast %sub3A_4937 : f32 to vector<16xf32>
        %sub3A_4939 = arith.subf %bitcast_convert_type3A_4936, %sub3A_4938 : vector<16xf32>
        %mul3A_4940 = arith.constant 1.000000e+00 : f32
        %mul3A_4941 = vector.broadcast %mul3A_4940 : f32 to vector<16xf32>
        %mul3A_4942 = arith.mulf %sub3A_4939, %mul3A_4941 : vector<16xf32>
        %add3A_4943 = arith.constant 1.000000e-10 : f32
        %add3A_4944 = vector.broadcast %add3A_4943 : f32 to vector<16xf32>
        %add3A_4945 = arith.addf %mul3A_4942, %add3A_4944 : vector<16xf32>
        %max3A_4946 = arith.constant 1.000000e-10 : f32
        %max3A_4947 = vector.broadcast %max3A_4946 : f32 to vector<16xf32>
        %max3A_4948 = arith.maximumf %max3A_4947, %add3A_4945 : vector<16xf32>
        %bitcast_convert_type3A_4949 = tpu.bitcast %max3A_4948 : vector<16xf32> -> vector<16xi32>
        %shift_right_logical3A_4950 = arith.constant 23 : i32
        %shift_right_logical3A_4951 = vector.broadcast %shift_right_logical3A_4950 : i32 to vector<16xi32>
        %shift_right_logical3A_4952 = arith.shrui %bitcast_convert_type3A_4949, %shift_right_logical3A_4951 : vector<16xi32>
        %bitcast_convert_type3A_4953 = tpu.bitcast %shift_right_logical3A_4952 : vector<16xi32> -> vector<16xi32>
        %sub3A_4954 = arith.constant 127 : i32
        %sub3A_4955 = vector.broadcast %sub3A_4954 : i32 to vector<16xi32>
        %sub3A_4956 = arith.subi %bitcast_convert_type3A_4953, %sub3A_4955 : vector<16xi32>
        %and3A_4957 = arith.constant 8388607 : i32
        %and3A_4958 = vector.broadcast %and3A_4957 : i32 to vector<16xi32>
        %and3A_4959 = arith.andi %bitcast_convert_type3A_4949, %and3A_4958 : vector<16xi32>
        %or3A_4960 = arith.constant 1065353216 : i32
        %or3A_4961 = vector.broadcast %or3A_4960 : i32 to vector<16xi32>
        %or3A_4962 = arith.ori %and3A_4959, %or3A_4961 : vector<16xi32>
        %bitcast_convert_type3A_4963 = tpu.bitcast %or3A_4962 : vector<16xi32> -> vector<16xf32>
        %sub3A_4964 = arith.constant 1.000000e+00 : f32
        %sub3A_4965 = vector.broadcast %sub3A_4964 : f32 to vector<16xf32>
        %sub3A_4966 = arith.subf %bitcast_convert_type3A_4963, %sub3A_4965 : vector<16xf32>
        %broadcast_in_dim3A_4967 = arith.constant -0.00458208052 : f32
        %broadcast_in_dim3A_4968 = vector.broadcast %broadcast_in_dim3A_4967 : f32 to vector<16xf32>
        %mul3A_4969 = arith.mulf %broadcast_in_dim3A_4968, %sub3A_4966 : vector<16xf32>
        %add3A_4970 = arith.constant 0.0281939134 : f32
        %add3A_4971 = vector.broadcast %add3A_4970 : f32 to vector<16xf32>
        %add3A_4972 = arith.addf %mul3A_4969, %add3A_4971 : vector<16xf32>
        %mul3A_4973 = arith.mulf %add3A_4972, %sub3A_4966 : vector<16xf32>
        %add3A_4974 = arith.constant -0.0813299268 : f32
        %add3A_4975 = vector.broadcast %add3A_4974 : f32 to vector<16xf32>
        %add3A_4976 = arith.addf %mul3A_4973, %add3A_4975 : vector<16xf32>
        %mul3A_4977 = arith.mulf %add3A_4976, %sub3A_4966 : vector<16xf32>
        %add3A_4978 = arith.constant 0.152112335 : f32
        %add3A_4979 = vector.broadcast %add3A_4978 : f32 to vector<16xf32>
        %add3A_4980 = arith.addf %mul3A_4977, %add3A_4979 : vector<16xf32>
        %mul3A_4981 = arith.mulf %add3A_4980, %sub3A_4966 : vector<16xf32>
        %add3A_4982 = arith.constant -0.220294729 : f32
        %add3A_4983 = vector.broadcast %add3A_4982 : f32 to vector<16xf32>
        %add3A_4984 = arith.addf %mul3A_4981, %add3A_4983 : vector<16xf32>
        %mul3A_4985 = arith.mulf %add3A_4984, %sub3A_4966 : vector<16xf32>
        %add3A_4986 = arith.constant 0.283681065 : f32
        %add3A_4987 = vector.broadcast %add3A_4986 : f32 to vector<16xf32>
        %add3A_4988 = arith.addf %mul3A_4985, %add3A_4987 : vector<16xf32>
        %mul3A_4989 = arith.mulf %add3A_4988, %sub3A_4966 : vector<16xf32>
        %add3A_4990 = arith.constant -0.359975725 : f32
        %add3A_4991 = vector.broadcast %add3A_4990 : f32 to vector<16xf32>
        %add3A_4992 = arith.addf %mul3A_4989, %add3A_4991 : vector<16xf32>
        %mul3A_4993 = arith.mulf %add3A_4992, %sub3A_4966 : vector<16xf32>
        %add3A_4994 = arith.constant 0.480846077 : f32
        %add3A_4995 = vector.broadcast %add3A_4994 : f32 to vector<16xf32>
        %add3A_4996 = arith.addf %mul3A_4993, %add3A_4995 : vector<16xf32>
        %mul3A_4997 = arith.mulf %add3A_4996, %sub3A_4966 : vector<16xf32>
        %add3A_4998 = arith.constant -0.721345961 : f32
        %add3A_4999 = vector.broadcast %add3A_4998 : f32 to vector<16xf32>
        %add3A_5000 = arith.addf %mul3A_4997, %add3A_4999 : vector<16xf32>
        %mul3A_5001 = arith.mulf %add3A_5000, %sub3A_4966 : vector<16xf32>
        %add3A_5002 = arith.constant 1.44269502 : f32
        %add3A_5003 = vector.broadcast %add3A_5002 : f32 to vector<16xf32>
        %add3A_5004 = arith.addf %mul3A_5001, %add3A_5003 : vector<16xf32>
        %convert_element_type3A_5005 = arith.sitofp %sub3A_4956 : vector<16xi32> to vector<16xf32>
        %mul3A_5006 = arith.mulf %sub3A_4966, %add3A_5004 : vector<16xf32>
        %add3A_5007 = arith.addf %convert_element_type3A_5005, %mul3A_5006 : vector<16xf32>
        %mul3A_5008 = arith.constant 0.693147182 : f32
        %mul3A_5009 = vector.broadcast %mul3A_5008 : f32 to vector<16xf32>
        %mul3A_5010 = arith.mulf %add3A_5007, %mul3A_5009 : vector<16xf32>
        %neg3A_5011 = arith.constant 0.000000e+00 : f32
        %neg3A_5012 = vector.broadcast %neg3A_5011 : f32 to vector<16xf32>
        %neg3A_5013 = arith.subf %neg3A_5012, %mul3A_5010 : vector<16xf32>
        %get3A_5014 = arith.index_cast %add3A_4405 : i32 to index
        %get3A_5015 = tpu.vector_load %arg4[%get3A_5014] {strides = array<i32>} : memref<8448xf32, #tpu.memory_space<vmem>>, vector<16xf32>,
        %get3A_5016 = vector.shape_cast %get3A_5015 : vector<16xf32> to vector<16xf32>
        %sub3A_5017 = arith.constant 1.000000e+00 : f32
        %sub3A_5018 = vector.broadcast %sub3A_5017 : f32 to vector<16xf32>
        %sub3A_5019 = arith.subf %sub3A_5018, %get3A_5016 : vector<16xf32>
        %mul3A_5020 = arith.mulf %sub3A_5019, %neg3A_4710 : vector<16xf32>
        %mul3A_5021 = arith.mulf %get3A_5016, %neg3A_5013 : vector<16xf32>
        %gt3A_5022 = arith.cmpf ogt, %mul3A_5020, %mul3A_5021 : vector<16xf32>
        %jit3A_5023 = arith.constant 1.000000e+00 : f32
        %jit3A_5024 = arith.constant 0.000000e+00 : f32
        %broadcast_in_dim3A_5025 = vector.broadcast %jit3A_5023 : f32 to vector<16xf32>
        %broadcast_in_dim3A_5026 = vector.broadcast %jit3A_5024 : f32 to vector<16xf32>
        %select_n3A_5027 = arith.select %gt3A_5022, %broadcast_in_dim3A_5025, %broadcast_in_dim3A_5026 : vector<16xi1>, vector<16xf32>
        %swap3A_5028 = arith.index_cast %add3A_4405 : i32 to index
        %swap3A_5029 = tpu.vector_load %arg5[%swap3A_5028] {strides = array<i32>} : memref<8448xf32, #tpu.memory_space<vmem>>, vector<16xf32>,
        %swap3A_5030 = vector.shape_cast %swap3A_5029 : vector<16xf32> to vector<16xf32>
        %swap3A_5031 = vector.shape_cast %select_n3A_5027 : vector<16xf32> to vector<16xf32>
        tpu.vector_store %arg5[%swap3A_5028], %swap3A_5031 {strides = array<i32>} : memref<8448xf32, #tpu.memory_space<vmem>>, vector<16xf32>,
      }
      %scan3A_19 = arith.constant 66 : i32
      "tpu.region"() ({
        %run_scoped3A = tpu.sem_alloc : memref<!tpu.dma_semaphore, #tpu.memory_space<semaphore_mem>>
        %dma_start3A = tpu.memref_slice %arg3[%add3A_11] : memref<2162688xf32, #tpu.memory_space<hbm>> -> memref<8448xf32, #tpu.memory_space<hbm>>
        %dma_start3A_20 = tpu.memref_slice %arg3[%add3A_11] : memref<2162688xf32, #tpu.memory_space<hbm>> -> memref<8448xf32, #tpu.memory_space<hbm>>
        tpu.enqueue_dma source(%arg5 : memref<8448xf32, #tpu.memory_space<vmem>>) target(%dma_start3A_20 : memref<8448xf32, #tpu.memory_space<hbm>>) target_semaphore(%run_scoped3A : memref<!tpu.dma_semaphore, #tpu.memory_space<semaphore_mem>>)
        %dma_wait3A = tpu.memref_slice %arg3[%add3A_11] : memref<2162688xf32, #tpu.memory_space<hbm>> -> memref<8448xf32, #tpu.memory_space<hbm>>
        %dma_wait3A_21 = tpu.memref_slice %arg3[%add3A_11] : memref<2162688xf32, #tpu.memory_space<hbm>> -> memref<8448xf32, #tpu.memory_space<hbm>>
        tpu.wait_dma2 semaphore(%run_scoped3A : memref<!tpu.dma_semaphore, #tpu.memory_space<semaphore_mem>>) src(%arg5 : memref<8448xf32, #tpu.memory_space<vmem>>) dst(%dma_wait3A_21 : memref<8448xf32, #tpu.memory_space<hbm>>)
        tpu.yield
      }) : () -> ()
    }
    %scan3A_7 = arith.constant 8 : i32
    return
  }
}

module attributes {stable_mosaic.version = 14 : i64} {
  func.func @_tc_body(%arg0: i32, %arg1: memref<1024x128xf32, #tpu.memory_space<vmem>>, %arg2: memref<1024x128xf32, #tpu.memory_space<vmem>>) attributes {dimension_semantics = [#tpu.dimension_semantics<parallel>], iteration_bounds = array<i64: 60>, scalar_prefetch = 0 : i64, scratch_operands = 0 : i64, tpu.core_type = #tpu.core_type<tc>, window_params = [{transform_indices = @transform_0, window_bounds = array<i64: 1024, 128>}, {transform_indices = @transform_1, window_bounds = array<i64: 1024, 128>}]} {
    %get3A = arith.constant 0 : index
    %get3A_0 = arith.constant 0 : index
    %get3A_1 = vector.load %arg1[%get3A, %get3A_0] : memref<1024x128xf32, #tpu.memory_space<vmem>>, vector<1024x128xf32>
    %iota3A = tpu.iota {dimensions = array<i32: 0>} : vector<1024x128xi32>
    %iota3A_2 = tpu.iota {dimensions = array<i32: 1>} : vector<1024x128xi32>
    %mul3A = arith.constant 131072 : i32
    %mul3A_3 = arith.muli %arg0, %mul3A : i32
    %mul3A_4 = arith.constant 128 : i32
    %mul3A_5 = vector.broadcast %mul3A_4 : i32 to vector<1024x128xi32>
    %mul3A_6 = arith.muli %iota3A, %mul3A_5 : vector<1024x128xi32>
    %add3A = vector.broadcast %mul3A_3 : i32 to vector<1024x128xi32>
    %add3A_7 = arith.addi %add3A, %mul3A_6 : vector<1024x128xi32>
    %add3A_8 = arith.addi %add3A_7, %iota3A_2 : vector<1024x128xi32>
    %broadcast_in_dim3A = arith.constant 908003072 : i32
    %broadcast_in_dim3A_9 = vector.broadcast %broadcast_in_dim3A : i32 to vector<1024x128xi32>
    %add3A_10 = arith.constant -1042067111 : i32
    %add3A_11 = vector.broadcast %add3A_10 : i32 to vector<1024x128xi32>
    %add3A_12 = arith.addi %add3A_8, %add3A_11 : vector<1024x128xi32>
    %add3A_13 = arith.addi %broadcast_in_dim3A_9, %add3A_12 : vector<1024x128xi32>
    %shift_left3A = arith.constant 13 : i32
    %shift_left3A_14 = vector.broadcast %shift_left3A : i32 to vector<1024x128xi32>
    %shift_left3A_15 = arith.shli %add3A_12, %shift_left3A_14 : vector<1024x128xi32>
    %shift_right_logical3A = arith.constant 19 : i32
    %shift_right_logical3A_16 = vector.broadcast %shift_right_logical3A : i32 to vector<1024x128xi32>
    %shift_right_logical3A_17 = arith.shrui %add3A_12, %shift_right_logical3A_16 : vector<1024x128xi32>
    %or3A = arith.ori %shift_left3A_15, %shift_right_logical3A_17 : vector<1024x128xi32>
    %xor3A = arith.xori %add3A_13, %or3A : vector<1024x128xi32>
    %add3A_18 = arith.addi %add3A_13, %xor3A : vector<1024x128xi32>
    %shift_left3A_19 = arith.constant 15 : i32
    %shift_left3A_20 = vector.broadcast %shift_left3A_19 : i32 to vector<1024x128xi32>
    %shift_left3A_21 = arith.shli %xor3A, %shift_left3A_20 : vector<1024x128xi32>
    %shift_right_logical3A_22 = arith.constant 17 : i32
    %shift_right_logical3A_23 = vector.broadcast %shift_right_logical3A_22 : i32 to vector<1024x128xi32>
    %shift_right_logical3A_24 = arith.shrui %xor3A, %shift_right_logical3A_23 : vector<1024x128xi32>
    %or3A_25 = arith.ori %shift_left3A_21, %shift_right_logical3A_24 : vector<1024x128xi32>
    %xor3A_26 = arith.xori %add3A_18, %or3A_25 : vector<1024x128xi32>
    %add3A_27 = arith.addi %add3A_18, %xor3A_26 : vector<1024x128xi32>
    %shift_left3A_28 = arith.constant 26 : i32
    %shift_left3A_29 = vector.broadcast %shift_left3A_28 : i32 to vector<1024x128xi32>
    %shift_left3A_30 = arith.shli %xor3A_26, %shift_left3A_29 : vector<1024x128xi32>
    %shift_right_logical3A_31 = arith.constant 6 : i32
    %shift_right_logical3A_32 = vector.broadcast %shift_right_logical3A_31 : i32 to vector<1024x128xi32>
    %shift_right_logical3A_33 = arith.shrui %xor3A_26, %shift_right_logical3A_32 : vector<1024x128xi32>
    %or3A_34 = arith.ori %shift_left3A_30, %shift_right_logical3A_33 : vector<1024x128xi32>
    %xor3A_35 = arith.xori %add3A_27, %or3A_34 : vector<1024x128xi32>
    %add3A_36 = arith.addi %add3A_27, %xor3A_35 : vector<1024x128xi32>
    %shift_left3A_37 = arith.constant 6 : i32
    %shift_left3A_38 = vector.broadcast %shift_left3A_37 : i32 to vector<1024x128xi32>
    %shift_left3A_39 = arith.shli %xor3A_35, %shift_left3A_38 : vector<1024x128xi32>
    %shift_right_logical3A_40 = arith.constant 26 : i32
    %shift_right_logical3A_41 = vector.broadcast %shift_right_logical3A_40 : i32 to vector<1024x128xi32>
    %shift_right_logical3A_42 = arith.shrui %xor3A_35, %shift_right_logical3A_41 : vector<1024x128xi32>
    %or3A_43 = arith.ori %shift_left3A_39, %shift_right_logical3A_42 : vector<1024x128xi32>
    %xor3A_44 = arith.xori %add3A_36, %or3A_43 : vector<1024x128xi32>
    %add3A_45 = arith.constant -1042067111 : i32
    %add3A_46 = vector.broadcast %add3A_45 : i32 to vector<1024x128xi32>
    %add3A_47 = arith.addi %add3A_36, %add3A_46 : vector<1024x128xi32>
    %add3A_48 = arith.constant -332575356 : i32
    %add3A_49 = vector.broadcast %add3A_48 : i32 to vector<1024x128xi32>
    %add3A_50 = arith.addi %xor3A_44, %add3A_49 : vector<1024x128xi32>
    %add3A_51 = arith.addi %add3A_47, %add3A_50 : vector<1024x128xi32>
    %shift_left3A_52 = arith.constant 17 : i32
    %shift_left3A_53 = vector.broadcast %shift_left3A_52 : i32 to vector<1024x128xi32>
    %shift_left3A_54 = arith.shli %add3A_50, %shift_left3A_53 : vector<1024x128xi32>
    %shift_right_logical3A_55 = arith.constant 15 : i32
    %shift_right_logical3A_56 = vector.broadcast %shift_right_logical3A_55 : i32 to vector<1024x128xi32>
    %shift_right_logical3A_57 = arith.shrui %add3A_50, %shift_right_logical3A_56 : vector<1024x128xi32>
    %or3A_58 = arith.ori %shift_left3A_54, %shift_right_logical3A_57 : vector<1024x128xi32>
    %xor3A_59 = arith.xori %add3A_51, %or3A_58 : vector<1024x128xi32>
    %add3A_60 = arith.addi %add3A_51, %xor3A_59 : vector<1024x128xi32>
    %shift_left3A_61 = arith.constant 29 : i32
    %shift_left3A_62 = vector.broadcast %shift_left3A_61 : i32 to vector<1024x128xi32>
    %shift_left3A_63 = arith.shli %xor3A_59, %shift_left3A_62 : vector<1024x128xi32>
    %shift_right_logical3A_64 = arith.constant 3 : i32
    %shift_right_logical3A_65 = vector.broadcast %shift_right_logical3A_64 : i32 to vector<1024x128xi32>
    %shift_right_logical3A_66 = arith.shrui %xor3A_59, %shift_right_logical3A_65 : vector<1024x128xi32>
    %or3A_67 = arith.ori %shift_left3A_63, %shift_right_logical3A_66 : vector<1024x128xi32>
    %xor3A_68 = arith.xori %add3A_60, %or3A_67 : vector<1024x128xi32>
    %add3A_69 = arith.addi %add3A_60, %xor3A_68 : vector<1024x128xi32>
    %shift_left3A_70 = arith.constant 16 : i32
    %shift_left3A_71 = vector.broadcast %shift_left3A_70 : i32 to vector<1024x128xi32>
    %shift_left3A_72 = arith.shli %xor3A_68, %shift_left3A_71 : vector<1024x128xi32>
    %shift_right_logical3A_73 = arith.constant 16 : i32
    %shift_right_logical3A_74 = vector.broadcast %shift_right_logical3A_73 : i32 to vector<1024x128xi32>
    %shift_right_logical3A_75 = arith.shrui %xor3A_68, %shift_right_logical3A_74 : vector<1024x128xi32>
    %or3A_76 = arith.ori %shift_left3A_72, %shift_right_logical3A_75 : vector<1024x128xi32>
    %xor3A_77 = arith.xori %add3A_69, %or3A_76 : vector<1024x128xi32>
    %add3A_78 = arith.addi %add3A_69, %xor3A_77 : vector<1024x128xi32>
    %shift_left3A_79 = arith.constant 24 : i32
    %shift_left3A_80 = vector.broadcast %shift_left3A_79 : i32 to vector<1024x128xi32>
    %shift_left3A_81 = arith.shli %xor3A_77, %shift_left3A_80 : vector<1024x128xi32>
    %shift_right_logical3A_82 = arith.constant 8 : i32
    %shift_right_logical3A_83 = vector.broadcast %shift_right_logical3A_82 : i32 to vector<1024x128xi32>
    %shift_right_logical3A_84 = arith.shrui %xor3A_77, %shift_right_logical3A_83 : vector<1024x128xi32>
    %or3A_85 = arith.ori %shift_left3A_81, %shift_right_logical3A_84 : vector<1024x128xi32>
    %xor3A_86 = arith.xori %add3A_78, %or3A_85 : vector<1024x128xi32>
    %add3A_87 = arith.constant -332575357 : i32
    %add3A_88 = vector.broadcast %add3A_87 : i32 to vector<1024x128xi32>
    %add3A_89 = arith.addi %add3A_78, %add3A_88 : vector<1024x128xi32>
    %add3A_90 = arith.constant 908003074 : i32
    %add3A_91 = vector.broadcast %add3A_90 : i32 to vector<1024x128xi32>
    %add3A_92 = arith.addi %xor3A_86, %add3A_91 : vector<1024x128xi32>
    %add3A_93 = arith.addi %add3A_89, %add3A_92 : vector<1024x128xi32>
    %shift_left3A_94 = arith.constant 13 : i32
    %shift_left3A_95 = vector.broadcast %shift_left3A_94 : i32 to vector<1024x128xi32>
    %shift_left3A_96 = arith.shli %add3A_92, %shift_left3A_95 : vector<1024x128xi32>
    %shift_right_logical3A_97 = arith.constant 19 : i32
    %shift_right_logical3A_98 = vector.broadcast %shift_right_logical3A_97 : i32 to vector<1024x128xi32>
    %shift_right_logical3A_99 = arith.shrui %add3A_92, %shift_right_logical3A_98 : vector<1024x128xi32>
    %or3A_100 = arith.ori %shift_left3A_96, %shift_right_logical3A_99 : vector<1024x128xi32>
    %xor3A_101 = arith.xori %add3A_93, %or3A_100 : vector<1024x128xi32>
    %add3A_102 = arith.addi %add3A_93, %xor3A_101 : vector<1024x128xi32>
    %shift_left3A_103 = arith.constant 15 : i32
    %shift_left3A_104 = vector.broadcast %shift_left3A_103 : i32 to vector<1024x128xi32>
    %shift_left3A_105 = arith.shli %xor3A_101, %shift_left3A_104 : vector<1024x128xi32>
    %shift_right_logical3A_106 = arith.constant 17 : i32
    %shift_right_logical3A_107 = vector.broadcast %shift_right_logical3A_106 : i32 to vector<1024x128xi32>
    %shift_right_logical3A_108 = arith.shrui %xor3A_101, %shift_right_logical3A_107 : vector<1024x128xi32>
    %or3A_109 = arith.ori %shift_left3A_105, %shift_right_logical3A_108 : vector<1024x128xi32>
    %xor3A_110 = arith.xori %add3A_102, %or3A_109 : vector<1024x128xi32>
    %add3A_111 = arith.addi %add3A_102, %xor3A_110 : vector<1024x128xi32>
    %shift_left3A_112 = arith.constant 26 : i32
    %shift_left3A_113 = vector.broadcast %shift_left3A_112 : i32 to vector<1024x128xi32>
    %shift_left3A_114 = arith.shli %xor3A_110, %shift_left3A_113 : vector<1024x128xi32>
    %shift_right_logical3A_115 = arith.constant 6 : i32
    %shift_right_logical3A_116 = vector.broadcast %shift_right_logical3A_115 : i32 to vector<1024x128xi32>
    %shift_right_logical3A_117 = arith.shrui %xor3A_110, %shift_right_logical3A_116 : vector<1024x128xi32>
    %or3A_118 = arith.ori %shift_left3A_114, %shift_right_logical3A_117 : vector<1024x128xi32>
    %xor3A_119 = arith.xori %add3A_111, %or3A_118 : vector<1024x128xi32>
    %add3A_120 = arith.addi %add3A_111, %xor3A_119 : vector<1024x128xi32>
    %shift_left3A_121 = arith.constant 6 : i32
    %shift_left3A_122 = vector.broadcast %shift_left3A_121 : i32 to vector<1024x128xi32>
    %shift_left3A_123 = arith.shli %xor3A_119, %shift_left3A_122 : vector<1024x128xi32>
    %shift_right_logical3A_124 = arith.constant 26 : i32
    %shift_right_logical3A_125 = vector.broadcast %shift_right_logical3A_124 : i32 to vector<1024x128xi32>
    %shift_right_logical3A_126 = arith.shrui %xor3A_119, %shift_right_logical3A_125 : vector<1024x128xi32>
    %or3A_127 = arith.ori %shift_left3A_123, %shift_right_logical3A_126 : vector<1024x128xi32>
    %xor3A_128 = arith.xori %add3A_120, %or3A_127 : vector<1024x128xi32>
    %add3A_129 = arith.constant 908003072 : i32
    %add3A_130 = vector.broadcast %add3A_129 : i32 to vector<1024x128xi32>
    %add3A_131 = arith.addi %add3A_120, %add3A_130 : vector<1024x128xi32>
    %add3A_132 = arith.constant -1042067108 : i32
    %add3A_133 = vector.broadcast %add3A_132 : i32 to vector<1024x128xi32>
    %add3A_134 = arith.addi %xor3A_128, %add3A_133 : vector<1024x128xi32>
    %add3A_135 = arith.addi %add3A_131, %add3A_134 : vector<1024x128xi32>
    %shift_left3A_136 = arith.constant 17 : i32
    %shift_left3A_137 = vector.broadcast %shift_left3A_136 : i32 to vector<1024x128xi32>
    %shift_left3A_138 = arith.shli %add3A_134, %shift_left3A_137 : vector<1024x128xi32>
    %shift_right_logical3A_139 = arith.constant 15 : i32
    %shift_right_logical3A_140 = vector.broadcast %shift_right_logical3A_139 : i32 to vector<1024x128xi32>
    %shift_right_logical3A_141 = arith.shrui %add3A_134, %shift_right_logical3A_140 : vector<1024x128xi32>
    %or3A_142 = arith.ori %shift_left3A_138, %shift_right_logical3A_141 : vector<1024x128xi32>
    %xor3A_143 = arith.xori %add3A_135, %or3A_142 : vector<1024x128xi32>
    %add3A_144 = arith.addi %add3A_135, %xor3A_143 : vector<1024x128xi32>
    %shift_left3A_145 = arith.constant 29 : i32
    %shift_left3A_146 = vector.broadcast %shift_left3A_145 : i32 to vector<1024x128xi32>
    %shift_left3A_147 = arith.shli %xor3A_143, %shift_left3A_146 : vector<1024x128xi32>
    %shift_right_logical3A_148 = arith.constant 3 : i32
    %shift_right_logical3A_149 = vector.broadcast %shift_right_logical3A_148 : i32 to vector<1024x128xi32>
    %shift_right_logical3A_150 = arith.shrui %xor3A_143, %shift_right_logical3A_149 : vector<1024x128xi32>
    %or3A_151 = arith.ori %shift_left3A_147, %shift_right_logical3A_150 : vector<1024x128xi32>
    %xor3A_152 = arith.xori %add3A_144, %or3A_151 : vector<1024x128xi32>
    %add3A_153 = arith.addi %add3A_144, %xor3A_152 : vector<1024x128xi32>
    %shift_left3A_154 = arith.constant 16 : i32
    %shift_left3A_155 = vector.broadcast %shift_left3A_154 : i32 to vector<1024x128xi32>
    %shift_left3A_156 = arith.shli %xor3A_152, %shift_left3A_155 : vector<1024x128xi32>
    %shift_right_logical3A_157 = arith.constant 16 : i32
    %shift_right_logical3A_158 = vector.broadcast %shift_right_logical3A_157 : i32 to vector<1024x128xi32>
    %shift_right_logical3A_159 = arith.shrui %xor3A_152, %shift_right_logical3A_158 : vector<1024x128xi32>
    %or3A_160 = arith.ori %shift_left3A_156, %shift_right_logical3A_159 : vector<1024x128xi32>
    %xor3A_161 = arith.xori %add3A_153, %or3A_160 : vector<1024x128xi32>
    %add3A_162 = arith.addi %add3A_153, %xor3A_161 : vector<1024x128xi32>
    %shift_left3A_163 = arith.constant 24 : i32
    %shift_left3A_164 = vector.broadcast %shift_left3A_163 : i32 to vector<1024x128xi32>
    %shift_left3A_165 = arith.shli %xor3A_161, %shift_left3A_164 : vector<1024x128xi32>
    %shift_right_logical3A_166 = arith.constant 8 : i32
    %shift_right_logical3A_167 = vector.broadcast %shift_right_logical3A_166 : i32 to vector<1024x128xi32>
    %shift_right_logical3A_168 = arith.shrui %xor3A_161, %shift_right_logical3A_167 : vector<1024x128xi32>
    %or3A_169 = arith.ori %shift_left3A_165, %shift_right_logical3A_168 : vector<1024x128xi32>
    %xor3A_170 = arith.xori %add3A_162, %or3A_169 : vector<1024x128xi32>
    %add3A_171 = arith.constant -1042067111 : i32
    %add3A_172 = vector.broadcast %add3A_171 : i32 to vector<1024x128xi32>
    %add3A_173 = arith.addi %add3A_162, %add3A_172 : vector<1024x128xi32>
    %add3A_174 = arith.constant -332575353 : i32
    %add3A_175 = vector.broadcast %add3A_174 : i32 to vector<1024x128xi32>
    %add3A_176 = arith.addi %xor3A_170, %add3A_175 : vector<1024x128xi32>
    %add3A_177 = arith.addi %add3A_173, %add3A_176 : vector<1024x128xi32>
    %shift_left3A_178 = arith.constant 13 : i32
    %shift_left3A_179 = vector.broadcast %shift_left3A_178 : i32 to vector<1024x128xi32>
    %shift_left3A_180 = arith.shli %add3A_176, %shift_left3A_179 : vector<1024x128xi32>
    %shift_right_logical3A_181 = arith.constant 19 : i32
    %shift_right_logical3A_182 = vector.broadcast %shift_right_logical3A_181 : i32 to vector<1024x128xi32>
    %shift_right_logical3A_183 = arith.shrui %add3A_176, %shift_right_logical3A_182 : vector<1024x128xi32>
    %or3A_184 = arith.ori %shift_left3A_180, %shift_right_logical3A_183 : vector<1024x128xi32>
    %xor3A_185 = arith.xori %add3A_177, %or3A_184 : vector<1024x128xi32>
    %add3A_186 = arith.addi %add3A_177, %xor3A_185 : vector<1024x128xi32>
    %shift_left3A_187 = arith.constant 15 : i32
    %shift_left3A_188 = vector.broadcast %shift_left3A_187 : i32 to vector<1024x128xi32>
    %shift_left3A_189 = arith.shli %xor3A_185, %shift_left3A_188 : vector<1024x128xi32>
    %shift_right_logical3A_190 = arith.constant 17 : i32
    %shift_right_logical3A_191 = vector.broadcast %shift_right_logical3A_190 : i32 to vector<1024x128xi32>
    %shift_right_logical3A_192 = arith.shrui %xor3A_185, %shift_right_logical3A_191 : vector<1024x128xi32>
    %or3A_193 = arith.ori %shift_left3A_189, %shift_right_logical3A_192 : vector<1024x128xi32>
    %xor3A_194 = arith.xori %add3A_186, %or3A_193 : vector<1024x128xi32>
    %add3A_195 = arith.addi %add3A_186, %xor3A_194 : vector<1024x128xi32>
    %shift_left3A_196 = arith.constant 26 : i32
    %shift_left3A_197 = vector.broadcast %shift_left3A_196 : i32 to vector<1024x128xi32>
    %shift_left3A_198 = arith.shli %xor3A_194, %shift_left3A_197 : vector<1024x128xi32>
    %shift_right_logical3A_199 = arith.constant 6 : i32
    %shift_right_logical3A_200 = vector.broadcast %shift_right_logical3A_199 : i32 to vector<1024x128xi32>
    %shift_right_logical3A_201 = arith.shrui %xor3A_194, %shift_right_logical3A_200 : vector<1024x128xi32>
    %or3A_202 = arith.ori %shift_left3A_198, %shift_right_logical3A_201 : vector<1024x128xi32>
    %xor3A_203 = arith.xori %add3A_195, %or3A_202 : vector<1024x128xi32>
    %add3A_204 = arith.addi %add3A_195, %xor3A_203 : vector<1024x128xi32>
    %shift_left3A_205 = arith.constant 6 : i32
    %shift_left3A_206 = vector.broadcast %shift_left3A_205 : i32 to vector<1024x128xi32>
    %shift_left3A_207 = arith.shli %xor3A_203, %shift_left3A_206 : vector<1024x128xi32>
    %shift_right_logical3A_208 = arith.constant 26 : i32
    %shift_right_logical3A_209 = vector.broadcast %shift_right_logical3A_208 : i32 to vector<1024x128xi32>
    %shift_right_logical3A_210 = arith.shrui %xor3A_203, %shift_right_logical3A_209 : vector<1024x128xi32>
    %or3A_211 = arith.ori %shift_left3A_207, %shift_right_logical3A_210 : vector<1024x128xi32>
    %xor3A_212 = arith.xori %add3A_204, %or3A_211 : vector<1024x128xi32>
    %add3A_213 = arith.constant -332575357 : i32
    %add3A_214 = vector.broadcast %add3A_213 : i32 to vector<1024x128xi32>
    %add3A_215 = arith.addi %add3A_204, %add3A_214 : vector<1024x128xi32>
    %add3A_216 = arith.constant 908003077 : i32
    %add3A_217 = vector.broadcast %add3A_216 : i32 to vector<1024x128xi32>
    %add3A_218 = arith.addi %xor3A_212, %add3A_217 : vector<1024x128xi32>
    %xor3A_219 = arith.xori %add3A_215, %add3A_218 : vector<1024x128xi32>
    %shift_right_logical3A_220 = arith.constant 9 : i32
    %shift_right_logical3A_221 = vector.broadcast %shift_right_logical3A_220 : i32 to vector<1024x128xi32>
    %shift_right_logical3A_222 = arith.shrui %xor3A_219, %shift_right_logical3A_221 : vector<1024x128xi32>
    %or3A_223 = arith.constant 1065353216 : i32
    %or3A_224 = vector.broadcast %or3A_223 : i32 to vector<1024x128xi32>
    %or3A_225 = arith.ori %shift_right_logical3A_222, %or3A_224 : vector<1024x128xi32>
    %bitcast_convert_type3A = tpu.bitcast %or3A_225 : vector<1024x128xi32> -> vector<1024x128xf32>
    %sub3A = arith.constant 1.000000e+00 : f32
    %sub3A_226 = vector.broadcast %sub3A : f32 to vector<1024x128xf32>
    %sub3A_227 = arith.subf %bitcast_convert_type3A, %sub3A_226 : vector<1024x128xf32>
    %mul3A_228 = arith.constant 1.000000e+00 : f32
    %mul3A_229 = vector.broadcast %mul3A_228 : f32 to vector<1024x128xf32>
    %mul3A_230 = arith.mulf %sub3A_227, %mul3A_229 : vector<1024x128xf32>
    %add3A_231 = arith.constant 1.000000e-10 : f32
    %add3A_232 = vector.broadcast %add3A_231 : f32 to vector<1024x128xf32>
    %add3A_233 = arith.addf %mul3A_230, %add3A_232 : vector<1024x128xf32>
    %max3A = arith.constant 1.000000e-10 : f32
    %max3A_234 = vector.broadcast %max3A : f32 to vector<1024x128xf32>
    %max3A_235 = arith.maximumf %max3A_234, %add3A_233 : vector<1024x128xf32>
    %log3A = math.log %max3A_235 : vector<1024x128xf32>
    %neg3A = arith.constant 0.000000e+00 : f32
    %neg3A_236 = vector.broadcast %neg3A : f32 to vector<1024x128xf32>
    %neg3A_237 = arith.subf %neg3A_236, %log3A : vector<1024x128xf32>
    %add3A_238 = arith.constant 10000000 : i32
    %add3A_239 = vector.broadcast %add3A_238 : i32 to vector<1024x128xi32>
    %add3A_240 = arith.addi %add3A_8, %add3A_239 : vector<1024x128xi32>
    %broadcast_in_dim3A_241 = arith.constant 908003072 : i32
    %broadcast_in_dim3A_242 = vector.broadcast %broadcast_in_dim3A_241 : i32 to vector<1024x128xi32>
    %add3A_243 = arith.constant -1042067111 : i32
    %add3A_244 = vector.broadcast %add3A_243 : i32 to vector<1024x128xi32>
    %add3A_245 = arith.addi %add3A_240, %add3A_244 : vector<1024x128xi32>
    %add3A_246 = arith.addi %broadcast_in_dim3A_242, %add3A_245 : vector<1024x128xi32>
    %shift_left3A_247 = arith.constant 13 : i32
    %shift_left3A_248 = vector.broadcast %shift_left3A_247 : i32 to vector<1024x128xi32>
    %shift_left3A_249 = arith.shli %add3A_245, %shift_left3A_248 : vector<1024x128xi32>
    %shift_right_logical3A_250 = arith.constant 19 : i32
    %shift_right_logical3A_251 = vector.broadcast %shift_right_logical3A_250 : i32 to vector<1024x128xi32>
    %shift_right_logical3A_252 = arith.shrui %add3A_245, %shift_right_logical3A_251 : vector<1024x128xi32>
    %or3A_253 = arith.ori %shift_left3A_249, %shift_right_logical3A_252 : vector<1024x128xi32>
    %xor3A_254 = arith.xori %add3A_246, %or3A_253 : vector<1024x128xi32>
    %add3A_255 = arith.addi %add3A_246, %xor3A_254 : vector<1024x128xi32>
    %shift_left3A_256 = arith.constant 15 : i32
    %shift_left3A_257 = vector.broadcast %shift_left3A_256 : i32 to vector<1024x128xi32>
    %shift_left3A_258 = arith.shli %xor3A_254, %shift_left3A_257 : vector<1024x128xi32>
    %shift_right_logical3A_259 = arith.constant 17 : i32
    %shift_right_logical3A_260 = vector.broadcast %shift_right_logical3A_259 : i32 to vector<1024x128xi32>
    %shift_right_logical3A_261 = arith.shrui %xor3A_254, %shift_right_logical3A_260 : vector<1024x128xi32>
    %or3A_262 = arith.ori %shift_left3A_258, %shift_right_logical3A_261 : vector<1024x128xi32>
    %xor3A_263 = arith.xori %add3A_255, %or3A_262 : vector<1024x128xi32>
    %add3A_264 = arith.addi %add3A_255, %xor3A_263 : vector<1024x128xi32>
    %shift_left3A_265 = arith.constant 26 : i32
    %shift_left3A_266 = vector.broadcast %shift_left3A_265 : i32 to vector<1024x128xi32>
    %shift_left3A_267 = arith.shli %xor3A_263, %shift_left3A_266 : vector<1024x128xi32>
    %shift_right_logical3A_268 = arith.constant 6 : i32
    %shift_right_logical3A_269 = vector.broadcast %shift_right_logical3A_268 : i32 to vector<1024x128xi32>
    %shift_right_logical3A_270 = arith.shrui %xor3A_263, %shift_right_logical3A_269 : vector<1024x128xi32>
    %or3A_271 = arith.ori %shift_left3A_267, %shift_right_logical3A_270 : vector<1024x128xi32>
    %xor3A_272 = arith.xori %add3A_264, %or3A_271 : vector<1024x128xi32>
    %add3A_273 = arith.addi %add3A_264, %xor3A_272 : vector<1024x128xi32>
    %shift_left3A_274 = arith.constant 6 : i32
    %shift_left3A_275 = vector.broadcast %shift_left3A_274 : i32 to vector<1024x128xi32>
    %shift_left3A_276 = arith.shli %xor3A_272, %shift_left3A_275 : vector<1024x128xi32>
    %shift_right_logical3A_277 = arith.constant 26 : i32
    %shift_right_logical3A_278 = vector.broadcast %shift_right_logical3A_277 : i32 to vector<1024x128xi32>
    %shift_right_logical3A_279 = arith.shrui %xor3A_272, %shift_right_logical3A_278 : vector<1024x128xi32>
    %or3A_280 = arith.ori %shift_left3A_276, %shift_right_logical3A_279 : vector<1024x128xi32>
    %xor3A_281 = arith.xori %add3A_273, %or3A_280 : vector<1024x128xi32>
    %add3A_282 = arith.constant -1042067111 : i32
    %add3A_283 = vector.broadcast %add3A_282 : i32 to vector<1024x128xi32>
    %add3A_284 = arith.addi %add3A_273, %add3A_283 : vector<1024x128xi32>
    %add3A_285 = arith.constant -332575356 : i32
    %add3A_286 = vector.broadcast %add3A_285 : i32 to vector<1024x128xi32>
    %add3A_287 = arith.addi %xor3A_281, %add3A_286 : vector<1024x128xi32>
    %add3A_288 = arith.addi %add3A_284, %add3A_287 : vector<1024x128xi32>
    %shift_left3A_289 = arith.constant 17 : i32
    %shift_left3A_290 = vector.broadcast %shift_left3A_289 : i32 to vector<1024x128xi32>
    %shift_left3A_291 = arith.shli %add3A_287, %shift_left3A_290 : vector<1024x128xi32>
    %shift_right_logical3A_292 = arith.constant 15 : i32
    %shift_right_logical3A_293 = vector.broadcast %shift_right_logical3A_292 : i32 to vector<1024x128xi32>
    %shift_right_logical3A_294 = arith.shrui %add3A_287, %shift_right_logical3A_293 : vector<1024x128xi32>
    %or3A_295 = arith.ori %shift_left3A_291, %shift_right_logical3A_294 : vector<1024x128xi32>
    %xor3A_296 = arith.xori %add3A_288, %or3A_295 : vector<1024x128xi32>
    %add3A_297 = arith.addi %add3A_288, %xor3A_296 : vector<1024x128xi32>
    %shift_left3A_298 = arith.constant 29 : i32
    %shift_left3A_299 = vector.broadcast %shift_left3A_298 : i32 to vector<1024x128xi32>
    %shift_left3A_300 = arith.shli %xor3A_296, %shift_left3A_299 : vector<1024x128xi32>
    %shift_right_logical3A_301 = arith.constant 3 : i32
    %shift_right_logical3A_302 = vector.broadcast %shift_right_logical3A_301 : i32 to vector<1024x128xi32>
    %shift_right_logical3A_303 = arith.shrui %xor3A_296, %shift_right_logical3A_302 : vector<1024x128xi32>
    %or3A_304 = arith.ori %shift_left3A_300, %shift_right_logical3A_303 : vector<1024x128xi32>
    %xor3A_305 = arith.xori %add3A_297, %or3A_304 : vector<1024x128xi32>
    %add3A_306 = arith.addi %add3A_297, %xor3A_305 : vector<1024x128xi32>
    %shift_left3A_307 = arith.constant 16 : i32
    %shift_left3A_308 = vector.broadcast %shift_left3A_307 : i32 to vector<1024x128xi32>
    %shift_left3A_309 = arith.shli %xor3A_305, %shift_left3A_308 : vector<1024x128xi32>
    %shift_right_logical3A_310 = arith.constant 16 : i32
    %shift_right_logical3A_311 = vector.broadcast %shift_right_logical3A_310 : i32 to vector<1024x128xi32>
    %shift_right_logical3A_312 = arith.shrui %xor3A_305, %shift_right_logical3A_311 : vector<1024x128xi32>
    %or3A_313 = arith.ori %shift_left3A_309, %shift_right_logical3A_312 : vector<1024x128xi32>
    %xor3A_314 = arith.xori %add3A_306, %or3A_313 : vector<1024x128xi32>
    %add3A_315 = arith.addi %add3A_306, %xor3A_314 : vector<1024x128xi32>
    %shift_left3A_316 = arith.constant 24 : i32
    %shift_left3A_317 = vector.broadcast %shift_left3A_316 : i32 to vector<1024x128xi32>
    %shift_left3A_318 = arith.shli %xor3A_314, %shift_left3A_317 : vector<1024x128xi32>
    %shift_right_logical3A_319 = arith.constant 8 : i32
    %shift_right_logical3A_320 = vector.broadcast %shift_right_logical3A_319 : i32 to vector<1024x128xi32>
    %shift_right_logical3A_321 = arith.shrui %xor3A_314, %shift_right_logical3A_320 : vector<1024x128xi32>
    %or3A_322 = arith.ori %shift_left3A_318, %shift_right_logical3A_321 : vector<1024x128xi32>
    %xor3A_323 = arith.xori %add3A_315, %or3A_322 : vector<1024x128xi32>
    %add3A_324 = arith.constant -332575357 : i32
    %add3A_325 = vector.broadcast %add3A_324 : i32 to vector<1024x128xi32>
    %add3A_326 = arith.addi %add3A_315, %add3A_325 : vector<1024x128xi32>
    %add3A_327 = arith.constant 908003074 : i32
    %add3A_328 = vector.broadcast %add3A_327 : i32 to vector<1024x128xi32>
    %add3A_329 = arith.addi %xor3A_323, %add3A_328 : vector<1024x128xi32>
    %add3A_330 = arith.addi %add3A_326, %add3A_329 : vector<1024x128xi32>
    %shift_left3A_331 = arith.constant 13 : i32
    %shift_left3A_332 = vector.broadcast %shift_left3A_331 : i32 to vector<1024x128xi32>
    %shift_left3A_333 = arith.shli %add3A_329, %shift_left3A_332 : vector<1024x128xi32>
    %shift_right_logical3A_334 = arith.constant 19 : i32
    %shift_right_logical3A_335 = vector.broadcast %shift_right_logical3A_334 : i32 to vector<1024x128xi32>
    %shift_right_logical3A_336 = arith.shrui %add3A_329, %shift_right_logical3A_335 : vector<1024x128xi32>
    %or3A_337 = arith.ori %shift_left3A_333, %shift_right_logical3A_336 : vector<1024x128xi32>
    %xor3A_338 = arith.xori %add3A_330, %or3A_337 : vector<1024x128xi32>
    %add3A_339 = arith.addi %add3A_330, %xor3A_338 : vector<1024x128xi32>
    %shift_left3A_340 = arith.constant 15 : i32
    %shift_left3A_341 = vector.broadcast %shift_left3A_340 : i32 to vector<1024x128xi32>
    %shift_left3A_342 = arith.shli %xor3A_338, %shift_left3A_341 : vector<1024x128xi32>
    %shift_right_logical3A_343 = arith.constant 17 : i32
    %shift_right_logical3A_344 = vector.broadcast %shift_right_logical3A_343 : i32 to vector<1024x128xi32>
    %shift_right_logical3A_345 = arith.shrui %xor3A_338, %shift_right_logical3A_344 : vector<1024x128xi32>
    %or3A_346 = arith.ori %shift_left3A_342, %shift_right_logical3A_345 : vector<1024x128xi32>
    %xor3A_347 = arith.xori %add3A_339, %or3A_346 : vector<1024x128xi32>
    %add3A_348 = arith.addi %add3A_339, %xor3A_347 : vector<1024x128xi32>
    %shift_left3A_349 = arith.constant 26 : i32
    %shift_left3A_350 = vector.broadcast %shift_left3A_349 : i32 to vector<1024x128xi32>
    %shift_left3A_351 = arith.shli %xor3A_347, %shift_left3A_350 : vector<1024x128xi32>
    %shift_right_logical3A_352 = arith.constant 6 : i32
    %shift_right_logical3A_353 = vector.broadcast %shift_right_logical3A_352 : i32 to vector<1024x128xi32>
    %shift_right_logical3A_354 = arith.shrui %xor3A_347, %shift_right_logical3A_353 : vector<1024x128xi32>
    %or3A_355 = arith.ori %shift_left3A_351, %shift_right_logical3A_354 : vector<1024x128xi32>
    %xor3A_356 = arith.xori %add3A_348, %or3A_355 : vector<1024x128xi32>
    %add3A_357 = arith.addi %add3A_348, %xor3A_356 : vector<1024x128xi32>
    %shift_left3A_358 = arith.constant 6 : i32
    %shift_left3A_359 = vector.broadcast %shift_left3A_358 : i32 to vector<1024x128xi32>
    %shift_left3A_360 = arith.shli %xor3A_356, %shift_left3A_359 : vector<1024x128xi32>
    %shift_right_logical3A_361 = arith.constant 26 : i32
    %shift_right_logical3A_362 = vector.broadcast %shift_right_logical3A_361 : i32 to vector<1024x128xi32>
    %shift_right_logical3A_363 = arith.shrui %xor3A_356, %shift_right_logical3A_362 : vector<1024x128xi32>
    %or3A_364 = arith.ori %shift_left3A_360, %shift_right_logical3A_363 : vector<1024x128xi32>
    %xor3A_365 = arith.xori %add3A_357, %or3A_364 : vector<1024x128xi32>
    %add3A_366 = arith.constant 908003072 : i32
    %add3A_367 = vector.broadcast %add3A_366 : i32 to vector<1024x128xi32>
    %add3A_368 = arith.addi %add3A_357, %add3A_367 : vector<1024x128xi32>
    %add3A_369 = arith.constant -1042067108 : i32
    %add3A_370 = vector.broadcast %add3A_369 : i32 to vector<1024x128xi32>
    %add3A_371 = arith.addi %xor3A_365, %add3A_370 : vector<1024x128xi32>
    %add3A_372 = arith.addi %add3A_368, %add3A_371 : vector<1024x128xi32>
    %shift_left3A_373 = arith.constant 17 : i32
    %shift_left3A_374 = vector.broadcast %shift_left3A_373 : i32 to vector<1024x128xi32>
    %shift_left3A_375 = arith.shli %add3A_371, %shift_left3A_374 : vector<1024x128xi32>
    %shift_right_logical3A_376 = arith.constant 15 : i32
    %shift_right_logical3A_377 = vector.broadcast %shift_right_logical3A_376 : i32 to vector<1024x128xi32>
    %shift_right_logical3A_378 = arith.shrui %add3A_371, %shift_right_logical3A_377 : vector<1024x128xi32>
    %or3A_379 = arith.ori %shift_left3A_375, %shift_right_logical3A_378 : vector<1024x128xi32>
    %xor3A_380 = arith.xori %add3A_372, %or3A_379 : vector<1024x128xi32>
    %add3A_381 = arith.addi %add3A_372, %xor3A_380 : vector<1024x128xi32>
    %shift_left3A_382 = arith.constant 29 : i32
    %shift_left3A_383 = vector.broadcast %shift_left3A_382 : i32 to vector<1024x128xi32>
    %shift_left3A_384 = arith.shli %xor3A_380, %shift_left3A_383 : vector<1024x128xi32>
    %shift_right_logical3A_385 = arith.constant 3 : i32
    %shift_right_logical3A_386 = vector.broadcast %shift_right_logical3A_385 : i32 to vector<1024x128xi32>
    %shift_right_logical3A_387 = arith.shrui %xor3A_380, %shift_right_logical3A_386 : vector<1024x128xi32>
    %or3A_388 = arith.ori %shift_left3A_384, %shift_right_logical3A_387 : vector<1024x128xi32>
    %xor3A_389 = arith.xori %add3A_381, %or3A_388 : vector<1024x128xi32>
    %add3A_390 = arith.addi %add3A_381, %xor3A_389 : vector<1024x128xi32>
    %shift_left3A_391 = arith.constant 16 : i32
    %shift_left3A_392 = vector.broadcast %shift_left3A_391 : i32 to vector<1024x128xi32>
    %shift_left3A_393 = arith.shli %xor3A_389, %shift_left3A_392 : vector<1024x128xi32>
    %shift_right_logical3A_394 = arith.constant 16 : i32
    %shift_right_logical3A_395 = vector.broadcast %shift_right_logical3A_394 : i32 to vector<1024x128xi32>
    %shift_right_logical3A_396 = arith.shrui %xor3A_389, %shift_right_logical3A_395 : vector<1024x128xi32>
    %or3A_397 = arith.ori %shift_left3A_393, %shift_right_logical3A_396 : vector<1024x128xi32>
    %xor3A_398 = arith.xori %add3A_390, %or3A_397 : vector<1024x128xi32>
    %add3A_399 = arith.addi %add3A_390, %xor3A_398 : vector<1024x128xi32>
    %shift_left3A_400 = arith.constant 24 : i32
    %shift_left3A_401 = vector.broadcast %shift_left3A_400 : i32 to vector<1024x128xi32>
    %shift_left3A_402 = arith.shli %xor3A_398, %shift_left3A_401 : vector<1024x128xi32>
    %shift_right_logical3A_403 = arith.constant 8 : i32
    %shift_right_logical3A_404 = vector.broadcast %shift_right_logical3A_403 : i32 to vector<1024x128xi32>
    %shift_right_logical3A_405 = arith.shrui %xor3A_398, %shift_right_logical3A_404 : vector<1024x128xi32>
    %or3A_406 = arith.ori %shift_left3A_402, %shift_right_logical3A_405 : vector<1024x128xi32>
    %xor3A_407 = arith.xori %add3A_399, %or3A_406 : vector<1024x128xi32>
    %add3A_408 = arith.constant -1042067111 : i32
    %add3A_409 = vector.broadcast %add3A_408 : i32 to vector<1024x128xi32>
    %add3A_410 = arith.addi %add3A_399, %add3A_409 : vector<1024x128xi32>
    %add3A_411 = arith.constant -332575353 : i32
    %add3A_412 = vector.broadcast %add3A_411 : i32 to vector<1024x128xi32>
    %add3A_413 = arith.addi %xor3A_407, %add3A_412 : vector<1024x128xi32>
    %add3A_414 = arith.addi %add3A_410, %add3A_413 : vector<1024x128xi32>
    %shift_left3A_415 = arith.constant 13 : i32
    %shift_left3A_416 = vector.broadcast %shift_left3A_415 : i32 to vector<1024x128xi32>
    %shift_left3A_417 = arith.shli %add3A_413, %shift_left3A_416 : vector<1024x128xi32>
    %shift_right_logical3A_418 = arith.constant 19 : i32
    %shift_right_logical3A_419 = vector.broadcast %shift_right_logical3A_418 : i32 to vector<1024x128xi32>
    %shift_right_logical3A_420 = arith.shrui %add3A_413, %shift_right_logical3A_419 : vector<1024x128xi32>
    %or3A_421 = arith.ori %shift_left3A_417, %shift_right_logical3A_420 : vector<1024x128xi32>
    %xor3A_422 = arith.xori %add3A_414, %or3A_421 : vector<1024x128xi32>
    %add3A_423 = arith.addi %add3A_414, %xor3A_422 : vector<1024x128xi32>
    %shift_left3A_424 = arith.constant 15 : i32
    %shift_left3A_425 = vector.broadcast %shift_left3A_424 : i32 to vector<1024x128xi32>
    %shift_left3A_426 = arith.shli %xor3A_422, %shift_left3A_425 : vector<1024x128xi32>
    %shift_right_logical3A_427 = arith.constant 17 : i32
    %shift_right_logical3A_428 = vector.broadcast %shift_right_logical3A_427 : i32 to vector<1024x128xi32>
    %shift_right_logical3A_429 = arith.shrui %xor3A_422, %shift_right_logical3A_428 : vector<1024x128xi32>
    %or3A_430 = arith.ori %shift_left3A_426, %shift_right_logical3A_429 : vector<1024x128xi32>
    %xor3A_431 = arith.xori %add3A_423, %or3A_430 : vector<1024x128xi32>
    %add3A_432 = arith.addi %add3A_423, %xor3A_431 : vector<1024x128xi32>
    %shift_left3A_433 = arith.constant 26 : i32
    %shift_left3A_434 = vector.broadcast %shift_left3A_433 : i32 to vector<1024x128xi32>
    %shift_left3A_435 = arith.shli %xor3A_431, %shift_left3A_434 : vector<1024x128xi32>
    %shift_right_logical3A_436 = arith.constant 6 : i32
    %shift_right_logical3A_437 = vector.broadcast %shift_right_logical3A_436 : i32 to vector<1024x128xi32>
    %shift_right_logical3A_438 = arith.shrui %xor3A_431, %shift_right_logical3A_437 : vector<1024x128xi32>
    %or3A_439 = arith.ori %shift_left3A_435, %shift_right_logical3A_438 : vector<1024x128xi32>
    %xor3A_440 = arith.xori %add3A_432, %or3A_439 : vector<1024x128xi32>
    %add3A_441 = arith.addi %add3A_432, %xor3A_440 : vector<1024x128xi32>
    %shift_left3A_442 = arith.constant 6 : i32
    %shift_left3A_443 = vector.broadcast %shift_left3A_442 : i32 to vector<1024x128xi32>
    %shift_left3A_444 = arith.shli %xor3A_440, %shift_left3A_443 : vector<1024x128xi32>
    %shift_right_logical3A_445 = arith.constant 26 : i32
    %shift_right_logical3A_446 = vector.broadcast %shift_right_logical3A_445 : i32 to vector<1024x128xi32>
    %shift_right_logical3A_447 = arith.shrui %xor3A_440, %shift_right_logical3A_446 : vector<1024x128xi32>
    %or3A_448 = arith.ori %shift_left3A_444, %shift_right_logical3A_447 : vector<1024x128xi32>
    %xor3A_449 = arith.xori %add3A_441, %or3A_448 : vector<1024x128xi32>
    %add3A_450 = arith.constant -332575357 : i32
    %add3A_451 = vector.broadcast %add3A_450 : i32 to vector<1024x128xi32>
    %add3A_452 = arith.addi %add3A_441, %add3A_451 : vector<1024x128xi32>
    %add3A_453 = arith.constant 908003077 : i32
    %add3A_454 = vector.broadcast %add3A_453 : i32 to vector<1024x128xi32>
    %add3A_455 = arith.addi %xor3A_449, %add3A_454 : vector<1024x128xi32>
    %xor3A_456 = arith.xori %add3A_452, %add3A_455 : vector<1024x128xi32>
    %shift_right_logical3A_457 = arith.constant 9 : i32
    %shift_right_logical3A_458 = vector.broadcast %shift_right_logical3A_457 : i32 to vector<1024x128xi32>
    %shift_right_logical3A_459 = arith.shrui %xor3A_456, %shift_right_logical3A_458 : vector<1024x128xi32>
    %or3A_460 = arith.constant 1065353216 : i32
    %or3A_461 = vector.broadcast %or3A_460 : i32 to vector<1024x128xi32>
    %or3A_462 = arith.ori %shift_right_logical3A_459, %or3A_461 : vector<1024x128xi32>
    %bitcast_convert_type3A_463 = tpu.bitcast %or3A_462 : vector<1024x128xi32> -> vector<1024x128xf32>
    %sub3A_464 = arith.constant 1.000000e+00 : f32
    %sub3A_465 = vector.broadcast %sub3A_464 : f32 to vector<1024x128xf32>
    %sub3A_466 = arith.subf %bitcast_convert_type3A_463, %sub3A_465 : vector<1024x128xf32>
    %mul3A_467 = arith.constant 1.000000e+00 : f32
    %mul3A_468 = vector.broadcast %mul3A_467 : f32 to vector<1024x128xf32>
    %mul3A_469 = arith.mulf %sub3A_466, %mul3A_468 : vector<1024x128xf32>
    %add3A_470 = arith.constant 1.000000e-10 : f32
    %add3A_471 = vector.broadcast %add3A_470 : f32 to vector<1024x128xf32>
    %add3A_472 = arith.addf %mul3A_469, %add3A_471 : vector<1024x128xf32>
    %max3A_473 = arith.constant 1.000000e-10 : f32
    %max3A_474 = vector.broadcast %max3A_473 : f32 to vector<1024x128xf32>
    %max3A_475 = arith.maximumf %max3A_474, %add3A_472 : vector<1024x128xf32>
    %log3A_476 = math.log %max3A_475 : vector<1024x128xf32>
    %neg3A_477 = arith.constant 0.000000e+00 : f32
    %neg3A_478 = vector.broadcast %neg3A_477 : f32 to vector<1024x128xf32>
    %neg3A_479 = arith.subf %neg3A_478, %log3A_476 : vector<1024x128xf32>
    %sub3A_480 = arith.constant 1.000000e+00 : f32
    %sub3A_481 = vector.broadcast %sub3A_480 : f32 to vector<1024x128xf32>
    %sub3A_482 = arith.subf %sub3A_481, %get3A_1 : vector<1024x128xf32>
    %mul3A_483 = arith.mulf %sub3A_482, %neg3A_237 : vector<1024x128xf32>
    %mul3A_484 = arith.mulf %get3A_1, %neg3A_479 : vector<1024x128xf32>
    %gt3A = arith.cmpf ogt, %mul3A_483, %mul3A_484 : vector<1024x128xf32>
    %convert_element_type3A = arith.extui %gt3A : vector<1024x128xi1> to vector<1024x128xi32>
    %convert_element_type3A_485 = arith.sitofp %convert_element_type3A : vector<1024x128xi32> to vector<1024x128xf32>
    %swap3A = arith.constant 0 : index
    %swap3A_486 = arith.constant 0 : index
    %swap3A_487 = vector.load %arg2[%swap3A, %swap3A_486] : memref<1024x128xf32, #tpu.memory_space<vmem>>, vector<1024x128xf32>
    tpu.vector_store %arg2[%swap3A, %swap3A_486], %convert_element_type3A_485 {strides = array<i32>} : memref<1024x128xf32, #tpu.memory_space<vmem>>, vector<1024x128xf32>,
    return
  }
  func.func @transform_0(%arg0: i32) -> (i32, i32) {
    %c0_i32 = arith.constant 0 : i32
    %c0_i32_0 = arith.constant 0 : i32
    return %arg0, %c0_i32 : i32, i32
  }
  func.func @transform_1(%arg0: i32) -> (i32, i32) {
    %c0_i32 = arith.constant 0 : i32
    %c0_i32_0 = arith.constant 0 : i32
    return %arg0, %c0_i32 : i32, i32
  }
}

</mosaic_0001>

<sc_bundles>
// kernel: kernel.4.cloned.1.call-start
scs
__scs_entry_jumppad:
0x0: {  	(pc) =	sbr.rel $0x88, $3  }
0x1: {  	(tag) =	ssettag $0x0;
	lr =	simm.s32 $0x1  }
0x2: {  	[smem:$0x3FA0] =	sst lr;
	_ =	strace $0xD0000000  }
0x3: {  	_ = 	snop  }
0x4: {  	_ = 	snop  }
0x5: {  	_ = 	snop  }
0x6: {  	_ = 	snop  }
0x7: {  	_ = 	snop  }
__scs_overlays_trampoline_lowered:
0x8: {  	[smem:$0x3FAF] =	sst s0  }
0x9: {  	[smem:$0x3FB0] =	sst s1  }
0xa: {  	[smem:$0x3FB1] =	sst s2  }
0xb: {  	[smem:$0x3FB2] =	sst s3  }
0xc: {  	[smem:$0x3FB3] =	sst s4  }
0xd: {  	[smem:$0x3FB4] =	sst s5  }
0xe: {  	[smem:$0x3FB5] =	sst s6  }
0xf: {  	[smem:$0x3FB6] =	sst s7  }
0x10: {  	[smem:$0x3FB7] =	sst s8  }
0x11: {  	[smem:$0x3FB8] =	sst s9;
	s0 =	simm.s32 @!p0 $0x0  }
0x12: {  	s1 =	sld [smem:$0x3F9E];
	s0 =	simm.s32 @p0 $0x1  }
0x13: {  	[smem:$0x3FB9] =	sst s0;
	s0 =	simm.s32 @!p1 $0x0  }
0x14: {  	s2 =	sld [smem:$0x3F9D];
	s0 =	simm.s32 @p1 $0x1  }
0x15: {  	[smem:$0x3FBA] =	sst s0;
	s0 =	simm.s32 @!p2 $0x0  }
0x16: {  	s3 =	sld [smem:$0x3FDB];
	s0 =	simm.s32 @p2 $0x1  }
0x17: {  	s4 =	simm.s32 $0x1BF5;
	[smem:$0x3FBC] =	sst s0  }
0x18: {  	s0 =	sld [smem:$0x3F9F];
	_ =	swait.ge [sflag:s4], $0x0  }
0x19: {  	s7 =	sld [smem:$0x3FA0]  }
0x1a: {  	s8 =	sadd.s32 $0xFFFFE003, lr  }
0x1b: {  	s9 =	sadd.s32 $0xFFFFFEF7, lr;
	s5 =	simm.s32 $0xFFFFFFFF;
	p2 =	slt.u32 s8, $0xFFFFF086  }
0x1c: {  	p1 =	slt.u32 s9, $0xF7A;
	s5 =	simm.s32 @!p2 $0x0  }
0x1d: {  	s5 =	simm.s32 @p1 $0x1;
	p0 =	seq.s32 s7, s2  }
0x1e: {  	s7 =	smul.u32 @!p0 $0xF7A, s2;
	p2 =	seq.s32 @!p0 s5, $0x0  }
0x1f: {  	s9 =	smul.u32 $0xF7A, s1;
	s8 =	simm.s32 @!p0 $0x1BF5;
	p2 =	por !p2, p0  }
0x20: {  	[sflag:s8] =	ssyncset.s32 @!p0 $0xFFFFF086;
	s6 =	sadd.s32 @!p0 s3, s7;
	s7 =	simm.s32 @!p0 $0x108  }
0x21: {  	s3 =	sadd.s32 s3, s9;
	s6 =	sadd.s32 @!p0 $0x88, s6;
	s7 =	simm.s32 @p2 $0x1082  }
0x22: {  	[simem:s7], [sflag:s8] =	dma.local @!p0 [hbm:s6], $0xF7A  }
0x23: {  	s9 =	sor.u32 $0xD0000000, s2;
	s6 =	simm.s32 $0x108;
	_ =	swait.ge @!p0 [sflag:s8], $0x0  }
0x24: {  	s3 =	sadd.s32 $0x88, s3;
	s6 =	simm.s32 @!p1 $0x1082;
	[sflag:s4] =	ssyncset.s32 $0xFFFFF086  }
0x25: {  	[simem:s6], [sflag:s4] =	dma.local [hbm:s3], $0xF7A  }
0x26: {  	[smem:$0x3FA0] =	sst s1;
	(tag) =	ssettag s2;
	_ =	strace s9  }
0x27: {  	s1 =	sld [smem:$0x3FB0]  }
0x28: {  	s2 =	sld [smem:$0x3FB1]  }
0x29: {  	s4 =	sld [smem:$0x3FB3]  }
0x2a: {  	p0 =	seq.s32 s5, $0x0;
	s5 =	sld [smem:$0x3FB4]  }
0x2b: {  	s6 =	sld [smem:$0x3FB5]  }
0x2c: {  	s7 =	sld [smem:$0x3FB6]  }
0x2d: {  	s3 =	simm.s32 $0x108;
	s8 =	sld [smem:$0x3FB7]  }
0x2e: {  	s3 =	simm.s32 @!p0 $0x1082;
	s9 =	sld [smem:$0x3FB8]  }
0x2f: {  	lr =	sadd.s32 s0, s3;
	s0 =	sld [smem:$0x3FAF]  }
0x30: {  	s3 =	sld [smem:$0x3FB2]  }
0x31: {  	[smem:$0x3FBB] =	sst s10  }
0x32: {  	s10 =	sld [smem:$0x3FB9];
	_ =	sdelay $0x3  }
0x33: {  	p0 =	seq.s32 s10, $0x1;
	s10 =	sld [smem:$0x3FBB];
	_ =	sdelay $0x3  }
0x34: {  	[smem:$0x3FBB] =	sst s10  }
0x35: {  	s10 =	sld [smem:$0x3FBA];
	_ =	sdelay $0x3  }
0x36: {  	p1 =	seq.s32 s10, $0x1;
	s10 =	sld [smem:$0x3FBB];
	_ =	sdelay $0x3  }
0x37: {  	[smem:$0x3FBB] =	sst s10  }
0x38: {  	s10 =	sld [smem:$0x3FBC]  }
0x39: {  	_ = 	snop;
	(pc) =	sbr.ind lr, $3  }
0x3a: {  	_ = 	snop  }
0x3b: {  	_ = 	snop  }
0x3c: {  	p2 =	seq.s32 s10, $0x1;
	s10 =	sld [smem:$0x3FBB]  }
0x3d: {  	_ =	shalt  }
0x3e: {  	_ =	shalt  }
0x3f: {  	_ =	shalt  }
0x40: {  	_ =	shalt  }
0x41: {  	_ =	shalt  }
0x42: {  	_ =	shalt  }
0x43: {  	_ =	shalt  }
0x44: {  	_ =	shalt  }
0x45: {  	_ =	shalt  }
0x46: {  	_ =	shalt  }
0x47: {  	_ =	shalt  }
0x48: {  	_ =	shalt  }
0x49: {  	_ =	shalt  }
0x4a: {  	_ =	shalt  }
0x4b: {  	_ =	shalt  }
0x4c: {  	_ =	shalt  }
0x4d: {  	_ =	shalt  }
0x4e: {  	_ =	shalt  }
0x4f: {  	_ =	shalt  }
0x50: {  	_ =	shalt  }
0x51: {  	_ =	shalt  }
0x52: {  	_ =	shalt  }
0x53: {  	_ =	shalt  }
0x54: {  	_ =	shalt  }
0x55: {  	_ =	shalt  }
0x56: {  	_ =	shalt  }
0x57: {  	_ =	shalt  }
0x58: {  	_ =	shalt  }
0x59: {  	_ =	shalt  }
0x5a: {  	_ =	shalt  }
0x5b: {  	_ =	shalt  }
0x5c: {  	_ =	shalt  }
0x5d: {  	_ =	shalt  }
0x5e: {  	_ =	shalt  }
0x5f: {  	_ =	shalt  }
0x60: {  	_ =	shalt  }
0x61: {  	_ =	shalt  }
0x62: {  	_ =	shalt  }
0x63: {  	_ =	shalt  }
0x64: {  	_ =	shalt  }
0x65: {  	_ =	shalt  }
0x66: {  	_ =	shalt  }
0x67: {  	_ =	shalt  }
0x68: {  	_ =	shalt  }
0x69: {  	_ =	shalt  }
0x6a: {  	_ =	shalt  }
0x6b: {  	_ =	shalt  }
0x6c: {  	_ =	shalt  }
0x6d: {  	_ =	shalt  }
0x6e: {  	_ =	shalt  }
0x6f: {  	_ =	shalt  }
0x70: {  	_ =	shalt  }
0x71: {  	_ =	shalt  }
0x72: {  	_ =	shalt  }
0x73: {  	_ =	shalt  }
0x74: {  	_ =	shalt  }
0x75: {  	_ =	shalt  }
0x76: {  	_ =	shalt  }
0x77: {  	_ =	shalt  }
0x78: {  	_ =	shalt  }
0x79: {  	_ =	shalt  }
0x7a: {  	_ =	shalt  }
0x7b: {  	_ =	shalt  }
0x7c: {  	_ =	shalt  }
0x7d: {  	_ =	shalt  }
0x7e: {  	_ =	shalt  }
0x7f: {  	_ =	shalt  }
0x80: {  	_ =	shalt  }
0x81: {  	_ =	shalt  }
0x82: {  	_ =	shalt  }
0x83: {  	_ =	shalt  }
0x84: {  	_ =	shalt  }
0x85: {  	_ =	shalt  }
0x86: {  	_ =	shalt  }
0x87: {  	_ =	shalt  }
.Lfunc_end0:
.L_simem_size_0:
called_computation_lowered:
.L_overlay_start_0:
0x88: {  	s2 =	sld [smem:$0x3FD9]  }
0x89: {  	s3 =	sld [smem:$0x3FFE];
	_ =	sdelay $0x1  }
0x8a: {  	s1 =	srdreg.scid  }
0x8b: {  	s0 =	sand.u32 $0x1, s1  }
0x8c: {  	s17 =	sshll.u32 s0, $0xA;
	s2 =	sadd.s32 s3, s2  }
0x8d: {  	s2 =	sadd.s32 s2, s17  }
0x8e: {  	[smem:$0x3FC7] =	sst s2  }
0x8f: {  	_ = 	snop  }
0x90: {  	s2 =	sld [smem:$0x3FC9];
	(tm) =	ssettm $0x1  }
0x91: {  	s18 =	sld [smem:$0x3FFB];
	_ =	sdelay $0x3  }
0x92: {  	_ =	strace s18  }
0x93: {  	s3 =	sld [smem:$0x3FFC];
	_ =	sdelay $0x3  }
0x94: {  	_ =	strace s3  }
0x95: {  	s3 =	sld [smem:$0x3FFD];
	_ =	sdelay $0x3  }
0x96: {  	_ =	strace s3  }
0x97: {  	_ =	strace $0x8FFFFFFF  }
0x98: {  	s19 =	sld [smem:$0x3FDB];
	_ =	sdelay $0x1  }
0x99: {  	s4 =	simm.s32 $_scs_section_size  }
0x9a: {  	s5 =	simm.s32 $_size__tile_overlayer_lowered;
	s6 =	simm.s32 $_tile_overlayer_lowered  }
0x9b: {  	s22 =	simm.s32 $0x1BFF;
	s21 =	sshll.u32 s6, $0x1;
	s3 =	sadd.s32 s4, s19  }
0x9c: {  	s7 =	simm.s32 $0x0;
	s20 =	sshll.u32 s5, $0x1;
	s5 =	sadd.s32 s21, s3  }
0x9d: {  	[timem:s7], [sflag:s22] =	dma.local [hbm:s5], s20  }
0x9e: {  	_ =	swait.ge [sflag:s22], s20  }
0x9f: {  	s4 =	ssub.s32 $0x0, s20;
	[sflag:s22] =	ssyncset.done $0x0  }
0xa0: {  	[sflag:s22] =	ssyncadd.s32 s4;
	_ =	sdelay $0x1  }
0xa1: {  	s23 =	simm.s32 $0x1B8B  }
0xa2: {  	_ =	swait.ge [sflag:s23], $0x1  }
0xa3: {  	[sflag:s23] =	ssyncset.done $0x0  }
0xa4: {  	s25 =	simm.s32 $0x1B8E;
	s24 =	sld [smem:$0x3FFE];
	[sflag:s23] =	ssyncadd.s32 $0xFFFFFFFF  }
0xa5: {  	s26 =	simm.s32 $execute0_lowered;
	[smem:$0x3FD2] =	sst s25  }
0xa6: {  	s5 =	sshll.u32 s26, $0x1;
	_ =	strace $0x80000046;
	[dreg:$0x1] =	wrdreg $0xFFFFFFFF  }
0xa7: {  	s28 =	simm.s32 $_size_execute0_lowered;
	s3 =	sadd.s32 s3, s5;
	[dreg:$0x0] =	wrdreg $0x0  }
0xa8: {  	s5 =	sshll.u32 s28, $0x1;
	[dreg:$0x2] =	wrdreg s3  }
0xa9: {  	[dreg:$0x3] =	wrdreg s5  }
0xaa: {  	[dreg:$0x4] =	wrdreg $0xC0  }
0xab: {  	_ =	task [dreg:s7], $0x5FFFF  }
0xac: {  	[dreg:$0x1] =	wrdreg $0xFFFFFFFF  }
0xad: {  	[dreg:$0x0] =	wrdreg $0x60  }
0xae: {  	[dreg:$0x2] =	wrdreg s2  }
0xaf: {  	[dreg:$0x3] =	wrdreg s24  }
0xb0: {  	[dreg:$0x4] =	wrdreg $0x9  }
0xb1: {  	_ =	task.clear_ibuf [dreg:s7], $0x5FFFF;
	_ =	strace $0x90000046  }
0xb2: {  	s29 =	simm.s32 $0x9;
	_ =	strace $0x80000048  }
0xb3: {  	_ =	swait.ge [sflag:s29], $0x1  }
0xb4: {  	[sflag:s29] =	ssyncadd.s32 $0xFFFFFFFF  }
0xb5: {  	_ =	strace $0x90000048  }
0xb6: {  	_ =	sfence  }
0xb7: {  	s30 =	sld [smem:$0x0];
	_ =	sdelay $0x2  }
0xb8: {  	s31 =	sshll.u32 s1, $0xD;
	s1 =	sshrl.u32 s1, $0x2  }
0xb9: {  	s3 =	sand.u32 $0x4000, s31;
	s1 =	sadd.s32 s1, s30  }
0xba: {  	s0 =	sor.u32 s3, s0;
	s1 =	sshll.u32 s1, $0x11  }
0xbb: {  	s0 =	sor.u32 s1, s0  }
0xbc: {  	s0 =	sadd.s32 $0x8F2B, s0  }
0xbd: {  	[sflag:s0] =	ssyncadd.remote.s32 $0x1  }
0xbe: {  	_ =	sfence.sel $0xFFFF  }
0xbf: {  	[dreg:$0x0] =	wrdreg $0xFFFFFFFF;
	(pc) =	sbr.abs _section_cstart, $3  }
0xc0: {  	[dreg:$0x1] =	wrdreg $0xFFFFFFFF  }
0xc1: {  	_ =	task.clear_ibuf [dreg:s7], $0x2FFFF;
	_ =	strace $0x9FFFFFFF  }
0xc2: {  	(tm) =	ssettm $0x7FFFFFFF  }
0xc3: {  	_ =	shalt  }
tec
execute0_lowered:
.L_overlay_start_1:
0x0: {  	(tag) =	ssettag $0x1  }
0x1: {  	s1 =	rddreg [dreg:$0x0]  }
0x2: {  	s4 =	rddreg [dreg:$0x1]  }
0x3: {  	s0 =	rddreg [dreg:$0x2];
	s3 =	simm.s32 $0x0;
	s5 =	srdreg.scid  }
0x4: {  	s2 =	stileid.u32;
	[smem:$0x7FF] =	sst s3;
	s5 =	sand.u32 $0x1, s5  }
0x5: {  	s7 =	smul.u32 $0x21000, s2;
	s9 =	sshll.u32 s2, $0x1;
	s4 =	sadd.s32 $0x400, s4  }
0x6: {  	_ =	strace $0x80000047;
	s6 =	ssub.s32 $0x2, s5;
	s10 =	smul.u32 $0x10800, s5  }
0x7: {  	v4 =	vlaneseq.u32;
	s5 =	sor.u32 s5, s9;
	s9 =	simm.s32 $0x2100;
	s8 =	sshrl.u32 s6, $0x1  }
0x8: {  	v2 =	vimm.f32 $0.0e+00;
	v0 =	vadd.s32 $0xC1E35159, v4;
	s5 =	smul.u32 $0x10800, s5;
	s6 =	ssub.s32 s6, s8;
	s7 =	sadd.s32 s10, s7  }
0x9: {  	v1 =	vadd.s32 $0xF8025859, v4;
	v3 =	vadd.s32 $0xC27BE7D9, v4;
	v4 =	vadd.s32 $0xF89AEED9, v4;
	s8 =	simm.s32 $0x1;
	s10 =	simm.s32 $0x0;
	s6 =	smax.u32 s6, $0x1  }
.LBB2_1:
0xa: {  	s11 =	smov.u32 s7;
	s12 =	simm.s32 $0x0  }
.LBB2_2:
0xb: {  	s13 =	smul.u32 $0x2100, s12;
	_ =	sdelay $0x1  }
0xc: {  	s13 =	sadd.s32 s5, s13  }
0xd: {  	s13 =	sshrl.u32 s13, $0x3  }
0xe: {  	s14 =	sadd.s32 s1, s13  }
0xf: {  	s15 =	sadd.s32 $0xEF2D0, s14;
	s14 =	simm.s32 $0x0  }
0x10: {  	[tilespmem:s14], [sflag:$0x1] =	stream.linear.gather [hbm4b:s15+s14], $0x2100, $0x38;
	[tilespmem:$0x4200] =	vst v63  }
0x11: {  	_ =	swait.ge [sflag:s8], $0x2100  }
0x12: {  	[sflag:s8] =	ssyncset.done $0x0  }
0x13: {  	s16 =	simm.s32 $0x2140;
	s15 =	simm.s32 $0x40;
	[sflag:s8] =	ssyncadd.s32 $0xFFFFDF00  }
.LBB2_3:
0x14: {  	s17 =	sadd.s32 s14, s11  }
0x15: {  	s18 =	sadd.s32 $0x779680, s17  }
0x16: {  	v5 =	vadd.s32 s18, v0  }
0x17: {  	v6 =	vshrl.u32 v5, $0x13;
	v5 =	vshll.u32 v5, $0xD  }
0x18: {  	v7 =	vadd.s32 s18, v1;
	v5 =	vor.u32 v6, v5  }
0x19: {  	v5 =	vxor.u32 v7, v5  }
0x1a: {  	v6 =	vshrl.u32 v5, $0x11;
	v8 =	vshll.u32 v5, $0xF  }
0x1b: {  	v5 =	vadd.s32 v7, v5;
	v6 =	vor.u32 v6, v8  }
0x1c: {  	v6 =	vxor.u32 v6, v5  }
0x1d: {  	v7 =	vshrl.u32 v6, $0x6;
	v41 =	vshll.u32 v6, $0x1A  }
0x1e: {  	v5 =	vadd.s32 v5, v6;
	v6 =	vor.u32 v7, v41  }
0x1f: {  	v6 =	vxor.u32 v6, v5  }
0x20: {  	v7 =	vshrl.u32 v6, $0x1A;
	v42 =	vshll.u32 v6, $0x6  }
0x21: {  	v5 =	vadd.s32 v5, v6;
	v6 =	vor.u32 v7, v42  }
0x22: {  	v6 =	vxor.u32 v6, v5  }
0x23: {  	v6 =	vadd.s32 $0xEC2D4D84, v6  }
0x24: {  	v5 =	vadd.s32 v6, v5;
	v7 =	vshrl.u32 v6, $0xF;
	v6 =	vshll.u32 v6, $0x11  }
0x25: {  	v5 =	vadd.s32 $0xC1E35159, v5;
	v6 =	vor.u32 v7, v6  }
0x26: {  	v6 =	vxor.u32 v6, v5  }
0x27: {  	v7 =	vshrl.u32 v6, $0x3;
	v43 =	vshll.u32 v6, $0x1D  }
0x28: {  	v5 =	vadd.s32 v5, v6;
	v6 =	vor.u32 v7, v43  }
0x29: {  	v6 =	vxor.u32 v6, v5  }
0x2a: {  	v7 =	vshrl.u32 v6, $0x10;
	v44 =	vshll.u32 v6, $0x10  }
0x2b: {  	v5 =	vadd.s32 v5, v6;
	v6 =	vor.u32 v7, v44  }
0x2c: {  	v6 =	vxor.u32 v6, v5  }
0x2d: {  	v7 =	vshrl.u32 v6, $0x8;
	v45 =	vshll.u32 v6, $0x18  }
0x2e: {  	v5 =	vadd.s32 v5, v6;
	v6 =	vor.u32 v7, v45  }
0x2f: {  	v6 =	vxor.u32 v6, v5  }
0x30: {  	v6 =	vadd.s32 $0x361F0702, v6  }
0x31: {  	v5 =	vadd.s32 v6, v5;
	v7 =	vshrl.u32 v6, $0x13;
	v6 =	vshll.u32 v6, $0xD  }
0x32: {  	v5 =	vadd.s32 $0xEC2D4D83, v5;
	v6 =	vor.u32 v7, v6  }
0x33: {  	v6 =	vxor.u32 v6, v5  }
0x34: {  	v7 =	vshrl.u32 v6, $0x11;
	v46 =	vshll.u32 v6, $0xF  }
0x35: {  	v5 =	vadd.s32 v5, v6;
	v6 =	vor.u32 v7, v46  }
0x36: {  	v6 =	vxor.u32 v6, v5  }
0x37: {  	v7 =	vshrl.u32 v6, $0x6;
	v47 =	vshll.u32 v6, $0x1A  }
0x38: {  	v5 =	vadd.s32 v5, v6;
	v6 =	vor.u32 v7, v47  }
0x39: {  	v6 =	vxor.u32 v6, v5  }
0x3a: {  	v7 =	vshrl.u32 v6, $0x1A;
	v48 =	vshll.u32 v6, $0x6  }
0x3b: {  	v5 =	vadd.s32 v5, v6;
	v6 =	vor.u32 v7, v48  }
0x3c: {  	v6 =	vxor.u32 v6, v5  }
0x3d: {  	v6 =	vadd.s32 $0xC1E3515C, v6  }
0x3e: {  	v5 =	vadd.s32 v6, v5;
	v7 =	vshrl.u32 v6, $0xF;
	v6 =	vshll.u32 v6, $0x11  }
0x3f: {  	v5 =	vadd.s32 $0x361F0700, v5;
	v6 =	vor.u32 v7, v6  }
0x40: {  	v6 =	vxor.u32 v6, v5  }
0x41: {  	v7 =	vshrl.u32 v6, $0x3;
	v49 =	vshll.u32 v6, $0x1D  }
0x42: {  	v50 =	vadd.s32 s18, v3;
	v5 =	vadd.s32 v5, v6;
	v6 =	vor.u32 v7, v49  }
0x43: {  	v9 =	vshrl.u32 v50, $0x13;
	v8 =	vshll.u32 v50, $0xD;
	v6 =	vxor.u32 v6, v5  }
0x44: {  	v5 =	vadd.s32 v5, v6;
	v7 =	vshrl.u32 v6, $0x10;
	v6 =	vshll.u32 v6, $0x10  }
0x45: {  	v8 =	vor.u32 v9, v8;
	v6 =	vor.u32 v7, v6;
	v7 =	vadd.s32 s18, v4  }
0x46: {  	v6 =	vxor.u32 v6, v5;
	v8 =	vxor.u32 v7, v8  }
0x47: {  	v51 =	vshrl.u32 v6, $0x8;
	v10 =	vshrl.u32 v8, $0x11;
	v11 =	vshll.u32 v8, $0xF  }
0x48: {  	v12 =	vshll.u32 v6, $0x18;
	v7 =	vadd.s32 v7, v8;
	v52 =	vor.u32 v10, v11  }
0x49: {  	v5 =	vadd.s32 v5, v6;
	v6 =	vor.u32 v51, v12;
	v8 =	vxor.u32 v52, v7  }
0x4a: {  	v6 =	vxor.u32 v6, v5;
	v53 =	vshrl.u32 v8, $0x6;
	v54 =	vshll.u32 v8, $0x1A  }
0x4b: {  	v6 =	vadd.s32 $0xEC2D4D87, v6;
	v7 =	vadd.s32 v7, v8;
	v55 =	vor.u32 v53, v54  }
0x4c: {  	v5 =	vadd.s32 v6, v5;
	v8 =	vxor.u32 v55, v7  }
0x4d: {  	v56 =	vshrl.u32 v6, $0x13;
	v57 =	vshrl.u32 v8, $0x1A;
	v58 =	vshll.u32 v8, $0x6  }
0x4e: {  	v6 =	vshll.u32 v6, $0xD;
	v7 =	vadd.s32 v7, v8;
	v59 =	vor.u32 v57, v58  }
0x4f: {  	s25 =	sadd.s32 $0x779690, s17;
	v5 =	vadd.s32 $0xC1E35159, v5;
	v6 =	vor.u32 v56, v6;
	v8 =	vxor.u32 v59, v7  }
0x50: {  	v38 =	vadd.s32 s25, v0;
	v6 =	vxor.u32 v6, v5;
	v8 =	vadd.s32 $0xEC2D4D84, v8  }
0x51: {  	v7 =	vadd.s32 v8, v7;
	v60 =	vshrl.u32 v8, $0xF;
	v8 =	vshll.u32 v8, $0x11  }
0x52: {  	v5 =	vadd.s32 v5, v6;
	v7 =	vadd.s32 $0xC1E35159, v7;
	v8 =	vor.u32 v60, v8  }
0x53: {  	v61 =	vshrl.u32 v6, $0x11;
	v6 =	vshll.u32 v6, $0xF;
	v8 =	vxor.u32 v8, v7  }
0x54: {  	v6 =	vor.u32 v61, v6;
	v62 =	vshrl.u32 v8, $0x3;
	v63 =	vshll.u32 v8, $0x1D  }
0x55: {  	v6 =	vxor.u32 v6, v5;
	v7 =	vadd.s32 v7, v8;
	v12 =	vor.u32 v62, v63  }
0x56: {  	v5 =	vadd.s32 v5, v6;
	v13 =	vshrl.u32 v6, $0x6;
	v8 =	vxor.u32 v12, v7  }
0x57: {  	v6 =	vshll.u32 v6, $0x1A;
	v14 =	vshrl.u32 v8, $0x10;
	v15 =	vshll.u32 v8, $0x10  }
0x58: {  	v6 =	vor.u32 v13, v6;
	v7 =	vadd.s32 v7, v8;
	v16 =	vor.u32 v14, v15  }
0x59: {  	v40 =	vadd.s32 s25, v1;
	v6 =	vxor.u32 v6, v5;
	v8 =	vxor.u32 v16, v7  }
0x5a: {  	v17 =	vshrl.u32 v6, $0x1A;
	v18 =	vshrl.u32 v8, $0x8;
	v19 =	vshll.u32 v8, $0x18  }
0x5b: {  	v20 =	vshll.u32 v6, $0x6;
	v7 =	vadd.s32 v7, v8;
	v21 =	vor.u32 v18, v19  }
0x5c: {  	v5 =	vadd.s32 v5, v6;
	v6 =	vor.u32 v17, v20;
	v8 =	vxor.u32 v21, v7  }
0x5d: {  	v6 =	vxor.u32 v6, v5;
	v5 =	vadd.s32 $0xEC2D4D83, v5;
	v8 =	vadd.s32 $0x361F0702, v8  }
0x5e: {  	v7 =	vadd.s32 v8, v7;
	v22 =	vshrl.u32 v8, $0x13;
	v8 =	vshll.u32 v8, $0xD  }
0x5f: {  	v6 =	vadd.s32 $0x361F0705, v6;
	v7 =	vadd.s32 $0xEC2D4D83, v7;
	v8 =	vor.u32 v22, v8  }
0x60: {  	v39 =	vshrl.u32 v38, $0x13;
	v5 =	vxor.u32 v5, v6;
	v6 =	vxor.u32 v8, v7  }
0x61: {  	v5 =	vshrl.u32 v5, $0x9;
	v8 =	vshrl.u32 v6, $0x11;
	v23 =	vshll.u32 v6, $0xF  }
0x62: {  	v5 =	vor.u32 $0x3F800000, v5;
	v6 =	vadd.s32 v7, v6;
	v7 =	vor.u32 v8, v23  }
0x63: {  	v10 =	vshll.u32 v38, $0xD;
	v5 =	vadd.f32 $-1.000000000e+00, v5;
	v7 =	vxor.u32 v7, v6  }
0x64: {  	v10 =	vor.u32 v39, v10;
	v24 =	vshrl.u32 v7, $0x6;
	v25 =	vshll.u32 v7, $0x1A  }
0x65: {  	v5 =	vadd.f32 $1.000000010e-10, v5;
	v6 =	vadd.s32 v6, v7;
	v7 =	vor.u32 v24, v25  }
0x66: {  	v10 =	vxor.u32 v40, v10;
	v7 =	vxor.u32 v7, v6  }
0x67: {  	v26 =	vmax.f32 v5, $1.000000010e-10;
	v5 =	vshrl.u32 v7, $0x1A;
	v27 =	vshll.u32 v7, $0x6  }
0x68: {  	v28 =	vand.u32 $0x7FFFFF, v26;
	v6 =	vadd.s32 v6, v7;
	v5 =	vor.u32 v5, v27  }
0x69: {  	v42 =	vshrl.u32 v10, $0x11;
	v7 =	vor.u32 $0x3F800000, v28;
	v5 =	vxor.u32 v5, v6  }
0x6a: {  	v13 =	vshll.u32 v10, $0xF;
	v7 =	vadd.f32 $-1.000000000e+00, v7;
	v5 =	vadd.s32 $0xC1E3515C, v5  }
0x6b: {  	v6 =	vadd.s32 v5, v6;
	v29 =	vshrl.u32 v5, $0xF;
	v5 =	vshll.u32 v5, $0x11  }
0x6c: {  	v10 =	vadd.s32 v40, v10;
	v6 =	vadd.s32 $0x361F0700, v6;
	v5 =	vor.u32 v29, v5  }
0x6d: {  	v11 =	vor.u32 v42, v13;
	v30 =	vmul.f32 $4.582080520e-03, v7;
	v5 =	vxor.u32 v5, v6  }
0x6e: {  	v11 =	vxor.u32 v11, v10;
	v31 =	vshrl.u32 v5, $0x3;
	v32 =	vshll.u32 v5, $0x1D  }
0x6f: {  	v9 =	vsub.f32 $2.819391340e-02, v30;
	v5 =	vadd.s32 v6, v5;
	v6 =	vor.u32 v31, v32  }
0x70: {  	v44 =	vshrl.u32 v11, $0x6;
	v10 =	vadd.s32 v10, v11;
	v6 =	vxor.u32 v6, v5  }
0x71: {  	v9 =	vmul.f32 v9, v7;
	v33 =	vshrl.u32 v6, $0x10;
	v34 =	vshll.u32 v6, $0x10  }
0x72: {  	v14 =	vshll.u32 v11, $0x1A;
	v5 =	vadd.s32 v5, v6;
	v6 =	vor.u32 v33, v34  }
0x73: {  	v45 =	vor.u32 v44, v14;
	v9 =	vadd.f32 $-8.132992680e-02, v9;
	v6 =	vxor.u32 v6, v5  }
0x74: {  	v11 =	vxor.u32 v45, v10;
	v35 =	vshrl.u32 v6, $0x8;
	v36 =	vshll.u32 v6, $0x18  }
0x75: {  	v9 =	vmul.f32 v9, v7;
	v5 =	vadd.s32 v5, v6;
	v6 =	vor.u32 v35, v36  }
0x76: {  	v47 =	vshrl.u32 v11, $0x1A;
	v48 =	vshll.u32 v11, $0x6;
	v6 =	vxor.u32 v6, v5  }
0x77: {  	v10 =	vadd.s32 v10, v11;
	v9 =	vadd.f32 $1.521123350e-01, v9;
	v6 =	vadd.s32 $0xEC2D4D87, v6  }
0x78: {  	v5 =	vadd.s32 v6, v5;
	v37 =	vshrl.u32 v6, $0x13;
	v6 =	vshll.u32 v6, $0xD  }
0x79: {  	v49 =	vor.u32 v47, v48;
	v5 =	vadd.s32 $0xC1E35159, v5;
	v6 =	vor.u32 v37, v6  }
0x7a: {  	v11 =	vxor.u32 v49, v10;
	v9 =	vmul.f32 v9, v7;
	v6 =	vxor.u32 v6, v5  }
0x7b: {  	v5 =	vadd.s32 v5, v6;
	v41 =	vshrl.u32 v6, $0x11;
	v6 =	vshll.u32 v6, $0xF  }
0x7c: {  	v11 =	vadd.s32 $0xEC2D4D84, v11;
	v6 =	vor.u32 v41, v6  }
0x7d: {  	v10 =	vadd.s32 v11, v10;
	v9 =	vadd.f32 $-2.202947290e-01, v9;
	v6 =	vxor.u32 v6, v5  }
0x7e: {  	v5 =	vadd.s32 v5, v6;
	v43 =	vshrl.u32 v6, $0x6;
	v6 =	vshll.u32 v6, $0x1A  }
0x7f: {  	v50 =	vshrl.u32 v11, $0xF;
	v9 =	vmul.f32 v9, v7;
	v6 =	vor.u32 v43, v6  }
0x80: {  	v11 =	vshll.u32 v11, $0x11;
	v10 =	vadd.s32 $0xC1E35159, v10;
	v6 =	vxor.u32 v6, v5  }
0x81: {  	v9 =	vadd.f32 $2.836810650e-01, v9;
	v46 =	vshrl.u32 v6, $0x1A;
	v15 =	vshll.u32 v6, $0x6  }
0x82: {  	v11 =	vor.u32 v50, v11;
	v5 =	vadd.s32 v5, v6;
	v6 =	vor.u32 v46, v15  }
0x83: {  	v8 =	vshrl.u32 v26, $0x17;
	v9 =	vmul.f32 v9, v7;
	v6 =	vxor.u32 v6, v5  }
0x84: {  	v8 =	vadd.s32 $0xFFFFFF81, v8;
	v5 =	vadd.s32 $0xEC2D4D83, v5;
	v6 =	vadd.s32 $0x361F0705, v6  }
0x85: {  	v9 =	vadd.f32 $-3.599757250e-01, v9;
	v5 =	vxor.u32 v5, v6;
	v6 =	vxor.u32 v11, v10  }
0x86: {  	v5 =	vshrl.u32 v5, $0x9;
	v11 =	vshrl.u32 v6, $0x3;
	v51 =	vshll.u32 v6, $0x1D  }
0x87: {  	v6 =	vadd.s32 v10, v6;
	v5 =	vor.u32 $0x3F800000, v5;
	v52 =	vor.u32 v11, v51  }
0x88: {  	v8 =	vcvt.s32.f32 v8;
	v5 =	vadd.f32 $-1.000000000e+00, v5;
	v10 =	vxor.u32 v52, v6  }
0x89: {  	v9 =	vmul.f32 v9, v7;
	v53 =	vshrl.u32 v10, $0x10;
	v54 =	vshll.u32 v10, $0x10  }
0x8a: {  	v6 =	vadd.s32 v6, v10;
	v5 =	vadd.f32 $1.000000010e-10, v5;
	v55 =	vor.u32 v53, v54  }
0x8b: {  	v29 =	vadd.s32 s25, v3;
	v9 =	vadd.f32 $4.808460770e-01, v9;
	v10 =	vxor.u32 v55, v6  }
0x8c: {  	v5 =	vmax.f32 v5, $1.000000010e-10;
	v56 =	vshrl.u32 v10, $0x8;
	v57 =	vshll.u32 v10, $0x18  }
0x8d: {  	v10 =	vadd.s32 v6, v10;
	v58 =	vand.u32 $0x7FFFFF, v5;
	v6 =	vor.u32 v56, v57  }
0x8e: {  	v30 =	vshrl.u32 v29, $0x13;
	v59 =	vor.u32 $0x3F800000, v58;
	v12 =	vxor.u32 v6, v10  }
0x8f: {  	v9 =	vmul.f32 v9, v7;
	v6 =	vadd.f32 $-1.000000000e+00, v59;
	v60 =	vadd.s32 $0x361F0702, v12  }
0x90: {  	v10 =	vadd.s32 v60, v10;
	v12 =	vshrl.u32 v60, $0x13;
	v11 =	vshll.u32 v60, $0xD  }
0x91: {  	v9 =	vadd.f32 $-7.213459610e-01, v9;
	v10 =	vadd.s32 $0xEC2D4D83, v10;
	v11 =	vor.u32 v12, v11  }
0x92: {  	v13 =	vshll.u32 v29, $0xD;
	v61 =	vmul.f32 $4.582080520e-03, v6;
	v11 =	vxor.u32 v11, v10  }
0x93: {  	v9 =	vmul.f32 v9, v7;
	v62 =	vshrl.u32 v11, $0x11;
	v63 =	vshll.u32 v11, $0xF  }
0x94: {  	v12 =	vsub.f32 $2.819391340e-02, v61;
	v10 =	vadd.s32 v10, v11;
	v16 =	vor.u32 v62, v63  }
0x95: {  	v13 =	vor.u32 v30, v13;
	v9 =	vadd.f32 $1.442695020e+00, v9;
	v11 =	vxor.u32 v16, v10  }
0x96: {  	v12 =	vmul.f32 v12, v6;
	v17 =	vshrl.u32 v11, $0x6;
	v18 =	vshll.u32 v11, $0x1A  }
0x97: {  	v7 =	vmul.f32 v9, v7;
	v10 =	vadd.s32 v10, v11;
	v19 =	vor.u32 v17, v18  }
0x98: {  	v31 =	vadd.s32 s25, v4;
	v12 =	vadd.f32 $-8.132992680e-02, v12;
	v11 =	vxor.u32 v19, v10  }
0x99: {  	v8 =	vadd.f32 v8, v7;
	v20 =	vshrl.u32 v11, $0x1A;
	v21 =	vshll.u32 v11, $0x6  }
0x9a: {  	v12 =	vmul.f32 v12, v6;
	v10 =	vadd.s32 v10, v11;
	v22 =	vor.u32 v20, v21  }
0x9b: {  	v13 =	vxor.u32 v31, v13;
	v8 =	vmul.f32 $6.931471820e-01, v8;
	v11 =	vxor.u32 v22, v10  }
0x9c: {  	v33 =	vshrl.u32 v13, $0x11;
	v12 =	vadd.f32 $1.521123350e-01, v12;
	v11 =	vadd.s32 $0xC1E3515C, v11  }
0x9d: {  	v5 =	vshrl.u32 v5, $0x17;
	v8 =	vsub.f32 $0.0e+00, v8;
	v10 =	vadd.s32 v11, v10  }
0x9e: {  	v23 =	vshrl.u32 v11, $0xF;
	v11 =	vshll.u32 v11, $0x11;
	v12 =	vmul.f32 v12, v6  }
0x9f: {  	v16 =	vshll.u32 v13, $0xF;
	v10 =	vadd.s32 $0x361F0700, v10;
	v11 =	vor.u32 v23, v11  }
0xa0: {  	v34 =	vor.u32 v33, v16;
	v11 =	vxor.u32 v11, v10;
	v12 =	vadd.f32 $-2.202947290e-01, v12  }
0xa1: {  	v24 =	vshrl.u32 v11, $0x3;
	v25 =	vshll.u32 v11, $0x1D;
	v10 =	vadd.s32 v10, v11  }
0xa2: {  	v26 =	vor.u32 v24, v25;
	v27 =	vmul.f32 v12, v6;
	v12 =	vadd.s32 v31, v13  }
0xa3: {  	s26 =	sadd.s32 $0x7796A0, s17;
	v21 =	vadd.s32 $0xFFFFFF81, v5;
	v11 =	vxor.u32 v26, v10;
	v13 =	vxor.u32 v34, v12  }
0xa4: {  	v34 =	vadd.s32 s26, v0;
	v10 =	vadd.s32 v10, v11;
	v28 =	vshrl.u32 v11, $0x10  }
0xa5: {  	v11 =	vshll.u32 v11, $0x10;
	v9 =	vadd.f32 $2.836810650e-01, v27;
	v36 =	vshrl.u32 v13, $0x6  }
0xa6: {  	v37 =	vshll.u32 v13, $0x1A;
	v12 =	vadd.s32 v12, v13;
	v11 =	vor.u32 v28, v11  }
0xa7: {  	v38 =	vor.u32 v36, v37;
	v11 =	vxor.u32 v11, v10;
	v9 =	vmul.f32 v9, v6  }
0xa8: {  	v13 =	vxor.u32 v38, v12;
	v32 =	vshrl.u32 v11, $0x8;
	v17 =	vshll.u32 v11, $0x18  }
0xa9: {  	v10 =	vadd.s32 v10, v11;
	v40 =	vshrl.u32 v13, $0x1A;
	v41 =	vshll.u32 v13, $0x6  }
0xaa: {  	v12 =	vadd.s32 v12, v13;
	v35 =	vor.u32 v32, v17;
	v42 =	vor.u32 v40, v41  }
0xab: {  	v9 =	vadd.f32 $-3.599757250e-01, v9;
	v11 =	vxor.u32 v35, v10;
	v13 =	vxor.u32 v42, v12  }
0xac: {  	v36 =	vadd.s32 s26, v1;
	v11 =	vadd.s32 $0xEC2D4D87, v11;
	v13 =	vadd.s32 $0xEC2D4D84, v13  }
0xad: {  	v9 =	vmul.f32 v9, v6;
	v10 =	vadd.s32 v11, v10;
	v39 =	vshrl.u32 v11, $0x13  }
0xae: {  	v11 =	vshll.u32 v11, $0xD;
	v12 =	vadd.s32 v13, v12;
	v43 =	vshrl.u32 v13, $0xF  }
0xaf: {  	v13 =	vshll.u32 v13, $0x11;
	v10 =	vadd.s32 $0xC1E35159, v10;
	v11 =	vor.u32 v39, v11  }
0xb0: {  	v12 =	vadd.s32 $0xC1E35159, v12;
	v13 =	vor.u32 v43, v13;
	v11 =	vxor.u32 v11, v10  }
0xb1: {  	v9 =	vadd.f32 $4.808460770e-01, v9;
	v13 =	vxor.u32 v13, v12;
	v10 =	vadd.s32 v10, v11  }
0xb2: {  	v44 =	vshrl.u32 v11, $0x11;
	v11 =	vshll.u32 v11, $0xF;
	v45 =	vshrl.u32 v13, $0x3  }
0xb3: {  	v46 =	vshll.u32 v13, $0x1D;
	v12 =	vadd.s32 v12, v13;
	v11 =	vor.u32 v44, v11  }
0xb4: {  	v9 =	vmul.f32 v9, v6;
	v47 =	vor.u32 v45, v46;
	v11 =	vxor.u32 v11, v10  }
0xb5: {  	v13 =	vxor.u32 v47, v12;
	v10 =	vadd.s32 v10, v11;
	v48 =	vshrl.u32 v11, $0x6  }
0xb6: {  	v11 =	vshll.u32 v11, $0x1A;
	v49 =	vshrl.u32 v13, $0x10;
	v50 =	vshll.u32 v13, $0x10  }
0xb7: {  	v12 =	vadd.s32 v12, v13;
	v11 =	vor.u32 v48, v11;
	v51 =	vor.u32 v49, v50  }
0xb8: {  	v35 =	vshrl.u32 v34, $0x13;
	v11 =	vxor.u32 v11, v10;
	v13 =	vxor.u32 v51, v12  }
0xb9: {  	v9 =	vadd.f32 $-7.213459610e-01, v9;
	v52 =	vshrl.u32 v11, $0x1A;
	v53 =	vshrl.u32 v13, $0x8  }
0xba: {  	v54 =	vshll.u32 v13, $0x18;
	v55 =	vshll.u32 v11, $0x6;
	v12 =	vadd.s32 v12, v13  }
0xbb: {  	v10 =	vadd.s32 v10, v11;
	v56 =	vor.u32 v53, v54;
	v57 =	vor.u32 v52, v55  }
0xbc: {  	v9 =	vmul.f32 v9, v6;
	v13 =	vxor.u32 v56, v12;
	v11 =	vxor.u32 v57, v10  }
0xbd: {  	v10 =	vadd.s32 $0xEC2D4D83, v10;
	v13 =	vadd.s32 $0x361F0702, v13;
	v11 =	vadd.s32 $0x361F0705, v11  }
0xbe: {  	v12 =	vadd.s32 v13, v12;
	v58 =	vshrl.u32 v13, $0x13;
	v13 =	vshll.u32 v13, $0xD  }
0xbf: {  	v10 =	vxor.u32 v10, v11;
	v12 =	vadd.s32 $0xEC2D4D83, v12;
	v13 =	vor.u32 v58, v13  }
0xc0: {  	v9 =	vadd.f32 $1.442695020e+00, v9;
	v55 =	vld [tilespmem:s15+$0xFFFFFFC0];
	v10 =	vshrl.u32 v10, $0x9;
	v59 =	vxor.u32 v13, v12  }
0xc1: {  	v10 =	vor.u32 $0x3F800000, v10;
	v13 =	vshrl.u32 v59, $0x11;
	v60 =	vshll.u32 v59, $0xF  }
0xc2: {  	v11 =	vadd.s32 v12, v59;
	v7 =	vadd.f32 $-1.000000000e+00, v10;
	v61 =	vor.u32 v13, v60  }
0xc3: {  	v6 =	vmul.f32 v9, v6;
	v13 =	vshll.u32 v34, $0xD;
	v62 =	vxor.u32 v61, v11  }
0xc4: {  	v7 =	vadd.f32 $1.000000010e-10, v7;
	v12 =	vshrl.u32 v62, $0x6;
	v63 =	vshll.u32 v62, $0x1A  }
0xc5: {  	v61 =	vsub.f32 $1.000000000e+00, v55;
	v10 =	vadd.s32 v11, v62;
	v16 =	vor.u32 v12, v63  }
0xc6: {  	v7 =	vmax.f32 v7, $1.000000010e-10;
	v12 =	vcvt.s32.f32 v21;
	v11 =	vxor.u32 v16, v10  }
0xc7: {  	v19 =	vand.u32 $0x7FFFFF, v7;
	v7 =	vshrl.u32 v7, $0x17;
	v17 =	vshrl.u32 v11, $0x1A  }
0xc8: {  	v18 =	vshll.u32 v11, $0x6;
	v10 =	vadd.s32 v10, v11;
	v5 =	vor.u32 $0x3F800000, v19  }
0xc9: {  	v6 =	vadd.f32 v12, v6;
	v12 =	vor.u32 v35, v13;
	v7 =	vadd.s32 $0xFFFFFF81, v7  }
0xca: {  	v20 =	vor.u32 v17, v18;
	v5 =	vadd.f32 $-1.000000000e+00, v5;
	v12 =	vxor.u32 v36, v12  }
0xcb: {  	v11 =	vxor.u32 v20, v10;
	v6 =	vmul.f32 $6.931471820e-01, v6;
	v37 =	vshrl.u32 v12, $0x11  }
0xcc: {  	v38 =	vshll.u32 v12, $0xF;
	v12 =	vadd.s32 v36, v12;
	v11 =	vadd.s32 $0xC1E3515C, v11  }
0xcd: {  	v23 =	vmul.f32 $4.582080520e-03, v5;
	v13 =	vor.u32 v37, v38;
	v10 =	vadd.s32 v11, v10  }
0xce: {  	v22 =	vshrl.u32 v11, $0xF;
	v11 =	vshll.u32 v11, $0x11;
	v13 =	vxor.u32 v13, v12  }
0xcf: {  	v6 =	vsub.f32 $0.0e+00, v6;
	v10 =	vadd.s32 $0x361F0700, v10;
	v11 =	vor.u32 v22, v11  }
0xd0: {  	v24 =	vsub.f32 $2.819391340e-02, v23;
	v40 =	vshrl.u32 v13, $0x6;
	v41 =	vshll.u32 v13, $0x1A  }
0xd1: {  	v12 =	vadd.s32 v12, v13;
	v11 =	vxor.u32 v11, v10;
	v42 =	vor.u32 v40, v41  }
0xd2: {  	v6 =	vmul.f32 v55, v6;
	v25 =	vshrl.u32 v11, $0x3;
	v26 =	vshll.u32 v11, $0x1D  }
0xd3: {  	v27 =	vadd.s32 v10, v11;
	v29 =	vmul.f32 v24, v5;
	v13 =	vxor.u32 v42, v12  }
0xd4: {  	v28 =	vor.u32 v25, v26;
	v44 =	vshrl.u32 v13, $0x1A;
	v45 =	vshll.u32 v13, $0x6  }
0xd5: {  	v12 =	vadd.s32 v12, v13;
	v10 =	vxor.u32 v28, v27;
	v11 =	vadd.f32 $-8.132992680e-02, v29  }
0xd6: {  	v46 =	vor.u32 v44, v45;
	v30 =	vshrl.u32 v10, $0x10;
	v31 =	vshll.u32 v10, $0x10  }
0xd7: {  	v9 =	vadd.s32 v27, v10;
	v13 =	vxor.u32 v46, v12;
	v32 =	vor.u32 v30, v31  }
0xd8: {  	v11 =	vmul.f32 v11, v5;
	v13 =	vadd.s32 $0xEC2D4D84, v13;
	v10 =	vxor.u32 v32, v9  }
0xd9: {  	v9 =	vadd.s32 v9, v10;
	v33 =	vshrl.u32 v10, $0x8;
	v10 =	vshll.u32 v10, $0x18  }
0xda: {  	v12 =	vadd.s32 v13, v12;
	v48 =	vshrl.u32 v13, $0xF;
	v10 =	vor.u32 v33, v10  }
0xdb: {  	v13 =	vshll.u32 v13, $0x11;
	v11 =	vadd.f32 $1.521123350e-01, v11;
	v10 =	vxor.u32 v10, v9  }
0xdc: {  	v12 =	vadd.s32 $0xC1E35159, v12;
	v13 =	vor.u32 v48, v13;
	v10 =	vadd.s32 $0xEC2D4D87, v10  }
0xdd: {  	v9 =	vadd.s32 v10, v9;
	v39 =	vshrl.u32 v10, $0x13;
	v10 =	vshll.u32 v10, $0xD  }
0xde: {  	v13 =	vxor.u32 v13, v12;
	v9 =	vadd.s32 $0xC1E35159, v9;
	v10 =	vor.u32 v39, v10  }
0xdf: {  	v51 =	vshrl.u32 v13, $0x3;
	v52 =	vshll.u32 v13, $0x1D;
	v10 =	vxor.u32 v10, v9  }
0xe0: {  	v9 =	vadd.s32 v9, v10;
	v43 =	vshrl.u32 v10, $0x11;
	v10 =	vshll.u32 v10, $0xF  }
0xe1: {  	v12 =	vadd.s32 v12, v13;
	v53 =	vor.u32 v51, v52;
	v10 =	vor.u32 v43, v10  }
0xe2: {  	v11 =	vmul.f32 v11, v5;
	v13 =	vxor.u32 v53, v12;
	v10 =	vxor.u32 v10, v9  }
0xe3: {  	v56 =	vshrl.u32 v13, $0x10;
	v47 =	vshrl.u32 v10, $0x6;
	v49 =	vshll.u32 v10, $0x1A  }
0xe4: {  	v57 =	vshll.u32 v13, $0x10;
	v9 =	vadd.s32 v9, v10;
	v50 =	vor.u32 v47, v49  }
0xe5: {  	v12 =	vadd.s32 v12, v13;
	v58 =	vor.u32 v56, v57;
	v10 =	vxor.u32 v50, v9  }
0xe6: {  	v9 =	vadd.s32 v9, v10;
	v54 =	vshrl.u32 v10, $0x1A;
	v10 =	vshll.u32 v10, $0x6  }
0xe7: {  	v45 =	vadd.s32 s26, v3;
	v13 =	vxor.u32 v58, v12;
	v10 =	vor.u32 v54, v10  }
0xe8: {  	v11 =	vadd.f32 $-2.202947290e-01, v11;
	v59 =	vshrl.u32 v13, $0x8;
	v10 =	vxor.u32 v10, v9  }
0xe9: {  	v60 =	vshll.u32 v13, $0x18;
	v9 =	vadd.s32 $0xEC2D4D83, v9;
	v10 =	vadd.s32 $0x361F0705, v10  }
0xea: {  	v12 =	vadd.s32 v12, v13;
	v9 =	vxor.u32 v9, v10;
	v10 =	vor.u32 v59, v60  }
0xeb: {  	v63 =	vmul.f32 v11, v5;
	v9 =	vshrl.u32 v9, $0x9;
	v10 =	vxor.u32 v10, v12  }
0xec: {  	v13 =	vmul.f32 v61, v8;
	v9 =	vor.u32 $0x3F800000, v9;
	v10 =	vadd.s32 $0x361F0702, v10  }
0xed: {  	v12 =	vadd.s32 v10, v12;
	v62 =	vshrl.u32 v10, $0x13;
	v10 =	vshll.u32 v10, $0xD  }
0xee: {  	v9 =	vadd.f32 $-1.000000000e+00, v9;
	v12 =	vadd.s32 $0xEC2D4D83, v12;
	v10 =	vor.u32 v62, v10  }
0xef: {  	v46 =	vshrl.u32 v45, $0x13;
	v24 =	vadd.f32 $2.836810650e-01, v63;
	v20 =	vxor.u32 v10, v12  }
0xf0: {  	vm0 =	vgt.f32 v13, v6;
	v9 =	vadd.f32 $1.000000010e-10, v9;
	v21 =	vshrl.u32 v20, $0x11  }
0xf1: {  	v22 =	vshll.u32 v20, $0xF;
	v11 =	vadd.s32 v12, v20;
	v12 =	vmul.f32 v24, v5  }
0xf2: {  	v47 =	vadd.s32 s26, v4;
	v10 =	vmax.f32 v9, $1.000000010e-10;
	v9 =	vor.u32 v21, v22  }
0xf3: {  	v23 =	vand.u32 $0x7FFFFF, v10;
	v9 =	vxor.u32 v9, v11;
	v12 =	vadd.f32 $-3.599757250e-01, v12  }
0xf4: {  	v25 =	vor.u32 $0x3F800000, v23;
	v26 =	vshrl.u32 v9, $0x6;
	v27 =	vshll.u32 v9, $0x1A  }
0xf5: {  	v9 =	vadd.s32 v11, v9;
	v8 =	vadd.f32 $-1.000000000e+00, v25;
	v28 =	vor.u32 v26, v27  }
0xf6: {  	v10 =	vshrl.u32 v10, $0x17;
	v33 =	vmul.f32 v12, v5;
	v11 =	vxor.u32 v28, v9  }
0xf7: {  	v29 =	vmul.f32 $4.582080520e-03, v8;
	v30 =	vshrl.u32 v11, $0x1A;
	v31 =	vshll.u32 v11, $0x6  }
0xf8: {  	v9 =	vadd.s32 v9, v11;
	v11 =	vadd.f32 $4.808460770e-01, v33;
	v32 =	vor.u32 v30, v31  }
0xf9: {  	v10 =	vadd.s32 $0xFFFFFF81, v10;
	v14 =	vsub.f32 $2.819391340e-02, v29;
	v6 =	vxor.u32 v32, v9  }
0xfa: {  	v10 =	vcvt.s32.f32 v10;
	v11 =	vmul.f32 v11, v5;
	v6 =	vadd.s32 $0xC1E3515C, v6  }
0xfb: {  	v30 =	vcvt.s32.f32 v7;
	v34 =	vmul.f32 v14, v8;
	v9 =	vadd.s32 v6, v9  }
0xfc: {  	v35 =	vshrl.u32 v6, $0xF;
	v6 =	vshll.u32 v6, $0x11;
	v11 =	vadd.f32 $-7.213459610e-01, v11  }
0xfd: {  	v14 =	vshll.u32 v45, $0xD;
	v9 =	vadd.s32 $0x361F0700, v9;
	v13 =	vor.u32 v35, v6  }
0xfe: {  	v14 =	vor.u32 v46, v14;
	v12 =	vadd.f32 $-8.132992680e-02, v34;
	v13 =	vxor.u32 v13, v9  }
0xff: {  	v11 =	vmul.f32 v11, v5;
	v14 =	vxor.u32 v47, v14;
	v36 =	vshrl.u32 v13, $0x3  }
0x100: {  	v37 =	vshll.u32 v13, $0x1D;
	v9 =	vadd.s32 v9, v13;
	v49 =	vshrl.u32 v14, $0x11  }
0x101: {  	v18 =	vshll.u32 v14, $0xF;
	v14 =	vadd.s32 v47, v14;
	v12 =	vmul.f32 v12, v8  }
0x102: {  	v38 =	vor.u32 v36, v37;
	v50 =	vor.u32 v49, v18;
	v11 =	vadd.f32 $1.442695020e+00, v11  }
0x103: {  	v13 =	vxor.u32 v38, v9;
	v51 =	vxor.u32 v50, v14;
	v12 =	vadd.f32 $1.521123350e-01, v12  }
0x104: {  	v39 =	vshrl.u32 v13, $0x10;
	v40 =	vshll.u32 v13, $0x10;
	v9 =	vadd.s32 v9, v13  }
0x105: {  	v16 =	vshrl.u32 v51, $0x6;
	v52 =	vshll.u32 v51, $0x1A;
	v41 =	vor.u32 v39, v40  }
0x106: {  	v14 =	vadd.s32 v14, v51;
	v53 =	vor.u32 v16, v52;
	v13 =	vxor.u32 v41, v9  }
0x107: {  	v12 =	vmul.f32 v12, v8;
	v15 =	vxor.u32 v53, v14;
	v42 =	vshrl.u32 v13, $0x8  }
0x108: {  	v43 =	vshll.u32 v13, $0x18;
	v9 =	vadd.s32 v9, v13;
	v55 =	vshrl.u32 v15, $0x1A  }
0x109: {  	v56 =	vshll.u32 v15, $0x6;
	v14 =	vadd.s32 v14, v15;
	v44 =	vor.u32 v42, v43  }
0x10a: {  	v12 =	vadd.f32 $-2.202947290e-01, v12;
	v57 =	vor.u32 v55, v56;
	v13 =	vxor.u32 v44, v9  }
0x10b: {  	v5 =	vmul.f32 v11, v5;
	v15 =	vxor.u32 v57, v14;
	v13 =	vadd.s32 $0xEC2D4D87, v13  }
0x10c: {  	v12 =	vmul.f32 v12, v8;
	v15 =	vadd.s32 $0xEC2D4D84, v15;
	v9 =	vadd.s32 v13, v9  }
0x10d: {  	v48 =	vshrl.u32 v13, $0x13;
	v13 =	vshll.u32 v13, $0xD;
	v14 =	vadd.s32 v15, v14  }
0x10e: {  	v61 =	vshrl.u32 v15, $0xF;
	v15 =	vshll.u32 v15, $0x11;
	v9 =	vadd.s32 $0xC1E35159, v9  }
0x10f: {  	v13 =	vor.u32 v48, v13;
	v14 =	vadd.s32 $0xC1E35159, v14;
	v15 =	vor.u32 v61, v15  }
0x110: {  	v12 =	vadd.f32 $2.836810650e-01, v12;
	v13 =	vxor.u32 v13, v9;
	v15 =	vxor.u32 v15, v14  }
0x111: {  	v9 =	vadd.s32 v9, v13;
	v54 =	vshrl.u32 v13, $0x11;
	v13 =	vshll.u32 v13, $0xF  }
0x112: {  	v63 =	vshrl.u32 v15, $0x3;
	v21 =	vshll.u32 v15, $0x1D;
	v12 =	vmul.f32 v12, v8  }
0x113: {  	v14 =	vadd.s32 v14, v15;
	v13 =	vor.u32 v54, v13;
	v22 =	vor.u32 v63, v21  }
0x114: {  	v13 =	vxor.u32 v13, v9;
	v15 =	vxor.u32 v22, v14;
	v12 =	vadd.f32 $-3.599757250e-01, v12  }
0x115: {  	v58 =	vshrl.u32 v13, $0x6;
	v59 =	vshll.u32 v13, $0x1A;
	v9 =	vadd.s32 v9, v13  }
0x116: {  	v23 =	vshrl.u32 v15, $0x10;
	v24 =	vshll.u32 v15, $0x10;
	v60 =	vor.u32 v58, v59  }
0x117: {  	v25 =	vadd.s32 v14, v15;
	v26 =	vor.u32 v23, v24;
	v13 =	vxor.u32 v60, v9  }
0x118: {  	v9 =	vadd.s32 v9, v13;
	v62 =	vshrl.u32 v13, $0x1A;
	v13 =	vshll.u32 v13, $0x6  }
0x119: {  	v36 =	vmul.f32 v12, v8;
	v14 =	vxor.u32 v26, v25;
	v13 =	vor.u32 v62, v13  }
0x11a: {  	v27 =	vshrl.u32 v14, $0x8;
	v28 =	vshll.u32 v14, $0x18;
	v13 =	vxor.u32 v13, v9  }
0x11b: {  	v11 =	vadd.f32 $4.808460770e-01, v36;
	v9 =	vadd.s32 $0xEC2D4D83, v9;
	v13 =	vadd.s32 $0x361F0705, v13  }
0x11c: {  	v29 =	vor.u32 v27, v28;
	v9 =	vxor.u32 v9, v13;
	v13 =	vadd.s32 v25, v14  }
0x11d: {  	v6 =	vsel vm0, $0x3F800000, v2;
	v9 =	vshrl.u32 v9, $0x9;
	v7 =	vxor.u32 v29, v13  }
0x11e: {  	v11 =	vmul.f32 v11, v8;
	v9 =	vor.u32 $0x3F800000, v9;
	v7 =	vadd.s32 $0x361F0702, v7  }
0x11f: {  	v13 =	vadd.s32 v7, v13;
	v31 =	vshrl.u32 v7, $0x13;
	v7 =	vshll.u32 v7, $0xD  }
0x120: {  	v9 =	vadd.f32 $-1.000000000e+00, v9;
	v13 =	vadd.s32 $0xEC2D4D83, v13;
	v7 =	vor.u32 v31, v7  }
0x121: {  	v5 =	vadd.f32 v30, v5;
	v11 =	vadd.f32 $-7.213459610e-01, v11;
	v33 =	vxor.u32 v7, v13  }
0x122: {  	v9 =	vadd.f32 $1.000000010e-10, v9;
	v34 =	vshrl.u32 v33, $0x11;
	v35 =	vshll.u32 v33, $0xF  }
0x123: {  	v5 =	vmul.f32 $6.931471820e-01, v5;
	v13 =	vadd.s32 v13, v33;
	v14 =	vor.u32 v34, v35  }
0x124: {  	v11 =	vmul.f32 v11, v8;
	v9 =	vmax.f32 v9, $1.000000010e-10;
	v37 =	vxor.u32 v14, v13  }
0x125: {  	v32 =	vand.u32 $0x7FFFFF, v9;
	v39 =	vshrl.u32 v37, $0x6;
	v40 =	vshll.u32 v37, $0x1A  }
0x126: {  	s28 =	sadd.s32 $0x7796B0, s17;
	v7 =	vor.u32 $0x3F800000, v32;
	v12 =	vadd.s32 v13, v37;
	v41 =	vor.u32 v39, v40  }
0x127: {  	v56 =	vadd.s32 s28, v0;
	v7 =	vadd.f32 $-1.000000000e+00, v7;
	v13 =	vxor.u32 v41, v12  }
0x128: {  	v11 =	vadd.f32 $1.442695020e+00, v11;
	v42 =	vshrl.u32 v13, $0x1A;
	v43 =	vshll.u32 v13, $0x6  }
0x129: {  	v38 =	vmul.f32 $4.582080520e-03, v7;
	v12 =	vadd.s32 v12, v13;
	v44 =	vor.u32 v42, v43  }
0x12a: {  	v57 =	vshrl.u32 v56, $0x13;
	v5 =	vsub.f32 $0.0e+00, v5;
	v13 =	vxor.u32 v44, v12  }
0x12b: {  	v8 =	vmul.f32 v11, v8;
	v14 =	vsub.f32 $2.819391340e-02, v38;
	v13 =	vadd.s32 $0xC1E3515C, v13  }
0x12c: {  	v12 =	vadd.s32 v13, v12;
	v45 =	vshrl.u32 v13, $0xF;
	v13 =	vshll.u32 v13, $0x11  }
0x12d: {  	v14 =	vmul.f32 v14, v7;
	v12 =	vadd.s32 $0x361F0700, v12;
	v13 =	vor.u32 v45, v13  }
0x12e: {  	v58 =	vadd.s32 s28, v1;
	v8 =	vadd.f32 v10, v8;
	v13 =	vxor.u32 v13, v12  }
0x12f: {  	v14 =	vadd.f32 $-8.132992680e-02, v14;
	v46 =	vshrl.u32 v13, $0x3;
	v47 =	vshll.u32 v13, $0x1D  }
0x130: {  	v9 =	vshrl.u32 v9, $0x17;
	v12 =	vadd.s32 v12, v13;
	v48 =	vor.u32 v46, v47  }
0x131: {  	[tilespmem:s16+$0xFFFFFFC0] =	vst v6;
	v9 =	vadd.s32 $0xFFFFFF81, v9;
	v14 =	vmul.f32 v14, v7;
	v49 =	vxor.u32 v48, v12  }
0x132: {  	v6 =	vmul.f32 $6.931471820e-01, v8;
	v43 =	vld [tilespmem:s15+$0xFFFFFFD0];
	v51 =	vshrl.u32 v49, $0x10;
	v52 =	vshll.u32 v49, $0x10  }
0x133: {  	v14 =	vadd.f32 $1.521123350e-01, v14;
	v11 =	vadd.s32 v12, v49;
	v53 =	vor.u32 v51, v52  }
0x134: {  	v9 =	vcvt.s32.f32 v9;
	v45 =	vsub.f32 $0.0e+00, v6;
	v12 =	vxor.u32 v53, v11  }
0x135: {  	v50 =	vmul.f32 v14, v7;
	v14 =	vshll.u32 v56, $0xD;
	v11 =	vadd.s32 v11, v12  }
0x136: {  	v55 =	vshrl.u32 v12, $0x8;
	v12 =	vshll.u32 v12, $0x18;
	v14 =	vor.u32 v57, v14  }
0x137: {  	v48 =	vsub.f32 $1.000000000e+00, v43;
	v12 =	vor.u32 v55, v12;
	v14 =	vxor.u32 v58, v14  }
0x138: {  	v54 =	vadd.f32 $-2.202947290e-01, v50;
	v12 =	vxor.u32 v12, v11;
	v59 =	vshrl.u32 v14, $0x11  }
0x139: {  	v60 =	vshll.u32 v14, $0xF;
	v13 =	vadd.s32 v58, v14;
	v12 =	vadd.s32 $0xEC2D4D87, v12  }
0x13a: {  	v61 =	vor.u32 v59, v60;
	v11 =	vadd.s32 v12, v11;
	v62 =	vshrl.u32 v12, $0x13  }
0x13b: {  	v14 =	vxor.u32 v61, v13;
	v12 =	vshll.u32 v12, $0xD;
	v11 =	vadd.s32 $0xC1E35159, v11  }
0x13c: {  	v63 =	vshrl.u32 v14, $0x6;
	v20 =	vshll.u32 v14, $0x1A;
	v12 =	vor.u32 v62, v12  }
0x13d: {  	v13 =	vadd.s32 v13, v14;
	v21 =	vor.u32 v63, v20;
	v12 =	vxor.u32 v12, v11  }
0x13e: {  	v14 =	vxor.u32 v21, v13;
	v22 =	vshrl.u32 v12, $0x11;
	v25 =	vshll.u32 v12, $0xF  }
0x13f: {  	v11 =	vadd.s32 v11, v12;
	v23 =	vshrl.u32 v14, $0x1A;
	v24 =	vshll.u32 v14, $0x6  }
0x140: {  	v13 =	vadd.s32 v13, v14;
	v27 =	vor.u32 v22, v25;
	v26 =	vor.u32 v23, v24  }
0x141: {  	v10 =	vmul.f32 v54, v7;
	v12 =	vxor.u32 v27, v11;
	v14 =	vxor.u32 v26, v13  }
0x142: {  	v11 =	vadd.s32 v11, v12;
	v29 =	vshrl.u32 v12, $0x6;
	v14 =	vadd.s32 $0xEC2D4D84, v14  }
0x143: {  	v13 =	vadd.s32 v14, v13;
	v28 =	vshrl.u32 v14, $0xF;
	v14 =	vshll.u32 v14, $0x11  }
0x144: {  	v12 =	vshll.u32 v12, $0x1A;
	v13 =	vadd.s32 $0xC1E35159, v13;
	v14 =	vor.u32 v28, v14  }
0x145: {  	v10 =	vadd.f32 $2.836810650e-01, v10;
	v12 =	vor.u32 v29, v12;
	v14 =	vxor.u32 v14, v13  }
0x146: {  	v12 =	vxor.u32 v12, v11;
	v30 =	vshrl.u32 v14, $0x3;
	v31 =	vshll.u32 v14, $0x1D  }
0x147: {  	v11 =	vadd.s32 v11, v12;
	v13 =	vadd.s32 v13, v14;
	v32 =	vor.u32 v30, v31  }
0x148: {  	v33 =	vshrl.u32 v12, $0x1A;
	v12 =	vshll.u32 v12, $0x6;
	v14 =	vxor.u32 v32, v13  }
0x149: {  	v12 =	vor.u32 v33, v12;
	v34 =	vshrl.u32 v14, $0x10;
	v35 =	vshll.u32 v14, $0x10  }
0x14a: {  	v12 =	vxor.u32 v12, v11;
	v13 =	vadd.s32 v13, v14;
	v36 =	vor.u32 v34, v35  }
0x14b: {  	v11 =	vadd.s32 $0xEC2D4D83, v11;
	v12 =	vadd.s32 $0x361F0705, v12;
	v14 =	vxor.u32 v36, v13  }
0x14c: {  	v11 =	vxor.u32 v11, v12;
	v37 =	vshrl.u32 v14, $0x8;
	v38 =	vshll.u32 v14, $0x18  }
0x14d: {  	v41 =	vshrl.u32 v11, $0x9;
	v39 =	vadd.s32 v13, v14;
	v40 =	vor.u32 v37, v38  }
0x14e: {  	v10 =	vmul.f32 v10, v7;
	v8 =	vor.u32 $0x3F800000, v41;
	v42 =	vxor.u32 v40, v39  }
0x14f: {  	v25 =	vadd.s32 s28, v4;
	v8 =	vadd.f32 $-1.000000000e+00, v8;
	v11 =	vadd.s32 $0x361F0702, v42  }
0x150: {  	v12 =	vadd.s32 v11, v39;
	v44 =	vshrl.u32 v11, $0x13;
	v11 =	vshll.u32 v11, $0xD  }
0x151: {  	v10 =	vadd.f32 $-3.599757250e-01, v10;
	v12 =	vadd.s32 $0xEC2D4D83, v12;
	v11 =	vor.u32 v44, v11  }
0x152: {  	v23 =	vadd.s32 s28, v3;
	v8 =	vadd.f32 $1.000000010e-10, v8;
	v46 =	vxor.u32 v11, v12  }
0x153: {  	v6 =	vmul.f32 v10, v7;
	v11 =	vshrl.u32 v46, $0x11;
	v47 =	vshll.u32 v46, $0xF  }
0x154: {  	v8 =	vmax.f32 v8, $1.000000010e-10;
	v10 =	vadd.s32 v12, v46;
	v11 =	vor.u32 v11, v47  }
0x155: {  	v49 =	vadd.f32 $4.808460770e-01, v6;
	v50 =	vand.u32 $0x7FFFFF, v8;
	v6 =	vxor.u32 v11, v10  }
0x156: {  	v24 =	vshrl.u32 v23, $0x13;
	v11 =	vor.u32 $0x3F800000, v50;
	v51 =	vshrl.u32 v6, $0x6  }
0x157: {  	v52 =	vshll.u32 v6, $0x1A;
	v53 =	vadd.s32 v10, v6;
	v6 =	vadd.f32 $-1.000000000e+00, v11  }
0x158: {  	v8 =	vshrl.u32 v8, $0x17;
	v12 =	vmul.f32 v49, v7;
	v15 =	vor.u32 v51, v52  }
0x159: {  	v10 =	vmul.f32 v48, v5;
	v5 =	vxor.u32 v15, v53;
	v55 =	vmul.f32 $4.582080520e-03, v6  }
0x15a: {  	v12 =	vadd.f32 $-7.213459610e-01, v12;
	v54 =	vshrl.u32 v5, $0x1A;
	v15 =	vshll.u32 v5, $0x6  }
0x15b: {  	v5 =	vadd.s32 v53, v5;
	v15 =	vor.u32 v54, v15;
	v57 =	vsub.f32 $2.819391340e-02, v55  }
0x15c: {  	v8 =	vadd.s32 $0xFFFFFF81, v8;
	v11 =	vmul.f32 v43, v45;
	v56 =	vxor.u32 v15, v5  }
0x15d: {  	v12 =	vmul.f32 v12, v7;
	v13 =	vadd.s32 $0xC1E3515C, v56;
	v14 =	vmul.f32 v57, v6  }
0x15e: {  	v5 =	vadd.s32 v13, v5;
	v58 =	vshrl.u32 v13, $0xF;
	v13 =	vshll.u32 v13, $0x11  }
0x15f: {  	v12 =	vadd.f32 $1.442695020e+00, v12;
	v5 =	vadd.s32 $0x361F0700, v5;
	v13 =	vor.u32 v58, v13  }
0x160: {  	v8 =	vcvt.s32.f32 v8;
	v14 =	vadd.f32 $-8.132992680e-02, v14;
	v13 =	vxor.u32 v13, v5  }
0x161: {  	vm9 =	vgt.f32 v10, v11;
	v7 =	vmul.f32 v12, v7;
	v59 =	vshrl.u32 v13, $0x3  }
0x162: {  	v60 =	vshll.u32 v13, $0x1D;
	v63 =	vmul.f32 v14, v6;
	v14 =	vshll.u32 v23, $0xD  }
0x163: {  	v5 =	vadd.s32 v5, v13;
	v61 =	vor.u32 v59, v60;
	v14 =	vor.u32 v24, v14  }
0x164: {  	v9 =	vadd.f32 v9, v7;
	v62 =	vxor.u32 v61, v5;
	v14 =	vxor.u32 v25, v14  }
0x165: {  	v13 =	vadd.f32 $1.521123350e-01, v63;
	v20 =	vshrl.u32 v62, $0x10;
	v21 =	vshll.u32 v62, $0x10  }
0x166: {  	v5 =	vadd.s32 v5, v62;
	v27 =	vshrl.u32 v14, $0x11;
	v28 =	vshll.u32 v14, $0xF  }
0x167: {  	v14 =	vadd.s32 v25, v14;
	v22 =	vor.u32 v20, v21;
	v15 =	vor.u32 v27, v28  }
0x168: {  	v13 =	vmul.f32 v13, v6;
	v12 =	vxor.u32 v22, v5;
	v15 =	vxor.u32 v15, v14  }
0x169: {  	v5 =	vadd.s32 v5, v12;
	v26 =	vshrl.u32 v12, $0x8;
	v12 =	vshll.u32 v12, $0x18  }
0x16a: {  	v29 =	vshrl.u32 v15, $0x6;
	v30 =	vshll.u32 v15, $0x1A;
	v13 =	vadd.f32 $-2.202947290e-01, v13  }
0x16b: {  	v14 =	vadd.s32 v14, v15;
	v12 =	vor.u32 v26, v12;
	v31 =	vor.u32 v29, v30  }
0x16c: {  	v12 =	vxor.u32 v12, v5;
	v15 =	vxor.u32 v31, v14;
	v13 =	vmul.f32 v13, v6  }
0x16d: {  	v12 =	vadd.s32 $0xEC2D4D87, v12;
	v33 =	vshrl.u32 v15, $0x1A;
	v34 =	vshll.u32 v15, $0x6  }
0x16e: {  	v14 =	vadd.s32 v14, v15;
	v5 =	vadd.s32 v12, v5;
	v32 =	vshrl.u32 v12, $0x13  }
0x16f: {  	v12 =	vshll.u32 v12, $0xD;
	v35 =	vor.u32 v33, v34;
	v13 =	vadd.f32 $2.836810650e-01, v13  }
0x170: {  	v5 =	vadd.s32 $0xC1E35159, v5;
	v12 =	vor.u32 v32, v12;
	v15 =	vxor.u32 v35, v14  }
0x171: {  	v12 =	vxor.u32 v12, v5;
	v15 =	vadd.s32 $0xEC2D4D84, v15;
	v13 =	vmul.f32 v13, v6  }
0x172: {  	v5 =	vadd.s32 v5, v12;
	v36 =	vshrl.u32 v12, $0x11;
	v12 =	vshll.u32 v12, $0xF  }
0x173: {  	v14 =	vadd.s32 v15, v14;
	v37 =	vshrl.u32 v15, $0xF;
	v15 =	vshll.u32 v15, $0x11  }
0x174: {  	v12 =	vor.u32 v36, v12;
	v14 =	vadd.s32 $0xC1E35159, v14;
	v15 =	vor.u32 v37, v15  }
0x175: {  	v13 =	vadd.f32 $-3.599757250e-01, v13;
	v12 =	vxor.u32 v12, v5;
	v15 =	vxor.u32 v15, v14  }
0x176: {  	v38 =	vshrl.u32 v12, $0x6;
	v39 =	vshrl.u32 v15, $0x3;
	v40 =	vshll.u32 v15, $0x1D  }
0x177: {  	v19 =	vshll.u32 v12, $0x1A;
	v14 =	vadd.s32 v14, v15;
	v41 =	vor.u32 v39, v40  }
0x178: {  	v5 =	vadd.s32 v5, v12;
	v42 =	vor.u32 v38, v19;
	v15 =	vxor.u32 v41, v14  }
0x179: {  	v12 =	vxor.u32 v42, v5;
	v43 =	vshrl.u32 v15, $0x10;
	v44 =	vshll.u32 v15, $0x10  }
0x17a: {  	v5 =	vadd.s32 v5, v12;
	v14 =	vadd.s32 v14, v15;
	v45 =	vor.u32 v43, v44  }
0x17b: {  	v46 =	vshrl.u32 v12, $0x1A;
	v12 =	vshll.u32 v12, $0x6;
	v15 =	vxor.u32 v45, v14  }
0x17c: {  	v12 =	vor.u32 v46, v12;
	v47 =	vshrl.u32 v15, $0x8;
	v48 =	vshll.u32 v15, $0x18  }
0x17d: {  	v12 =	vxor.u32 v12, v5;
	v14 =	vadd.s32 v14, v15;
	v49 =	vor.u32 v47, v48  }
0x17e: {  	v5 =	vadd.s32 $0xEC2D4D83, v5;
	v12 =	vadd.s32 $0x361F0705, v12;
	v15 =	vxor.u32 v49, v14  }
0x17f: {  	v13 =	vmul.f32 v13, v6;
	v5 =	vxor.u32 v5, v12;
	v50 =	vadd.s32 $0x361F0702, v15  }
0x180: {  	v14 =	vadd.s32 v50, v14;
	v15 =	vshrl.u32 v50, $0x13;
	v12 =	vshll.u32 v50, $0xD  }
0x181: {  	v5 =	vshrl.u32 v5, $0x9;
	v14 =	vadd.s32 $0xEC2D4D83, v14;
	v12 =	vor.u32 v15, v12  }
0x182: {  	v60 =	vadd.f32 $4.808460770e-01, v13;
	v5 =	vor.u32 $0x3F800000, v5;
	v12 =	vxor.u32 v12, v14  }
0x183: {  	v5 =	vadd.f32 $-1.000000000e+00, v5;
	v51 =	vshrl.u32 v12, $0x11;
	v52 =	vshll.u32 v12, $0xF  }
0x184: {  	v11 =	vmul.f32 v60, v6;
	v12 =	vadd.s32 v14, v12;
	v53 =	vor.u32 v51, v52  }
0x185: {  	v9 =	vmul.f32 $6.931471820e-01, v9;
	v5 =	vadd.f32 $1.000000010e-10, v5;
	v14 =	vxor.u32 v53, v12  }
0x186: {  	v11 =	vadd.f32 $-7.213459610e-01, v11;
	v54 =	vshrl.u32 v14, $0x6;
	v55 =	vshll.u32 v14, $0x1A  }
0x187: {  	v7 =	vmax.f32 v5, $1.000000010e-10;
	v12 =	vadd.s32 v12, v14;
	v5 =	vor.u32 v54, v55  }
0x188: {  	v11 =	vmul.f32 v11, v6;
	v56 =	vand.u32 $0x7FFFFF, v7;
	v15 =	vxor.u32 v5, v12  }
0x189: {  	v5 =	vor.u32 $0x3F800000, v56;
	v57 =	vshrl.u32 v15, $0x1A;
	v58 =	vshll.u32 v15, $0x6  }
0x18a: {  	v5 =	vadd.f32 $-1.000000000e+00, v5;
	v12 =	vadd.s32 v12, v15;
	v14 =	vor.u32 v57, v58  }
0x18b: {  	v9 =	vsub.f32 $0.0e+00, v9;
	v25 =	vsel vm9, $0x3F800000, v2;
	v59 =	vxor.u32 v14, v12  }
0x18c: {  	v11 =	vadd.f32 $1.442695020e+00, v11;
	v61 =	vmul.f32 $4.582080520e-03, v5;
	v10 =	vadd.s32 $0xC1E3515C, v59  }
0x18d: {  	v12 =	vadd.s32 v10, v12;
	v62 =	vshrl.u32 v10, $0xF;
	v10 =	vshll.u32 v10, $0x11  }
0x18e: {  	s29 =	sadd.s32 $0x7796C0, s17;
	v13 =	vsub.f32 $2.819391340e-02, v61;
	v12 =	vadd.s32 $0x361F0700, v12;
	v10 =	vor.u32 v62, v10  }
0x18f: {  	v28 =	vadd.s32 s29, v0;
	v6 =	vmul.f32 v11, v6;
	v10 =	vxor.u32 v10, v12  }
0x190: {  	v13 =	vmul.f32 v13, v5;
	v63 =	vshrl.u32 v10, $0x3;
	v18 =	vshll.u32 v10, $0x1D  }
0x191: {  	[tilespmem:s16+$0xFFFFFFD0] =	vst v25;
	v6 =	vadd.f32 v8, v6;
	v10 =	vadd.s32 v12, v10;
	v19 =	vor.u32 v63, v18  }
0x192: {  	v29 =	vshrl.u32 v28, $0x13;
	v49 =	vld [tilespmem:s15+$0xFFFFFFE0];
	v13 =	vadd.f32 $-8.132992680e-02, v13;
	v12 =	vxor.u32 v19, v10  }
0x193: {  	v6 =	vmul.f32 $6.931471820e-01, v6;
	v20 =	vshrl.u32 v12, $0x10;
	v21 =	vshll.u32 v12, $0x10  }
0x194: {  	v10 =	vadd.s32 v10, v12;
	v13 =	vmul.f32 v13, v5;
	v22 =	vor.u32 v20, v21  }
0x195: {  	v30 =	vadd.s32 s29, v1;
	v53 =	vsub.f32 $0.0e+00, v6;
	v12 =	vxor.u32 v22, v10  }
0x196: {  	v13 =	vadd.f32 $1.521123350e-01, v13;
	v23 =	vshrl.u32 v12, $0x8;
	v24 =	vshll.u32 v12, $0x18  }
0x197: {  	v57 =	vsub.f32 $1.000000000e+00, v49;
	v10 =	vadd.s32 v10, v12;
	v11 =	vor.u32 v23, v24  }
0x198: {  	v26 =	vmul.f32 v13, v5;
	v13 =	vshll.u32 v28, $0xD;
	v11 =	vxor.u32 v11, v10  }
0x199: {  	v9 =	vmul.f32 v57, v9;
	v13 =	vor.u32 v29, v13;
	v11 =	vadd.s32 $0xEC2D4D87, v11  }
0x19a: {  	v13 =	vxor.u32 v30, v13;
	v8 =	vadd.f32 $-2.202947290e-01, v26;
	v10 =	vadd.s32 v11, v10  }
0x19b: {  	v27 =	vshrl.u32 v11, $0x13;
	v11 =	vshll.u32 v11, $0xD;
	v32 =	vshrl.u32 v13, $0x11  }
0x19c: {  	v33 =	vshll.u32 v13, $0xF;
	v10 =	vadd.s32 $0xC1E35159, v10;
	v11 =	vor.u32 v27, v11  }
0x19d: {  	v13 =	vadd.s32 v30, v13;
	v14 =	vor.u32 v32, v33;
	v11 =	vxor.u32 v11, v10  }
0x19e: {  	v8 =	vmul.f32 v8, v5;
	v14 =	vxor.u32 v14, v13;
	v10 =	vadd.s32 v10, v11  }
0x19f: {  	v31 =	vshrl.u32 v11, $0x11;
	v11 =	vshll.u32 v11, $0xF;
	v35 =	vshrl.u32 v14, $0x6  }
0x1a0: {  	v36 =	vshll.u32 v14, $0x1A;
	v13 =	vadd.s32 v13, v14;
	v8 =	vadd.f32 $2.836810650e-01, v8  }
0x1a1: {  	v11 =	vor.u32 v31, v11;
	v37 =	vor.u32 v35, v36;
	v31 =	vshrl.u32 v7, $0x17  }
0x1a2: {  	v35 =	vadd.s32 s29, v3;
	v11 =	vxor.u32 v11, v10;
	v14 =	vxor.u32 v37, v13  }
0x1a3: {  	v6 =	vmul.f32 v8, v5;
	v36 =	vshrl.u32 v35, $0x13;
	v15 =	vshll.u32 v35, $0xD  }
0x1a4: {  	v37 =	vadd.s32 s29, v4;
	v10 =	vadd.s32 v10, v11;
	v34 =	vshrl.u32 v11, $0x6  }
0x1a5: {  	v11 =	vshll.u32 v11, $0x1A;
	v39 =	vshrl.u32 v14, $0x1A;
	v40 =	vshll.u32 v14, $0x6  }
0x1a6: {  	v13 =	vadd.s32 v13, v14;
	v15 =	vor.u32 v36, v15;
	v11 =	vor.u32 v34, v11  }
0x1a7: {  	v42 =	vor.u32 v39, v40;
	v59 =	vadd.f32 $-3.599757250e-01, v6;
	v11 =	vxor.u32 v11, v10  }
0x1a8: {  	v14 =	vxor.u32 v42, v13;
	v38 =	vshrl.u32 v11, $0x1A;
	v41 =	vshll.u32 v11, $0x6  }
0x1a9: {  	v10 =	vadd.s32 v10, v11;
	v14 =	vadd.s32 $0xEC2D4D84, v14;
	v43 =	vor.u32 v38, v41  }
0x1aa: {  	v13 =	vadd.s32 v14, v13;
	v44 =	vshrl.u32 v14, $0xF;
	v14 =	vshll.u32 v14, $0x11  }
0x1ab: {  	v11 =	vxor.u32 v43, v10;
	v13 =	vadd.s32 $0xC1E35159, v13;
	v14 =	vor.u32 v44, v14  }
0x1ac: {  	v10 =	vadd.s32 $0xEC2D4D83, v10;
	v11 =	vadd.s32 $0x361F0705, v11;
	v45 =	vxor.u32 v14, v13  }
0x1ad: {  	v10 =	vxor.u32 v10, v11;
	v14 =	vshrl.u32 v45, $0x3;
	v46 =	vshll.u32 v45, $0x1D  }
0x1ae: {  	v11 =	vadd.s32 v13, v45;
	v10 =	vshrl.u32 v10, $0x9;
	v47 =	vor.u32 v14, v46  }
0x1af: {  	v15 =	vxor.u32 v37, v15;
	v10 =	vor.u32 $0x3F800000, v10;
	v48 =	vxor.u32 v47, v11  }
0x1b0: {  	v10 =	vadd.f32 $-1.000000000e+00, v10;
	v50 =	vshrl.u32 v48, $0x10;
	v51 =	vshll.u32 v48, $0x10  }
0x1b1: {  	v39 =	vshrl.u32 v15, $0x11;
	v11 =	vadd.s32 v11, v48;
	v52 =	vor.u32 v50, v51  }
0x1b2: {  	v40 =	vshll.u32 v15, $0xF;
	v10 =	vadd.f32 $1.000000010e-10, v10;
	v12 =	vxor.u32 v52, v11  }
0x1b3: {  	v62 =	vmul.f32 v59, v5;
	v13 =	vmul.f32 v49, v53;
	v54 =	vshrl.u32 v12, $0x8  }
0x1b4: {  	v55 =	vshll.u32 v12, $0x18;
	v11 =	vadd.s32 v11, v12;
	v8 =	vmax.f32 v10, $1.000000010e-10  }
0x1b5: {  	v12 =	vadd.f32 $4.808460770e-01, v62;
	v10 =	vor.u32 v54, v55;
	v56 =	vand.u32 $0x7FFFFF, v8  }
0x1b6: {  	vm10 =	vgt.f32 v9, v13;
	v10 =	vxor.u32 v10, v11;
	v58 =	vor.u32 $0x3F800000, v56  }
0x1b7: {  	v12 =	vmul.f32 v12, v5;
	v10 =	vadd.s32 $0x361F0702, v10;
	v6 =	vadd.f32 $-1.000000000e+00, v58  }
0x1b8: {  	v11 =	vadd.s32 v10, v11;
	v60 =	vshrl.u32 v10, $0x13;
	v10 =	vshll.u32 v10, $0xD  }
0x1b9: {  	v27 =	vadd.f32 $-7.213459610e-01, v12;
	v11 =	vadd.s32 $0xEC2D4D83, v11;
	v10 =	vor.u32 v60, v10  }
0x1ba: {  	v13 =	vadd.s32 $0xFFFFFF81, v31;
	v61 =	vmul.f32 $4.582080520e-03, v6;
	v10 =	vxor.u32 v10, v11  }
0x1bb: {  	v9 =	vmul.f32 v27, v5;
	v20 =	vshrl.u32 v10, $0x11;
	v21 =	vshll.u32 v10, $0xF  }
0x1bc: {  	v10 =	vadd.s32 v11, v10;
	v63 =	vsub.f32 $2.819391340e-02, v61;
	v22 =	vor.u32 v20, v21  }
0x1bd: {  	v13 =	vcvt.s32.f32 v13;
	v9 =	vadd.f32 $1.442695020e+00, v9;
	v11 =	vxor.u32 v22, v10  }
0x1be: {  	v23 =	vmul.f32 v63, v6;
	v24 =	vshrl.u32 v11, $0x6;
	v25 =	vshll.u32 v11, $0x1A  }
0x1bf: {  	v10 =	vadd.s32 v10, v11;
	v5 =	vmul.f32 v9, v5;
	v26 =	vor.u32 v24, v25  }
0x1c0: {  	v42 =	vor.u32 v39, v40;
	v14 =	vadd.f32 $-8.132992680e-02, v23;
	v11 =	vxor.u32 v26, v10  }
0x1c1: {  	v5 =	vadd.f32 v13, v5;
	v29 =	vshrl.u32 v11, $0x1A;
	v30 =	vshll.u32 v11, $0x6  }
0x1c2: {  	v10 =	vadd.s32 v10, v11;
	v28 =	vmul.f32 v14, v6;
	v7 =	vor.u32 v29, v30  }
0x1c3: {  	v14 =	vadd.s32 v37, v15;
	v5 =	vmul.f32 $6.931471820e-01, v5;
	v33 =	vxor.u32 v7, v10  }
0x1c4: {  	v7 =	vsel vm10, $0x3F800000, v2;
	v15 =	vxor.u32 v42, v14;
	v32 =	vadd.f32 $1.521123350e-01, v28  }
0x1c5: {  	v12 =	vadd.s32 $0xC1E3515C, v33;
	v44 =	vshrl.u32 v15, $0x6;
	v45 =	vshll.u32 v15, $0x1A  }
0x1c6: {  	v14 =	vadd.s32 v14, v15;
	v10 =	vadd.s32 v12, v10;
	v34 =	vshrl.u32 v12, $0xF  }
0x1c7: {  	v12 =	vshll.u32 v12, $0x11;
	v46 =	vor.u32 v44, v45;
	v11 =	vmul.f32 v32, v6  }
0x1c8: {  	v10 =	vadd.s32 $0x361F0700, v10;
	v12 =	vor.u32 v34, v12;
	v15 =	vxor.u32 v46, v14  }
0x1c9: {  	v12 =	vxor.u32 v12, v10;
	v48 =	vshrl.u32 v15, $0x1A;
	v49 =	vshll.u32 v15, $0x6  }
0x1ca: {  	v14 =	vadd.s32 v14, v15;
	v11 =	vadd.f32 $-2.202947290e-01, v11;
	v38 =	vshrl.u32 v12, $0x3  }
0x1cb: {  	v41 =	vshll.u32 v12, $0x1D;
	v10 =	vadd.s32 v10, v12;
	v50 =	vor.u32 v48, v49  }
0x1cc: {  	v48 =	vsub.f32 $0.0e+00, v5;
	v5 =	vshrl.u32 v8, $0x17;
	v43 =	vor.u32 v38, v41  }
0x1cd: {  	v15 =	vxor.u32 v50, v14;
	v5 =	vadd.s32 $0xFFFFFF81, v5;
	v12 =	vxor.u32 v43, v10  }
0x1ce: {  	v11 =	vmul.f32 v11, v6;
	v15 =	vadd.s32 $0xEC2D4D84, v15;
	v5 =	vcvt.s32.f32 v5  }
0x1cf: {  	v10 =	vadd.s32 v10, v12;
	v47 =	vshrl.u32 v12, $0x10;
	v12 =	vshll.u32 v12, $0x10  }
0x1d0: {  	v14 =	vadd.s32 v15, v14;
	v52 =	vshrl.u32 v15, $0xF;
	v15 =	vshll.u32 v15, $0x11  }
0x1d1: {  	v12 =	vor.u32 v47, v12;
	v14 =	vadd.s32 $0xC1E35159, v14;
	v15 =	vor.u32 v52, v15  }
0x1d2: {  	v11 =	vadd.f32 $2.836810650e-01, v11;
	v12 =	vxor.u32 v12, v10;
	v15 =	vxor.u32 v15, v14  }
0x1d3: {  	v10 =	vadd.s32 v10, v12;
	v51 =	vshrl.u32 v12, $0x8;
	v12 =	vshll.u32 v12, $0x18  }
0x1d4: {  	v53 =	vshrl.u32 v15, $0x3;
	v54 =	vshll.u32 v15, $0x1D;
	v11 =	vmul.f32 v11, v6  }
0x1d5: {  	v14 =	vadd.s32 v14, v15;
	v12 =	vor.u32 v51, v12;
	v55 =	vor.u32 v53, v54  }
0x1d6: {  	v12 =	vxor.u32 v12, v10;
	v15 =	vxor.u32 v55, v14;
	v11 =	vadd.f32 $-3.599757250e-01, v11  }
0x1d7: {  	v12 =	vadd.s32 $0xEC2D4D87, v12;
	v57 =	vshrl.u32 v15, $0x10;
	v58 =	vshll.u32 v15, $0x10  }
0x1d8: {  	v14 =	vadd.s32 v14, v15;
	v10 =	vadd.s32 v12, v10;
	v56 =	vshrl.u32 v12, $0x13  }
0x1d9: {  	s30 =	sadd.s32 $0x7796D0, s17;
	v12 =	vshll.u32 v12, $0xD;
	v59 =	vor.u32 v57, v58;
	v11 =	vmul.f32 v11, v6  }
0x1da: {  	v58 =	vadd.s32 s30, v1;
	v10 =	vadd.s32 $0xC1E35159, v10;
	v12 =	vor.u32 v56, v12  }
0x1db: {  	v15 =	vxor.u32 v59, v14;
	v56 =	vadd.s32 s30, v0;
	v12 =	vxor.u32 v12, v10  }
0x1dc: {  	v61 =	vshrl.u32 v15, $0x8;
	v62 =	vshll.u32 v15, $0x18;
	v14 =	vadd.s32 v14, v15  }
0x1dd: {  	v35 =	vadd.f32 $4.808460770e-01, v11;
	v57 =	vshrl.u32 v56, $0x13;
	v18 =	vor.u32 v61, v62  }
0x1de: {  	v60 =	vshrl.u32 v12, $0x11;
	v63 =	vshll.u32 v12, $0xF;
	v15 =	vxor.u32 v18, v14  }
0x1df: {  	v10 =	vadd.s32 v10, v12;
	v20 =	vor.u32 v60, v63;
	v15 =	vadd.s32 $0x361F0702, v15  }
0x1e0: {  	v12 =	vxor.u32 v20, v10;
	v14 =	vadd.s32 v15, v14;
	v21 =	vshrl.u32 v15, $0x13  }
0x1e1: {  	v15 =	vshll.u32 v15, $0xD;
	v10 =	vadd.s32 v10, v12;
	v22 =	vshrl.u32 v12, $0x6  }
0x1e2: {  	v12 =	vshll.u32 v12, $0x1A;
	v14 =	vadd.s32 $0xEC2D4D83, v14;
	v15 =	vor.u32 v21, v15  }
0x1e3: {  	v39 =	vmul.f32 v35, v6;
	v12 =	vor.u32 v22, v12;
	v15 =	vxor.u32 v15, v14  }
0x1e4: {  	v12 =	vxor.u32 v12, v10;
	v23 =	vshrl.u32 v15, $0x11;
	v24 =	vshll.u32 v15, $0xF  }
0x1e5: {  	v10 =	vadd.s32 v10, v12;
	v26 =	vshrl.u32 v12, $0x1A;
	v12 =	vshll.u32 v12, $0x6  }
0x1e6: {  	v14 =	vadd.s32 v14, v15;
	v25 =	vor.u32 v23, v24;
	v12 =	vor.u32 v26, v12  }
0x1e7: {  	v15 =	vxor.u32 v25, v14;
	v12 =	vxor.u32 v12, v10;
	v10 =	vadd.s32 $0xEC2D4D83, v10  }
0x1e8: {  	v27 =	vshrl.u32 v15, $0x6;
	v28 =	vshll.u32 v15, $0x1A;
	v12 =	vadd.s32 $0x361F0705, v12  }
0x1e9: {  	v14 =	vadd.s32 v14, v15;
	v29 =	vor.u32 v27, v28;
	v10 =	vxor.u32 v10, v12  }
0x1ea: {  	v13 =	vadd.f32 $-7.213459610e-01, v39;
	v15 =	vxor.u32 v29, v14;
	v10 =	vshrl.u32 v10, $0x9  }
0x1eb: {  	v30 =	vshrl.u32 v15, $0x1A;
	v31 =	vshll.u32 v15, $0x6;
	v32 =	vadd.s32 v14, v15  }
0x1ec: {  	v10 =	vor.u32 $0x3F800000, v10;
	v15 =	vshll.u32 v56, $0xD;
	v33 =	vor.u32 v30, v31  }
0x1ed: {  	v10 =	vadd.f32 $-1.000000000e+00, v10;
	v15 =	vor.u32 v57, v15;
	v14 =	vxor.u32 v33, v32  }
0x1ee: {  	v50 =	vmul.f32 v13, v6;
	v15 =	vxor.u32 v58, v15;
	v14 =	vadd.s32 $0xC1E3515C, v14  }
0x1ef: {  	v10 =	vadd.f32 $1.000000010e-10, v10;
	v60 =	vshrl.u32 v15, $0x11;
	v61 =	vshll.u32 v15, $0xF  }
0x1f0: {  	v15 =	vadd.s32 v58, v15;
	v12 =	vadd.s32 v14, v32;
	v34 =	vshrl.u32 v14, $0xF  }
0x1f1: {  	v14 =	vshll.u32 v14, $0x11;
	v16 =	vor.u32 v60, v61;
	v12 =	vadd.s32 $0x361F0700, v12  }
0x1f2: {  	v14 =	vor.u32 v34, v14;
	v10 =	vmax.f32 v10, $1.000000010e-10;
	v16 =	vxor.u32 v16, v15  }
0x1f3: {  	v36 =	vxor.u32 v14, v12;
	v41 =	vand.u32 $0x7FFFFF, v10;
	v63 =	vshrl.u32 v16, $0x6  }
0x1f4: {  	v21 =	vshll.u32 v16, $0x1A;
	v15 =	vadd.s32 v15, v16;
	v10 =	vshrl.u32 v10, $0x17  }
0x1f5: {  	v14 =	vshrl.u32 v36, $0x3;
	v37 =	vshll.u32 v36, $0x1D;
	v11 =	vadd.s32 v12, v36  }
0x1f6: {  	v12 =	vor.u32 $0x3F800000, v41;
	v22 =	vor.u32 v63, v21;
	v10 =	vadd.s32 $0xFFFFFF81, v10  }
0x1f7: {  	v21 =	vadd.s32 s30, v3;
	v38 =	vor.u32 v14, v37;
	v9 =	vadd.f32 $-1.000000000e+00, v12  }
0x1f8: {  	v12 =	vadd.f32 $1.442695020e+00, v50;
	v16 =	vxor.u32 v22, v15;
	v40 =	vxor.u32 v38, v11  }
0x1f9: {  	v23 =	vshrl.u32 v16, $0x1A;
	v24 =	vshll.u32 v16, $0x6;
	v25 =	vadd.s32 v15, v16  }
0x1fa: {  	v42 =	vshrl.u32 v40, $0x10;
	v43 =	vshll.u32 v40, $0x10;
	v46 =	vmul.f32 $4.582080520e-03, v9  }
0x1fb: {  	v11 =	vadd.s32 v11, v40;
	v6 =	vmul.f32 v12, v6;
	v14 =	vor.u32 v42, v43  }
0x1fc: {  	v26 =	vor.u32 v23, v24;
	v44 =	vxor.u32 v14, v11;
	v51 =	vsub.f32 $2.819391340e-02, v46  }
0x1fd: {  	[tilespmem:s16+$0xFFFFFFE0] =	vst v7;
	v6 =	vadd.f32 v5, v6;
	v14 =	vshrl.u32 v44, $0x8;
	v45 =	vshll.u32 v44, $0x18  }
0x1fe: {  	v33 =	vld [tilespmem:s15+$0xFFFFFFF0];
	v11 =	vadd.s32 v11, v44;
	v47 =	vor.u32 v14, v45;
	v13 =	vmul.f32 v51, v9  }
0x1ff: {  	v22 =	vshrl.u32 v21, $0x13;
	v15 =	vxor.u32 v26, v25;
	v49 =	vxor.u32 v47, v11  }
0x200: {  	v38 =	vmul.f32 $6.931471820e-01, v6;
	v8 =	vadd.s32 $0xEC2D4D87, v49;
	v13 =	vadd.f32 $-8.132992680e-02, v13  }
0x201: {  	v11 =	vadd.s32 v8, v11;
	v52 =	vshrl.u32 v8, $0x13;
	v8 =	vshll.u32 v8, $0xD  }
0x202: {  	v11 =	vadd.s32 $0xC1E35159, v11;
	v8 =	vor.u32 v52, v8;
	v13 =	vmul.f32 v13, v9  }
0x203: {  	v44 =	vsub.f32 $1.000000000e+00, v33;
	v43 =	vsub.f32 $0.0e+00, v38;
	v8 =	vxor.u32 v8, v11  }
0x204: {  	v53 =	vshrl.u32 v8, $0x11;
	v54 =	vshll.u32 v8, $0xF;
	v28 =	vadd.f32 $1.521123350e-01, v13  }
0x205: {  	v14 =	vmul.f32 v44, v48;
	v8 =	vadd.s32 v11, v8;
	v55 =	vor.u32 v53, v54  }
0x206: {  	v12 =	vmul.f32 v33, v43;
	v11 =	vxor.u32 v55, v8;
	v7 =	vmul.f32 v28, v9  }
0x207: {  	v8 =	vadd.s32 v8, v11;
	v59 =	vshrl.u32 v11, $0x6;
	v11 =	vshll.u32 v11, $0x1A  }
0x208: {  	v23 =	vadd.s32 s30, v4;
	v15 =	vadd.s32 $0xEC2D4D84, v15;
	v11 =	vor.u32 v59, v11  }
0x209: {  	vm11 =	vgt.f32 v14, v12;
	v7 =	vadd.f32 $-2.202947290e-01, v7;
	v11 =	vxor.u32 v11, v8  }
0x20a: {  	v8 =	vadd.s32 v8, v11;
	v62 =	vshrl.u32 v11, $0x1A;
	v11 =	vshll.u32 v11, $0x6  }
0x20b: {  	v14 =	vshll.u32 v21, $0xD;
	v7 =	vmul.f32 v7, v9;
	v11 =	vor.u32 v62, v11  }
0x20c: {  	v27 =	vshrl.u32 v15, $0xF;
	v14 =	vor.u32 v22, v14;
	v11 =	vxor.u32 v11, v8  }
0x20d: {  	v8 =	vadd.s32 $0xEC2D4D83, v8;
	v7 =	vadd.f32 $2.836810650e-01, v7;
	v11 =	vadd.s32 $0x361F0705, v11  }
0x20e: {  	v14 =	vxor.u32 v23, v14;
	v8 =	vxor.u32 v8, v11;
	v11 =	vadd.s32 v15, v25  }
0x20f: {  	v15 =	vshll.u32 v15, $0x11;
	v7 =	vmul.f32 v7, v9;
	v8 =	vshrl.u32 v8, $0x9  }
0x210: {  	v11 =	vadd.s32 $0xC1E35159, v11;
	v15 =	vor.u32 v27, v15;
	v8 =	vor.u32 $0x3F800000, v8  }
0x211: {  	v24 =	vshrl.u32 v14, $0x11;
	v29 =	vxor.u32 v15, v11;
	v8 =	vadd.f32 $-1.000000000e+00, v8  }
0x212: {  	v7 =	vadd.f32 $-3.599757250e-01, v7;
	v15 =	vshrl.u32 v29, $0x3;
	v30 =	vshll.u32 v29, $0x1D  }
0x213: {  	v11 =	vadd.s32 v11, v29;
	v31 =	vor.u32 v15, v30;
	v8 =	vadd.f32 $1.000000010e-10, v8  }
0x214: {  	v25 =	vshll.u32 v14, $0xF;
	v7 =	vmul.f32 v7, v9;
	v32 =	vxor.u32 v31, v11  }
0x215: {  	v35 =	vshrl.u32 v32, $0x10;
	v36 =	vshll.u32 v32, $0x10;
	v5 =	vmax.f32 v8, $1.000000010e-10  }
0x216: {  	v8 =	vadd.s32 v11, v32;
	v37 =	vor.u32 v35, v36;
	v34 =	vand.u32 $0x7FFFFF, v5  }
0x217: {  	v56 =	vadd.f32 $4.808460770e-01, v7;
	v11 =	vxor.u32 v37, v8;
	v13 =	vor.u32 $0x3F800000, v34  }
0x218: {  	v39 =	vshrl.u32 v11, $0x8;
	v40 =	vshll.u32 v11, $0x18;
	v8 =	vadd.s32 v8, v11  }
0x219: {  	v6 =	vadd.f32 $-1.000000000e+00, v13;
	v42 =	vor.u32 v39, v40;
	v13 =	vmul.f32 v56, v9  }
0x21a: {  	v10 =	vcvt.s32.f32 v10;
	v26 =	vor.u32 v24, v25;
	v11 =	vxor.u32 v42, v8  }
0x21b: {  	v41 =	vmul.f32 $4.582080520e-03, v6;
	v11 =	vadd.s32 $0x361F0702, v11;
	v13 =	vadd.f32 $-7.213459610e-01, v13  }
0x21c: {  	v8 =	vadd.s32 v11, v8;
	v46 =	vshrl.u32 v11, $0x13;
	v11 =	vshll.u32 v11, $0xD  }
0x21d: {  	v45 =	vsub.f32 $2.819391340e-02, v41;
	v8 =	vadd.s32 $0xEC2D4D83, v8;
	v11 =	vor.u32 v46, v11  }
0x21e: {  	v5 =	vshrl.u32 v5, $0x17;
	v13 =	vmul.f32 v13, v9;
	v11 =	vxor.u32 v11, v8  }
0x21f: {  	v47 =	vmul.f32 v45, v6;
	v48 =	vshrl.u32 v11, $0x11;
	v49 =	vshll.u32 v11, $0xF  }
0x220: {  	v8 =	vadd.s32 v8, v11;
	v13 =	vadd.f32 $1.442695020e+00, v13;
	v50 =	vor.u32 v48, v49  }
0x221: {  	v5 =	vadd.s32 $0xFFFFFF81, v5;
	v15 =	vadd.f32 $-8.132992680e-02, v47;
	v11 =	vxor.u32 v50, v8  }
0x222: {  	v9 =	vmul.f32 v13, v9;
	v13 =	vadd.s32 v23, v14;
	v52 =	vshrl.u32 v11, $0x6  }
0x223: {  	v53 =	vshll.u32 v11, $0x1A;
	v8 =	vadd.s32 v8, v11;
	v14 =	vxor.u32 v26, v13  }
0x224: {  	v51 =	vmul.f32 v15, v6;
	v54 =	vor.u32 v52, v53;
	v28 =	vshrl.u32 v14, $0x6  }
0x225: {  	s31 =	sadd.s32 $0x7796E0, s17;
	v29 =	vshll.u32 v14, $0x1A;
	v13 =	vadd.s32 v13, v14;
	v9 =	vadd.f32 v10, v9  }
0x226: {  	v11 =	vxor.u32 v54, v8;
	v30 =	vor.u32 v28, v29;
	v29 =	vadd.s32 s31, v0  }
0x227: {  	v55 =	vadd.f32 $1.521123350e-01, v51;
	v7 =	vshrl.u32 v11, $0x1A;
	v57 =	vshll.u32 v11, $0x6  }
0x228: {  	v8 =	vadd.s32 v8, v11;
	v14 =	vxor.u32 v30, v13;
	v9 =	vmul.f32 $6.931471820e-01, v9  }
0x229: {  	v30 =	vshrl.u32 v29, $0x13;
	v58 =	vor.u32 v7, v57;
	v7 =	vsel vm11, $0x3F800000, v2  }
0x22a: {  	v32 =	vshrl.u32 v14, $0x1A;
	v33 =	vshll.u32 v14, $0x6;
	v12 =	vmul.f32 v55, v6  }
0x22b: {  	v13 =	vadd.s32 v13, v14;
	v11 =	vxor.u32 v58, v8;
	v35 =	vor.u32 v32, v33  }
0x22c: {  	v11 =	vadd.s32 $0xC1E3515C, v11;
	v14 =	vxor.u32 v35, v13;
	v12 =	vadd.f32 $-2.202947290e-01, v12  }
0x22d: {  	v8 =	vadd.s32 v11, v8;
	v59 =	vshrl.u32 v11, $0xF;
	v11 =	vshll.u32 v11, $0x11  }
0x22e: {  	v14 =	vadd.s32 $0xEC2D4D84, v14;
	v8 =	vadd.s32 $0x361F0700, v8;
	v11 =	vor.u32 v59, v11  }
0x22f: {  	v13 =	vadd.s32 v14, v13;
	v37 =	vshrl.u32 v14, $0xF;
	v14 =	vshll.u32 v14, $0x11  }
0x230: {  	v12 =	vmul.f32 v12, v6;
	v11 =	vxor.u32 v11, v8;
	v13 =	vadd.s32 $0xC1E35159, v13  }
0x231: {  	v14 =	vor.u32 v37, v14;
	v60 =	vshrl.u32 v11, $0x3;
	v61 =	vshll.u32 v11, $0x1D  }
0x232: {  	v8 =	vadd.s32 v8, v11;
	v14 =	vxor.u32 v14, v13;
	v62 =	vor.u32 v60, v61  }
0x233: {  	v39 =	vshrl.u32 v14, $0x3;
	v40 =	vshll.u32 v14, $0x1D;
	v11 =	vxor.u32 v62, v8  }
0x234: {  	v13 =	vadd.s32 v13, v14;
	v63 =	vshrl.u32 v11, $0x10;
	v18 =	vshll.u32 v11, $0x10  }
0x235: {  	v41 =	vor.u32 v39, v40;
	v8 =	vadd.s32 v8, v11;
	v19 =	vor.u32 v63, v18  }
0x236: {  	v12 =	vadd.f32 $2.836810650e-01, v12;
	v14 =	vxor.u32 v41, v13;
	v11 =	vxor.u32 v19, v8  }
0x237: {  	v8 =	vadd.s32 v8, v11;
	v20 =	vshrl.u32 v11, $0x8;
	v11 =	vshll.u32 v11, $0x18  }
0x238: {  	v12 =	vmul.f32 v12, v6;
	v43 =	vshrl.u32 v14, $0x10;
	v11 =	vor.u32 v20, v11  }
0x239: {  	v44 =	vshll.u32 v14, $0x10;
	v13 =	vadd.s32 v13, v14;
	v11 =	vxor.u32 v11, v8  }
0x23a: {  	v12 =	vadd.f32 $-3.599757250e-01, v12;
	v45 =	vor.u32 v43, v44;
	v11 =	vadd.s32 $0xEC2D4D87, v11  }
0x23b: {  	v8 =	vadd.s32 v11, v8;
	v27 =	vshrl.u32 v11, $0x13;
	v11 =	vshll.u32 v11, $0xD  }
0x23c: {  	v12 =	vmul.f32 v12, v6;
	v8 =	vadd.s32 $0xC1E35159, v8;
	v11 =	vor.u32 v27, v11  }
0x23d: {  	v9 =	vsub.f32 $0.0e+00, v9;
	v14 =	vxor.u32 v45, v13;
	v11 =	vxor.u32 v11, v8  }
0x23e: {  	v12 =	vadd.f32 $4.808460770e-01, v12;
	v31 =	vshrl.u32 v11, $0x11;
	v34 =	vshll.u32 v11, $0xF  }
0x23f: {  	v46 =	vshrl.u32 v14, $0x8;
	v8 =	vadd.s32 v8, v11;
	v36 =	vor.u32 v31, v34  }
0x240: {  	v47 =	vshll.u32 v14, $0x18;
	v12 =	vmul.f32 v12, v6;
	v11 =	vxor.u32 v36, v8  }
0x241: {  	v8 =	vadd.s32 v8, v11;
	v38 =	vshrl.u32 v11, $0x6;
	v11 =	vshll.u32 v11, $0x1A  }
0x242: {  	v48 =	vadd.s32 v13, v14;
	v49 =	vor.u32 v46, v47;
	v11 =	vor.u32 v38, v11  }
0x243: {  	[tilespmem:s16+$0xFFFFFFF0] =	vst v7;
	v50 =	vxor.u32 v49, v48;
	v12 =	vadd.f32 $-7.213459610e-01, v12;
	v11 =	vxor.u32 v11, v8  }
0x244: {  	v63 =	vld [tilespmem:s15+$0x0];
	v8 =	vadd.s32 v8, v11;
	v42 =	vshrl.u32 v11, $0x1A;
	v11 =	vshll.u32 v11, $0x6  }
0x245: {  	v10 =	vadd.s32 $0x361F0702, v50;
	v12 =	vmul.f32 v12, v6;
	v11 =	vor.u32 v42, v11  }
0x246: {  	v59 =	vcvt.s32.f32 v5;
	v51 =	vshrl.u32 v10, $0x13;
	v11 =	vxor.u32 v11, v8  }
0x247: {  	v12 =	vadd.f32 $1.442695020e+00, v12;
	v8 =	vadd.s32 $0xEC2D4D83, v8;
	v11 =	vadd.s32 $0x361F0705, v11  }
0x248: {  	v8 =	vxor.u32 v8, v11;
	v11 =	vadd.s32 v10, v48;
	v10 =	vshll.u32 v10, $0xD  }
0x249: {  	v22 =	vsub.f32 $1.000000000e+00, v63;
	v11 =	vadd.s32 $0xEC2D4D83, v11;
	v10 =	vor.u32 v51, v10  }
0x24a: {  	v6 =	vmul.f32 v12, v6;
	v8 =	vshrl.u32 v8, $0x9;
	v10 =	vxor.u32 v10, v11  }
0x24b: {  	v8 =	vor.u32 $0x3F800000, v8;
	v52 =	vshrl.u32 v10, $0x11;
	v53 =	vshll.u32 v10, $0xF  }
0x24c: {  	v8 =	vadd.f32 $-1.000000000e+00, v8;
	v10 =	vadd.s32 v11, v10;
	v54 =	vor.u32 v52, v53  }
0x24d: {  	v9 =	vmul.f32 v22, v9;
	v6 =	vadd.f32 v59, v6;
	v11 =	vxor.u32 v54, v10  }
0x24e: {  	v8 =	vadd.f32 $1.000000010e-10, v8;
	v56 =	vshrl.u32 v11, $0x6;
	v57 =	vshll.u32 v11, $0x1A  }
0x24f: {  	v31 =	vadd.s32 s31, v1;
	v10 =	vadd.s32 v10, v11;
	v58 =	vor.u32 v56, v57  }
0x250: {  	v6 =	vmul.f32 $6.931471820e-01, v6;
	v8 =	vmax.f32 v8, $1.000000010e-10;
	v11 =	vxor.u32 v58, v10  }
0x251: {  	v55 =	vand.u32 $0x7FFFFF, v8;
	v60 =	vshrl.u32 v11, $0x1A;
	v61 =	vshll.u32 v11, $0x6  }
0x252: {  	v13 =	vor.u32 $0x3F800000, v55;
	v10 =	vadd.s32 v10, v11;
	v62 =	vor.u32 v60, v61  }
0x253: {  	v5 =	vadd.f32 $-1.000000000e+00, v13;
	v13 =	vshll.u32 v29, $0xD;
	v11 =	vxor.u32 v62, v10  }
0x254: {  	v6 =	vsub.f32 $0.0e+00, v6;
	v13 =	vor.u32 v30, v13;
	v11 =	vadd.s32 $0xC1E3515C, v11  }
0x255: {  	v7 =	vmul.f32 $4.582080520e-03, v5;
	v13 =	vxor.u32 v31, v13;
	v10 =	vadd.s32 v11, v10  }
0x256: {  	v21 =	vshrl.u32 v11, $0xF;
	v11 =	vshll.u32 v11, $0x11;
	v33 =	vshrl.u32 v13, $0x11  }
0x257: {  	v34 =	vshll.u32 v13, $0xF;
	v13 =	vadd.s32 v31, v13;
	v7 =	vsub.f32 $2.819391340e-02, v7  }
0x258: {  	v10 =	vadd.s32 $0x361F0700, v10;
	v11 =	vor.u32 v21, v11;
	v14 =	vor.u32 v33, v34  }
0x259: {  	v11 =	vxor.u32 v11, v10;
	v14 =	vxor.u32 v14, v13;
	v7 =	vmul.f32 v7, v5  }
0x25a: {  	v23 =	vshrl.u32 v11, $0x3;
	v24 =	vshll.u32 v11, $0x1D;
	v10 =	vadd.s32 v10, v11  }
0x25b: {  	v35 =	vshrl.u32 v14, $0x6;
	v36 =	vshll.u32 v14, $0x1A;
	v25 =	vor.u32 v23, v24  }
0x25c: {  	v13 =	vadd.s32 v13, v14;
	v37 =	vor.u32 v35, v36;
	v11 =	vxor.u32 v25, v10  }
0x25d: {  	v7 =	vadd.f32 $-8.132992680e-02, v7;
	v14 =	vxor.u32 v37, v13;
	v26 =	vshrl.u32 v11, $0x10  }
0x25e: {  	v27 =	vshll.u32 v11, $0x10;
	v10 =	vadd.s32 v10, v11;
	v39 =	vshrl.u32 v14, $0x1A  }
0x25f: {  	v40 =	vshll.u32 v14, $0x6;
	v13 =	vadd.s32 v13, v14;
	v28 =	vor.u32 v26, v27  }
0x260: {  	v7 =	vmul.f32 v7, v5;
	v41 =	vor.u32 v39, v40;
	v11 =	vxor.u32 v28, v10  }
0x261: {  	v14 =	vxor.u32 v41, v13;
	v10 =	vadd.s32 v10, v11;
	v32 =	vshrl.u32 v11, $0x8  }
0x262: {  	v11 =	vshll.u32 v11, $0x18;
	v7 =	vadd.f32 $1.521123350e-01, v7;
	v14 =	vadd.s32 $0xEC2D4D84, v14  }
0x263: {  	v11 =	vor.u32 v32, v11;
	v13 =	vadd.s32 v14, v13;
	v43 =	vshrl.u32 v14, $0xF  }
0x264: {  	v14 =	vshll.u32 v14, $0x11;
	v11 =	vxor.u32 v11, v10;
	v7 =	vmul.f32 v7, v5  }
0x265: {  	v13 =	vadd.s32 $0xC1E35159, v13;
	v14 =	vor.u32 v43, v14;
	v11 =	vadd.s32 $0xEC2D4D87, v11  }
0x266: {  	v12 =	vmul.f32 v63, v6;
	v14 =	vxor.u32 v14, v13;
	v10 =	vadd.s32 v11, v10  }
0x267: {  	v38 =	vshrl.u32 v11, $0x13;
	v11 =	vshll.u32 v11, $0xD;
	v7 =	vadd.f32 $-2.202947290e-01, v7  }
0x268: {  	v45 =	vshrl.u32 v14, $0x3;
	v46 =	vshll.u32 v14, $0x1D;
	v13 =	vadd.s32 v13, v14  }
0x269: {  	v10 =	vadd.s32 $0xC1E35159, v10;
	v11 =	vor.u32 v38, v11;
	v48 =	vor.u32 v45, v46  }
0x26a: {  	vm12 =	vgt.f32 v9, v12;
	v11 =	vxor.u32 v11, v10;
	v14 =	vxor.u32 v48, v13  }
0x26b: {  	v7 =	vmul.f32 v7, v5;
	v10 =	vadd.s32 v10, v11;
	v42 =	vshrl.u32 v11, $0x11  }
0x26c: {  	v11 =	vshll.u32 v11, $0xF;
	v50 =	vshrl.u32 v14, $0x10;
	v51 =	vshll.u32 v14, $0x10  }
0x26d: {  	v13 =	vadd.s32 v13, v14;
	v11 =	vor.u32 v42, v11;
	v52 =	vor.u32 v50, v51  }
0x26e: {  	v7 =	vadd.f32 $2.836810650e-01, v7;
	v11 =	vxor.u32 v11, v10;
	v14 =	vxor.u32 v52, v13  }
0x26f: {  	v44 =	vshrl.u32 v11, $0x6;
	v47 =	vshll.u32 v11, $0x1A;
	v10 =	vadd.s32 v10, v11  }
0x270: {  	v54 =	vshrl.u32 v14, $0x8;
	v55 =	vshll.u32 v14, $0x18;
	v49 =	vor.u32 v44, v47  }
0x271: {  	v13 =	vadd.s32 v13, v14;
	v56 =	vor.u32 v54, v55;
	v11 =	vxor.u32 v49, v10  }
0x272: {  	v10 =	vadd.s32 v10, v11;
	v53 =	vshrl.u32 v11, $0x1A;
	v11 =	vshll.u32 v11, $0x6  }
0x273: {  	v8 =	vshrl.u32 v8, $0x17;
	v14 =	vxor.u32 v56, v13;
	v11 =	vor.u32 v53, v11  }
0x274: {  	v7 =	vmul.f32 v7, v5;
	v57 =	vadd.s32 $0x361F0702, v14;
	v11 =	vxor.u32 v11, v10  }
0x275: {  	v13 =	vadd.s32 v57, v13;
	v10 =	vadd.s32 $0xEC2D4D83, v10;
	v11 =	vadd.s32 $0x361F0705, v11  }
0x276: {  	v14 =	vshrl.u32 v57, $0x13;
	v10 =	vxor.u32 v10, v11;
	v11 =	vshll.u32 v57, $0xD  }
0x277: {  	v8 =	vadd.s32 $0xFFFFFF81, v8;
	v13 =	vadd.s32 $0xEC2D4D83, v13;
	v11 =	vor.u32 v14, v11  }
0x278: {  	v62 =	vadd.f32 $-3.599757250e-01, v7;
	v10 =	vshrl.u32 v10, $0x9;
	v11 =	vxor.u32 v11, v13  }
0x279: {  	v10 =	vor.u32 $0x3F800000, v10;
	v58 =	vshrl.u32 v11, $0x11;
	v59 =	vshll.u32 v11, $0xF  }
0x27a: {  	v10 =	vadd.f32 $-1.000000000e+00, v10;
	v11 =	vadd.s32 v13, v11;
	v60 =	vor.u32 v58, v59  }
0x27b: {  	v29 =	vadd.s32 s31, v4;
	v19 =	vmul.f32 v62, v5;
	v61 =	vxor.u32 v60, v11  }
0x27c: {  	v27 =	vadd.s32 s31, v3;
	v6 =	vadd.f32 $1.000000010e-10, v10;
	v63 =	vshrl.u32 v61, $0x6  }
0x27d: {  	v18 =	vshll.u32 v61, $0x1A;
	v10 =	vadd.s32 v11, v61;
	v11 =	vadd.f32 $4.808460770e-01, v19  }
0x27e: {  	v28 =	vshrl.u32 v27, $0x13;
	v7 =	vmax.f32 v6, $1.000000010e-10;
	v6 =	vor.u32 v63, v18  }
0x27f: {  	v20 =	vand.u32 $0x7FFFFF, v7;
	v14 =	vxor.u32 v6, v10;
	v11 =	vmul.f32 v11, v5  }
0x280: {  	v6 =	vor.u32 $0x3F800000, v20;
	v21 =	vshrl.u32 v14, $0x1A;
	v22 =	vshll.u32 v14, $0x6  }
0x281: {  	v10 =	vadd.s32 v10, v14;
	v14 =	vshll.u32 v27, $0xD;
	v6 =	vadd.f32 $-1.000000000e+00, v6  }
0x282: {  	v13 =	vor.u32 v21, v22;
	v14 =	vor.u32 v28, v14;
	v11 =	vadd.f32 $-7.213459610e-01, v11  }
0x283: {  	v23 =	vxor.u32 v13, v10;
	v14 =	vxor.u32 v29, v14;
	v24 =	vmul.f32 $4.582080520e-03, v6  }
0x284: {  	v9 =	vadd.s32 $0xC1E3515C, v23;
	v31 =	vshrl.u32 v14, $0x11;
	v32 =	vshll.u32 v14, $0xF  }
0x285: {  	v13 =	vadd.s32 v29, v14;
	v11 =	vmul.f32 v11, v5;
	v10 =	vadd.s32 v9, v10  }
0x286: {  	v25 =	vshrl.u32 v9, $0xF;
	v9 =	vshll.u32 v9, $0x11;
	v34 =	vor.u32 v31, v32  }
0x287: {  	s17 =	sadd.s32 $0x7796F0, s17;
	v10 =	vadd.s32 $0x361F0700, v10;
	v9 =	vor.u32 v25, v9;
	v12 =	vsub.f32 $2.819391340e-02, v24  }
0x288: {  	v14 =	vxor.u32 v34, v13;
	v11 =	vadd.f32 $1.442695020e+00, v11;
	v24 =	vadd.s32 s17, v0  }
0x289: {  	v9 =	vxor.u32 v9, v10;
	v36 =	vshrl.u32 v14, $0x6;
	v37 =	vshll.u32 v14, $0x1A  }
0x28a: {  	v13 =	vadd.s32 v13, v14;
	v25 =	vshrl.u32 v24, $0x13;
	v15 =	vshll.u32 v24, $0xD  }
0x28b: {  	v10 =	vadd.s32 v10, v9;
	v26 =	vshrl.u32 v9, $0x3;
	v9 =	vshll.u32 v9, $0x1D  }
0x28c: {  	v12 =	vmul.f32 v12, v6;
	v38 =	vor.u32 v36, v37;
	v15 =	vor.u32 v25, v15  }
0x28d: {  	v9 =	vor.u32 v26, v9;
	v14 =	vxor.u32 v38, v13;
	v26 =	vadd.s32 s17, v1  }
0x28e: {  	v9 =	vxor.u32 v9, v10;
	v40 =	vshrl.u32 v14, $0x1A;
	v41 =	vshll.u32 v14, $0x6  }
0x28f: {  	v13 =	vadd.s32 v13, v14;
	v12 =	vadd.f32 $-8.132992680e-02, v12;
	v15 =	vxor.u32 v26, v15  }
0x290: {  	v30 =	vshrl.u32 v9, $0x10;
	v33 =	vshll.u32 v9, $0x10;
	v9 =	vadd.s32 v10, v9  }
0x291: {  	v42 =	vor.u32 v40, v41;
	v29 =	vshrl.u32 v15, $0x11;
	v35 =	vor.u32 v30, v33  }
0x292: {  	v14 =	vxor.u32 v42, v13;
	v12 =	vmul.f32 v12, v6;
	v10 =	vxor.u32 v35, v9  }
0x293: {  	v30 =	vshll.u32 v15, $0xF;
	v14 =	vadd.s32 $0xEC2D4D84, v14;
	v9 =	vadd.s32 v9, v10  }
0x294: {  	v39 =	vshrl.u32 v10, $0x8;
	v10 =	vshll.u32 v10, $0x18;
	v13 =	vadd.s32 v14, v13  }
0x295: {  	v43 =	vshrl.u32 v14, $0xF;
	v14 =	vshll.u32 v14, $0x11;
	v12 =	vadd.f32 $1.521123350e-01, v12  }
0x296: {  	v10 =	vor.u32 v39, v10;
	v13 =	vadd.s32 $0xC1E35159, v13;
	v14 =	vor.u32 v43, v14  }
0x297: {  	v10 =	vxor.u32 v10, v9;
	v14 =	vxor.u32 v14, v13;
	v12 =	vmul.f32 v12, v6  }
0x298: {  	v10 =	vadd.s32 $0xEC2D4D87, v10;
	v45 =	vshrl.u32 v14, $0x3;
	v46 =	vshll.u32 v14, $0x1D  }
0x299: {  	v13 =	vadd.s32 v13, v14;
	v9 =	vadd.s32 v10, v9;
	v44 =	vshrl.u32 v10, $0x13  }
0x29a: {  	v10 =	vshll.u32 v10, $0xD;
	v47 =	vor.u32 v45, v46;
	v12 =	vadd.f32 $-2.202947290e-01, v12  }
0x29b: {  	v9 =	vadd.s32 $0xC1E35159, v9;
	v10 =	vor.u32 v44, v10;
	v14 =	vxor.u32 v47, v13  }
0x29c: {  	v10 =	vxor.u32 v10, v9;
	v49 =	vshrl.u32 v14, $0x10;
	v50 =	vshll.u32 v14, $0x10  }
0x29d: {  	v13 =	vadd.s32 v13, v14;
	v12 =	vmul.f32 v12, v6;
	v9 =	vadd.s32 v9, v10  }
0x29e: {  	v48 =	vshrl.u32 v10, $0x11;
	v10 =	vshll.u32 v10, $0xF;
	v51 =	vor.u32 v49, v50  }
0x29f: {  	v31 =	vor.u32 v29, v30;
	v10 =	vor.u32 v48, v10;
	v14 =	vxor.u32 v51, v13  }
0x2a0: {  	v12 =	vadd.f32 $2.836810650e-01, v12;
	v10 =	vxor.u32 v10, v9;
	v53 =	vshrl.u32 v14, $0x8  }
0x2a1: {  	v54 =	vshll.u32 v14, $0x18;
	v13 =	vadd.s32 v13, v14;
	v52 =	vshrl.u32 v10, $0x6  }
0x2a2: {  	v55 =	vshll.u32 v10, $0x1A;
	v56 =	vor.u32 v53, v54;
	v12 =	vmul.f32 v12, v6  }
0x2a3: {  	v9 =	vadd.s32 v9, v10;
	v57 =	vor.u32 v52, v55;
	v14 =	vxor.u32 v56, v13  }
0x2a4: {  	v10 =	vxor.u32 v57, v9;
	v14 =	vadd.s32 $0x361F0702, v14;
	v12 =	vadd.f32 $-3.599757250e-01, v12  }
0x2a5: {  	v13 =	vadd.s32 v14, v13;
	v58 =	vshrl.u32 v14, $0x13;
	v14 =	vshll.u32 v14, $0xD  }
0x2a6: {  	v9 =	vadd.s32 v9, v10;
	v59 =	vshrl.u32 v10, $0x1A;
	v10 =	vshll.u32 v10, $0x6  }
0x2a7: {  	v13 =	vadd.s32 $0xEC2D4D83, v13;
	v14 =	vor.u32 v58, v14;
	v10 =	vor.u32 v59, v10  }
0x2a8: {  	v59 =	vadd.s32 s17, v3;
	v14 =	vxor.u32 v14, v13;
	v10 =	vxor.u32 v10, v9  }
0x2a9: {  	v9 =	vadd.s32 $0xEC2D4D83, v9;
	v60 =	vshrl.u32 v14, $0x11;
	v61 =	vshll.u32 v14, $0xF  }
0x2aa: {  	v13 =	vadd.s32 v13, v14;
	v10 =	vadd.s32 $0x361F0705, v10;
	v62 =	vor.u32 v60, v61  }
0x2ab: {  	v9 =	vxor.u32 v9, v10;
	v60 =	vshrl.u32 v59, $0x13;
	v14 =	vxor.u32 v62, v13  }
0x2ac: {  	v61 =	vadd.s32 s17, v4;
	v9 =	vshrl.u32 v9, $0x9;
	v63 =	vshrl.u32 v14, $0x6  }
0x2ad: {  	v18 =	vshll.u32 v14, $0x1A;
	v13 =	vadd.s32 v13, v14;
	v9 =	vor.u32 $0x3F800000, v9  }
0x2ae: {  	v14 =	vadd.s32 v26, v15;
	v10 =	vor.u32 v63, v18;
	v9 =	vadd.f32 $-1.000000000e+00, v9  }
0x2af: {  	v15 =	vxor.u32 v31, v14;
	v18 =	vshll.u32 v59, $0xD;
	v10 =	vxor.u32 v10, v13  }
0x2b0: {  	v33 =	vshrl.u32 v15, $0x6;
	v34 =	vshll.u32 v15, $0x1A;
	v14 =	vadd.s32 v14, v15  }
0x2b1: {  	v18 =	vor.u32 v60, v18;
	v19 =	vshrl.u32 v10, $0x1A;
	v20 =	vshll.u32 v10, $0x6  }
0x2b2: {  	v10 =	vadd.s32 v13, v10;
	v22 =	vadd.f32 $1.000000010e-10, v9;
	v9 =	vcvt.s32.f32 v8  }
0x2b3: {  	v35 =	vor.u32 v33, v34;
	v18 =	vxor.u32 v61, v18;
	v21 =	vor.u32 v19, v20  }
0x2b4: {  	v15 =	vxor.u32 v35, v14;
	v17 =	vadd.s32 v61, v18;
	v62 =	vshrl.u32 v18, $0x11  }
0x2b5: {  	v18 =	vshll.u32 v18, $0xF;
	v13 =	vxor.u32 v21, v10;
	v8 =	vmax.f32 v22, $1.000000010e-10  }
0x2b6: {  	v37 =	vshrl.u32 v15, $0x1A;
	v38 =	vshll.u32 v15, $0x6;
	v14 =	vadd.s32 v14, v15  }
0x2b7: {  	v18 =	vor.u32 v62, v18;
	v13 =	vadd.s32 $0xC1E3515C, v13;
	v27 =	vand.u32 $0x7FFFFF, v8  }
0x2b8: {  	v39 =	vor.u32 v37, v38;
	v18 =	vxor.u32 v18, v17;
	v10 =	vadd.s32 v13, v10  }
0x2b9: {  	v23 =	vshrl.u32 v13, $0xF;
	v13 =	vshll.u32 v13, $0x11;
	v15 =	vxor.u32 v39, v14  }
0x2ba: {  	v16 =	vor.u32 $0x3F800000, v27;
	v26 =	vshrl.u32 v18, $0x6;
	v27 =	vshll.u32 v18, $0x1A  }
0x2bb: {  	v10 =	vadd.s32 $0x361F0700, v10;
	v13 =	vor.u32 v23, v13;
	v15 =	vadd.s32 $0xEC2D4D84, v15  }
0x2bc: {  	v17 =	vadd.s32 v17, v18;
	v13 =	vxor.u32 v13, v10;
	v14 =	vadd.s32 v15, v14  }
0x2bd: {  	v43 =	vshrl.u32 v15, $0xF;
	v15 =	vshll.u32 v15, $0x11;
	v28 =	vshrl.u32 v13, $0x3  }
0x2be: {  	v20 =	vshll.u32 v13, $0x1D;
	v14 =	vadd.s32 $0xC1E35159, v14;
	v15 =	vor.u32 v43, v15  }
0x2bf: {  	v10 =	vadd.s32 v10, v13;
	v32 =	vor.u32 v28, v20;
	v15 =	vxor.u32 v15, v14  }
0x2c0: {  	v28 =	vor.u32 v26, v27;
	v13 =	vxor.u32 v32, v10;
	v44 =	vshrl.u32 v15, $0x3  }
0x2c1: {  	v45 =	vshll.u32 v15, $0x1D;
	v14 =	vadd.s32 v14, v15;
	v18 =	vxor.u32 v28, v17  }
0x2c2: {  	v10 =	vadd.s32 v10, v13;
	v36 =	vshrl.u32 v13, $0x10;
	v13 =	vshll.u32 v13, $0x10  }
0x2c3: {  	v46 =	vor.u32 v44, v45;
	v30 =	vshrl.u32 v18, $0x1A;
	v31 =	vshll.u32 v18, $0x6  }
0x2c4: {  	v17 =	vadd.s32 v17, v18;
	v13 =	vor.u32 v36, v13;
	v15 =	vxor.u32 v46, v14  }
0x2c5: {  	v32 =	vor.u32 v30, v31;
	v13 =	vxor.u32 v13, v10;
	v48 =	vshrl.u32 v15, $0x10  }
0x2c6: {  	v49 =	vshll.u32 v15, $0x10;
	v14 =	vadd.s32 v14, v15;
	v18 =	vxor.u32 v32, v17  }
0x2c7: {  	v40 =	vshrl.u32 v13, $0x8;
	v41 =	vshll.u32 v13, $0x18;
	v10 =	vadd.s32 v10, v13  }
0x2c8: {  	v50 =	vor.u32 v48, v49;
	v18 =	vadd.s32 $0xEC2D4D84, v18;
	v42 =	vor.u32 v40, v41  }
0x2c9: {  	v15 =	vxor.u32 v50, v14;
	v17 =	vadd.s32 v18, v17;
	v36 =	vshrl.u32 v18, $0xF  }
0x2ca: {  	v18 =	vshll.u32 v18, $0x11;
	v13 =	vxor.u32 v42, v10;
	v53 =	vshrl.u32 v15, $0x8  }
0x2cb: {  	v54 =	vshll.u32 v15, $0x18;
	v14 =	vadd.s32 v14, v15;
	v18 =	vor.u32 v36, v18  }
0x2cc: {  	v17 =	vadd.s32 $0xC1E35159, v17;
	v13 =	vadd.s32 $0xEC2D4D87, v13;
	v55 =	vor.u32 v53, v54  }
0x2cd: {  	v40 =	vxor.u32 v18, v17;
	v10 =	vadd.s32 v13, v10;
	v47 =	vshrl.u32 v13, $0x13  }
0x2ce: {  	v13 =	vshll.u32 v13, $0xD;
	v15 =	vxor.u32 v55, v14;
	v17 =	vadd.s32 v17, v40  }
0x2cf: {  	v18 =	vshrl.u32 v40, $0x3;
	v21 =	vshll.u32 v40, $0x1D;
	v10 =	vadd.s32 $0xC1E35159, v10  }
0x2d0: {  	v13 =	vor.u32 v47, v13;
	v15 =	vadd.s32 $0x361F0702, v15;
	v18 =	vor.u32 v18, v21  }
0x2d1: {  	v13 =	vxor.u32 v13, v10;
	v14 =	vadd.s32 v15, v14;
	v58 =	vshrl.u32 v15, $0x13  }
0x2d2: {  	v15 =	vshll.u32 v15, $0xD;
	v18 =	vxor.u32 v18, v17;
	v51 =	vadd.s32 v10, v13  }
0x2d3: {  	v52 =	vshrl.u32 v13, $0x11;
	v13 =	vshll.u32 v13, $0xF;
	v10 =	vadd.f32 $-1.000000000e+00, v16  }
0x2d4: {  	v14 =	vadd.s32 $0xEC2D4D83, v14;
	v15 =	vor.u32 v58, v15;
	v17 =	vadd.s32 v17, v18  }
0x2d5: {  	v42 =	vshrl.u32 v18, $0x10;
	v18 =	vshll.u32 v18, $0x10;
	v13 =	vor.u32 v52, v13  }
0x2d6: {  	v15 =	vxor.u32 v15, v14;
	v18 =	vor.u32 v42, v18;
	v13 =	vxor.u32 v13, v51  }
0x2d7: {  	v63 =	vshrl.u32 v15, $0x11;
	v24 =	vshll.u32 v15, $0xF;
	v14 =	vadd.s32 v14, v15  }
0x2d8: {  	v37 =	vmul.f32 $4.582080520e-03, v10;
	v18 =	vxor.u32 v18, v17;
	v56 =	vshrl.u32 v13, $0x6  }
0x2d9: {  	v57 =	vshll.u32 v13, $0x1A;
	v13 =	vadd.s32 v51, v13;
	v25 =	vor.u32 v63, v24  }
0x2da: {  	v17 =	vadd.s32 v17, v18;
	v44 =	vshrl.u32 v18, $0x8;
	v18 =	vshll.u32 v18, $0x18  }
0x2db: {  	v16 =	vor.u32 v56, v57;
	v15 =	vxor.u32 v25, v14;
	v41 =	vsub.f32 $2.819391340e-02, v37  }
0x2dc: {  	v18 =	vor.u32 v44, v18;
	v16 =	vxor.u32 v16, v13;
	v14 =	vadd.s32 v14, v15  }
0x2dd: {  	v29 =	vshrl.u32 v15, $0x6;
	v15 =	vshll.u32 v15, $0x1A;
	v18 =	vxor.u32 v18, v17  }
0x2de: {  	v15 =	vor.u32 v29, v15;
	v13 =	vadd.s32 v13, v16;
	v38 =	vshrl.u32 v16, $0x1A  }
0x2df: {  	v16 =	vshll.u32 v16, $0x6;
	v18 =	vadd.s32 $0x361F0702, v18;
	v15 =	vxor.u32 v15, v14  }
0x2e0: {  	v16 =	vor.u32 v38, v16;
	v17 =	vadd.s32 v18, v17;
	v46 =	vshrl.u32 v18, $0x13  }
0x2e1: {  	v18 =	vshll.u32 v18, $0xD;
	v33 =	vshrl.u32 v15, $0x1A;
	v34 =	vshll.u32 v15, $0x6  }
0x2e2: {  	v15 =	vadd.s32 v14, v15;
	v16 =	vxor.u32 v16, v13;
	v13 =	vadd.s32 $0xEC2D4D83, v13  }
0x2e3: {  	v18 =	vor.u32 v46, v18;
	v17 =	vadd.s32 $0xEC2D4D83, v17;
	v35 =	vor.u32 v33, v34  }
0x2e4: {  	v16 =	vadd.s32 $0x361F0705, v16;
	v18 =	vxor.u32 v18, v17;
	v39 =	vxor.u32 v35, v15  }
0x2e5: {  	v49 =	vshrl.u32 v18, $0x11;
	v50 =	vshll.u32 v18, $0xF;
	v19 =	vadd.s32 $0xC1E3515C, v39  }
0x2e6: {  	v17 =	vadd.s32 v17, v18;
	v51 =	vor.u32 v49, v50;
	v15 =	vadd.s32 v19, v15  }
0x2e7: {  	v43 =	vshrl.u32 v19, $0xF;
	v19 =	vshll.u32 v19, $0x11;
	v18 =	vxor.u32 v51, v17  }
0x2e8: {  	v19 =	vor.u32 v43, v19;
	v15 =	vadd.s32 $0x361F0700, v15;
	v53 =	vshrl.u32 v18, $0x6  }
0x2e9: {  	v54 =	vshll.u32 v18, $0x1A;
	v17 =	vadd.s32 v17, v18;
	v45 =	vxor.u32 v19, v15  }
0x2ea: {  	v55 =	vor.u32 v53, v54;
	v19 =	vshrl.u32 v45, $0x3;
	v47 =	vshll.u32 v45, $0x1D  }
0x2eb: {  	v15 =	vadd.s32 v15, v45;
	v18 =	vxor.u32 v55, v17;
	v48 =	vor.u32 v19, v47  }
0x2ec: {  	v17 =	vadd.s32 v17, v18;
	v56 =	vshrl.u32 v18, $0x1A;
	v18 =	vshll.u32 v18, $0x6  }
0x2ed: {  	v13 =	vxor.u32 v13, v16;
	v16 =	vxor.u32 v48, v15;
	v18 =	vor.u32 v56, v18  }
0x2ee: {  	v15 =	vadd.s32 v15, v16;
	v52 =	vshrl.u32 v16, $0x10;
	v16 =	vshll.u32 v16, $0x10  }
0x2ef: {  	v13 =	vshrl.u32 v13, $0x9;
	v18 =	vxor.u32 v18, v17;
	v16 =	vor.u32 v52, v16  }
0x2f0: {  	v13 =	vor.u32 $0x3F800000, v13;
	v18 =	vadd.s32 $0xC1E3515C, v18;
	v16 =	vxor.u32 v16, v15  }
0x2f1: {  	v17 =	vadd.s32 v18, v17;
	v60 =	vshrl.u32 v18, $0xF;
	v18 =	vshll.u32 v18, $0x11  }
0x2f2: {  	v57 =	vshrl.u32 v16, $0x8;
	v58 =	vshll.u32 v16, $0x18;
	v15 =	vadd.s32 v15, v16  }
0x2f3: {  	v17 =	vadd.s32 $0x361F0700, v17;
	v18 =	vor.u32 v60, v18;
	v59 =	vor.u32 v57, v58  }
0x2f4: {  	v13 =	vadd.f32 $-1.000000000e+00, v13;
	v18 =	vxor.u32 v18, v17;
	v16 =	vxor.u32 v59, v15  }
0x2f5: {  	v17 =	vadd.s32 v17, v18;
	v61 =	vshrl.u32 v18, $0x3;
	v18 =	vshll.u32 v18, $0x1D  }
0x2f6: {  	v13 =	vadd.f32 $1.000000010e-10, v13;
	v16 =	vadd.s32 $0xEC2D4D87, v16;
	v18 =	vor.u32 v61, v18  }
0x2f7: {  	v15 =	vadd.s32 v16, v15;
	v62 =	vshrl.u32 v16, $0x13;
	v16 =	vshll.u32 v16, $0xD  }
0x2f8: {  	v18 =	vxor.u32 v18, v17;
	v15 =	vadd.s32 $0xC1E35159, v15;
	v16 =	vor.u32 v62, v16  }
0x2f9: {  	v63 =	vshrl.u32 v18, $0x10;
	v24 =	vshll.u32 v18, $0x10;
	v16 =	vxor.u32 v16, v15  }
0x2fa: {  	v17 =	vadd.s32 v17, v18;
	v25 =	vor.u32 v63, v24;
	v15 =	vadd.s32 v15, v16  }
0x2fb: {  	v26 =	vshrl.u32 v16, $0x11;
	v16 =	vshll.u32 v16, $0xF;
	v18 =	vxor.u32 v25, v17  }
0x2fc: {  	v16 =	vor.u32 v26, v16;
	v27 =	vshrl.u32 v18, $0x8;
	v28 =	vshll.u32 v18, $0x18  }
0x2fd: {  	v17 =	vadd.s32 v17, v18;
	v16 =	vxor.u32 v16, v15;
	v29 =	vor.u32 v27, v28  }
0x2fe: {  	v13 =	vmax.f32 v13, $1.000000010e-10;
	v30 =	vshrl.u32 v16, $0x6;
	v18 =	vxor.u32 v29, v17  }
0x2ff: {  	v31 =	vshll.u32 v16, $0x1A;
	v15 =	vadd.s32 v15, v16;
	v18 =	vadd.s32 $0xEC2D4D87, v18  }
0x300: {  	v17 =	vadd.s32 v18, v17;
	v33 =	vshrl.u32 v18, $0x13;
	v18 =	vshll.u32 v18, $0xD  }
0x301: {  	v32 =	vor.u32 v30, v31;
	v17 =	vadd.s32 $0xC1E35159, v17;
	v18 =	vor.u32 v33, v18  }
0x302: {  	v34 =	vand.u32 $0x7FFFFF, v13;
	v16 =	vxor.u32 v32, v15;
	v18 =	vxor.u32 v18, v17  }
0x303: {  	v17 =	vadd.s32 v17, v18;
	v35 =	vshrl.u32 v18, $0x11;
	v18 =	vshll.u32 v18, $0xF  }
0x304: {  	v19 =	vor.u32 $0x3F800000, v34;
	v15 =	vadd.s32 v15, v16;
	v18 =	vor.u32 v35, v18  }
0x305: {  	v36 =	vshrl.u32 v16, $0x1A;
	v16 =	vshll.u32 v16, $0x6;
	v18 =	vxor.u32 v18, v17  }
0x306: {  	v17 =	vadd.s32 v17, v18;
	v37 =	vshrl.u32 v18, $0x6;
	v18 =	vshll.u32 v18, $0x1A  }
0x307: {  	v19 =	vadd.f32 $-1.000000000e+00, v19;
	v16 =	vor.u32 v36, v16;
	v18 =	vor.u32 v37, v18  }
0x308: {  	v16 =	vxor.u32 v16, v15;
	v15 =	vadd.s32 $0xEC2D4D83, v15;
	v18 =	vxor.u32 v18, v17  }
0x309: {  	v16 =	vadd.s32 $0x361F0705, v16;
	v38 =	vshrl.u32 v18, $0x1A;
	v39 =	vshll.u32 v18, $0x6  }
0x30a: {  	v15 =	vxor.u32 v15, v16;
	v17 =	vadd.s32 v17, v18;
	v16 =	vor.u32 v38, v39  }
0x30b: {  	v12 =	vmul.f32 v12, v6;
	v40 =	vmul.f32 $4.582080520e-03, v19;
	v16 =	vxor.u32 v16, v17  }
0x30c: {  	v14 =	vmul.f32 v41, v10;
	v17 =	vadd.s32 $0xEC2D4D83, v17;
	v16 =	vadd.s32 $0x361F0705, v16  }
0x30d: {  	v41 =	vsub.f32 $2.819391340e-02, v40;
	v15 =	vshrl.u32 v15, $0x9;
	v16 =	vxor.u32 v17, v16  }
0x30e: {  	v14 =	vadd.f32 $-8.132992680e-02, v14;
	v15 =	vor.u32 $0x3F800000, v15;
	v16 =	vshrl.u32 v16, $0x9  }
0x30f: {  	v42 =	vmul.f32 v41, v19;
	v15 =	vadd.f32 $-1.000000000e+00, v15;
	v16 =	vor.u32 $0x3F800000, v16  }
0x310: {  	v12 =	vadd.f32 $4.808460770e-01, v12;
	v14 =	vmul.f32 v14, v10;
	v16 =	vadd.f32 $-1.000000000e+00, v16  }
0x311: {  	v5 =	vmul.f32 v11, v5;
	v11 =	vadd.f32 $-8.132992680e-02, v42;
	v15 =	vadd.f32 $1.000000010e-10, v15  }
0x312: {  	v14 =	vadd.f32 $1.521123350e-01, v14;
	v16 =	vadd.f32 $1.000000010e-10, v16  }
0x313: {  	v12 =	vmul.f32 v12, v6;
	v11 =	vmul.f32 v11, v19;
	v15 =	vmax.f32 v15, $1.000000010e-10  }
0x314: {  	v14 =	vmul.f32 v14, v10;
	v43 =	vand.u32 $0x7FFFFF, v15;
	v16 =	vmax.f32 v16, $1.000000010e-10  }
0x315: {  	v11 =	vadd.f32 $1.521123350e-01, v11;
	v17 =	vor.u32 $0x3F800000, v43;
	v44 =	vand.u32 $0x7FFFFF, v16  }
0x316: {  	v14 =	vadd.f32 $-2.202947290e-01, v14;
	v17 =	vadd.f32 $-1.000000000e+00, v17;
	v18 =	vor.u32 $0x3F800000, v44  }
0x317: {  	v7 =	vshrl.u32 v7, $0x17;
	v46 =	vmul.f32 v11, v19;
	v18 =	vadd.f32 $-1.000000000e+00, v18  }
0x318: {  	v12 =	vadd.f32 $-7.213459610e-01, v12;
	v14 =	vmul.f32 v14, v10;
	v45 =	vmul.f32 $4.582080520e-03, v17  }
0x319: {  	v5 =	vadd.f32 v9, v5;
	v9 =	vadd.f32 $-2.202947290e-01, v46;
	v48 =	vmul.f32 $4.582080520e-03, v18  }
0x31a: {  	v12 =	vmul.f32 v12, v6;
	v14 =	vadd.f32 $2.836810650e-01, v14;
	v47 =	vsub.f32 $2.819391340e-02, v45  }
0x31b: {  	v7 =	vadd.s32 $0xFFFFFF81, v7;
	v9 =	vmul.f32 v9, v19;
	v20 =	vsub.f32 $2.819391340e-02, v48  }
0x31c: {  	v12 =	vadd.f32 $1.442695020e+00, v12;
	v14 =	vmul.f32 v14, v10;
	v11 =	vmul.f32 v47, v17  }
0x31d: {  	v7 =	vcvt.s32.f32 v7;
	v9 =	vadd.f32 $2.836810650e-01, v9;
	v20 =	vmul.f32 v20, v18  }
0x31e: {  	v6 =	vmul.f32 v12, v6;
	v14 =	vadd.f32 $-3.599757250e-01, v14;
	v11 =	vadd.f32 $-8.132992680e-02, v11  }
0x31f: {  	v49 =	vsel vm12, $0x3F800000, v2;
	v9 =	vmul.f32 v9, v19;
	v20 =	vadd.f32 $-8.132992680e-02, v20  }
0x320: {  	v6 =	vadd.f32 v7, v6;
	[tilespmem:s16+$0x0] =	vst v49;
	v14 =	vmul.f32 v14, v10;
	v11 =	vmul.f32 v11, v17  }
0x321: {  	v50 =	vld [tilespmem:s15+$0x10];
	v9 =	vadd.f32 $-3.599757250e-01, v9;
	v20 =	vmul.f32 v20, v18  }
0x322: {  	v6 =	vmul.f32 $6.931471820e-01, v6;
	v14 =	vadd.f32 $4.808460770e-01, v14;
	v11 =	vadd.f32 $1.521123350e-01, v11  }
0x323: {  	v5 =	vmul.f32 $6.931471820e-01, v5;
	v9 =	vmul.f32 v9, v19;
	v51 =	vadd.f32 $1.521123350e-01, v20  }
0x324: {  	v6 =	vsub.f32 $0.0e+00, v6;
	v7 =	vmul.f32 v14, v10;
	v11 =	vmul.f32 v11, v17  }
0x325: {  	v5 =	vsub.f32 $0.0e+00, v5;
	v9 =	vadd.f32 $4.808460770e-01, v9;
	v14 =	vmul.f32 v51, v18  }
0x326: {  	v6 =	vmul.f32 v50, v6;
	v7 =	vadd.f32 $-7.213459610e-01, v7;
	v11 =	vadd.f32 $-2.202947290e-01, v11  }
0x327: {  	v52 =	vsub.f32 $1.000000000e+00, v50;
	v9 =	vmul.f32 v9, v19;
	v14 =	vadd.f32 $-2.202947290e-01, v14  }
0x328: {  	v7 =	vmul.f32 v7, v10;
	v11 =	vmul.f32 v11, v17  }
0x329: {  	v5 =	vmul.f32 v52, v5;
	v9 =	vadd.f32 $-7.213459610e-01, v9;
	v53 =	vmul.f32 v14, v18  }
0x32a: {  	v57 =	vshrl.u32 v13, $0x17;
	v7 =	vadd.f32 $1.442695020e+00, v7;
	v11 =	vadd.f32 $2.836810650e-01, v11  }
0x32b: {  	vm13 =	vgt.f32 v5, v6;
	v54 =	vmul.f32 v9, v19;
	v6 =	vadd.f32 $2.836810650e-01, v53  }
0x32c: {  	v5 =	vmul.f32 v7, v10;
	v7 =	vshrl.u32 v8, $0x17;
	v11 =	vmul.f32 v11, v17  }
0x32d: {  	v7 =	vadd.s32 $0xFFFFFF81, v7;
	v8 =	vadd.f32 $1.442695020e+00, v54;
	v6 =	vmul.f32 v6, v18  }
0x32e: {  	v56 =	vsel vm13, $0x3F800000, v2;
	v7 =	vcvt.s32.f32 v7;
	v55 =	vadd.f32 $-3.599757250e-01, v11  }
0x32f: {  	[tilespmem:s16+$0x10] =	vst v56;
	v8 =	vmul.f32 v8, v19;
	v11 =	vadd.s32 $0xFFFFFF81, v57;
	v6 =	vadd.f32 $-3.599757250e-01, v6  }
0x330: {  	v5 =	vadd.f32 v7, v5;
	v7 =	vld [tilespmem:s15+$0x20];
	v58 =	vcvt.s32.f32 v11;
	v9 =	vmul.f32 v55, v17  }
0x331: {  	v6 =	vmul.f32 v6, v18  }
0x332: {  	v8 =	vadd.f32 v58, v8;
	v9 =	vadd.f32 $4.808460770e-01, v9  }
0x333: {  	v5 =	vmul.f32 $6.931471820e-01, v5;
	v6 =	vadd.f32 $4.808460770e-01, v6  }
0x334: {  	v8 =	vmul.f32 $6.931471820e-01, v8;
	v9 =	vmul.f32 v9, v17  }
0x335: {  	v5 =	vsub.f32 $0.0e+00, v5;
	v59 =	vsub.f32 $1.000000000e+00, v7;
	v6 =	vmul.f32 v6, v18  }
0x336: {  	v8 =	vsub.f32 $0.0e+00, v8;
	v9 =	vadd.f32 $-7.213459610e-01, v9  }
0x337: {  	v5 =	vmul.f32 v59, v5;
	v6 =	vadd.f32 $-7.213459610e-01, v6  }
0x338: {  	v7 =	vmul.f32 v7, v8;
	v9 =	vmul.f32 v9, v17  }
0x339: {  	v61 =	vshrl.u32 v16, $0x17;
	v6 =	vmul.f32 v6, v18  }
0x33a: {  	vm14 =	vgt.f32 v5, v7;
	v7 =	vshrl.u32 v15, $0x17;
	v60 =	vadd.f32 $1.442695020e+00, v9  }
0x33b: {  	v8 =	vadd.s32 $0xFFFFFF81, v61;
	v7 =	vadd.s32 $0xFFFFFF81, v7;
	v6 =	vadd.f32 $1.442695020e+00, v6  }
0x33c: {  	v62 =	vsel vm14, $0x3F800000, v2;
	v7 =	vcvt.s32.f32 v7;
	v5 =	vmul.f32 v60, v17  }
0x33d: {  	v8 =	vcvt.s32.f32 v8;
	[tilespmem:s16+$0x20] =	vst v62;
	v6 =	vmul.f32 v6, v18  }
0x33e: {  	v5 =	vadd.f32 v7, v5;
	v7 =	vld [tilespmem:s15+$0x30]  }
0x33f: {  	v6 =	vadd.f32 v8, v6  }
0x340: {  	v5 =	vmul.f32 $6.931471820e-01, v5  }
0x341: {  	v6 =	vmul.f32 $6.931471820e-01, v6  }
0x342: {  	v5 =	vsub.f32 $0.0e+00, v5  }
0x343: {  	v63 =	vsub.f32 $1.000000000e+00, v7;
	v6 =	vsub.f32 $0.0e+00, v6  }
0x344: {  	p0 =	sne.s32 s14, $0x2080  }
.Ltmp0:
0x345: {  	v5 =	vmul.f32 v63, v5;
	v6 =	vmul.f32 v7, v6;
	(pc) =	sbr.rel @p0 .LBB2_3-.Ltmp0, $4  }
0x346: {  	_ = 	snop  }
0x347: {  	vm15 =	vgt.f32 v5, v6  }
0x348: {  	v5 =	vsel vm15, $0x3F800000, v2  }
0x349: {  	s14 =	sadd.s32 $0x80, s14;
	s15 =	sadd.s32 $0x80, s15;
	[tilespmem:s16+$0x30] =	vst v5;
	s16 =	sadd.s32 $0x80, s16  }
0x34a: {  	s12 =	sadd.s32 $0x1, s12  }
0x34b: {  	p0 =	sne.s32 s12, $0x8  }
.Ltmp1:
0x34c: {  	s13 =	sadd.s32 s4, s13;
	(pc) =	sbr.rel @p0 .LBB2_2-.Ltmp1, $4  }
0x34d: {  	[hbm4b:s13+s3] =	stream.linear.scatter [tilespmem:s9], [sflag:$0x1], $0x2100, $0x38;
	[tilespmem:$0x4200] =	vst v63  }
0x34e: {  	_ =	swait.ge [sflag:s8], $0x2100  }
0x34f: {  	[sflag:s8] =	ssyncset.done $0x0  }
0x350: {  	s11 =	sadd.s32 $0x2100, s11;
	[sflag:s8] =	ssyncadd.s32 $0xFFFFDF00  }
0x351: {  	s10 =	sadd.s32 $0x1, s10  }
0x352: {  	p0 =	sne.s32 s10, s6  }
.Ltmp2:
0x353: {  	_ = 	snop;
	(pc) =	sbr.rel @p0 .LBB2_1-.Ltmp2, $1  }
0x354: {  	_ =	sdelay $0x3  }
0x355: {  	_ =	sfence.sel $0x180000  }
0x356: {  	[bflag:$0x0] =	sbarrier.arrive $0xFFFF  }
0x357: {  	p0 =	sne.s32 s2, $0x0;
	_ =	strace $0x90000047  }
0x358: {  	s0 =	sadd.s32 @!p0 $0x100000, s0;
	[bflag:$0x2] =	sbarrier.arrive $0xFFFF  }
0x359: {  	[sflag:s0] =	ssyncadd.tile.s32 @!p0 $0x1;
	_ =	shalt  }
.Lfunc_end2:
_tile_overlayer_lowered:
.L_overlay_start_2:
0x35a: {  	(tag) =	ssettag $0x2  }
0x35b: {  	s0 =	rddreg [dreg:$0x0];
	s2 =	stileid.u32  }
0x35c: {  	s1 =	rddreg [dreg:$0x1];
	p0 =	sne.s32 s2, $0x0  }
0x35d: {  	s3 =	rddreg [dreg:$0x2];
	[bflag:$0x3] =	sbarrier.arrive $0xFFFF;
	s2 =	simm.s32 @!p0 $0x1C01  }
0x35e: {  	[timem:s3], [sflag:s2] =	dma.local @!p0 [hbm:s0], s1  }
0x35f: {  	s0 =	simm.s32 @!p0 $0x1  }
0x360: {  	_ =	swait.ge @!p0 [sflag:s0], s1  }
0x361: {  	s1 =	ssub.s32 @!p0 $0x0, s1;
	[sflag:s0] =	ssyncset.done @!p0 $0x0  }
0x362: {  	[sflag:s0] =	ssyncadd.s32 @!p0 s1  }
0x363: {  	[bflag:$0x3] =	sbarrier.arrive $0xFFFF  }
0x364: {  	_ =	shalt  }

</sc_bundles>
